<compile_context>
chip_gen: v7x
topology: tpu7x:2x2x1
jax: 0.10.2.dev20260603
libtpu: 0.0.44.dev20260713+nightly
codegen_flags: <defaults>
</compile_context>

<pallas_src>
import functools

import jax
import jax.numpy as jnp
from jax import lax
from jax.experimental import pallas as pl
from jax.experimental.pallas import tpu as pltpu
from jax.experimental.pallas import tpu_sc as plsc

NUM_ROWS = 16384
NUM_FEATS = 26
DIM = 32

_NC = 2
_NS = 16
_NW = _NC * _NS
_L = 16

_RW = NUM_ROWS // _NW
_IBLK = _RW // 128
_KBLK = DIM // 8


def _body(idx_hbm, tbl_hbm, out_hbm,
          idxj0, idxj1, buf0, buf1, tbuf0, tbuf1,
          semg0, semg1, semo0, semo1):
    w = lax.axis_index("s") * _NC + lax.axis_index("c")
    i0 = w * _RW
    idxjs = (idxj0, idxj1)
    bufs = (buf0, buf1)
    tbufs = (tbuf0, tbuf1)
    semgs = (semg0, semg1)
    semos = (semo0, semo1)
    iota = lax.iota(jnp.int32, _L)

    def prep(j, s):
        pltpu.sync_copy(idx_hbm.at[pl.ds(j * NUM_ROWS + i0, _RW)], idxjs[s])
        pltpu.async_copy(tbl_hbm.at[idxjs[s]], bufs[s], semgs[s])

    def wait_gather(s):
        pltpu.make_async_copy(tbl_hbm.at[idxjs[s]], bufs[s], semgs[s]).wait()

    def transpose(s):
        buf = bufs[s]
        tbuf = tbufs[s]

        @plsc.parallel_loop(0, _KBLK * _IBLK, unroll=2)
        def _(t):
            kblk = t // _IBLK
            ibl = t % _IBLK
            kbase = kblk * 8
            pbase = iota + ibl * 128
            kvecs = [jnp.zeros((_L,), jnp.int32) + (kbase + kk) for kk in range(8)]
            for ii0 in range(0, 128, _L):
                pvec = pbase + ii0
                tvs = [plsc.load_gather(buf, [pvec, kvecs[kk]]) for kk in range(8)]
                for kk in range(8):
                    tbuf[kblk, ibl, kk, pl.ds(ii0, _L)] = tvs[kk]

    def start_out(s, j):
        pltpu.async_copy(
            tbufs[s], out_hbm.at[j, :, pl.ds(_IBLK * w, _IBLK)], semos[s]
        )

    def wait_out(s, j):
        pltpu.make_async_copy(
            tbufs[s], out_hbm.at[j, :, pl.ds(_IBLK * w, _IBLK)], semos[s]
        ).wait()

    prep(0, 0)
    prep(1, 1)

    @pl.loop(0, NUM_FEATS, step=2)
    def _(j0):
        for s in range(2):
            j = j0 + s
            wait_gather(s)

            @pl.when(j >= 2)
            def _():
                wait_out(s, j)

            transpose(s)
            start_out(s, j)

            @pl.when(j + 2 < NUM_FEATS)
            def _():
                prep(j + 2, s)

    wait_out(0, NUM_FEATS - 2)
    wait_out(1, NUM_FEATS - 1)


@functools.partial(
    pl.kernel,
    out_type=jax.ShapeDtypeStruct((NUM_FEATS, _KBLK, 128, 8, 128), jnp.float32),
    mesh=plsc.VectorSubcoreMesh(core_axis_name="c", subcore_axis_name="s"),
    scratch_types=[
        pltpu.VMEM((_RW,), jnp.int32),
        pltpu.VMEM((_RW,), jnp.int32),
        pltpu.VMEM((_RW, DIM), jnp.float32),
        pltpu.VMEM((_RW, DIM), jnp.float32),
        pltpu.VMEM((_KBLK, _IBLK, 8, 128), jnp.float32),
        pltpu.VMEM((_KBLK, _IBLK, 8, 128), jnp.float32),
        pltpu.SemaphoreType.DMA,
        pltpu.SemaphoreType.DMA,
        pltpu.SemaphoreType.DMA,
        pltpu.SemaphoreType.DMA,
    ],
    compiler_params=pltpu.CompilerParams(
        use_tc_tiling_on_sc=False, needs_layout_passes=False
    ),
)
def _gather(idx_hbm, tbl_hbm, out_hbm, *scratch):
    _body(idx_hbm, tbl_hbm, out_hbm, *scratch)


def kernel(indices, table):
    idx_fm = indices.T.reshape(NUM_ROWS * NUM_FEATS).astype(jnp.int32)
    tbl_lin = lax.optimization_barrier(table.reshape(250000, 4 * DIM))
    tbl_lin = tbl_lin.reshape(1000000, DIM)
    out5 = _gather(idx_fm, tbl_lin)
    return out5.transpose(2, 4, 0, 1, 3).reshape(NUM_ROWS, NUM_FEATS, DIM)

# --- scband reference (transcript-rebuilt; emitter-appended) ---
"""Pipeline reference for scband-embedding-layer-15006615733096 (READ-ONLY COPY).

The authoritative reference and input builder live on the scoring server;
editing this copy changes nothing except your own understanding.
"""

import jax, jax.numpy as jnp
import numpy as np

NUM_EMBEDDINGS = 1000000
EMBEDDING_DIM = 32


def setup_inputs(seed: int = 0) -> dict:
    key = jax.random.key(seed)
    k_idx, k_w = jax.random.split(key)
    indices = jax.random.randint(k_idx, (16384, 26), 0, NUM_EMBEDDINGS, dtype=jnp.int64 if jax.config.jax_enable_x64 else jnp.int32)
    # xavier_uniform init: bound = sqrt(6 / (fan_in + fan_out))
    bound = float(np.sqrt(6.0 / (NUM_EMBEDDINGS + EMBEDDING_DIM)))
    table = jax.random.uniform(k_w, (NUM_EMBEDDINGS, EMBEDDING_DIM), minval=-bound, maxval=bound, dtype=jnp.float32)
    return {"indices": indices, "table": table}


def reference(indices, table):
    # nn.Embedding forward: gather rows of the table
    return jnp.take(table, indices, axis=0)

if __name__ == "__main__":
    import jax
    _d = setup_inputs()
    print(jax.jit(kernel)(*tuple(_d.values())))

</pallas_src>

<mosaic_0001>
#map = affine_map<(d0, d1) -> (0)>
#map1 = affine_map<(d0, d1) -> (0, 0)>
#map2 = affine_map<(d0, d1) -> (0, 0, 0, 0, 0)>
module attributes {stable_mosaic.version = 14 : i64} {
  func.func @_gather(%arg0: i32, %arg1: i32, %arg2: memref<425984xi32, #tpu.memory_space<hbm>>, %arg3: memref<1000000x32xf32, #tpu.memory_space<hbm>>, %arg4: memref<26x4x128x8x128xf32, #tpu.memory_space<hbm>>, %arg5: memref<512xi32, #tpu.memory_space<vmem>>, %arg6: memref<512xi32, #tpu.memory_space<vmem>>, %arg7: memref<512x32xf32, #tpu.memory_space<vmem>>, %arg8: memref<512x32xf32, #tpu.memory_space<vmem>>, %arg9: memref<4x4x8x128xf32, #tpu.memory_space<vmem>>, %arg10: memref<4x4x8x128xf32, #tpu.memory_space<vmem>>, %arg11: memref<!tpu.dma_semaphore, #tpu.memory_space<semaphore_mem>>, %arg12: memref<!tpu.dma_semaphore, #tpu.memory_space<semaphore_mem>>, %arg13: memref<!tpu.dma_semaphore, #tpu.memory_space<semaphore_mem>>, %arg14: memref<!tpu.dma_semaphore, #tpu.memory_space<semaphore_mem>>) attributes {dimension_semantics = [#tpu.dimension_semantics<core_parallel>, #tpu.dimension_semantics<subcore_parallel>], iteration_bounds = array<i64: 2, 16>, scalar_prefetch = 0 : i64, scratch_operands = 10 : i64, tpu.core_type = #tpu.core_type<sc_vector_subcore>, window_params = [{transform_indices = #map}, {transform_indices = #map1}, {transform_indices = #map2}]} {
    %mul3A = arith.constant 2 : i32
    %mul3A_0 = arith.muli %arg1, %mul3A : i32
    %add3A = arith.addi %mul3A_0, %arg0 : i32
    %mul3A_1 = arith.constant 512 : i32
    %mul3A_2 = arith.muli %add3A, %mul3A_1 : i32
    %iota3A = tpu.iota {dimensions = array<i32: 0>} : vector<16xi32>
    %add3A_3 = arith.constant 0 : i32
    %add3A_4 = arith.addi %add3A_3, %mul3A_2 : i32
    "tpu.region"() ({
      %run_scoped3A = tpu.sem_alloc : memref<!tpu.dma_semaphore, #tpu.memory_space<semaphore_mem>>
      %dma_start3A_41 = tpu.memref_slice %arg2[%add3A_4] : memref<425984xi32, #tpu.memory_space<hbm>> -> memref<512xi32, #tpu.memory_space<hbm>>
      %dma_start3A_42 = tpu.memref_slice %arg2[%add3A_4] : memref<425984xi32, #tpu.memory_space<hbm>> -> memref<512xi32, #tpu.memory_space<hbm>>
      tpu.enqueue_dma source(%dma_start3A_42 : memref<512xi32, #tpu.memory_space<hbm>>) target(%arg5 : memref<512xi32, #tpu.memory_space<vmem>>) target_semaphore(%run_scoped3A : memref<!tpu.dma_semaphore, #tpu.memory_space<semaphore_mem>>)
      %dma_wait3A_43 = tpu.memref_slice %arg2[%add3A_4] : memref<425984xi32, #tpu.memory_space<hbm>> -> memref<512xi32, #tpu.memory_space<hbm>>
      %dma_wait3A_44 = tpu.memref_slice %arg2[%add3A_4] : memref<425984xi32, #tpu.memory_space<hbm>> -> memref<512xi32, #tpu.memory_space<hbm>>
      tpu.wait_dma2 semaphore(%run_scoped3A : memref<!tpu.dma_semaphore, #tpu.memory_space<semaphore_mem>>) src(%dma_wait3A_44 : memref<512xi32, #tpu.memory_space<hbm>>) dst(%arg5 : memref<512xi32, #tpu.memory_space<vmem>>)
      tpu.yield
    }) : () -> ()
    %dma_start3A = arith.constant 0 : i32
    %dma_start3A_5 = arith.constant 0 : i32
    %dma_start3A_6 = tpu.memref_slice %arg3[%dma_start3A, %dma_start3A_5] : memref<1000000x32xf32, #tpu.memory_space<hbm>> -> memref<1000000x32xf32, #tpu.memory_space<hbm>>
    tpu.enqueue_indirect_dma source(%dma_start3A_6 : memref<1000000x32xf32, #tpu.memory_space<hbm>>) target(%arg7 : memref<512x32xf32, #tpu.memory_space<vmem>>) offsets(%arg5 : memref<512xi32, #tpu.memory_space<vmem>>) semaphore(%arg11 : memref<!tpu.dma_semaphore, #tpu.memory_space<semaphore_mem>>)
    %add3A_7 = arith.constant 16384 : i32
    %add3A_8 = arith.addi %add3A_7, %mul3A_2 : i32
    "tpu.region"() ({
      %run_scoped3A = tpu.sem_alloc : memref<!tpu.dma_semaphore, #tpu.memory_space<semaphore_mem>>
      %dma_start3A_41 = tpu.memref_slice %arg2[%add3A_8] : memref<425984xi32, #tpu.memory_space<hbm>> -> memref<512xi32, #tpu.memory_space<hbm>>
      %dma_start3A_42 = tpu.memref_slice %arg2[%add3A_8] : memref<425984xi32, #tpu.memory_space<hbm>> -> memref<512xi32, #tpu.memory_space<hbm>>
      tpu.enqueue_dma source(%dma_start3A_42 : memref<512xi32, #tpu.memory_space<hbm>>) target(%arg6 : memref<512xi32, #tpu.memory_space<vmem>>) target_semaphore(%run_scoped3A : memref<!tpu.dma_semaphore, #tpu.memory_space<semaphore_mem>>)
      %dma_wait3A_43 = tpu.memref_slice %arg2[%add3A_8] : memref<425984xi32, #tpu.memory_space<hbm>> -> memref<512xi32, #tpu.memory_space<hbm>>
      %dma_wait3A_44 = tpu.memref_slice %arg2[%add3A_8] : memref<425984xi32, #tpu.memory_space<hbm>> -> memref<512xi32, #tpu.memory_space<hbm>>
      tpu.wait_dma2 semaphore(%run_scoped3A : memref<!tpu.dma_semaphore, #tpu.memory_space<semaphore_mem>>) src(%dma_wait3A_44 : memref<512xi32, #tpu.memory_space<hbm>>) dst(%arg6 : memref<512xi32, #tpu.memory_space<vmem>>)
      tpu.yield
    }) : () -> ()
    %dma_start3A_9 = arith.constant 0 : i32
    %dma_start3A_10 = arith.constant 0 : i32
    %dma_start3A_11 = tpu.memref_slice %arg3[%dma_start3A_9, %dma_start3A_10] : memref<1000000x32xf32, #tpu.memory_space<hbm>> -> memref<1000000x32xf32, #tpu.memory_space<hbm>>
    tpu.enqueue_indirect_dma source(%dma_start3A_11 : memref<1000000x32xf32, #tpu.memory_space<hbm>>) target(%arg8 : memref<512x32xf32, #tpu.memory_space<vmem>>) offsets(%arg6 : memref<512xi32, #tpu.memory_space<vmem>>) semaphore(%arg12 : memref<!tpu.dma_semaphore, #tpu.memory_space<semaphore_mem>>)
    %scan3A = arith.constant 0 : i32
    %scan3A_12 = arith.constant 13 : i32
    %scan3A_13 = arith.addi %scan3A, %scan3A_12 : i32
    %scan3A_14 = arith.constant 1 : i32
    scf.for %scan3A_41 = %scan3A to %scan3A_13 step %scan3A_14  : i32 {
      %mul3A_42 = arith.constant 2 : i32
      %mul3A_43 = arith.muli %scan3A_41, %mul3A_42 : i32
      %add3A_44 = arith.constant 0 : i32
      %add3A_45 = arith.addi %add3A_44, %mul3A_43 : i32
      %add3A_46 = arith.constant 0 : i32
      %add3A_47 = arith.addi %add3A_45, %add3A_46 : i32
      %dma_wait3A_48 = arith.constant 0 : i32
      %dma_wait3A_49 = arith.constant 0 : i32
      %dma_wait3A_50 = tpu.memref_slice %arg3[%dma_wait3A_48, %dma_wait3A_49] : memref<1000000x32xf32, #tpu.memory_space<hbm>> -> memref<1000000x32xf32, #tpu.memory_space<hbm>>
      tpu.wait_indirect_dma semaphore(%arg11 : memref<!tpu.dma_semaphore, #tpu.memory_space<semaphore_mem>>) src(%dma_wait3A_50 : memref<1000000x32xf32, #tpu.memory_space<hbm>>) dst(%arg7 : memref<512x32xf32, #tpu.memory_space<vmem>>)
      %ge3A = arith.constant 2 : i32
      %ge3A_51 = arith.cmpi sge, %add3A_47, %ge3A : i32
      %convert_element_type3A = arith.extui %ge3A_51 : i1 to i32
      %cond3A = arith.constant 0 : i32
      %cond3A_52 = arith.cmpi ne, %convert_element_type3A, %cond3A : i32
      scf.if %cond3A_52 {
        %mul3A_105 = arith.constant 4 : i32
        %mul3A_106 = arith.muli %mul3A_105, %add3A : i32
        %dma_wait3A_107 = arith.constant 0 : i32
        %dma_wait3A_108 = arith.constant 0 : i32
        %dma_wait3A_109 = arith.constant 0 : i32
        %dma_wait3A_110 = tpu.memref_slice %arg4[%add3A_47, %dma_wait3A_107, %mul3A_106, %dma_wait3A_108, %dma_wait3A_109] : memref<26x4x128x8x128xf32, #tpu.memory_space<hbm>> -> memref<1x4x4x8x128xf32, #tpu.memory_space<hbm>>
        %dma_wait3A_111 = tpu.memref_squeeze %dma_wait3A_110 : memref<1x4x4x8x128xf32, #tpu.memory_space<hbm>> -> memref<4x4x8x128xf32, #tpu.memory_space<hbm>>
        %dma_wait3A_112 = arith.constant 0 : i32
        %dma_wait3A_113 = arith.constant 0 : i32
        %dma_wait3A_114 = arith.constant 0 : i32
        %dma_wait3A_115 = tpu.memref_slice %arg4[%add3A_47, %dma_wait3A_112, %mul3A_106, %dma_wait3A_113, %dma_wait3A_114] : memref<26x4x128x8x128xf32, #tpu.memory_space<hbm>> -> memref<1x4x4x8x128xf32, #tpu.memory_space<hbm>>
        %dma_wait3A_116 = tpu.memref_squeeze %dma_wait3A_115 : memref<1x4x4x8x128xf32, #tpu.memory_space<hbm>> -> memref<4x4x8x128xf32, #tpu.memory_space<hbm>>
        tpu.wait_dma2 semaphore(%arg13 : memref<!tpu.dma_semaphore, #tpu.memory_space<semaphore_mem>>) src(%arg9 : memref<4x4x8x128xf32, #tpu.memory_space<vmem>>) dst(%dma_wait3A_116 : memref<4x4x8x128xf32, #tpu.memory_space<hbm>>)
      } else {
      }
      %parallel_loop3A = arith.constant 0 : i32
      %parallel_loop3A_53 = arith.constant 16 : i32
      %parallel_loop3A_54 = arith.constant 1 : i32
      scf.for %parallel_loop3A_105 = %parallel_loop3A to %parallel_loop3A_53 step %parallel_loop3A_54  : i32 {
        %parallel_loop3A_106 = arith.constant 4 : i32
        %parallel_loop3A_107 = arith.divsi %parallel_loop3A_105, %parallel_loop3A_106 : i32
        %parallel_loop3A_108 = arith.constant 0 : i32
        %parallel_loop3A_109 = arith.cmpi sgt, %parallel_loop3A_105, %parallel_loop3A_108 : i32
        %parallel_loop3A_110 = arith.extui %parallel_loop3A_109 : i1 to i32
        %parallel_loop3A_111 = arith.constant 0 : i32
        %parallel_loop3A_112 = arith.cmpi slt, %parallel_loop3A_105, %parallel_loop3A_111 : i32
        %parallel_loop3A_113 = arith.extui %parallel_loop3A_112 : i1 to i32
        %parallel_loop3A_114 = arith.subi %parallel_loop3A_110, %parallel_loop3A_113 : i32
        %parallel_loop3A_115 = arith.constant 0 : i32
        %parallel_loop3A_116 = arith.cmpi sgt, %parallel_loop3A_106, %parallel_loop3A_115 : i32
        %parallel_loop3A_117 = arith.extui %parallel_loop3A_116 : i1 to i32
        %parallel_loop3A_118 = arith.constant 0 : i32
        %parallel_loop3A_119 = arith.cmpi slt, %parallel_loop3A_106, %parallel_loop3A_118 : i32
        %parallel_loop3A_120 = arith.extui %parallel_loop3A_119 : i1 to i32
        %parallel_loop3A_121 = arith.subi %parallel_loop3A_117, %parallel_loop3A_120 : i32
        %parallel_loop3A_122 = arith.cmpi ne, %parallel_loop3A_114, %parallel_loop3A_121 : i32
        %parallel_loop3A_123 = arith.remsi %parallel_loop3A_105, %parallel_loop3A_106 : i32
        %parallel_loop3A_124 = arith.constant 0 : i32
        %parallel_loop3A_125 = arith.cmpi ne, %parallel_loop3A_123, %parallel_loop3A_124 : i32
        %parallel_loop3A_126 = arith.andi %parallel_loop3A_122, %parallel_loop3A_125 : i1
        %parallel_loop3A_127 = arith.constant 1 : i32
        %parallel_loop3A_128 = arith.subi %parallel_loop3A_107, %parallel_loop3A_127 : i32
        %parallel_loop3A_129 = arith.select %parallel_loop3A_126, %parallel_loop3A_128, %parallel_loop3A_107 : i32
        %parallel_loop3A_130 = arith.constant 4 : i32
        %parallel_loop3A_131 = arith.constant 0 : i32
        %parallel_loop3A_132 = arith.cmpi eq, %parallel_loop3A_130, %parallel_loop3A_131 : i32
        %parallel_loop3A_133 = arith.constant 1 : i32
        %parallel_loop3A_134 = arith.select %parallel_loop3A_132, %parallel_loop3A_133, %parallel_loop3A_130 : i32
        %parallel_loop3A_135 = arith.remsi %parallel_loop3A_105, %parallel_loop3A_134 : i32
        %parallel_loop3A_136 = arith.constant 0 : i32
        %parallel_loop3A_137 = arith.cmpi ne, %parallel_loop3A_135, %parallel_loop3A_136 : i32
        %parallel_loop3A_138 = arith.constant 0 : i32
        %parallel_loop3A_139 = arith.cmpi slt, %parallel_loop3A_135, %parallel_loop3A_138 : i32
        %parallel_loop3A_140 = arith.constant 0 : i32
        %parallel_loop3A_141 = arith.cmpi slt, %parallel_loop3A_134, %parallel_loop3A_140 : i32
        %parallel_loop3A_142 = arith.xori %parallel_loop3A_139, %parallel_loop3A_141 : i1
        %parallel_loop3A_143 = arith.andi %parallel_loop3A_142, %parallel_loop3A_137 : i1
        %parallel_loop3A_144 = arith.addi %parallel_loop3A_135, %parallel_loop3A_134 : i32
        %parallel_loop3A_145 = arith.select %parallel_loop3A_143, %parallel_loop3A_144, %parallel_loop3A_135 : i32
        %parallel_loop3A_146 = arith.constant 8 : i32
        %parallel_loop3A_147 = arith.muli %parallel_loop3A_129, %parallel_loop3A_146 : i32
        %parallel_loop3A_148 = arith.constant 128 : i32
        %parallel_loop3A_149 = arith.muli %parallel_loop3A_145, %parallel_loop3A_148 : i32
        %parallel_loop3A_150 = vector.broadcast %parallel_loop3A_149 : i32 to vector<16xi32>
        %parallel_loop3A_151 = arith.addi %iota3A, %parallel_loop3A_150 : vector<16xi32>
        %parallel_loop3A_152 = arith.constant 0 : i32
        %parallel_loop3A_153 = vector.broadcast %parallel_loop3A_152 : i32 to vector<16xi32>
        %parallel_loop3A_154 = arith.constant 0 : i32
        %parallel_loop3A_155 = arith.addi %parallel_loop3A_147, %parallel_loop3A_154 : i32
        %parallel_loop3A_156 = vector.broadcast %parallel_loop3A_155 : i32 to vector<16xi32>
        %parallel_loop3A_157 = arith.addi %parallel_loop3A_153, %parallel_loop3A_156 : vector<16xi32>
        %parallel_loop3A_158 = arith.constant 0 : i32
        %parallel_loop3A_159 = vector.broadcast %parallel_loop3A_158 : i32 to vector<16xi32>
        %parallel_loop3A_160 = arith.constant 1 : i32
        %parallel_loop3A_161 = arith.addi %parallel_loop3A_147, %parallel_loop3A_160 : i32
        %parallel_loop3A_162 = vector.broadcast %parallel_loop3A_161 : i32 to vector<16xi32>
        %parallel_loop3A_163 = arith.addi %parallel_loop3A_159, %parallel_loop3A_162 : vector<16xi32>
        %parallel_loop3A_164 = arith.constant 0 : i32
        %parallel_loop3A_165 = vector.broadcast %parallel_loop3A_164 : i32 to vector<16xi32>
        %parallel_loop3A_166 = arith.constant 2 : i32
        %parallel_loop3A_167 = arith.addi %parallel_loop3A_147, %parallel_loop3A_166 : i32
        %parallel_loop3A_168 = vector.broadcast %parallel_loop3A_167 : i32 to vector<16xi32>
        %parallel_loop3A_169 = arith.addi %parallel_loop3A_165, %parallel_loop3A_168 : vector<16xi32>
        %parallel_loop3A_170 = arith.constant 0 : i32
        %parallel_loop3A_171 = vector.broadcast %parallel_loop3A_170 : i32 to vector<16xi32>
        %parallel_loop3A_172 = arith.constant 3 : i32
        %parallel_loop3A_173 = arith.addi %parallel_loop3A_147, %parallel_loop3A_172 : i32
        %parallel_loop3A_174 = vector.broadcast %parallel_loop3A_173 : i32 to vector<16xi32>
        %parallel_loop3A_175 = arith.addi %parallel_loop3A_171, %parallel_loop3A_174 : vector<16xi32>
        %parallel_loop3A_176 = arith.constant 0 : i32
        %parallel_loop3A_177 = vector.broadcast %parallel_loop3A_176 : i32 to vector<16xi32>
        %parallel_loop3A_178 = arith.constant 4 : i32
        %parallel_loop3A_179 = arith.addi %parallel_loop3A_147, %parallel_loop3A_178 : i32
        %parallel_loop3A_180 = vector.broadcast %parallel_loop3A_179 : i32 to vector<16xi32>
        %parallel_loop3A_181 = arith.addi %parallel_loop3A_177, %parallel_loop3A_180 : vector<16xi32>
        %parallel_loop3A_182 = arith.constant 0 : i32
        %parallel_loop3A_183 = vector.broadcast %parallel_loop3A_182 : i32 to vector<16xi32>
        %parallel_loop3A_184 = arith.constant 5 : i32
        %parallel_loop3A_185 = arith.addi %parallel_loop3A_147, %parallel_loop3A_184 : i32
        %parallel_loop3A_186 = vector.broadcast %parallel_loop3A_185 : i32 to vector<16xi32>
        %parallel_loop3A_187 = arith.addi %parallel_loop3A_183, %parallel_loop3A_186 : vector<16xi32>
        %parallel_loop3A_188 = arith.constant 0 : i32
        %parallel_loop3A_189 = vector.broadcast %parallel_loop3A_188 : i32 to vector<16xi32>
        %parallel_loop3A_190 = arith.constant 6 : i32
        %parallel_loop3A_191 = arith.addi %parallel_loop3A_147, %parallel_loop3A_190 : i32
        %parallel_loop3A_192 = vector.broadcast %parallel_loop3A_191 : i32 to vector<16xi32>
        %parallel_loop3A_193 = arith.addi %parallel_loop3A_189, %parallel_loop3A_192 : vector<16xi32>
        %parallel_loop3A_194 = arith.constant 0 : i32
        %parallel_loop3A_195 = vector.broadcast %parallel_loop3A_194 : i32 to vector<16xi32>
        %parallel_loop3A_196 = arith.constant 7 : i32
        %parallel_loop3A_197 = arith.addi %parallel_loop3A_147, %parallel_loop3A_196 : i32
        %parallel_loop3A_198 = vector.broadcast %parallel_loop3A_197 : i32 to vector<16xi32>
        %parallel_loop3A_199 = arith.addi %parallel_loop3A_195, %parallel_loop3A_198 : vector<16xi32>
        %parallel_loop3A_200 = arith.constant 0 : i32
        %parallel_loop3A_201 = vector.broadcast %parallel_loop3A_200 : i32 to vector<16xi32>
        %parallel_loop3A_202 = arith.addi %parallel_loop3A_151, %parallel_loop3A_201 : vector<16xi32>
        %parallel_loop3A_203 = tpu.vector_load_idx %arg7[%parallel_loop3A_202, %parallel_loop3A_157] : memref<512x32xf32, #tpu.memory_space<vmem>>[vector<16xi32>, vector<16xi32>], vector<16xf32>,
        %parallel_loop3A_204 = tpu.vector_load_idx %arg7[%parallel_loop3A_202, %parallel_loop3A_163] : memref<512x32xf32, #tpu.memory_space<vmem>>[vector<16xi32>, vector<16xi32>], vector<16xf32>,
        %parallel_loop3A_205 = tpu.vector_load_idx %arg7[%parallel_loop3A_202, %parallel_loop3A_169] : memref<512x32xf32, #tpu.memory_space<vmem>>[vector<16xi32>, vector<16xi32>], vector<16xf32>,
        %parallel_loop3A_206 = tpu.vector_load_idx %arg7[%parallel_loop3A_202, %parallel_loop3A_175] : memref<512x32xf32, #tpu.memory_space<vmem>>[vector<16xi32>, vector<16xi32>], vector<16xf32>,
        %parallel_loop3A_207 = tpu.vector_load_idx %arg7[%parallel_loop3A_202, %parallel_loop3A_181] : memref<512x32xf32, #tpu.memory_space<vmem>>[vector<16xi32>, vector<16xi32>], vector<16xf32>,
        %parallel_loop3A_208 = tpu.vector_load_idx %arg7[%parallel_loop3A_202, %parallel_loop3A_187] : memref<512x32xf32, #tpu.memory_space<vmem>>[vector<16xi32>, vector<16xi32>], vector<16xf32>,
        %parallel_loop3A_209 = tpu.vector_load_idx %arg7[%parallel_loop3A_202, %parallel_loop3A_193] : memref<512x32xf32, #tpu.memory_space<vmem>>[vector<16xi32>, vector<16xi32>], vector<16xf32>,
        %parallel_loop3A_210 = tpu.vector_load_idx %arg7[%parallel_loop3A_202, %parallel_loop3A_199] : memref<512x32xf32, #tpu.memory_space<vmem>>[vector<16xi32>, vector<16xi32>], vector<16xf32>,
        %parallel_loop3A_211 = arith.constant 0 : i32
        %parallel_loop3A_212 = arith.index_cast %parallel_loop3A_129 : i32 to index
        %parallel_loop3A_213 = arith.index_cast %parallel_loop3A_145 : i32 to index
        %parallel_loop3A_214 = arith.index_cast %parallel_loop3A_211 : i32 to index
        %parallel_loop3A_215 = arith.constant 0 : index
        %parallel_loop3A_216 = tpu.vector_load %arg9[%parallel_loop3A_212, %parallel_loop3A_213, %parallel_loop3A_214, %parallel_loop3A_215] {strides = array<i32>} : memref<4x4x8x128xf32, #tpu.memory_space<vmem>>, vector<16xf32>,
        tpu.vector_store %arg9[%parallel_loop3A_212, %parallel_loop3A_213, %parallel_loop3A_214, %parallel_loop3A_215], %parallel_loop3A_203 {strides = array<i32>} : memref<4x4x8x128xf32, #tpu.memory_space<vmem>>, vector<16xf32>,
        %parallel_loop3A_217 = arith.constant 1 : i32
        %parallel_loop3A_218 = arith.index_cast %parallel_loop3A_129 : i32 to index
        %parallel_loop3A_219 = arith.index_cast %parallel_loop3A_145 : i32 to index
        %parallel_loop3A_220 = arith.index_cast %parallel_loop3A_217 : i32 to index
        %parallel_loop3A_221 = arith.constant 0 : index
        %parallel_loop3A_222 = tpu.vector_load %arg9[%parallel_loop3A_218, %parallel_loop3A_219, %parallel_loop3A_220, %parallel_loop3A_221] {strides = array<i32>} : memref<4x4x8x128xf32, #tpu.memory_space<vmem>>, vector<16xf32>,
        tpu.vector_store %arg9[%parallel_loop3A_218, %parallel_loop3A_219, %parallel_loop3A_220, %parallel_loop3A_221], %parallel_loop3A_204 {strides = array<i32>} : memref<4x4x8x128xf32, #tpu.memory_space<vmem>>, vector<16xf32>,
        %parallel_loop3A_223 = arith.constant 2 : i32
        %parallel_loop3A_224 = arith.index_cast %parallel_loop3A_129 : i32 to index
        %parallel_loop3A_225 = arith.index_cast %parallel_loop3A_145 : i32 to index
        %parallel_loop3A_226 = arith.index_cast %parallel_loop3A_223 : i32 to index
        %parallel_loop3A_227 = arith.constant 0 : index
        %parallel_loop3A_228 = tpu.vector_load %arg9[%parallel_loop3A_224, %parallel_loop3A_225, %parallel_loop3A_226, %parallel_loop3A_227] {strides = array<i32>} : memref<4x4x8x128xf32, #tpu.memory_space<vmem>>, vector<16xf32>,
        tpu.vector_store %arg9[%parallel_loop3A_224, %parallel_loop3A_225, %parallel_loop3A_226, %parallel_loop3A_227], %parallel_loop3A_205 {strides = array<i32>} : memref<4x4x8x128xf32, #tpu.memory_space<vmem>>, vector<16xf32>,
        %parallel_loop3A_229 = arith.constant 3 : i32
        %parallel_loop3A_230 = arith.index_cast %parallel_loop3A_129 : i32 to index
        %parallel_loop3A_231 = arith.index_cast %parallel_loop3A_145 : i32 to index
        %parallel_loop3A_232 = arith.index_cast %parallel_loop3A_229 : i32 to index
        %parallel_loop3A_233 = arith.constant 0 : index
        %parallel_loop3A_234 = tpu.vector_load %arg9[%parallel_loop3A_230, %parallel_loop3A_231, %parallel_loop3A_232, %parallel_loop3A_233] {strides = array<i32>} : memref<4x4x8x128xf32, #tpu.memory_space<vmem>>, vector<16xf32>,
        tpu.vector_store %arg9[%parallel_loop3A_230, %parallel_loop3A_231, %parallel_loop3A_232, %parallel_loop3A_233], %parallel_loop3A_206 {strides = array<i32>} : memref<4x4x8x128xf32, #tpu.memory_space<vmem>>, vector<16xf32>,
        %parallel_loop3A_235 = arith.constant 4 : i32
        %parallel_loop3A_236 = arith.index_cast %parallel_loop3A_129 : i32 to index
        %parallel_loop3A_237 = arith.index_cast %parallel_loop3A_145 : i32 to index
        %parallel_loop3A_238 = arith.index_cast %parallel_loop3A_235 : i32 to index
        %parallel_loop3A_239 = arith.constant 0 : index
        %parallel_loop3A_240 = tpu.vector_load %arg9[%parallel_loop3A_236, %parallel_loop3A_237, %parallel_loop3A_238, %parallel_loop3A_239] {strides = array<i32>} : memref<4x4x8x128xf32, #tpu.memory_space<vmem>>, vector<16xf32>,
        tpu.vector_store %arg9[%parallel_loop3A_236, %parallel_loop3A_237, %parallel_loop3A_238, %parallel_loop3A_239], %parallel_loop3A_207 {strides = array<i32>} : memref<4x4x8x128xf32, #tpu.memory_space<vmem>>, vector<16xf32>,
        %parallel_loop3A_241 = arith.constant 5 : i32
        %parallel_loop3A_242 = arith.index_cast %parallel_loop3A_129 : i32 to index
        %parallel_loop3A_243 = arith.index_cast %parallel_loop3A_145 : i32 to index
        %parallel_loop3A_244 = arith.index_cast %parallel_loop3A_241 : i32 to index
        %parallel_loop3A_245 = arith.constant 0 : index
        %parallel_loop3A_246 = tpu.vector_load %arg9[%parallel_loop3A_242, %parallel_loop3A_243, %parallel_loop3A_244, %parallel_loop3A_245] {strides = array<i32>} : memref<4x4x8x128xf32, #tpu.memory_space<vmem>>, vector<16xf32>,
        tpu.vector_store %arg9[%parallel_loop3A_242, %parallel_loop3A_243, %parallel_loop3A_244, %parallel_loop3A_245], %parallel_loop3A_208 {strides = array<i32>} : memref<4x4x8x128xf32, #tpu.memory_space<vmem>>, vector<16xf32>,
        %parallel_loop3A_247 = arith.constant 6 : i32
        %parallel_loop3A_248 = arith.index_cast %parallel_loop3A_129 : i32 to index
        %parallel_loop3A_249 = arith.index_cast %parallel_loop3A_145 : i32 to index
        %parallel_loop3A_250 = arith.index_cast %parallel_loop3A_247 : i32 to index
        %parallel_loop3A_251 = arith.constant 0 : index
        %parallel_loop3A_252 = tpu.vector_load %arg9[%parallel_loop3A_248, %parallel_loop3A_249, %parallel_loop3A_250, %parallel_loop3A_251] {strides = array<i32>} : memref<4x4x8x128xf32, #tpu.memory_space<vmem>>, vector<16xf32>,
        tpu.vector_store %arg9[%parallel_loop3A_248, %parallel_loop3A_249, %parallel_loop3A_250, %parallel_loop3A_251], %parallel_loop3A_209 {strides = array<i32>} : memref<4x4x8x128xf32, #tpu.memory_space<vmem>>, vector<16xf32>,
        %parallel_loop3A_253 = arith.constant 7 : i32
        %parallel_loop3A_254 = arith.index_cast %parallel_loop3A_129 : i32 to index
        %parallel_loop3A_255 = arith.index_cast %parallel_loop3A_145 : i32 to index
        %parallel_loop3A_256 = arith.index_cast %parallel_loop3A_253 : i32 to index
        %parallel_loop3A_257 = arith.constant 0 : index
        %parallel_loop3A_258 = tpu.vector_load %arg9[%parallel_loop3A_254, %parallel_loop3A_255, %parallel_loop3A_256, %parallel_loop3A_257] {strides = array<i32>} : memref<4x4x8x128xf32, #tpu.memory_space<vmem>>, vector<16xf32>,
        tpu.vector_store %arg9[%parallel_loop3A_254, %parallel_loop3A_255, %parallel_loop3A_256, %parallel_loop3A_257], %parallel_loop3A_210 {strides = array<i32>} : memref<4x4x8x128xf32, #tpu.memory_space<vmem>>, vector<16xf32>,
        %parallel_loop3A_259 = arith.constant 16 : i32
        %parallel_loop3A_260 = vector.broadcast %parallel_loop3A_259 : i32 to vector<16xi32>
        %parallel_loop3A_261 = arith.addi %parallel_loop3A_151, %parallel_loop3A_260 : vector<16xi32>
        %parallel_loop3A_262 = tpu.vector_load_idx %arg7[%parallel_loop3A_261, %parallel_loop3A_157] : memref<512x32xf32, #tpu.memory_space<vmem>>[vector<16xi32>, vector<16xi32>], vector<16xf32>,
        %parallel_loop3A_263 = tpu.vector_load_idx %arg7[%parallel_loop3A_261, %parallel_loop3A_163] : memref<512x32xf32, #tpu.memory_space<vmem>>[vector<16xi32>, vector<16xi32>], vector<16xf32>,
        %parallel_loop3A_264 = tpu.vector_load_idx %arg7[%parallel_loop3A_261, %parallel_loop3A_169] : memref<512x32xf32, #tpu.memory_space<vmem>>[vector<16xi32>, vector<16xi32>], vector<16xf32>,
        %parallel_loop3A_265 = tpu.vector_load_idx %arg7[%parallel_loop3A_261, %parallel_loop3A_175] : memref<512x32xf32, #tpu.memory_space<vmem>>[vector<16xi32>, vector<16xi32>], vector<16xf32>,
        %parallel_loop3A_266 = tpu.vector_load_idx %arg7[%parallel_loop3A_261, %parallel_loop3A_181] : memref<512x32xf32, #tpu.memory_space<vmem>>[vector<16xi32>, vector<16xi32>], vector<16xf32>,
        %parallel_loop3A_267 = tpu.vector_load_idx %arg7[%parallel_loop3A_261, %parallel_loop3A_187] : memref<512x32xf32, #tpu.memory_space<vmem>>[vector<16xi32>, vector<16xi32>], vector<16xf32>,
        %parallel_loop3A_268 = tpu.vector_load_idx %arg7[%parallel_loop3A_261, %parallel_loop3A_193] : memref<512x32xf32, #tpu.memory_space<vmem>>[vector<16xi32>, vector<16xi32>], vector<16xf32>,
        %parallel_loop3A_269 = tpu.vector_load_idx %arg7[%parallel_loop3A_261, %parallel_loop3A_199] : memref<512x32xf32, #tpu.memory_space<vmem>>[vector<16xi32>, vector<16xi32>], vector<16xf32>,
        %parallel_loop3A_270 = arith.constant 0 : i32
        %parallel_loop3A_271 = arith.index_cast %parallel_loop3A_129 : i32 to index
        %parallel_loop3A_272 = arith.index_cast %parallel_loop3A_145 : i32 to index
        %parallel_loop3A_273 = arith.index_cast %parallel_loop3A_270 : i32 to index
        %parallel_loop3A_274 = arith.constant 16 : index
        %parallel_loop3A_275 = tpu.vector_load %arg9[%parallel_loop3A_271, %parallel_loop3A_272, %parallel_loop3A_273, %parallel_loop3A_274] {strides = array<i32>} : memref<4x4x8x128xf32, #tpu.memory_space<vmem>>, vector<16xf32>,
        tpu.vector_store %arg9[%parallel_loop3A_271, %parallel_loop3A_272, %parallel_loop3A_273, %parallel_loop3A_274], %parallel_loop3A_262 {strides = array<i32>} : memref<4x4x8x128xf32, #tpu.memory_space<vmem>>, vector<16xf32>,
        %parallel_loop3A_276 = arith.constant 1 : i32
        %parallel_loop3A_277 = arith.index_cast %parallel_loop3A_129 : i32 to index
        %parallel_loop3A_278 = arith.index_cast %parallel_loop3A_145 : i32 to index
        %parallel_loop3A_279 = arith.index_cast %parallel_loop3A_276 : i32 to index
        %parallel_loop3A_280 = arith.constant 16 : index
        %parallel_loop3A_281 = tpu.vector_load %arg9[%parallel_loop3A_277, %parallel_loop3A_278, %parallel_loop3A_279, %parallel_loop3A_280] {strides = array<i32>} : memref<4x4x8x128xf32, #tpu.memory_space<vmem>>, vector<16xf32>,
        tpu.vector_store %arg9[%parallel_loop3A_277, %parallel_loop3A_278, %parallel_loop3A_279, %parallel_loop3A_280], %parallel_loop3A_263 {strides = array<i32>} : memref<4x4x8x128xf32, #tpu.memory_space<vmem>>, vector<16xf32>,
        %parallel_loop3A_282 = arith.constant 2 : i32
        %parallel_loop3A_283 = arith.index_cast %parallel_loop3A_129 : i32 to index
        %parallel_loop3A_284 = arith.index_cast %parallel_loop3A_145 : i32 to index
        %parallel_loop3A_285 = arith.index_cast %parallel_loop3A_282 : i32 to index
        %parallel_loop3A_286 = arith.constant 16 : index
        %parallel_loop3A_287 = tpu.vector_load %arg9[%parallel_loop3A_283, %parallel_loop3A_284, %parallel_loop3A_285, %parallel_loop3A_286] {strides = array<i32>} : memref<4x4x8x128xf32, #tpu.memory_space<vmem>>, vector<16xf32>,
        tpu.vector_store %arg9[%parallel_loop3A_283, %parallel_loop3A_284, %parallel_loop3A_285, %parallel_loop3A_286], %parallel_loop3A_264 {strides = array<i32>} : memref<4x4x8x128xf32, #tpu.memory_space<vmem>>, vector<16xf32>,
        %parallel_loop3A_288 = arith.constant 3 : i32
        %parallel_loop3A_289 = arith.index_cast %parallel_loop3A_129 : i32 to index
        %parallel_loop3A_290 = arith.index_cast %parallel_loop3A_145 : i32 to index
        %parallel_loop3A_291 = arith.index_cast %parallel_loop3A_288 : i32 to index
        %parallel_loop3A_292 = arith.constant 16 : index
        %parallel_loop3A_293 = tpu.vector_load %arg9[%parallel_loop3A_289, %parallel_loop3A_290, %parallel_loop3A_291, %parallel_loop3A_292] {strides = array<i32>} : memref<4x4x8x128xf32, #tpu.memory_space<vmem>>, vector<16xf32>,
        tpu.vector_store %arg9[%parallel_loop3A_289, %parallel_loop3A_290, %parallel_loop3A_291, %parallel_loop3A_292], %parallel_loop3A_265 {strides = array<i32>} : memref<4x4x8x128xf32, #tpu.memory_space<vmem>>, vector<16xf32>,
        %parallel_loop3A_294 = arith.constant 4 : i32
        %parallel_loop3A_295 = arith.index_cast %parallel_loop3A_129 : i32 to index
        %parallel_loop3A_296 = arith.index_cast %parallel_loop3A_145 : i32 to index
        %parallel_loop3A_297 = arith.index_cast %parallel_loop3A_294 : i32 to index
        %parallel_loop3A_298 = arith.constant 16 : index
        %parallel_loop3A_299 = tpu.vector_load %arg9[%parallel_loop3A_295, %parallel_loop3A_296, %parallel_loop3A_297, %parallel_loop3A_298] {strides = array<i32>} : memref<4x4x8x128xf32, #tpu.memory_space<vmem>>, vector<16xf32>,
        tpu.vector_store %arg9[%parallel_loop3A_295, %parallel_loop3A_296, %parallel_loop3A_297, %parallel_loop3A_298], %parallel_loop3A_266 {strides = array<i32>} : memref<4x4x8x128xf32, #tpu.memory_space<vmem>>, vector<16xf32>,
        %parallel_loop3A_300 = arith.constant 5 : i32
        %parallel_loop3A_301 = arith.index_cast %parallel_loop3A_129 : i32 to index
        %parallel_loop3A_302 = arith.index_cast %parallel_loop3A_145 : i32 to index
        %parallel_loop3A_303 = arith.index_cast %parallel_loop3A_300 : i32 to index
        %parallel_loop3A_304 = arith.constant 16 : index
        %parallel_loop3A_305 = tpu.vector_load %arg9[%parallel_loop3A_301, %parallel_loop3A_302, %parallel_loop3A_303, %parallel_loop3A_304] {strides = array<i32>} : memref<4x4x8x128xf32, #tpu.memory_space<vmem>>, vector<16xf32>,
        tpu.vector_store %arg9[%parallel_loop3A_301, %parallel_loop3A_302, %parallel_loop3A_303, %parallel_loop3A_304], %parallel_loop3A_267 {strides = array<i32>} : memref<4x4x8x128xf32, #tpu.memory_space<vmem>>, vector<16xf32>,
        %parallel_loop3A_306 = arith.constant 6 : i32
        %parallel_loop3A_307 = arith.index_cast %parallel_loop3A_129 : i32 to index
        %parallel_loop3A_308 = arith.index_cast %parallel_loop3A_145 : i32 to index
        %parallel_loop3A_309 = arith.index_cast %parallel_loop3A_306 : i32 to index
        %parallel_loop3A_310 = arith.constant 16 : index
        %parallel_loop3A_311 = tpu.vector_load %arg9[%parallel_loop3A_307, %parallel_loop3A_308, %parallel_loop3A_309, %parallel_loop3A_310] {strides = array<i32>} : memref<4x4x8x128xf32, #tpu.memory_space<vmem>>, vector<16xf32>,
        tpu.vector_store %arg9[%parallel_loop3A_307, %parallel_loop3A_308, %parallel_loop3A_309, %parallel_loop3A_310], %parallel_loop3A_268 {strides = array<i32>} : memref<4x4x8x128xf32, #tpu.memory_space<vmem>>, vector<16xf32>,
        %parallel_loop3A_312 = arith.constant 7 : i32
        %parallel_loop3A_313 = arith.index_cast %parallel_loop3A_129 : i32 to index
        %parallel_loop3A_314 = arith.index_cast %parallel_loop3A_145 : i32 to index
        %parallel_loop3A_315 = arith.index_cast %parallel_loop3A_312 : i32 to index
        %parallel_loop3A_316 = arith.constant 16 : index
        %parallel_loop3A_317 = tpu.vector_load %arg9[%parallel_loop3A_313, %parallel_loop3A_314, %parallel_loop3A_315, %parallel_loop3A_316] {strides = array<i32>} : memref<4x4x8x128xf32, #tpu.memory_space<vmem>>, vector<16xf32>,
        tpu.vector_store %arg9[%parallel_loop3A_313, %parallel_loop3A_314, %parallel_loop3A_315, %parallel_loop3A_316], %parallel_loop3A_269 {strides = array<i32>} : memref<4x4x8x128xf32, #tpu.memory_space<vmem>>, vector<16xf32>,
        %parallel_loop3A_318 = arith.constant 32 : i32
        %parallel_loop3A_319 = vector.broadcast %parallel_loop3A_318 : i32 to vector<16xi32>
        %parallel_loop3A_320 = arith.addi %parallel_loop3A_151, %parallel_loop3A_319 : vector<16xi32>
        %parallel_loop3A_321 = tpu.vector_load_idx %arg7[%parallel_loop3A_320, %parallel_loop3A_157] : memref<512x32xf32, #tpu.memory_space<vmem>>[vector<16xi32>, vector<16xi32>], vector<16xf32>,
        %parallel_loop3A_322 = tpu.vector_load_idx %arg7[%parallel_loop3A_320, %parallel_loop3A_163] : memref<512x32xf32, #tpu.memory_space<vmem>>[vector<16xi32>, vector<16xi32>], vector<16xf32>,
        %parallel_loop3A_323 = tpu.vector_load_idx %arg7[%parallel_loop3A_320, %parallel_loop3A_169] : memref<512x32xf32, #tpu.memory_space<vmem>>[vector<16xi32>, vector<16xi32>], vector<16xf32>,
        %parallel_loop3A_324 = tpu.vector_load_idx %arg7[%parallel_loop3A_320, %parallel_loop3A_175] : memref<512x32xf32, #tpu.memory_space<vmem>>[vector<16xi32>, vector<16xi32>], vector<16xf32>,
        %parallel_loop3A_325 = tpu.vector_load_idx %arg7[%parallel_loop3A_320, %parallel_loop3A_181] : memref<512x32xf32, #tpu.memory_space<vmem>>[vector<16xi32>, vector<16xi32>], vector<16xf32>,
        %parallel_loop3A_326 = tpu.vector_load_idx %arg7[%parallel_loop3A_320, %parallel_loop3A_187] : memref<512x32xf32, #tpu.memory_space<vmem>>[vector<16xi32>, vector<16xi32>], vector<16xf32>,
        %parallel_loop3A_327 = tpu.vector_load_idx %arg7[%parallel_loop3A_320, %parallel_loop3A_193] : memref<512x32xf32, #tpu.memory_space<vmem>>[vector<16xi32>, vector<16xi32>], vector<16xf32>,
        %parallel_loop3A_328 = tpu.vector_load_idx %arg7[%parallel_loop3A_320, %parallel_loop3A_199] : memref<512x32xf32, #tpu.memory_space<vmem>>[vector<16xi32>, vector<16xi32>], vector<16xf32>,
        %parallel_loop3A_329 = arith.constant 0 : i32
        %parallel_loop3A_330 = arith.index_cast %parallel_loop3A_129 : i32 to index
        %parallel_loop3A_331 = arith.index_cast %parallel_loop3A_145 : i32 to index
        %parallel_loop3A_332 = arith.index_cast %parallel_loop3A_329 : i32 to index
        %parallel_loop3A_333 = arith.constant 32 : index
        %parallel_loop3A_334 = tpu.vector_load %arg9[%parallel_loop3A_330, %parallel_loop3A_331, %parallel_loop3A_332, %parallel_loop3A_333] {strides = array<i32>} : memref<4x4x8x128xf32, #tpu.memory_space<vmem>>, vector<16xf32>,
        tpu.vector_store %arg9[%parallel_loop3A_330, %parallel_loop3A_331, %parallel_loop3A_332, %parallel_loop3A_333], %parallel_loop3A_321 {strides = array<i32>} : memref<4x4x8x128xf32, #tpu.memory_space<vmem>>, vector<16xf32>,
        %parallel_loop3A_335 = arith.constant 1 : i32
        %parallel_loop3A_336 = arith.index_cast %parallel_loop3A_129 : i32 to index
        %parallel_loop3A_337 = arith.index_cast %parallel_loop3A_145 : i32 to index
        %parallel_loop3A_338 = arith.index_cast %parallel_loop3A_335 : i32 to index
        %parallel_loop3A_339 = arith.constant 32 : index
        %parallel_loop3A_340 = tpu.vector_load %arg9[%parallel_loop3A_336, %parallel_loop3A_337, %parallel_loop3A_338, %parallel_loop3A_339] {strides = array<i32>} : memref<4x4x8x128xf32, #tpu.memory_space<vmem>>, vector<16xf32>,
        tpu.vector_store %arg9[%parallel_loop3A_336, %parallel_loop3A_337, %parallel_loop3A_338, %parallel_loop3A_339], %parallel_loop3A_322 {strides = array<i32>} : memref<4x4x8x128xf32, #tpu.memory_space<vmem>>, vector<16xf32>,
        %parallel_loop3A_341 = arith.constant 2 : i32
        %parallel_loop3A_342 = arith.index_cast %parallel_loop3A_129 : i32 to index
        %parallel_loop3A_343 = arith.index_cast %parallel_loop3A_145 : i32 to index
        %parallel_loop3A_344 = arith.index_cast %parallel_loop3A_341 : i32 to index
        %parallel_loop3A_345 = arith.constant 32 : index
        %parallel_loop3A_346 = tpu.vector_load %arg9[%parallel_loop3A_342, %parallel_loop3A_343, %parallel_loop3A_344, %parallel_loop3A_345] {strides = array<i32>} : memref<4x4x8x128xf32, #tpu.memory_space<vmem>>, vector<16xf32>,
        tpu.vector_store %arg9[%parallel_loop3A_342, %parallel_loop3A_343, %parallel_loop3A_344, %parallel_loop3A_345], %parallel_loop3A_323 {strides = array<i32>} : memref<4x4x8x128xf32, #tpu.memory_space<vmem>>, vector<16xf32>,
        %parallel_loop3A_347 = arith.constant 3 : i32
        %parallel_loop3A_348 = arith.index_cast %parallel_loop3A_129 : i32 to index
        %parallel_loop3A_349 = arith.index_cast %parallel_loop3A_145 : i32 to index
        %parallel_loop3A_350 = arith.index_cast %parallel_loop3A_347 : i32 to index
        %parallel_loop3A_351 = arith.constant 32 : index
        %parallel_loop3A_352 = tpu.vector_load %arg9[%parallel_loop3A_348, %parallel_loop3A_349, %parallel_loop3A_350, %parallel_loop3A_351] {strides = array<i32>} : memref<4x4x8x128xf32, #tpu.memory_space<vmem>>, vector<16xf32>,
        tpu.vector_store %arg9[%parallel_loop3A_348, %parallel_loop3A_349, %parallel_loop3A_350, %parallel_loop3A_351], %parallel_loop3A_324 {strides = array<i32>} : memref<4x4x8x128xf32, #tpu.memory_space<vmem>>, vector<16xf32>,
        %parallel_loop3A_353 = arith.constant 4 : i32
        %parallel_loop3A_354 = arith.index_cast %parallel_loop3A_129 : i32 to index
        %parallel_loop3A_355 = arith.index_cast %parallel_loop3A_145 : i32 to index
        %parallel_loop3A_356 = arith.index_cast %parallel_loop3A_353 : i32 to index
        %parallel_loop3A_357 = arith.constant 32 : index
        %parallel_loop3A_358 = tpu.vector_load %arg9[%parallel_loop3A_354, %parallel_loop3A_355, %parallel_loop3A_356, %parallel_loop3A_357] {strides = array<i32>} : memref<4x4x8x128xf32, #tpu.memory_space<vmem>>, vector<16xf32>,
        tpu.vector_store %arg9[%parallel_loop3A_354, %parallel_loop3A_355, %parallel_loop3A_356, %parallel_loop3A_357], %parallel_loop3A_325 {strides = array<i32>} : memref<4x4x8x128xf32, #tpu.memory_space<vmem>>, vector<16xf32>,
        %parallel_loop3A_359 = arith.constant 5 : i32
        %parallel_loop3A_360 = arith.index_cast %parallel_loop3A_129 : i32 to index
        %parallel_loop3A_361 = arith.index_cast %parallel_loop3A_145 : i32 to index
        %parallel_loop3A_362 = arith.index_cast %parallel_loop3A_359 : i32 to index
        %parallel_loop3A_363 = arith.constant 32 : index
        %parallel_loop3A_364 = tpu.vector_load %arg9[%parallel_loop3A_360, %parallel_loop3A_361, %parallel_loop3A_362, %parallel_loop3A_363] {strides = array<i32>} : memref<4x4x8x128xf32, #tpu.memory_space<vmem>>, vector<16xf32>,
        tpu.vector_store %arg9[%parallel_loop3A_360, %parallel_loop3A_361, %parallel_loop3A_362, %parallel_loop3A_363], %parallel_loop3A_326 {strides = array<i32>} : memref<4x4x8x128xf32, #tpu.memory_space<vmem>>, vector<16xf32>,
        %parallel_loop3A_365 = arith.constant 6 : i32
        %parallel_loop3A_366 = arith.index_cast %parallel_loop3A_129 : i32 to index
        %parallel_loop3A_367 = arith.index_cast %parallel_loop3A_145 : i32 to index
        %parallel_loop3A_368 = arith.index_cast %parallel_loop3A_365 : i32 to index
        %parallel_loop3A_369 = arith.constant 32 : index
        %parallel_loop3A_370 = tpu.vector_load %arg9[%parallel_loop3A_366, %parallel_loop3A_367, %parallel_loop3A_368, %parallel_loop3A_369] {strides = array<i32>} : memref<4x4x8x128xf32, #tpu.memory_space<vmem>>, vector<16xf32>,
        tpu.vector_store %arg9[%parallel_loop3A_366, %parallel_loop3A_367, %parallel_loop3A_368, %parallel_loop3A_369], %parallel_loop3A_327 {strides = array<i32>} : memref<4x4x8x128xf32, #tpu.memory_space<vmem>>, vector<16xf32>,
        %parallel_loop3A_371 = arith.constant 7 : i32
        %parallel_loop3A_372 = arith.index_cast %parallel_loop3A_129 : i32 to index
        %parallel_loop3A_373 = arith.index_cast %parallel_loop3A_145 : i32 to index
        %parallel_loop3A_374 = arith.index_cast %parallel_loop3A_371 : i32 to index
        %parallel_loop3A_375 = arith.constant 32 : index
        %parallel_loop3A_376 = tpu.vector_load %arg9[%parallel_loop3A_372, %parallel_loop3A_373, %parallel_loop3A_374, %parallel_loop3A_375] {strides = array<i32>} : memref<4x4x8x128xf32, #tpu.memory_space<vmem>>, vector<16xf32>,
        tpu.vector_store %arg9[%parallel_loop3A_372, %parallel_loop3A_373, %parallel_loop3A_374, %parallel_loop3A_375], %parallel_loop3A_328 {strides = array<i32>} : memref<4x4x8x128xf32, #tpu.memory_space<vmem>>, vector<16xf32>,
        %parallel_loop3A_377 = arith.constant 48 : i32
        %parallel_loop3A_378 = vector.broadcast %parallel_loop3A_377 : i32 to vector<16xi32>
        %parallel_loop3A_379 = arith.addi %parallel_loop3A_151, %parallel_loop3A_378 : vector<16xi32>
        %parallel_loop3A_380 = tpu.vector_load_idx %arg7[%parallel_loop3A_379, %parallel_loop3A_157] : memref<512x32xf32, #tpu.memory_space<vmem>>[vector<16xi32>, vector<16xi32>], vector<16xf32>,
        %parallel_loop3A_381 = tpu.vector_load_idx %arg7[%parallel_loop3A_379, %parallel_loop3A_163] : memref<512x32xf32, #tpu.memory_space<vmem>>[vector<16xi32>, vector<16xi32>], vector<16xf32>,
        %parallel_loop3A_382 = tpu.vector_load_idx %arg7[%parallel_loop3A_379, %parallel_loop3A_169] : memref<512x32xf32, #tpu.memory_space<vmem>>[vector<16xi32>, vector<16xi32>], vector<16xf32>,
        %parallel_loop3A_383 = tpu.vector_load_idx %arg7[%parallel_loop3A_379, %parallel_loop3A_175] : memref<512x32xf32, #tpu.memory_space<vmem>>[vector<16xi32>, vector<16xi32>], vector<16xf32>,
        %parallel_loop3A_384 = tpu.vector_load_idx %arg7[%parallel_loop3A_379, %parallel_loop3A_181] : memref<512x32xf32, #tpu.memory_space<vmem>>[vector<16xi32>, vector<16xi32>], vector<16xf32>,
        %parallel_loop3A_385 = tpu.vector_load_idx %arg7[%parallel_loop3A_379, %parallel_loop3A_187] : memref<512x32xf32, #tpu.memory_space<vmem>>[vector<16xi32>, vector<16xi32>], vector<16xf32>,
        %parallel_loop3A_386 = tpu.vector_load_idx %arg7[%parallel_loop3A_379, %parallel_loop3A_193] : memref<512x32xf32, #tpu.memory_space<vmem>>[vector<16xi32>, vector<16xi32>], vector<16xf32>,
        %parallel_loop3A_387 = tpu.vector_load_idx %arg7[%parallel_loop3A_379, %parallel_loop3A_199] : memref<512x32xf32, #tpu.memory_space<vmem>>[vector<16xi32>, vector<16xi32>], vector<16xf32>,
        %parallel_loop3A_388 = arith.constant 0 : i32
        %parallel_loop3A_389 = arith.index_cast %parallel_loop3A_129 : i32 to index
        %parallel_loop3A_390 = arith.index_cast %parallel_loop3A_145 : i32 to index
        %parallel_loop3A_391 = arith.index_cast %parallel_loop3A_388 : i32 to index
        %parallel_loop3A_392 = arith.constant 48 : index
        %parallel_loop3A_393 = tpu.vector_load %arg9[%parallel_loop3A_389, %parallel_loop3A_390, %parallel_loop3A_391, %parallel_loop3A_392] {strides = array<i32>} : memref<4x4x8x128xf32, #tpu.memory_space<vmem>>, vector<16xf32>,
        tpu.vector_store %arg9[%parallel_loop3A_389, %parallel_loop3A_390, %parallel_loop3A_391, %parallel_loop3A_392], %parallel_loop3A_380 {strides = array<i32>} : memref<4x4x8x128xf32, #tpu.memory_space<vmem>>, vector<16xf32>,
        %parallel_loop3A_394 = arith.constant 1 : i32
        %parallel_loop3A_395 = arith.index_cast %parallel_loop3A_129 : i32 to index
        %parallel_loop3A_396 = arith.index_cast %parallel_loop3A_145 : i32 to index
        %parallel_loop3A_397 = arith.index_cast %parallel_loop3A_394 : i32 to index
        %parallel_loop3A_398 = arith.constant 48 : index
        %parallel_loop3A_399 = tpu.vector_load %arg9[%parallel_loop3A_395, %parallel_loop3A_396, %parallel_loop3A_397, %parallel_loop3A_398] {strides = array<i32>} : memref<4x4x8x128xf32, #tpu.memory_space<vmem>>, vector<16xf32>,
        tpu.vector_store %arg9[%parallel_loop3A_395, %parallel_loop3A_396, %parallel_loop3A_397, %parallel_loop3A_398], %parallel_loop3A_381 {strides = array<i32>} : memref<4x4x8x128xf32, #tpu.memory_space<vmem>>, vector<16xf32>,
        %parallel_loop3A_400 = arith.constant 2 : i32
        %parallel_loop3A_401 = arith.index_cast %parallel_loop3A_129 : i32 to index
        %parallel_loop3A_402 = arith.index_cast %parallel_loop3A_145 : i32 to index
        %parallel_loop3A_403 = arith.index_cast %parallel_loop3A_400 : i32 to index
        %parallel_loop3A_404 = arith.constant 48 : index
        %parallel_loop3A_405 = tpu.vector_load %arg9[%parallel_loop3A_401, %parallel_loop3A_402, %parallel_loop3A_403, %parallel_loop3A_404] {strides = array<i32>} : memref<4x4x8x128xf32, #tpu.memory_space<vmem>>, vector<16xf32>,
        tpu.vector_store %arg9[%parallel_loop3A_401, %parallel_loop3A_402, %parallel_loop3A_403, %parallel_loop3A_404], %parallel_loop3A_382 {strides = array<i32>} : memref<4x4x8x128xf32, #tpu.memory_space<vmem>>, vector<16xf32>,
        %parallel_loop3A_406 = arith.constant 3 : i32
        %parallel_loop3A_407 = arith.index_cast %parallel_loop3A_129 : i32 to index
        %parallel_loop3A_408 = arith.index_cast %parallel_loop3A_145 : i32 to index
        %parallel_loop3A_409 = arith.index_cast %parallel_loop3A_406 : i32 to index
        %parallel_loop3A_410 = arith.constant 48 : index
        %parallel_loop3A_411 = tpu.vector_load %arg9[%parallel_loop3A_407, %parallel_loop3A_408, %parallel_loop3A_409, %parallel_loop3A_410] {strides = array<i32>} : memref<4x4x8x128xf32, #tpu.memory_space<vmem>>, vector<16xf32>,
        tpu.vector_store %arg9[%parallel_loop3A_407, %parallel_loop3A_408, %parallel_loop3A_409, %parallel_loop3A_410], %parallel_loop3A_383 {strides = array<i32>} : memref<4x4x8x128xf32, #tpu.memory_space<vmem>>, vector<16xf32>,
        %parallel_loop3A_412 = arith.constant 4 : i32
        %parallel_loop3A_413 = arith.index_cast %parallel_loop3A_129 : i32 to index
        %parallel_loop3A_414 = arith.index_cast %parallel_loop3A_145 : i32 to index
        %parallel_loop3A_415 = arith.index_cast %parallel_loop3A_412 : i32 to index
        %parallel_loop3A_416 = arith.constant 48 : index
        %parallel_loop3A_417 = tpu.vector_load %arg9[%parallel_loop3A_413, %parallel_loop3A_414, %parallel_loop3A_415, %parallel_loop3A_416] {strides = array<i32>} : memref<4x4x8x128xf32, #tpu.memory_space<vmem>>, vector<16xf32>,
        tpu.vector_store %arg9[%parallel_loop3A_413, %parallel_loop3A_414, %parallel_loop3A_415, %parallel_loop3A_416], %parallel_loop3A_384 {strides = array<i32>} : memref<4x4x8x128xf32, #tpu.memory_space<vmem>>, vector<16xf32>,
        %parallel_loop3A_418 = arith.constant 5 : i32
        %parallel_loop3A_419 = arith.index_cast %parallel_loop3A_129 : i32 to index
        %parallel_loop3A_420 = arith.index_cast %parallel_loop3A_145 : i32 to index
        %parallel_loop3A_421 = arith.index_cast %parallel_loop3A_418 : i32 to index
        %parallel_loop3A_422 = arith.constant 48 : index
        %parallel_loop3A_423 = tpu.vector_load %arg9[%parallel_loop3A_419, %parallel_loop3A_420, %parallel_loop3A_421, %parallel_loop3A_422] {strides = array<i32>} : memref<4x4x8x128xf32, #tpu.memory_space<vmem>>, vector<16xf32>,
        tpu.vector_store %arg9[%parallel_loop3A_419, %parallel_loop3A_420, %parallel_loop3A_421, %parallel_loop3A_422], %parallel_loop3A_385 {strides = array<i32>} : memref<4x4x8x128xf32, #tpu.memory_space<vmem>>, vector<16xf32>,
        %parallel_loop3A_424 = arith.constant 6 : i32
        %parallel_loop3A_425 = arith.index_cast %parallel_loop3A_129 : i32 to index
        %parallel_loop3A_426 = arith.index_cast %parallel_loop3A_145 : i32 to index
        %parallel_loop3A_427 = arith.index_cast %parallel_loop3A_424 : i32 to index
        %parallel_loop3A_428 = arith.constant 48 : index
        %parallel_loop3A_429 = tpu.vector_load %arg9[%parallel_loop3A_425, %parallel_loop3A_426, %parallel_loop3A_427, %parallel_loop3A_428] {strides = array<i32>} : memref<4x4x8x128xf32, #tpu.memory_space<vmem>>, vector<16xf32>,
        tpu.vector_store %arg9[%parallel_loop3A_425, %parallel_loop3A_426, %parallel_loop3A_427, %parallel_loop3A_428], %parallel_loop3A_386 {strides = array<i32>} : memref<4x4x8x128xf32, #tpu.memory_space<vmem>>, vector<16xf32>,
        %parallel_loop3A_430 = arith.constant 7 : i32
        %parallel_loop3A_431 = arith.index_cast %parallel_loop3A_129 : i32 to index
        %parallel_loop3A_432 = arith.index_cast %parallel_loop3A_145 : i32 to index
        %parallel_loop3A_433 = arith.index_cast %parallel_loop3A_430 : i32 to index
        %parallel_loop3A_434 = arith.constant 48 : index
        %parallel_loop3A_435 = tpu.vector_load %arg9[%parallel_loop3A_431, %parallel_loop3A_432, %parallel_loop3A_433, %parallel_loop3A_434] {strides = array<i32>} : memref<4x4x8x128xf32, #tpu.memory_space<vmem>>, vector<16xf32>,
        tpu.vector_store %arg9[%parallel_loop3A_431, %parallel_loop3A_432, %parallel_loop3A_433, %parallel_loop3A_434], %parallel_loop3A_387 {strides = array<i32>} : memref<4x4x8x128xf32, #tpu.memory_space<vmem>>, vector<16xf32>,
        %parallel_loop3A_436 = arith.constant 64 : i32
        %parallel_loop3A_437 = vector.broadcast %parallel_loop3A_436 : i32 to vector<16xi32>
        %parallel_loop3A_438 = arith.addi %parallel_loop3A_151, %parallel_loop3A_437 : vector<16xi32>
        %parallel_loop3A_439 = tpu.vector_load_idx %arg7[%parallel_loop3A_438, %parallel_loop3A_157] : memref<512x32xf32, #tpu.memory_space<vmem>>[vector<16xi32>, vector<16xi32>], vector<16xf32>,
        %parallel_loop3A_440 = tpu.vector_load_idx %arg7[%parallel_loop3A_438, %parallel_loop3A_163] : memref<512x32xf32, #tpu.memory_space<vmem>>[vector<16xi32>, vector<16xi32>], vector<16xf32>,
        %parallel_loop3A_441 = tpu.vector_load_idx %arg7[%parallel_loop3A_438, %parallel_loop3A_169] : memref<512x32xf32, #tpu.memory_space<vmem>>[vector<16xi32>, vector<16xi32>], vector<16xf32>,
        %parallel_loop3A_442 = tpu.vector_load_idx %arg7[%parallel_loop3A_438, %parallel_loop3A_175] : memref<512x32xf32, #tpu.memory_space<vmem>>[vector<16xi32>, vector<16xi32>], vector<16xf32>,
        %parallel_loop3A_443 = tpu.vector_load_idx %arg7[%parallel_loop3A_438, %parallel_loop3A_181] : memref<512x32xf32, #tpu.memory_space<vmem>>[vector<16xi32>, vector<16xi32>], vector<16xf32>,
        %parallel_loop3A_444 = tpu.vector_load_idx %arg7[%parallel_loop3A_438, %parallel_loop3A_187] : memref<512x32xf32, #tpu.memory_space<vmem>>[vector<16xi32>, vector<16xi32>], vector<16xf32>,
        %parallel_loop3A_445 = tpu.vector_load_idx %arg7[%parallel_loop3A_438, %parallel_loop3A_193] : memref<512x32xf32, #tpu.memory_space<vmem>>[vector<16xi32>, vector<16xi32>], vector<16xf32>,
        %parallel_loop3A_446 = tpu.vector_load_idx %arg7[%parallel_loop3A_438, %parallel_loop3A_199] : memref<512x32xf32, #tpu.memory_space<vmem>>[vector<16xi32>, vector<16xi32>], vector<16xf32>,
        %parallel_loop3A_447 = arith.constant 0 : i32
        %parallel_loop3A_448 = arith.index_cast %parallel_loop3A_129 : i32 to index
        %parallel_loop3A_449 = arith.index_cast %parallel_loop3A_145 : i32 to index
        %parallel_loop3A_450 = arith.index_cast %parallel_loop3A_447 : i32 to index
        %parallel_loop3A_451 = arith.constant 64 : index
        %parallel_loop3A_452 = tpu.vector_load %arg9[%parallel_loop3A_448, %parallel_loop3A_449, %parallel_loop3A_450, %parallel_loop3A_451] {strides = array<i32>} : memref<4x4x8x128xf32, #tpu.memory_space<vmem>>, vector<16xf32>,
        tpu.vector_store %arg9[%parallel_loop3A_448, %parallel_loop3A_449, %parallel_loop3A_450, %parallel_loop3A_451], %parallel_loop3A_439 {strides = array<i32>} : memref<4x4x8x128xf32, #tpu.memory_space<vmem>>, vector<16xf32>,
        %parallel_loop3A_453 = arith.constant 1 : i32
        %parallel_loop3A_454 = arith.index_cast %parallel_loop3A_129 : i32 to index
        %parallel_loop3A_455 = arith.index_cast %parallel_loop3A_145 : i32 to index
        %parallel_loop3A_456 = arith.index_cast %parallel_loop3A_453 : i32 to index
        %parallel_loop3A_457 = arith.constant 64 : index
        %parallel_loop3A_458 = tpu.vector_load %arg9[%parallel_loop3A_454, %parallel_loop3A_455, %parallel_loop3A_456, %parallel_loop3A_457] {strides = array<i32>} : memref<4x4x8x128xf32, #tpu.memory_space<vmem>>, vector<16xf32>,
        tpu.vector_store %arg9[%parallel_loop3A_454, %parallel_loop3A_455, %parallel_loop3A_456, %parallel_loop3A_457], %parallel_loop3A_440 {strides = array<i32>} : memref<4x4x8x128xf32, #tpu.memory_space<vmem>>, vector<16xf32>,
        %parallel_loop3A_459 = arith.constant 2 : i32
        %parallel_loop3A_460 = arith.index_cast %parallel_loop3A_129 : i32 to index
        %parallel_loop3A_461 = arith.index_cast %parallel_loop3A_145 : i32 to index
        %parallel_loop3A_462 = arith.index_cast %parallel_loop3A_459 : i32 to index
        %parallel_loop3A_463 = arith.constant 64 : index
        %parallel_loop3A_464 = tpu.vector_load %arg9[%parallel_loop3A_460, %parallel_loop3A_461, %parallel_loop3A_462, %parallel_loop3A_463] {strides = array<i32>} : memref<4x4x8x128xf32, #tpu.memory_space<vmem>>, vector<16xf32>,
        tpu.vector_store %arg9[%parallel_loop3A_460, %parallel_loop3A_461, %parallel_loop3A_462, %parallel_loop3A_463], %parallel_loop3A_441 {strides = array<i32>} : memref<4x4x8x128xf32, #tpu.memory_space<vmem>>, vector<16xf32>,
        %parallel_loop3A_465 = arith.constant 3 : i32
        %parallel_loop3A_466 = arith.index_cast %parallel_loop3A_129 : i32 to index
        %parallel_loop3A_467 = arith.index_cast %parallel_loop3A_145 : i32 to index
        %parallel_loop3A_468 = arith.index_cast %parallel_loop3A_465 : i32 to index
        %parallel_loop3A_469 = arith.constant 64 : index
        %parallel_loop3A_470 = tpu.vector_load %arg9[%parallel_loop3A_466, %parallel_loop3A_467, %parallel_loop3A_468, %parallel_loop3A_469] {strides = array<i32>} : memref<4x4x8x128xf32, #tpu.memory_space<vmem>>, vector<16xf32>,
        tpu.vector_store %arg9[%parallel_loop3A_466, %parallel_loop3A_467, %parallel_loop3A_468, %parallel_loop3A_469], %parallel_loop3A_442 {strides = array<i32>} : memref<4x4x8x128xf32, #tpu.memory_space<vmem>>, vector<16xf32>,
        %parallel_loop3A_471 = arith.constant 4 : i32
        %parallel_loop3A_472 = arith.index_cast %parallel_loop3A_129 : i32 to index
        %parallel_loop3A_473 = arith.index_cast %parallel_loop3A_145 : i32 to index
        %parallel_loop3A_474 = arith.index_cast %parallel_loop3A_471 : i32 to index
        %parallel_loop3A_475 = arith.constant 64 : index
        %parallel_loop3A_476 = tpu.vector_load %arg9[%parallel_loop3A_472, %parallel_loop3A_473, %parallel_loop3A_474, %parallel_loop3A_475] {strides = array<i32>} : memref<4x4x8x128xf32, #tpu.memory_space<vmem>>, vector<16xf32>,
        tpu.vector_store %arg9[%parallel_loop3A_472, %parallel_loop3A_473, %parallel_loop3A_474, %parallel_loop3A_475], %parallel_loop3A_443 {strides = array<i32>} : memref<4x4x8x128xf32, #tpu.memory_space<vmem>>, vector<16xf32>,
        %parallel_loop3A_477 = arith.constant 5 : i32
        %parallel_loop3A_478 = arith.index_cast %parallel_loop3A_129 : i32 to index
        %parallel_loop3A_479 = arith.index_cast %parallel_loop3A_145 : i32 to index
        %parallel_loop3A_480 = arith.index_cast %parallel_loop3A_477 : i32 to index
        %parallel_loop3A_481 = arith.constant 64 : index
        %parallel_loop3A_482 = tpu.vector_load %arg9[%parallel_loop3A_478, %parallel_loop3A_479, %parallel_loop3A_480, %parallel_loop3A_481] {strides = array<i32>} : memref<4x4x8x128xf32, #tpu.memory_space<vmem>>, vector<16xf32>,
        tpu.vector_store %arg9[%parallel_loop3A_478, %parallel_loop3A_479, %parallel_loop3A_480, %parallel_loop3A_481], %parallel_loop3A_444 {strides = array<i32>} : memref<4x4x8x128xf32, #tpu.memory_space<vmem>>, vector<16xf32>,
        %parallel_loop3A_483 = arith.constant 6 : i32
        %parallel_loop3A_484 = arith.index_cast %parallel_loop3A_129 : i32 to index
        %parallel_loop3A_485 = arith.index_cast %parallel_loop3A_145 : i32 to index
        %parallel_loop3A_486 = arith.index_cast %parallel_loop3A_483 : i32 to index
        %parallel_loop3A_487 = arith.constant 64 : index
        %parallel_loop3A_488 = tpu.vector_load %arg9[%parallel_loop3A_484, %parallel_loop3A_485, %parallel_loop3A_486, %parallel_loop3A_487] {strides = array<i32>} : memref<4x4x8x128xf32, #tpu.memory_space<vmem>>, vector<16xf32>,
        tpu.vector_store %arg9[%parallel_loop3A_484, %parallel_loop3A_485, %parallel_loop3A_486, %parallel_loop3A_487], %parallel_loop3A_445 {strides = array<i32>} : memref<4x4x8x128xf32, #tpu.memory_space<vmem>>, vector<16xf32>,
        %parallel_loop3A_489 = arith.constant 7 : i32
        %parallel_loop3A_490 = arith.index_cast %parallel_loop3A_129 : i32 to index
        %parallel_loop3A_491 = arith.index_cast %parallel_loop3A_145 : i32 to index
        %parallel_loop3A_492 = arith.index_cast %parallel_loop3A_489 : i32 to index
        %parallel_loop3A_493 = arith.constant 64 : index
        %parallel_loop3A_494 = tpu.vector_load %arg9[%parallel_loop3A_490, %parallel_loop3A_491, %parallel_loop3A_492, %parallel_loop3A_493] {strides = array<i32>} : memref<4x4x8x128xf32, #tpu.memory_space<vmem>>, vector<16xf32>,
        tpu.vector_store %arg9[%parallel_loop3A_490, %parallel_loop3A_491, %parallel_loop3A_492, %parallel_loop3A_493], %parallel_loop3A_446 {strides = array<i32>} : memref<4x4x8x128xf32, #tpu.memory_space<vmem>>, vector<16xf32>,
        %parallel_loop3A_495 = arith.constant 80 : i32
        %parallel_loop3A_496 = vector.broadcast %parallel_loop3A_495 : i32 to vector<16xi32>
        %parallel_loop3A_497 = arith.addi %parallel_loop3A_151, %parallel_loop3A_496 : vector<16xi32>
        %parallel_loop3A_498 = tpu.vector_load_idx %arg7[%parallel_loop3A_497, %parallel_loop3A_157] : memref<512x32xf32, #tpu.memory_space<vmem>>[vector<16xi32>, vector<16xi32>], vector<16xf32>,
        %parallel_loop3A_499 = tpu.vector_load_idx %arg7[%parallel_loop3A_497, %parallel_loop3A_163] : memref<512x32xf32, #tpu.memory_space<vmem>>[vector<16xi32>, vector<16xi32>], vector<16xf32>,
        %parallel_loop3A_500 = tpu.vector_load_idx %arg7[%parallel_loop3A_497, %parallel_loop3A_169] : memref<512x32xf32, #tpu.memory_space<vmem>>[vector<16xi32>, vector<16xi32>], vector<16xf32>,
        %parallel_loop3A_501 = tpu.vector_load_idx %arg7[%parallel_loop3A_497, %parallel_loop3A_175] : memref<512x32xf32, #tpu.memory_space<vmem>>[vector<16xi32>, vector<16xi32>], vector<16xf32>,
        %parallel_loop3A_502 = tpu.vector_load_idx %arg7[%parallel_loop3A_497, %parallel_loop3A_181] : memref<512x32xf32, #tpu.memory_space<vmem>>[vector<16xi32>, vector<16xi32>], vector<16xf32>,
        %parallel_loop3A_503 = tpu.vector_load_idx %arg7[%parallel_loop3A_497, %parallel_loop3A_187] : memref<512x32xf32, #tpu.memory_space<vmem>>[vector<16xi32>, vector<16xi32>], vector<16xf32>,
        %parallel_loop3A_504 = tpu.vector_load_idx %arg7[%parallel_loop3A_497, %parallel_loop3A_193] : memref<512x32xf32, #tpu.memory_space<vmem>>[vector<16xi32>, vector<16xi32>], vector<16xf32>,
        %parallel_loop3A_505 = tpu.vector_load_idx %arg7[%parallel_loop3A_497, %parallel_loop3A_199] : memref<512x32xf32, #tpu.memory_space<vmem>>[vector<16xi32>, vector<16xi32>], vector<16xf32>,
        %parallel_loop3A_506 = arith.constant 0 : i32
        %parallel_loop3A_507 = arith.index_cast %parallel_loop3A_129 : i32 to index
        %parallel_loop3A_508 = arith.index_cast %parallel_loop3A_145 : i32 to index
        %parallel_loop3A_509 = arith.index_cast %parallel_loop3A_506 : i32 to index
        %parallel_loop3A_510 = arith.constant 80 : index
        %parallel_loop3A_511 = tpu.vector_load %arg9[%parallel_loop3A_507, %parallel_loop3A_508, %parallel_loop3A_509, %parallel_loop3A_510] {strides = array<i32>} : memref<4x4x8x128xf32, #tpu.memory_space<vmem>>, vector<16xf32>,
        tpu.vector_store %arg9[%parallel_loop3A_507, %parallel_loop3A_508, %parallel_loop3A_509, %parallel_loop3A_510], %parallel_loop3A_498 {strides = array<i32>} : memref<4x4x8x128xf32, #tpu.memory_space<vmem>>, vector<16xf32>,
        %parallel_loop3A_512 = arith.constant 1 : i32
        %parallel_loop3A_513 = arith.index_cast %parallel_loop3A_129 : i32 to index
        %parallel_loop3A_514 = arith.index_cast %parallel_loop3A_145 : i32 to index
        %parallel_loop3A_515 = arith.index_cast %parallel_loop3A_512 : i32 to index
        %parallel_loop3A_516 = arith.constant 80 : index
        %parallel_loop3A_517 = tpu.vector_load %arg9[%parallel_loop3A_513, %parallel_loop3A_514, %parallel_loop3A_515, %parallel_loop3A_516] {strides = array<i32>} : memref<4x4x8x128xf32, #tpu.memory_space<vmem>>, vector<16xf32>,
        tpu.vector_store %arg9[%parallel_loop3A_513, %parallel_loop3A_514, %parallel_loop3A_515, %parallel_loop3A_516], %parallel_loop3A_499 {strides = array<i32>} : memref<4x4x8x128xf32, #tpu.memory_space<vmem>>, vector<16xf32>,
        %parallel_loop3A_518 = arith.constant 2 : i32
        %parallel_loop3A_519 = arith.index_cast %parallel_loop3A_129 : i32 to index
        %parallel_loop3A_520 = arith.index_cast %parallel_loop3A_145 : i32 to index
        %parallel_loop3A_521 = arith.index_cast %parallel_loop3A_518 : i32 to index
        %parallel_loop3A_522 = arith.constant 80 : index
        %parallel_loop3A_523 = tpu.vector_load %arg9[%parallel_loop3A_519, %parallel_loop3A_520, %parallel_loop3A_521, %parallel_loop3A_522] {strides = array<i32>} : memref<4x4x8x128xf32, #tpu.memory_space<vmem>>, vector<16xf32>,
        tpu.vector_store %arg9[%parallel_loop3A_519, %parallel_loop3A_520, %parallel_loop3A_521, %parallel_loop3A_522], %parallel_loop3A_500 {strides = array<i32>} : memref<4x4x8x128xf32, #tpu.memory_space<vmem>>, vector<16xf32>,
        %parallel_loop3A_524 = arith.constant 3 : i32
        %parallel_loop3A_525 = arith.index_cast %parallel_loop3A_129 : i32 to index
        %parallel_loop3A_526 = arith.index_cast %parallel_loop3A_145 : i32 to index
        %parallel_loop3A_527 = arith.index_cast %parallel_loop3A_524 : i32 to index
        %parallel_loop3A_528 = arith.constant 80 : index
        %parallel_loop3A_529 = tpu.vector_load %arg9[%parallel_loop3A_525, %parallel_loop3A_526, %parallel_loop3A_527, %parallel_loop3A_528] {strides = array<i32>} : memref<4x4x8x128xf32, #tpu.memory_space<vmem>>, vector<16xf32>,
        tpu.vector_store %arg9[%parallel_loop3A_525, %parallel_loop3A_526, %parallel_loop3A_527, %parallel_loop3A_528], %parallel_loop3A_501 {strides = array<i32>} : memref<4x4x8x128xf32, #tpu.memory_space<vmem>>, vector<16xf32>,
        %parallel_loop3A_530 = arith.constant 4 : i32
        %parallel_loop3A_531 = arith.index_cast %parallel_loop3A_129 : i32 to index
        %parallel_loop3A_532 = arith.index_cast %parallel_loop3A_145 : i32 to index
        %parallel_loop3A_533 = arith.index_cast %parallel_loop3A_530 : i32 to index
        %parallel_loop3A_534 = arith.constant 80 : index
        %parallel_loop3A_535 = tpu.vector_load %arg9[%parallel_loop3A_531, %parallel_loop3A_532, %parallel_loop3A_533, %parallel_loop3A_534] {strides = array<i32>} : memref<4x4x8x128xf32, #tpu.memory_space<vmem>>, vector<16xf32>,
        tpu.vector_store %arg9[%parallel_loop3A_531, %parallel_loop3A_532, %parallel_loop3A_533, %parallel_loop3A_534], %parallel_loop3A_502 {strides = array<i32>} : memref<4x4x8x128xf32, #tpu.memory_space<vmem>>, vector<16xf32>,
        %parallel_loop3A_536 = arith.constant 5 : i32
        %parallel_loop3A_537 = arith.index_cast %parallel_loop3A_129 : i32 to index
        %parallel_loop3A_538 = arith.index_cast %parallel_loop3A_145 : i32 to index
        %parallel_loop3A_539 = arith.index_cast %parallel_loop3A_536 : i32 to index
        %parallel_loop3A_540 = arith.constant 80 : index
        %parallel_loop3A_541 = tpu.vector_load %arg9[%parallel_loop3A_537, %parallel_loop3A_538, %parallel_loop3A_539, %parallel_loop3A_540] {strides = array<i32>} : memref<4x4x8x128xf32, #tpu.memory_space<vmem>>, vector<16xf32>,
        tpu.vector_store %arg9[%parallel_loop3A_537, %parallel_loop3A_538, %parallel_loop3A_539, %parallel_loop3A_540], %parallel_loop3A_503 {strides = array<i32>} : memref<4x4x8x128xf32, #tpu.memory_space<vmem>>, vector<16xf32>,
        %parallel_loop3A_542 = arith.constant 6 : i32
        %parallel_loop3A_543 = arith.index_cast %parallel_loop3A_129 : i32 to index
        %parallel_loop3A_544 = arith.index_cast %parallel_loop3A_145 : i32 to index
        %parallel_loop3A_545 = arith.index_cast %parallel_loop3A_542 : i32 to index
        %parallel_loop3A_546 = arith.constant 80 : index
        %parallel_loop3A_547 = tpu.vector_load %arg9[%parallel_loop3A_543, %parallel_loop3A_544, %parallel_loop3A_545, %parallel_loop3A_546] {strides = array<i32>} : memref<4x4x8x128xf32, #tpu.memory_space<vmem>>, vector<16xf32>,
        tpu.vector_store %arg9[%parallel_loop3A_543, %parallel_loop3A_544, %parallel_loop3A_545, %parallel_loop3A_546], %parallel_loop3A_504 {strides = array<i32>} : memref<4x4x8x128xf32, #tpu.memory_space<vmem>>, vector<16xf32>,
        %parallel_loop3A_548 = arith.constant 7 : i32
        %parallel_loop3A_549 = arith.index_cast %parallel_loop3A_129 : i32 to index
        %parallel_loop3A_550 = arith.index_cast %parallel_loop3A_145 : i32 to index
        %parallel_loop3A_551 = arith.index_cast %parallel_loop3A_548 : i32 to index
        %parallel_loop3A_552 = arith.constant 80 : index
        %parallel_loop3A_553 = tpu.vector_load %arg9[%parallel_loop3A_549, %parallel_loop3A_550, %parallel_loop3A_551, %parallel_loop3A_552] {strides = array<i32>} : memref<4x4x8x128xf32, #tpu.memory_space<vmem>>, vector<16xf32>,
        tpu.vector_store %arg9[%parallel_loop3A_549, %parallel_loop3A_550, %parallel_loop3A_551, %parallel_loop3A_552], %parallel_loop3A_505 {strides = array<i32>} : memref<4x4x8x128xf32, #tpu.memory_space<vmem>>, vector<16xf32>,
        %parallel_loop3A_554 = arith.constant 96 : i32
        %parallel_loop3A_555 = vector.broadcast %parallel_loop3A_554 : i32 to vector<16xi32>
        %parallel_loop3A_556 = arith.addi %parallel_loop3A_151, %parallel_loop3A_555 : vector<16xi32>
        %parallel_loop3A_557 = tpu.vector_load_idx %arg7[%parallel_loop3A_556, %parallel_loop3A_157] : memref<512x32xf32, #tpu.memory_space<vmem>>[vector<16xi32>, vector<16xi32>], vector<16xf32>,
        %parallel_loop3A_558 = tpu.vector_load_idx %arg7[%parallel_loop3A_556, %parallel_loop3A_163] : memref<512x32xf32, #tpu.memory_space<vmem>>[vector<16xi32>, vector<16xi32>], vector<16xf32>,
        %parallel_loop3A_559 = tpu.vector_load_idx %arg7[%parallel_loop3A_556, %parallel_loop3A_169] : memref<512x32xf32, #tpu.memory_space<vmem>>[vector<16xi32>, vector<16xi32>], vector<16xf32>,
        %parallel_loop3A_560 = tpu.vector_load_idx %arg7[%parallel_loop3A_556, %parallel_loop3A_175] : memref<512x32xf32, #tpu.memory_space<vmem>>[vector<16xi32>, vector<16xi32>], vector<16xf32>,
        %parallel_loop3A_561 = tpu.vector_load_idx %arg7[%parallel_loop3A_556, %parallel_loop3A_181] : memref<512x32xf32, #tpu.memory_space<vmem>>[vector<16xi32>, vector<16xi32>], vector<16xf32>,
        %parallel_loop3A_562 = tpu.vector_load_idx %arg7[%parallel_loop3A_556, %parallel_loop3A_187] : memref<512x32xf32, #tpu.memory_space<vmem>>[vector<16xi32>, vector<16xi32>], vector<16xf32>,
        %parallel_loop3A_563 = tpu.vector_load_idx %arg7[%parallel_loop3A_556, %parallel_loop3A_193] : memref<512x32xf32, #tpu.memory_space<vmem>>[vector<16xi32>, vector<16xi32>], vector<16xf32>,
        %parallel_loop3A_564 = tpu.vector_load_idx %arg7[%parallel_loop3A_556, %parallel_loop3A_199] : memref<512x32xf32, #tpu.memory_space<vmem>>[vector<16xi32>, vector<16xi32>], vector<16xf32>,
        %parallel_loop3A_565 = arith.constant 0 : i32
        %parallel_loop3A_566 = arith.index_cast %parallel_loop3A_129 : i32 to index
        %parallel_loop3A_567 = arith.index_cast %parallel_loop3A_145 : i32 to index
        %parallel_loop3A_568 = arith.index_cast %parallel_loop3A_565 : i32 to index
        %parallel_loop3A_569 = arith.constant 96 : index
        %parallel_loop3A_570 = tpu.vector_load %arg9[%parallel_loop3A_566, %parallel_loop3A_567, %parallel_loop3A_568, %parallel_loop3A_569] {strides = array<i32>} : memref<4x4x8x128xf32, #tpu.memory_space<vmem>>, vector<16xf32>,
        tpu.vector_store %arg9[%parallel_loop3A_566, %parallel_loop3A_567, %parallel_loop3A_568, %parallel_loop3A_569], %parallel_loop3A_557 {strides = array<i32>} : memref<4x4x8x128xf32, #tpu.memory_space<vmem>>, vector<16xf32>,
        %parallel_loop3A_571 = arith.constant 1 : i32
        %parallel_loop3A_572 = arith.index_cast %parallel_loop3A_129 : i32 to index
        %parallel_loop3A_573 = arith.index_cast %parallel_loop3A_145 : i32 to index
        %parallel_loop3A_574 = arith.index_cast %parallel_loop3A_571 : i32 to index
        %parallel_loop3A_575 = arith.constant 96 : index
        %parallel_loop3A_576 = tpu.vector_load %arg9[%parallel_loop3A_572, %parallel_loop3A_573, %parallel_loop3A_574, %parallel_loop3A_575] {strides = array<i32>} : memref<4x4x8x128xf32, #tpu.memory_space<vmem>>, vector<16xf32>,
        tpu.vector_store %arg9[%parallel_loop3A_572, %parallel_loop3A_573, %parallel_loop3A_574, %parallel_loop3A_575], %parallel_loop3A_558 {strides = array<i32>} : memref<4x4x8x128xf32, #tpu.memory_space<vmem>>, vector<16xf32>,
        %parallel_loop3A_577 = arith.constant 2 : i32
        %parallel_loop3A_578 = arith.index_cast %parallel_loop3A_129 : i32 to index
        %parallel_loop3A_579 = arith.index_cast %parallel_loop3A_145 : i32 to index
        %parallel_loop3A_580 = arith.index_cast %parallel_loop3A_577 : i32 to index
        %parallel_loop3A_581 = arith.constant 96 : index
        %parallel_loop3A_582 = tpu.vector_load %arg9[%parallel_loop3A_578, %parallel_loop3A_579, %parallel_loop3A_580, %parallel_loop3A_581] {strides = array<i32>} : memref<4x4x8x128xf32, #tpu.memory_space<vmem>>, vector<16xf32>,
        tpu.vector_store %arg9[%parallel_loop3A_578, %parallel_loop3A_579, %parallel_loop3A_580, %parallel_loop3A_581], %parallel_loop3A_559 {strides = array<i32>} : memref<4x4x8x128xf32, #tpu.memory_space<vmem>>, vector<16xf32>,
        %parallel_loop3A_583 = arith.constant 3 : i32
        %parallel_loop3A_584 = arith.index_cast %parallel_loop3A_129 : i32 to index
        %parallel_loop3A_585 = arith.index_cast %parallel_loop3A_145 : i32 to index
        %parallel_loop3A_586 = arith.index_cast %parallel_loop3A_583 : i32 to index
        %parallel_loop3A_587 = arith.constant 96 : index
        %parallel_loop3A_588 = tpu.vector_load %arg9[%parallel_loop3A_584, %parallel_loop3A_585, %parallel_loop3A_586, %parallel_loop3A_587] {strides = array<i32>} : memref<4x4x8x128xf32, #tpu.memory_space<vmem>>, vector<16xf32>,
        tpu.vector_store %arg9[%parallel_loop3A_584, %parallel_loop3A_585, %parallel_loop3A_586, %parallel_loop3A_587], %parallel_loop3A_560 {strides = array<i32>} : memref<4x4x8x128xf32, #tpu.memory_space<vmem>>, vector<16xf32>,
        %parallel_loop3A_589 = arith.constant 4 : i32
        %parallel_loop3A_590 = arith.index_cast %parallel_loop3A_129 : i32 to index
        %parallel_loop3A_591 = arith.index_cast %parallel_loop3A_145 : i32 to index
        %parallel_loop3A_592 = arith.index_cast %parallel_loop3A_589 : i32 to index
        %parallel_loop3A_593 = arith.constant 96 : index
        %parallel_loop3A_594 = tpu.vector_load %arg9[%parallel_loop3A_590, %parallel_loop3A_591, %parallel_loop3A_592, %parallel_loop3A_593] {strides = array<i32>} : memref<4x4x8x128xf32, #tpu.memory_space<vmem>>, vector<16xf32>,
        tpu.vector_store %arg9[%parallel_loop3A_590, %parallel_loop3A_591, %parallel_loop3A_592, %parallel_loop3A_593], %parallel_loop3A_561 {strides = array<i32>} : memref<4x4x8x128xf32, #tpu.memory_space<vmem>>, vector<16xf32>,
        %parallel_loop3A_595 = arith.constant 5 : i32
        %parallel_loop3A_596 = arith.index_cast %parallel_loop3A_129 : i32 to index
        %parallel_loop3A_597 = arith.index_cast %parallel_loop3A_145 : i32 to index
        %parallel_loop3A_598 = arith.index_cast %parallel_loop3A_595 : i32 to index
        %parallel_loop3A_599 = arith.constant 96 : index
        %parallel_loop3A_600 = tpu.vector_load %arg9[%parallel_loop3A_596, %parallel_loop3A_597, %parallel_loop3A_598, %parallel_loop3A_599] {strides = array<i32>} : memref<4x4x8x128xf32, #tpu.memory_space<vmem>>, vector<16xf32>,
        tpu.vector_store %arg9[%parallel_loop3A_596, %parallel_loop3A_597, %parallel_loop3A_598, %parallel_loop3A_599], %parallel_loop3A_562 {strides = array<i32>} : memref<4x4x8x128xf32, #tpu.memory_space<vmem>>, vector<16xf32>,
        %parallel_loop3A_601 = arith.constant 6 : i32
        %parallel_loop3A_602 = arith.index_cast %parallel_loop3A_129 : i32 to index
        %parallel_loop3A_603 = arith.index_cast %parallel_loop3A_145 : i32 to index
        %parallel_loop3A_604 = arith.index_cast %parallel_loop3A_601 : i32 to index
        %parallel_loop3A_605 = arith.constant 96 : index
        %parallel_loop3A_606 = tpu.vector_load %arg9[%parallel_loop3A_602, %parallel_loop3A_603, %parallel_loop3A_604, %parallel_loop3A_605] {strides = array<i32>} : memref<4x4x8x128xf32, #tpu.memory_space<vmem>>, vector<16xf32>,
        tpu.vector_store %arg9[%parallel_loop3A_602, %parallel_loop3A_603, %parallel_loop3A_604, %parallel_loop3A_605], %parallel_loop3A_563 {strides = array<i32>} : memref<4x4x8x128xf32, #tpu.memory_space<vmem>>, vector<16xf32>,
        %parallel_loop3A_607 = arith.constant 7 : i32
        %parallel_loop3A_608 = arith.index_cast %parallel_loop3A_129 : i32 to index
        %parallel_loop3A_609 = arith.index_cast %parallel_loop3A_145 : i32 to index
        %parallel_loop3A_610 = arith.index_cast %parallel_loop3A_607 : i32 to index
        %parallel_loop3A_611 = arith.constant 96 : index
        %parallel_loop3A_612 = tpu.vector_load %arg9[%parallel_loop3A_608, %parallel_loop3A_609, %parallel_loop3A_610, %parallel_loop3A_611] {strides = array<i32>} : memref<4x4x8x128xf32, #tpu.memory_space<vmem>>, vector<16xf32>,
        tpu.vector_store %arg9[%parallel_loop3A_608, %parallel_loop3A_609, %parallel_loop3A_610, %parallel_loop3A_611], %parallel_loop3A_564 {strides = array<i32>} : memref<4x4x8x128xf32, #tpu.memory_space<vmem>>, vector<16xf32>,
        %parallel_loop3A_613 = arith.constant 112 : i32
        %parallel_loop3A_614 = vector.broadcast %parallel_loop3A_613 : i32 to vector<16xi32>
        %parallel_loop3A_615 = arith.addi %parallel_loop3A_151, %parallel_loop3A_614 : vector<16xi32>
        %parallel_loop3A_616 = tpu.vector_load_idx %arg7[%parallel_loop3A_615, %parallel_loop3A_157] : memref<512x32xf32, #tpu.memory_space<vmem>>[vector<16xi32>, vector<16xi32>], vector<16xf32>,
        %parallel_loop3A_617 = tpu.vector_load_idx %arg7[%parallel_loop3A_615, %parallel_loop3A_163] : memref<512x32xf32, #tpu.memory_space<vmem>>[vector<16xi32>, vector<16xi32>], vector<16xf32>,
        %parallel_loop3A_618 = tpu.vector_load_idx %arg7[%parallel_loop3A_615, %parallel_loop3A_169] : memref<512x32xf32, #tpu.memory_space<vmem>>[vector<16xi32>, vector<16xi32>], vector<16xf32>,
        %parallel_loop3A_619 = tpu.vector_load_idx %arg7[%parallel_loop3A_615, %parallel_loop3A_175] : memref<512x32xf32, #tpu.memory_space<vmem>>[vector<16xi32>, vector<16xi32>], vector<16xf32>,
        %parallel_loop3A_620 = tpu.vector_load_idx %arg7[%parallel_loop3A_615, %parallel_loop3A_181] : memref<512x32xf32, #tpu.memory_space<vmem>>[vector<16xi32>, vector<16xi32>], vector<16xf32>,
        %parallel_loop3A_621 = tpu.vector_load_idx %arg7[%parallel_loop3A_615, %parallel_loop3A_187] : memref<512x32xf32, #tpu.memory_space<vmem>>[vector<16xi32>, vector<16xi32>], vector<16xf32>,
        %parallel_loop3A_622 = tpu.vector_load_idx %arg7[%parallel_loop3A_615, %parallel_loop3A_193] : memref<512x32xf32, #tpu.memory_space<vmem>>[vector<16xi32>, vector<16xi32>], vector<16xf32>,
        %parallel_loop3A_623 = tpu.vector_load_idx %arg7[%parallel_loop3A_615, %parallel_loop3A_199] : memref<512x32xf32, #tpu.memory_space<vmem>>[vector<16xi32>, vector<16xi32>], vector<16xf32>,
        %parallel_loop3A_624 = arith.constant 0 : i32
        %parallel_loop3A_625 = arith.index_cast %parallel_loop3A_129 : i32 to index
        %parallel_loop3A_626 = arith.index_cast %parallel_loop3A_145 : i32 to index
        %parallel_loop3A_627 = arith.index_cast %parallel_loop3A_624 : i32 to index
        %parallel_loop3A_628 = arith.constant 112 : index
        %parallel_loop3A_629 = tpu.vector_load %arg9[%parallel_loop3A_625, %parallel_loop3A_626, %parallel_loop3A_627, %parallel_loop3A_628] {strides = array<i32>} : memref<4x4x8x128xf32, #tpu.memory_space<vmem>>, vector<16xf32>,
        tpu.vector_store %arg9[%parallel_loop3A_625, %parallel_loop3A_626, %parallel_loop3A_627, %parallel_loop3A_628], %parallel_loop3A_616 {strides = array<i32>} : memref<4x4x8x128xf32, #tpu.memory_space<vmem>>, vector<16xf32>,
        %parallel_loop3A_630 = arith.constant 1 : i32
        %parallel_loop3A_631 = arith.index_cast %parallel_loop3A_129 : i32 to index
        %parallel_loop3A_632 = arith.index_cast %parallel_loop3A_145 : i32 to index
        %parallel_loop3A_633 = arith.index_cast %parallel_loop3A_630 : i32 to index
        %parallel_loop3A_634 = arith.constant 112 : index
        %parallel_loop3A_635 = tpu.vector_load %arg9[%parallel_loop3A_631, %parallel_loop3A_632, %parallel_loop3A_633, %parallel_loop3A_634] {strides = array<i32>} : memref<4x4x8x128xf32, #tpu.memory_space<vmem>>, vector<16xf32>,
        tpu.vector_store %arg9[%parallel_loop3A_631, %parallel_loop3A_632, %parallel_loop3A_633, %parallel_loop3A_634], %parallel_loop3A_617 {strides = array<i32>} : memref<4x4x8x128xf32, #tpu.memory_space<vmem>>, vector<16xf32>,
        %parallel_loop3A_636 = arith.constant 2 : i32
        %parallel_loop3A_637 = arith.index_cast %parallel_loop3A_129 : i32 to index
        %parallel_loop3A_638 = arith.index_cast %parallel_loop3A_145 : i32 to index
        %parallel_loop3A_639 = arith.index_cast %parallel_loop3A_636 : i32 to index
        %parallel_loop3A_640 = arith.constant 112 : index
        %parallel_loop3A_641 = tpu.vector_load %arg9[%parallel_loop3A_637, %parallel_loop3A_638, %parallel_loop3A_639, %parallel_loop3A_640] {strides = array<i32>} : memref<4x4x8x128xf32, #tpu.memory_space<vmem>>, vector<16xf32>,
        tpu.vector_store %arg9[%parallel_loop3A_637, %parallel_loop3A_638, %parallel_loop3A_639, %parallel_loop3A_640], %parallel_loop3A_618 {strides = array<i32>} : memref<4x4x8x128xf32, #tpu.memory_space<vmem>>, vector<16xf32>,
        %parallel_loop3A_642 = arith.constant 3 : i32
        %parallel_loop3A_643 = arith.index_cast %parallel_loop3A_129 : i32 to index
        %parallel_loop3A_644 = arith.index_cast %parallel_loop3A_145 : i32 to index
        %parallel_loop3A_645 = arith.index_cast %parallel_loop3A_642 : i32 to index
        %parallel_loop3A_646 = arith.constant 112 : index
        %parallel_loop3A_647 = tpu.vector_load %arg9[%parallel_loop3A_643, %parallel_loop3A_644, %parallel_loop3A_645, %parallel_loop3A_646] {strides = array<i32>} : memref<4x4x8x128xf32, #tpu.memory_space<vmem>>, vector<16xf32>,
        tpu.vector_store %arg9[%parallel_loop3A_643, %parallel_loop3A_644, %parallel_loop3A_645, %parallel_loop3A_646], %parallel_loop3A_619 {strides = array<i32>} : memref<4x4x8x128xf32, #tpu.memory_space<vmem>>, vector<16xf32>,
        %parallel_loop3A_648 = arith.constant 4 : i32
        %parallel_loop3A_649 = arith.index_cast %parallel_loop3A_129 : i32 to index
        %parallel_loop3A_650 = arith.index_cast %parallel_loop3A_145 : i32 to index
        %parallel_loop3A_651 = arith.index_cast %parallel_loop3A_648 : i32 to index
        %parallel_loop3A_652 = arith.constant 112 : index
        %parallel_loop3A_653 = tpu.vector_load %arg9[%parallel_loop3A_649, %parallel_loop3A_650, %parallel_loop3A_651, %parallel_loop3A_652] {strides = array<i32>} : memref<4x4x8x128xf32, #tpu.memory_space<vmem>>, vector<16xf32>,
        tpu.vector_store %arg9[%parallel_loop3A_649, %parallel_loop3A_650, %parallel_loop3A_651, %parallel_loop3A_652], %parallel_loop3A_620 {strides = array<i32>} : memref<4x4x8x128xf32, #tpu.memory_space<vmem>>, vector<16xf32>,
        %parallel_loop3A_654 = arith.constant 5 : i32
        %parallel_loop3A_655 = arith.index_cast %parallel_loop3A_129 : i32 to index
        %parallel_loop3A_656 = arith.index_cast %parallel_loop3A_145 : i32 to index
        %parallel_loop3A_657 = arith.index_cast %parallel_loop3A_654 : i32 to index
        %parallel_loop3A_658 = arith.constant 112 : index
        %parallel_loop3A_659 = tpu.vector_load %arg9[%parallel_loop3A_655, %parallel_loop3A_656, %parallel_loop3A_657, %parallel_loop3A_658] {strides = array<i32>} : memref<4x4x8x128xf32, #tpu.memory_space<vmem>>, vector<16xf32>,
        tpu.vector_store %arg9[%parallel_loop3A_655, %parallel_loop3A_656, %parallel_loop3A_657, %parallel_loop3A_658], %parallel_loop3A_621 {strides = array<i32>} : memref<4x4x8x128xf32, #tpu.memory_space<vmem>>, vector<16xf32>,
        %parallel_loop3A_660 = arith.constant 6 : i32
        %parallel_loop3A_661 = arith.index_cast %parallel_loop3A_129 : i32 to index
        %parallel_loop3A_662 = arith.index_cast %parallel_loop3A_145 : i32 to index
        %parallel_loop3A_663 = arith.index_cast %parallel_loop3A_660 : i32 to index
        %parallel_loop3A_664 = arith.constant 112 : index
        %parallel_loop3A_665 = tpu.vector_load %arg9[%parallel_loop3A_661, %parallel_loop3A_662, %parallel_loop3A_663, %parallel_loop3A_664] {strides = array<i32>} : memref<4x4x8x128xf32, #tpu.memory_space<vmem>>, vector<16xf32>,
        tpu.vector_store %arg9[%parallel_loop3A_661, %parallel_loop3A_662, %parallel_loop3A_663, %parallel_loop3A_664], %parallel_loop3A_622 {strides = array<i32>} : memref<4x4x8x128xf32, #tpu.memory_space<vmem>>, vector<16xf32>,
        %parallel_loop3A_666 = arith.constant 7 : i32
        %parallel_loop3A_667 = arith.index_cast %parallel_loop3A_129 : i32 to index
        %parallel_loop3A_668 = arith.index_cast %parallel_loop3A_145 : i32 to index
        %parallel_loop3A_669 = arith.index_cast %parallel_loop3A_666 : i32 to index
        %parallel_loop3A_670 = arith.constant 112 : index
        %parallel_loop3A_671 = tpu.vector_load %arg9[%parallel_loop3A_667, %parallel_loop3A_668, %parallel_loop3A_669, %parallel_loop3A_670] {strides = array<i32>} : memref<4x4x8x128xf32, #tpu.memory_space<vmem>>, vector<16xf32>,
        tpu.vector_store %arg9[%parallel_loop3A_667, %parallel_loop3A_668, %parallel_loop3A_669, %parallel_loop3A_670], %parallel_loop3A_623 {strides = array<i32>} : memref<4x4x8x128xf32, #tpu.memory_space<vmem>>, vector<16xf32>,
      } {sc.loop_unroll_factor = 2 : i64, sc.parallel_access}
      %mul3A_55 = arith.constant 4 : i32
      %mul3A_56 = arith.muli %mul3A_55, %add3A : i32
      %dma_start3A_57 = arith.constant 0 : i32
      %dma_start3A_58 = arith.constant 0 : i32
      %dma_start3A_59 = arith.constant 0 : i32
      %dma_start3A_60 = tpu.memref_slice %arg4[%add3A_47, %dma_start3A_57, %mul3A_56, %dma_start3A_58, %dma_start3A_59] : memref<26x4x128x8x128xf32, #tpu.memory_space<hbm>> -> memref<1x4x4x8x128xf32, #tpu.memory_space<hbm>>
      %dma_start3A_61 = tpu.memref_squeeze %dma_start3A_60 : memref<1x4x4x8x128xf32, #tpu.memory_space<hbm>> -> memref<4x4x8x128xf32, #tpu.memory_space<hbm>>
      %dma_start3A_62 = arith.constant 0 : i32
      %dma_start3A_63 = arith.constant 0 : i32
      %dma_start3A_64 = arith.constant 0 : i32
      %dma_start3A_65 = tpu.memref_slice %arg4[%add3A_47, %dma_start3A_62, %mul3A_56, %dma_start3A_63, %dma_start3A_64] : memref<26x4x128x8x128xf32, #tpu.memory_space<hbm>> -> memref<1x4x4x8x128xf32, #tpu.memory_space<hbm>>
      %dma_start3A_66 = tpu.memref_squeeze %dma_start3A_65 : memref<1x4x4x8x128xf32, #tpu.memory_space<hbm>> -> memref<4x4x8x128xf32, #tpu.memory_space<hbm>>
      tpu.enqueue_dma source(%arg9 : memref<4x4x8x128xf32, #tpu.memory_space<vmem>>) target(%dma_start3A_66 : memref<4x4x8x128xf32, #tpu.memory_space<hbm>>) target_semaphore(%arg13 : memref<!tpu.dma_semaphore, #tpu.memory_space<semaphore_mem>>)
      %add3A_67 = arith.constant 2 : i32
      %add3A_68 = arith.addi %add3A_47, %add3A_67 : i32
      %lt3A = arith.constant 26 : i32
      %lt3A_69 = arith.cmpi slt, %add3A_68, %lt3A : i32
      %convert_element_type3A_70 = arith.extui %lt3A_69 : i1 to i32
      %cond3A_71 = arith.constant 0 : i32
      %cond3A_72 = arith.cmpi ne, %convert_element_type3A_70, %cond3A_71 : i32
      scf.if %cond3A_72 {
        %add3A_105 = arith.constant 2 : i32
        %add3A_106 = arith.addi %add3A_47, %add3A_105 : i32
        %mul3A_107 = arith.constant 16384 : i32
        %mul3A_108 = arith.muli %add3A_106, %mul3A_107 : i32
        %add3A_109 = arith.addi %mul3A_108, %mul3A_2 : i32
        "tpu.region"() ({
          %run_scoped3A = tpu.sem_alloc : memref<!tpu.dma_semaphore, #tpu.memory_space<semaphore_mem>>
          %dma_start3A_113 = tpu.memref_slice %arg2[%add3A_109] : memref<425984xi32, #tpu.memory_space<hbm>> -> memref<512xi32, #tpu.memory_space<hbm>>
          %dma_start3A_114 = tpu.memref_slice %arg2[%add3A_109] : memref<425984xi32, #tpu.memory_space<hbm>> -> memref<512xi32, #tpu.memory_space<hbm>>
          tpu.enqueue_dma source(%dma_start3A_114 : memref<512xi32, #tpu.memory_space<hbm>>) target(%arg5 : memref<512xi32, #tpu.memory_space<vmem>>) target_semaphore(%run_scoped3A : memref<!tpu.dma_semaphore, #tpu.memory_space<semaphore_mem>>)
          %dma_wait3A_115 = tpu.memref_slice %arg2[%add3A_109] : memref<425984xi32, #tpu.memory_space<hbm>> -> memref<512xi32, #tpu.memory_space<hbm>>
          %dma_wait3A_116 = tpu.memref_slice %arg2[%add3A_109] : memref<425984xi32, #tpu.memory_space<hbm>> -> memref<512xi32, #tpu.memory_space<hbm>>
          tpu.wait_dma2 semaphore(%run_scoped3A : memref<!tpu.dma_semaphore, #tpu.memory_space<semaphore_mem>>) src(%dma_wait3A_116 : memref<512xi32, #tpu.memory_space<hbm>>) dst(%arg5 : memref<512xi32, #tpu.memory_space<vmem>>)
          tpu.yield
        }) : () -> ()
        %dma_start3A_110 = arith.constant 0 : i32
        %dma_start3A_111 = arith.constant 0 : i32
        %dma_start3A_112 = tpu.memref_slice %arg3[%dma_start3A_110, %dma_start3A_111] : memref<1000000x32xf32, #tpu.memory_space<hbm>> -> memref<1000000x32xf32, #tpu.memory_space<hbm>>
        tpu.enqueue_indirect_dma source(%dma_start3A_112 : memref<1000000x32xf32, #tpu.memory_space<hbm>>) target(%arg7 : memref<512x32xf32, #tpu.memory_space<vmem>>) offsets(%arg5 : memref<512xi32, #tpu.memory_space<vmem>>) semaphore(%arg11 : memref<!tpu.dma_semaphore, #tpu.memory_space<semaphore_mem>>)
      } else {
      }
      %add3A_73 = arith.constant 1 : i32
      %add3A_74 = arith.addi %add3A_45, %add3A_73 : i32
      %dma_wait3A_75 = arith.constant 0 : i32
      %dma_wait3A_76 = arith.constant 0 : i32
      %dma_wait3A_77 = tpu.memref_slice %arg3[%dma_wait3A_75, %dma_wait3A_76] : memref<1000000x32xf32, #tpu.memory_space<hbm>> -> memref<1000000x32xf32, #tpu.memory_space<hbm>>
      tpu.wait_indirect_dma semaphore(%arg12 : memref<!tpu.dma_semaphore, #tpu.memory_space<semaphore_mem>>) src(%dma_wait3A_77 : memref<1000000x32xf32, #tpu.memory_space<hbm>>) dst(%arg8 : memref<512x32xf32, #tpu.memory_space<vmem>>)
      %ge3A_78 = arith.constant 2 : i32
      %ge3A_79 = arith.cmpi sge, %add3A_74, %ge3A_78 : i32
      %convert_element_type3A_80 = arith.extui %ge3A_79 : i1 to i32
      %cond3A_81 = arith.constant 0 : i32
      %cond3A_82 = arith.cmpi ne, %convert_element_type3A_80, %cond3A_81 : i32
      scf.if %cond3A_82 {
        %mul3A_105 = arith.constant 4 : i32
        %mul3A_106 = arith.muli %mul3A_105, %add3A : i32
        %dma_wait3A_107 = arith.constant 0 : i32
        %dma_wait3A_108 = arith.constant 0 : i32
        %dma_wait3A_109 = arith.constant 0 : i32
        %dma_wait3A_110 = tpu.memref_slice %arg4[%add3A_74, %dma_wait3A_107, %mul3A_106, %dma_wait3A_108, %dma_wait3A_109] : memref<26x4x128x8x128xf32, #tpu.memory_space<hbm>> -> memref<1x4x4x8x128xf32, #tpu.memory_space<hbm>>
        %dma_wait3A_111 = tpu.memref_squeeze %dma_wait3A_110 : memref<1x4x4x8x128xf32, #tpu.memory_space<hbm>> -> memref<4x4x8x128xf32, #tpu.memory_space<hbm>>
        %dma_wait3A_112 = arith.constant 0 : i32
        %dma_wait3A_113 = arith.constant 0 : i32
        %dma_wait3A_114 = arith.constant 0 : i32
        %dma_wait3A_115 = tpu.memref_slice %arg4[%add3A_74, %dma_wait3A_112, %mul3A_106, %dma_wait3A_113, %dma_wait3A_114] : memref<26x4x128x8x128xf32, #tpu.memory_space<hbm>> -> memref<1x4x4x8x128xf32, #tpu.memory_space<hbm>>
        %dma_wait3A_116 = tpu.memref_squeeze %dma_wait3A_115 : memref<1x4x4x8x128xf32, #tpu.memory_space<hbm>> -> memref<4x4x8x128xf32, #tpu.memory_space<hbm>>
        tpu.wait_dma2 semaphore(%arg14 : memref<!tpu.dma_semaphore, #tpu.memory_space<semaphore_mem>>) src(%arg10 : memref<4x4x8x128xf32, #tpu.memory_space<vmem>>) dst(%dma_wait3A_116 : memref<4x4x8x128xf32, #tpu.memory_space<hbm>>)
      } else {
      }
      %parallel_loop3A_83 = arith.constant 0 : i32
      %parallel_loop3A_84 = arith.constant 16 : i32
      %parallel_loop3A_85 = arith.constant 1 : i32
      scf.for %parallel_loop3A_105 = %parallel_loop3A_83 to %parallel_loop3A_84 step %parallel_loop3A_85  : i32 {
        %parallel_loop3A_106 = arith.constant 4 : i32
        %parallel_loop3A_107 = arith.divsi %parallel_loop3A_105, %parallel_loop3A_106 : i32
        %parallel_loop3A_108 = arith.constant 0 : i32
        %parallel_loop3A_109 = arith.cmpi sgt, %parallel_loop3A_105, %parallel_loop3A_108 : i32
        %parallel_loop3A_110 = arith.extui %parallel_loop3A_109 : i1 to i32
        %parallel_loop3A_111 = arith.constant 0 : i32
        %parallel_loop3A_112 = arith.cmpi slt, %parallel_loop3A_105, %parallel_loop3A_111 : i32
        %parallel_loop3A_113 = arith.extui %parallel_loop3A_112 : i1 to i32
        %parallel_loop3A_114 = arith.subi %parallel_loop3A_110, %parallel_loop3A_113 : i32
        %parallel_loop3A_115 = arith.constant 0 : i32
        %parallel_loop3A_116 = arith.cmpi sgt, %parallel_loop3A_106, %parallel_loop3A_115 : i32
        %parallel_loop3A_117 = arith.extui %parallel_loop3A_116 : i1 to i32
        %parallel_loop3A_118 = arith.constant 0 : i32
        %parallel_loop3A_119 = arith.cmpi slt, %parallel_loop3A_106, %parallel_loop3A_118 : i32
        %parallel_loop3A_120 = arith.extui %parallel_loop3A_119 : i1 to i32
        %parallel_loop3A_121 = arith.subi %parallel_loop3A_117, %parallel_loop3A_120 : i32
        %parallel_loop3A_122 = arith.cmpi ne, %parallel_loop3A_114, %parallel_loop3A_121 : i32
        %parallel_loop3A_123 = arith.remsi %parallel_loop3A_105, %parallel_loop3A_106 : i32
        %parallel_loop3A_124 = arith.constant 0 : i32
        %parallel_loop3A_125 = arith.cmpi ne, %parallel_loop3A_123, %parallel_loop3A_124 : i32
        %parallel_loop3A_126 = arith.andi %parallel_loop3A_122, %parallel_loop3A_125 : i1
        %parallel_loop3A_127 = arith.constant 1 : i32
        %parallel_loop3A_128 = arith.subi %parallel_loop3A_107, %parallel_loop3A_127 : i32
        %parallel_loop3A_129 = arith.select %parallel_loop3A_126, %parallel_loop3A_128, %parallel_loop3A_107 : i32
        %parallel_loop3A_130 = arith.constant 4 : i32
        %parallel_loop3A_131 = arith.constant 0 : i32
        %parallel_loop3A_132 = arith.cmpi eq, %parallel_loop3A_130, %parallel_loop3A_131 : i32
        %parallel_loop3A_133 = arith.constant 1 : i32
        %parallel_loop3A_134 = arith.select %parallel_loop3A_132, %parallel_loop3A_133, %parallel_loop3A_130 : i32
        %parallel_loop3A_135 = arith.remsi %parallel_loop3A_105, %parallel_loop3A_134 : i32
        %parallel_loop3A_136 = arith.constant 0 : i32
        %parallel_loop3A_137 = arith.cmpi ne, %parallel_loop3A_135, %parallel_loop3A_136 : i32
        %parallel_loop3A_138 = arith.constant 0 : i32
        %parallel_loop3A_139 = arith.cmpi slt, %parallel_loop3A_135, %parallel_loop3A_138 : i32
        %parallel_loop3A_140 = arith.constant 0 : i32
        %parallel_loop3A_141 = arith.cmpi slt, %parallel_loop3A_134, %parallel_loop3A_140 : i32
        %parallel_loop3A_142 = arith.xori %parallel_loop3A_139, %parallel_loop3A_141 : i1
        %parallel_loop3A_143 = arith.andi %parallel_loop3A_142, %parallel_loop3A_137 : i1
        %parallel_loop3A_144 = arith.addi %parallel_loop3A_135, %parallel_loop3A_134 : i32
        %parallel_loop3A_145 = arith.select %parallel_loop3A_143, %parallel_loop3A_144, %parallel_loop3A_135 : i32
        %parallel_loop3A_146 = arith.constant 8 : i32
        %parallel_loop3A_147 = arith.muli %parallel_loop3A_129, %parallel_loop3A_146 : i32
        %parallel_loop3A_148 = arith.constant 128 : i32
        %parallel_loop3A_149 = arith.muli %parallel_loop3A_145, %parallel_loop3A_148 : i32
        %parallel_loop3A_150 = vector.broadcast %parallel_loop3A_149 : i32 to vector<16xi32>
        %parallel_loop3A_151 = arith.addi %iota3A, %parallel_loop3A_150 : vector<16xi32>
        %parallel_loop3A_152 = arith.constant 0 : i32
        %parallel_loop3A_153 = vector.broadcast %parallel_loop3A_152 : i32 to vector<16xi32>
        %parallel_loop3A_154 = arith.constant 0 : i32
        %parallel_loop3A_155 = arith.addi %parallel_loop3A_147, %parallel_loop3A_154 : i32
        %parallel_loop3A_156 = vector.broadcast %parallel_loop3A_155 : i32 to vector<16xi32>
        %parallel_loop3A_157 = arith.addi %parallel_loop3A_153, %parallel_loop3A_156 : vector<16xi32>
        %parallel_loop3A_158 = arith.constant 0 : i32
        %parallel_loop3A_159 = vector.broadcast %parallel_loop3A_158 : i32 to vector<16xi32>
        %parallel_loop3A_160 = arith.constant 1 : i32
        %parallel_loop3A_161 = arith.addi %parallel_loop3A_147, %parallel_loop3A_160 : i32
        %parallel_loop3A_162 = vector.broadcast %parallel_loop3A_161 : i32 to vector<16xi32>
        %parallel_loop3A_163 = arith.addi %parallel_loop3A_159, %parallel_loop3A_162 : vector<16xi32>
        %parallel_loop3A_164 = arith.constant 0 : i32
        %parallel_loop3A_165 = vector.broadcast %parallel_loop3A_164 : i32 to vector<16xi32>
        %parallel_loop3A_166 = arith.constant 2 : i32
        %parallel_loop3A_167 = arith.addi %parallel_loop3A_147, %parallel_loop3A_166 : i32
        %parallel_loop3A_168 = vector.broadcast %parallel_loop3A_167 : i32 to vector<16xi32>
        %parallel_loop3A_169 = arith.addi %parallel_loop3A_165, %parallel_loop3A_168 : vector<16xi32>
        %parallel_loop3A_170 = arith.constant 0 : i32
        %parallel_loop3A_171 = vector.broadcast %parallel_loop3A_170 : i32 to vector<16xi32>
        %parallel_loop3A_172 = arith.constant 3 : i32
        %parallel_loop3A_173 = arith.addi %parallel_loop3A_147, %parallel_loop3A_172 : i32
        %parallel_loop3A_174 = vector.broadcast %parallel_loop3A_173 : i32 to vector<16xi32>
        %parallel_loop3A_175 = arith.addi %parallel_loop3A_171, %parallel_loop3A_174 : vector<16xi32>
        %parallel_loop3A_176 = arith.constant 0 : i32
        %parallel_loop3A_177 = vector.broadcast %parallel_loop3A_176 : i32 to vector<16xi32>
        %parallel_loop3A_178 = arith.constant 4 : i32
        %parallel_loop3A_179 = arith.addi %parallel_loop3A_147, %parallel_loop3A_178 : i32
        %parallel_loop3A_180 = vector.broadcast %parallel_loop3A_179 : i32 to vector<16xi32>
        %parallel_loop3A_181 = arith.addi %parallel_loop3A_177, %parallel_loop3A_180 : vector<16xi32>
        %parallel_loop3A_182 = arith.constant 0 : i32
        %parallel_loop3A_183 = vector.broadcast %parallel_loop3A_182 : i32 to vector<16xi32>
        %parallel_loop3A_184 = arith.constant 5 : i32
        %parallel_loop3A_185 = arith.addi %parallel_loop3A_147, %parallel_loop3A_184 : i32
        %parallel_loop3A_186 = vector.broadcast %parallel_loop3A_185 : i32 to vector<16xi32>
        %parallel_loop3A_187 = arith.addi %parallel_loop3A_183, %parallel_loop3A_186 : vector<16xi32>
        %parallel_loop3A_188 = arith.constant 0 : i32
        %parallel_loop3A_189 = vector.broadcast %parallel_loop3A_188 : i32 to vector<16xi32>
        %parallel_loop3A_190 = arith.constant 6 : i32
        %parallel_loop3A_191 = arith.addi %parallel_loop3A_147, %parallel_loop3A_190 : i32
        %parallel_loop3A_192 = vector.broadcast %parallel_loop3A_191 : i32 to vector<16xi32>
        %parallel_loop3A_193 = arith.addi %parallel_loop3A_189, %parallel_loop3A_192 : vector<16xi32>
        %parallel_loop3A_194 = arith.constant 0 : i32
        %parallel_loop3A_195 = vector.broadcast %parallel_loop3A_194 : i32 to vector<16xi32>
        %parallel_loop3A_196 = arith.constant 7 : i32
        %parallel_loop3A_197 = arith.addi %parallel_loop3A_147, %parallel_loop3A_196 : i32
        %parallel_loop3A_198 = vector.broadcast %parallel_loop3A_197 : i32 to vector<16xi32>
        %parallel_loop3A_199 = arith.addi %parallel_loop3A_195, %parallel_loop3A_198 : vector<16xi32>
        %parallel_loop3A_200 = arith.constant 0 : i32
        %parallel_loop3A_201 = vector.broadcast %parallel_loop3A_200 : i32 to vector<16xi32>
        %parallel_loop3A_202 = arith.addi %parallel_loop3A_151, %parallel_loop3A_201 : vector<16xi32>
        %parallel_loop3A_203 = tpu.vector_load_idx %arg8[%parallel_loop3A_202, %parallel_loop3A_157] : memref<512x32xf32, #tpu.memory_space<vmem>>[vector<16xi32>, vector<16xi32>], vector<16xf32>,
        %parallel_loop3A_204 = tpu.vector_load_idx %arg8[%parallel_loop3A_202, %parallel_loop3A_163] : memref<512x32xf32, #tpu.memory_space<vmem>>[vector<16xi32>, vector<16xi32>], vector<16xf32>,
        %parallel_loop3A_205 = tpu.vector_load_idx %arg8[%parallel_loop3A_202, %parallel_loop3A_169] : memref<512x32xf32, #tpu.memory_space<vmem>>[vector<16xi32>, vector<16xi32>], vector<16xf32>,
        %parallel_loop3A_206 = tpu.vector_load_idx %arg8[%parallel_loop3A_202, %parallel_loop3A_175] : memref<512x32xf32, #tpu.memory_space<vmem>>[vector<16xi32>, vector<16xi32>], vector<16xf32>,
        %parallel_loop3A_207 = tpu.vector_load_idx %arg8[%parallel_loop3A_202, %parallel_loop3A_181] : memref<512x32xf32, #tpu.memory_space<vmem>>[vector<16xi32>, vector<16xi32>], vector<16xf32>,
        %parallel_loop3A_208 = tpu.vector_load_idx %arg8[%parallel_loop3A_202, %parallel_loop3A_187] : memref<512x32xf32, #tpu.memory_space<vmem>>[vector<16xi32>, vector<16xi32>], vector<16xf32>,
        %parallel_loop3A_209 = tpu.vector_load_idx %arg8[%parallel_loop3A_202, %parallel_loop3A_193] : memref<512x32xf32, #tpu.memory_space<vmem>>[vector<16xi32>, vector<16xi32>], vector<16xf32>,
        %parallel_loop3A_210 = tpu.vector_load_idx %arg8[%parallel_loop3A_202, %parallel_loop3A_199] : memref<512x32xf32, #tpu.memory_space<vmem>>[vector<16xi32>, vector<16xi32>], vector<16xf32>,
        %parallel_loop3A_211 = arith.constant 0 : i32
        %parallel_loop3A_212 = arith.index_cast %parallel_loop3A_129 : i32 to index
        %parallel_loop3A_213 = arith.index_cast %parallel_loop3A_145 : i32 to index
        %parallel_loop3A_214 = arith.index_cast %parallel_loop3A_211 : i32 to index
        %parallel_loop3A_215 = arith.constant 0 : index
        %parallel_loop3A_216 = tpu.vector_load %arg10[%parallel_loop3A_212, %parallel_loop3A_213, %parallel_loop3A_214, %parallel_loop3A_215] {strides = array<i32>} : memref<4x4x8x128xf32, #tpu.memory_space<vmem>>, vector<16xf32>,
        tpu.vector_store %arg10[%parallel_loop3A_212, %parallel_loop3A_213, %parallel_loop3A_214, %parallel_loop3A_215], %parallel_loop3A_203 {strides = array<i32>} : memref<4x4x8x128xf32, #tpu.memory_space<vmem>>, vector<16xf32>,
        %parallel_loop3A_217 = arith.constant 1 : i32
        %parallel_loop3A_218 = arith.index_cast %parallel_loop3A_129 : i32 to index
        %parallel_loop3A_219 = arith.index_cast %parallel_loop3A_145 : i32 to index
        %parallel_loop3A_220 = arith.index_cast %parallel_loop3A_217 : i32 to index
        %parallel_loop3A_221 = arith.constant 0 : index
        %parallel_loop3A_222 = tpu.vector_load %arg10[%parallel_loop3A_218, %parallel_loop3A_219, %parallel_loop3A_220, %parallel_loop3A_221] {strides = array<i32>} : memref<4x4x8x128xf32, #tpu.memory_space<vmem>>, vector<16xf32>,
        tpu.vector_store %arg10[%parallel_loop3A_218, %parallel_loop3A_219, %parallel_loop3A_220, %parallel_loop3A_221], %parallel_loop3A_204 {strides = array<i32>} : memref<4x4x8x128xf32, #tpu.memory_space<vmem>>, vector<16xf32>,
        %parallel_loop3A_223 = arith.constant 2 : i32
        %parallel_loop3A_224 = arith.index_cast %parallel_loop3A_129 : i32 to index
        %parallel_loop3A_225 = arith.index_cast %parallel_loop3A_145 : i32 to index
        %parallel_loop3A_226 = arith.index_cast %parallel_loop3A_223 : i32 to index
        %parallel_loop3A_227 = arith.constant 0 : index
        %parallel_loop3A_228 = tpu.vector_load %arg10[%parallel_loop3A_224, %parallel_loop3A_225, %parallel_loop3A_226, %parallel_loop3A_227] {strides = array<i32>} : memref<4x4x8x128xf32, #tpu.memory_space<vmem>>, vector<16xf32>,
        tpu.vector_store %arg10[%parallel_loop3A_224, %parallel_loop3A_225, %parallel_loop3A_226, %parallel_loop3A_227], %parallel_loop3A_205 {strides = array<i32>} : memref<4x4x8x128xf32, #tpu.memory_space<vmem>>, vector<16xf32>,
        %parallel_loop3A_229 = arith.constant 3 : i32
        %parallel_loop3A_230 = arith.index_cast %parallel_loop3A_129 : i32 to index
        %parallel_loop3A_231 = arith.index_cast %parallel_loop3A_145 : i32 to index
        %parallel_loop3A_232 = arith.index_cast %parallel_loop3A_229 : i32 to index
        %parallel_loop3A_233 = arith.constant 0 : index
        %parallel_loop3A_234 = tpu.vector_load %arg10[%parallel_loop3A_230, %parallel_loop3A_231, %parallel_loop3A_232, %parallel_loop3A_233] {strides = array<i32>} : memref<4x4x8x128xf32, #tpu.memory_space<vmem>>, vector<16xf32>,
        tpu.vector_store %arg10[%parallel_loop3A_230, %parallel_loop3A_231, %parallel_loop3A_232, %parallel_loop3A_233], %parallel_loop3A_206 {strides = array<i32>} : memref<4x4x8x128xf32, #tpu.memory_space<vmem>>, vector<16xf32>,
        %parallel_loop3A_235 = arith.constant 4 : i32
        %parallel_loop3A_236 = arith.index_cast %parallel_loop3A_129 : i32 to index
        %parallel_loop3A_237 = arith.index_cast %parallel_loop3A_145 : i32 to index
        %parallel_loop3A_238 = arith.index_cast %parallel_loop3A_235 : i32 to index
        %parallel_loop3A_239 = arith.constant 0 : index
        %parallel_loop3A_240 = tpu.vector_load %arg10[%parallel_loop3A_236, %parallel_loop3A_237, %parallel_loop3A_238, %parallel_loop3A_239] {strides = array<i32>} : memref<4x4x8x128xf32, #tpu.memory_space<vmem>>, vector<16xf32>,
        tpu.vector_store %arg10[%parallel_loop3A_236, %parallel_loop3A_237, %parallel_loop3A_238, %parallel_loop3A_239], %parallel_loop3A_207 {strides = array<i32>} : memref<4x4x8x128xf32, #tpu.memory_space<vmem>>, vector<16xf32>,
        %parallel_loop3A_241 = arith.constant 5 : i32
        %parallel_loop3A_242 = arith.index_cast %parallel_loop3A_129 : i32 to index
        %parallel_loop3A_243 = arith.index_cast %parallel_loop3A_145 : i32 to index
        %parallel_loop3A_244 = arith.index_cast %parallel_loop3A_241 : i32 to index
        %parallel_loop3A_245 = arith.constant 0 : index
        %parallel_loop3A_246 = tpu.vector_load %arg10[%parallel_loop3A_242, %parallel_loop3A_243, %parallel_loop3A_244, %parallel_loop3A_245] {strides = array<i32>} : memref<4x4x8x128xf32, #tpu.memory_space<vmem>>, vector<16xf32>,
        tpu.vector_store %arg10[%parallel_loop3A_242, %parallel_loop3A_243, %parallel_loop3A_244, %parallel_loop3A_245], %parallel_loop3A_208 {strides = array<i32>} : memref<4x4x8x128xf32, #tpu.memory_space<vmem>>, vector<16xf32>,
        %parallel_loop3A_247 = arith.constant 6 : i32
        %parallel_loop3A_248 = arith.index_cast %parallel_loop3A_129 : i32 to index
        %parallel_loop3A_249 = arith.index_cast %parallel_loop3A_145 : i32 to index
        %parallel_loop3A_250 = arith.index_cast %parallel_loop3A_247 : i32 to index
        %parallel_loop3A_251 = arith.constant 0 : index
        %parallel_loop3A_252 = tpu.vector_load %arg10[%parallel_loop3A_248, %parallel_loop3A_249, %parallel_loop3A_250, %parallel_loop3A_251] {strides = array<i32>} : memref<4x4x8x128xf32, #tpu.memory_space<vmem>>, vector<16xf32>,
        tpu.vector_store %arg10[%parallel_loop3A_248, %parallel_loop3A_249, %parallel_loop3A_250, %parallel_loop3A_251], %parallel_loop3A_209 {strides = array<i32>} : memref<4x4x8x128xf32, #tpu.memory_space<vmem>>, vector<16xf32>,
        %parallel_loop3A_253 = arith.constant 7 : i32
        %parallel_loop3A_254 = arith.index_cast %parallel_loop3A_129 : i32 to index
        %parallel_loop3A_255 = arith.index_cast %parallel_loop3A_145 : i32 to index
        %parallel_loop3A_256 = arith.index_cast %parallel_loop3A_253 : i32 to index
        %parallel_loop3A_257 = arith.constant 0 : index
        %parallel_loop3A_258 = tpu.vector_load %arg10[%parallel_loop3A_254, %parallel_loop3A_255, %parallel_loop3A_256, %parallel_loop3A_257] {strides = array<i32>} : memref<4x4x8x128xf32, #tpu.memory_space<vmem>>, vector<16xf32>,
        tpu.vector_store %arg10[%parallel_loop3A_254, %parallel_loop3A_255, %parallel_loop3A_256, %parallel_loop3A_257], %parallel_loop3A_210 {strides = array<i32>} : memref<4x4x8x128xf32, #tpu.memory_space<vmem>>, vector<16xf32>,
        %parallel_loop3A_259 = arith.constant 16 : i32
        %parallel_loop3A_260 = vector.broadcast %parallel_loop3A_259 : i32 to vector<16xi32>
        %parallel_loop3A_261 = arith.addi %parallel_loop3A_151, %parallel_loop3A_260 : vector<16xi32>
        %parallel_loop3A_262 = tpu.vector_load_idx %arg8[%parallel_loop3A_261, %parallel_loop3A_157] : memref<512x32xf32, #tpu.memory_space<vmem>>[vector<16xi32>, vector<16xi32>], vector<16xf32>,
        %parallel_loop3A_263 = tpu.vector_load_idx %arg8[%parallel_loop3A_261, %parallel_loop3A_163] : memref<512x32xf32, #tpu.memory_space<vmem>>[vector<16xi32>, vector<16xi32>], vector<16xf32>,
        %parallel_loop3A_264 = tpu.vector_load_idx %arg8[%parallel_loop3A_261, %parallel_loop3A_169] : memref<512x32xf32, #tpu.memory_space<vmem>>[vector<16xi32>, vector<16xi32>], vector<16xf32>,
        %parallel_loop3A_265 = tpu.vector_load_idx %arg8[%parallel_loop3A_261, %parallel_loop3A_175] : memref<512x32xf32, #tpu.memory_space<vmem>>[vector<16xi32>, vector<16xi32>], vector<16xf32>,
        %parallel_loop3A_266 = tpu.vector_load_idx %arg8[%parallel_loop3A_261, %parallel_loop3A_181] : memref<512x32xf32, #tpu.memory_space<vmem>>[vector<16xi32>, vector<16xi32>], vector<16xf32>,
        %parallel_loop3A_267 = tpu.vector_load_idx %arg8[%parallel_loop3A_261, %parallel_loop3A_187] : memref<512x32xf32, #tpu.memory_space<vmem>>[vector<16xi32>, vector<16xi32>], vector<16xf32>,
        %parallel_loop3A_268 = tpu.vector_load_idx %arg8[%parallel_loop3A_261, %parallel_loop3A_193] : memref<512x32xf32, #tpu.memory_space<vmem>>[vector<16xi32>, vector<16xi32>], vector<16xf32>,
        %parallel_loop3A_269 = tpu.vector_load_idx %arg8[%parallel_loop3A_261, %parallel_loop3A_199] : memref<512x32xf32, #tpu.memory_space<vmem>>[vector<16xi32>, vector<16xi32>], vector<16xf32>,
        %parallel_loop3A_270 = arith.constant 0 : i32
        %parallel_loop3A_271 = arith.index_cast %parallel_loop3A_129 : i32 to index
        %parallel_loop3A_272 = arith.index_cast %parallel_loop3A_145 : i32 to index
        %parallel_loop3A_273 = arith.index_cast %parallel_loop3A_270 : i32 to index
        %parallel_loop3A_274 = arith.constant 16 : index
        %parallel_loop3A_275 = tpu.vector_load %arg10[%parallel_loop3A_271, %parallel_loop3A_272, %parallel_loop3A_273, %parallel_loop3A_274] {strides = array<i32>} : memref<4x4x8x128xf32, #tpu.memory_space<vmem>>, vector<16xf32>,
        tpu.vector_store %arg10[%parallel_loop3A_271, %parallel_loop3A_272, %parallel_loop3A_273, %parallel_loop3A_274], %parallel_loop3A_262 {strides = array<i32>} : memref<4x4x8x128xf32, #tpu.memory_space<vmem>>, vector<16xf32>,
        %parallel_loop3A_276 = arith.constant 1 : i32
        %parallel_loop3A_277 = arith.index_cast %parallel_loop3A_129 : i32 to index
        %parallel_loop3A_278 = arith.index_cast %parallel_loop3A_145 : i32 to index
        %parallel_loop3A_279 = arith.index_cast %parallel_loop3A_276 : i32 to index
        %parallel_loop3A_280 = arith.constant 16 : index
        %parallel_loop3A_281 = tpu.vector_load %arg10[%parallel_loop3A_277, %parallel_loop3A_278, %parallel_loop3A_279, %parallel_loop3A_280] {strides = array<i32>} : memref<4x4x8x128xf32, #tpu.memory_space<vmem>>, vector<16xf32>,
        tpu.vector_store %arg10[%parallel_loop3A_277, %parallel_loop3A_278, %parallel_loop3A_279, %parallel_loop3A_280], %parallel_loop3A_263 {strides = array<i32>} : memref<4x4x8x128xf32, #tpu.memory_space<vmem>>, vector<16xf32>,
        %parallel_loop3A_282 = arith.constant 2 : i32
        %parallel_loop3A_283 = arith.index_cast %parallel_loop3A_129 : i32 to index
        %parallel_loop3A_284 = arith.index_cast %parallel_loop3A_145 : i32 to index
        %parallel_loop3A_285 = arith.index_cast %parallel_loop3A_282 : i32 to index
        %parallel_loop3A_286 = arith.constant 16 : index
        %parallel_loop3A_287 = tpu.vector_load %arg10[%parallel_loop3A_283, %parallel_loop3A_284, %parallel_loop3A_285, %parallel_loop3A_286] {strides = array<i32>} : memref<4x4x8x128xf32, #tpu.memory_space<vmem>>, vector<16xf32>,
        tpu.vector_store %arg10[%parallel_loop3A_283, %parallel_loop3A_284, %parallel_loop3A_285, %parallel_loop3A_286], %parallel_loop3A_264 {strides = array<i32>} : memref<4x4x8x128xf32, #tpu.memory_space<vmem>>, vector<16xf32>,
        %parallel_loop3A_288 = arith.constant 3 : i32
        %parallel_loop3A_289 = arith.index_cast %parallel_loop3A_129 : i32 to index
        %parallel_loop3A_290 = arith.index_cast %parallel_loop3A_145 : i32 to index
        %parallel_loop3A_291 = arith.index_cast %parallel_loop3A_288 : i32 to index
        %parallel_loop3A_292 = arith.constant 16 : index
        %parallel_loop3A_293 = tpu.vector_load %arg10[%parallel_loop3A_289, %parallel_loop3A_290, %parallel_loop3A_291, %parallel_loop3A_292] {strides = array<i32>} : memref<4x4x8x128xf32, #tpu.memory_space<vmem>>, vector<16xf32>,
        tpu.vector_store %arg10[%parallel_loop3A_289, %parallel_loop3A_290, %parallel_loop3A_291, %parallel_loop3A_292], %parallel_loop3A_265 {strides = array<i32>} : memref<4x4x8x128xf32, #tpu.memory_space<vmem>>, vector<16xf32>,
        %parallel_loop3A_294 = arith.constant 4 : i32
        %parallel_loop3A_295 = arith.index_cast %parallel_loop3A_129 : i32 to index
        %parallel_loop3A_296 = arith.index_cast %parallel_loop3A_145 : i32 to index
        %parallel_loop3A_297 = arith.index_cast %parallel_loop3A_294 : i32 to index
        %parallel_loop3A_298 = arith.constant 16 : index
        %parallel_loop3A_299 = tpu.vector_load %arg10[%parallel_loop3A_295, %parallel_loop3A_296, %parallel_loop3A_297, %parallel_loop3A_298] {strides = array<i32>} : memref<4x4x8x128xf32, #tpu.memory_space<vmem>>, vector<16xf32>,
        tpu.vector_store %arg10[%parallel_loop3A_295, %parallel_loop3A_296, %parallel_loop3A_297, %parallel_loop3A_298], %parallel_loop3A_266 {strides = array<i32>} : memref<4x4x8x128xf32, #tpu.memory_space<vmem>>, vector<16xf32>,
        %parallel_loop3A_300 = arith.constant 5 : i32
        %parallel_loop3A_301 = arith.index_cast %parallel_loop3A_129 : i32 to index
        %parallel_loop3A_302 = arith.index_cast %parallel_loop3A_145 : i32 to index
        %parallel_loop3A_303 = arith.index_cast %parallel_loop3A_300 : i32 to index
        %parallel_loop3A_304 = arith.constant 16 : index
        %parallel_loop3A_305 = tpu.vector_load %arg10[%parallel_loop3A_301, %parallel_loop3A_302, %parallel_loop3A_303, %parallel_loop3A_304] {strides = array<i32>} : memref<4x4x8x128xf32, #tpu.memory_space<vmem>>, vector<16xf32>,
        tpu.vector_store %arg10[%parallel_loop3A_301, %parallel_loop3A_302, %parallel_loop3A_303, %parallel_loop3A_304], %parallel_loop3A_267 {strides = array<i32>} : memref<4x4x8x128xf32, #tpu.memory_space<vmem>>, vector<16xf32>,
        %parallel_loop3A_306 = arith.constant 6 : i32
        %parallel_loop3A_307 = arith.index_cast %parallel_loop3A_129 : i32 to index
        %parallel_loop3A_308 = arith.index_cast %parallel_loop3A_145 : i32 to index
        %parallel_loop3A_309 = arith.index_cast %parallel_loop3A_306 : i32 to index
        %parallel_loop3A_310 = arith.constant 16 : index
        %parallel_loop3A_311 = tpu.vector_load %arg10[%parallel_loop3A_307, %parallel_loop3A_308, %parallel_loop3A_309, %parallel_loop3A_310] {strides = array<i32>} : memref<4x4x8x128xf32, #tpu.memory_space<vmem>>, vector<16xf32>,
        tpu.vector_store %arg10[%parallel_loop3A_307, %parallel_loop3A_308, %parallel_loop3A_309, %parallel_loop3A_310], %parallel_loop3A_268 {strides = array<i32>} : memref<4x4x8x128xf32, #tpu.memory_space<vmem>>, vector<16xf32>,
        %parallel_loop3A_312 = arith.constant 7 : i32
        %parallel_loop3A_313 = arith.index_cast %parallel_loop3A_129 : i32 to index
        %parallel_loop3A_314 = arith.index_cast %parallel_loop3A_145 : i32 to index
        %parallel_loop3A_315 = arith.index_cast %parallel_loop3A_312 : i32 to index
        %parallel_loop3A_316 = arith.constant 16 : index
        %parallel_loop3A_317 = tpu.vector_load %arg10[%parallel_loop3A_313, %parallel_loop3A_314, %parallel_loop3A_315, %parallel_loop3A_316] {strides = array<i32>} : memref<4x4x8x128xf32, #tpu.memory_space<vmem>>, vector<16xf32>,
        tpu.vector_store %arg10[%parallel_loop3A_313, %parallel_loop3A_314, %parallel_loop3A_315, %parallel_loop3A_316], %parallel_loop3A_269 {strides = array<i32>} : memref<4x4x8x128xf32, #tpu.memory_space<vmem>>, vector<16xf32>,
        %parallel_loop3A_318 = arith.constant 32 : i32
        %parallel_loop3A_319 = vector.broadcast %parallel_loop3A_318 : i32 to vector<16xi32>
        %parallel_loop3A_320 = arith.addi %parallel_loop3A_151, %parallel_loop3A_319 : vector<16xi32>
        %parallel_loop3A_321 = tpu.vector_load_idx %arg8[%parallel_loop3A_320, %parallel_loop3A_157] : memref<512x32xf32, #tpu.memory_space<vmem>>[vector<16xi32>, vector<16xi32>], vector<16xf32>,
        %parallel_loop3A_322 = tpu.vector_load_idx %arg8[%parallel_loop3A_320, %parallel_loop3A_163] : memref<512x32xf32, #tpu.memory_space<vmem>>[vector<16xi32>, vector<16xi32>], vector<16xf32>,
        %parallel_loop3A_323 = tpu.vector_load_idx %arg8[%parallel_loop3A_320, %parallel_loop3A_169] : memref<512x32xf32, #tpu.memory_space<vmem>>[vector<16xi32>, vector<16xi32>], vector<16xf32>,
        %parallel_loop3A_324 = tpu.vector_load_idx %arg8[%parallel_loop3A_320, %parallel_loop3A_175] : memref<512x32xf32, #tpu.memory_space<vmem>>[vector<16xi32>, vector<16xi32>], vector<16xf32>,
        %parallel_loop3A_325 = tpu.vector_load_idx %arg8[%parallel_loop3A_320, %parallel_loop3A_181] : memref<512x32xf32, #tpu.memory_space<vmem>>[vector<16xi32>, vector<16xi32>], vector<16xf32>,
        %parallel_loop3A_326 = tpu.vector_load_idx %arg8[%parallel_loop3A_320, %parallel_loop3A_187] : memref<512x32xf32, #tpu.memory_space<vmem>>[vector<16xi32>, vector<16xi32>], vector<16xf32>,
        %parallel_loop3A_327 = tpu.vector_load_idx %arg8[%parallel_loop3A_320, %parallel_loop3A_193] : memref<512x32xf32, #tpu.memory_space<vmem>>[vector<16xi32>, vector<16xi32>], vector<16xf32>,
        %parallel_loop3A_328 = tpu.vector_load_idx %arg8[%parallel_loop3A_320, %parallel_loop3A_199] : memref<512x32xf32, #tpu.memory_space<vmem>>[vector<16xi32>, vector<16xi32>], vector<16xf32>,
        %parallel_loop3A_329 = arith.constant 0 : i32
        %parallel_loop3A_330 = arith.index_cast %parallel_loop3A_129 : i32 to index
        %parallel_loop3A_331 = arith.index_cast %parallel_loop3A_145 : i32 to index
        %parallel_loop3A_332 = arith.index_cast %parallel_loop3A_329 : i32 to index
        %parallel_loop3A_333 = arith.constant 32 : index
        %parallel_loop3A_334 = tpu.vector_load %arg10[%parallel_loop3A_330, %parallel_loop3A_331, %parallel_loop3A_332, %parallel_loop3A_333] {strides = array<i32>} : memref<4x4x8x128xf32, #tpu.memory_space<vmem>>, vector<16xf32>,
        tpu.vector_store %arg10[%parallel_loop3A_330, %parallel_loop3A_331, %parallel_loop3A_332, %parallel_loop3A_333], %parallel_loop3A_321 {strides = array<i32>} : memref<4x4x8x128xf32, #tpu.memory_space<vmem>>, vector<16xf32>,
        %parallel_loop3A_335 = arith.constant 1 : i32
        %parallel_loop3A_336 = arith.index_cast %parallel_loop3A_129 : i32 to index
        %parallel_loop3A_337 = arith.index_cast %parallel_loop3A_145 : i32 to index
        %parallel_loop3A_338 = arith.index_cast %parallel_loop3A_335 : i32 to index
        %parallel_loop3A_339 = arith.constant 32 : index
        %parallel_loop3A_340 = tpu.vector_load %arg10[%parallel_loop3A_336, %parallel_loop3A_337, %parallel_loop3A_338, %parallel_loop3A_339] {strides = array<i32>} : memref<4x4x8x128xf32, #tpu.memory_space<vmem>>, vector<16xf32>,
        tpu.vector_store %arg10[%parallel_loop3A_336, %parallel_loop3A_337, %parallel_loop3A_338, %parallel_loop3A_339], %parallel_loop3A_322 {strides = array<i32>} : memref<4x4x8x128xf32, #tpu.memory_space<vmem>>, vector<16xf32>,
        %parallel_loop3A_341 = arith.constant 2 : i32
        %parallel_loop3A_342 = arith.index_cast %parallel_loop3A_129 : i32 to index
        %parallel_loop3A_343 = arith.index_cast %parallel_loop3A_145 : i32 to index
        %parallel_loop3A_344 = arith.index_cast %parallel_loop3A_341 : i32 to index
        %parallel_loop3A_345 = arith.constant 32 : index
        %parallel_loop3A_346 = tpu.vector_load %arg10[%parallel_loop3A_342, %parallel_loop3A_343, %parallel_loop3A_344, %parallel_loop3A_345] {strides = array<i32>} : memref<4x4x8x128xf32, #tpu.memory_space<vmem>>, vector<16xf32>,
        tpu.vector_store %arg10[%parallel_loop3A_342, %parallel_loop3A_343, %parallel_loop3A_344, %parallel_loop3A_345], %parallel_loop3A_323 {strides = array<i32>} : memref<4x4x8x128xf32, #tpu.memory_space<vmem>>, vector<16xf32>,
        %parallel_loop3A_347 = arith.constant 3 : i32
        %parallel_loop3A_348 = arith.index_cast %parallel_loop3A_129 : i32 to index
        %parallel_loop3A_349 = arith.index_cast %parallel_loop3A_145 : i32 to index
        %parallel_loop3A_350 = arith.index_cast %parallel_loop3A_347 : i32 to index
        %parallel_loop3A_351 = arith.constant 32 : index
        %parallel_loop3A_352 = tpu.vector_load %arg10[%parallel_loop3A_348, %parallel_loop3A_349, %parallel_loop3A_350, %parallel_loop3A_351] {strides = array<i32>} : memref<4x4x8x128xf32, #tpu.memory_space<vmem>>, vector<16xf32>,
        tpu.vector_store %arg10[%parallel_loop3A_348, %parallel_loop3A_349, %parallel_loop3A_350, %parallel_loop3A_351], %parallel_loop3A_324 {strides = array<i32>} : memref<4x4x8x128xf32, #tpu.memory_space<vmem>>, vector<16xf32>,
        %parallel_loop3A_353 = arith.constant 4 : i32
        %parallel_loop3A_354 = arith.index_cast %parallel_loop3A_129 : i32 to index
        %parallel_loop3A_355 = arith.index_cast %parallel_loop3A_145 : i32 to index
        %parallel_loop3A_356 = arith.index_cast %parallel_loop3A_353 : i32 to index
        %parallel_loop3A_357 = arith.constant 32 : index
        %parallel_loop3A_358 = tpu.vector_load %arg10[%parallel_loop3A_354, %parallel_loop3A_355, %parallel_loop3A_356, %parallel_loop3A_357] {strides = array<i32>} : memref<4x4x8x128xf32, #tpu.memory_space<vmem>>, vector<16xf32>,
        tpu.vector_store %arg10[%parallel_loop3A_354, %parallel_loop3A_355, %parallel_loop3A_356, %parallel_loop3A_357], %parallel_loop3A_325 {strides = array<i32>} : memref<4x4x8x128xf32, #tpu.memory_space<vmem>>, vector<16xf32>,
        %parallel_loop3A_359 = arith.constant 5 : i32
        %parallel_loop3A_360 = arith.index_cast %parallel_loop3A_129 : i32 to index
        %parallel_loop3A_361 = arith.index_cast %parallel_loop3A_145 : i32 to index
        %parallel_loop3A_362 = arith.index_cast %parallel_loop3A_359 : i32 to index
        %parallel_loop3A_363 = arith.constant 32 : index
        %parallel_loop3A_364 = tpu.vector_load %arg10[%parallel_loop3A_360, %parallel_loop3A_361, %parallel_loop3A_362, %parallel_loop3A_363] {strides = array<i32>} : memref<4x4x8x128xf32, #tpu.memory_space<vmem>>, vector<16xf32>,
        tpu.vector_store %arg10[%parallel_loop3A_360, %parallel_loop3A_361, %parallel_loop3A_362, %parallel_loop3A_363], %parallel_loop3A_326 {strides = array<i32>} : memref<4x4x8x128xf32, #tpu.memory_space<vmem>>, vector<16xf32>,
        %parallel_loop3A_365 = arith.constant 6 : i32
        %parallel_loop3A_366 = arith.index_cast %parallel_loop3A_129 : i32 to index
        %parallel_loop3A_367 = arith.index_cast %parallel_loop3A_145 : i32 to index
        %parallel_loop3A_368 = arith.index_cast %parallel_loop3A_365 : i32 to index
        %parallel_loop3A_369 = arith.constant 32 : index
        %parallel_loop3A_370 = tpu.vector_load %arg10[%parallel_loop3A_366, %parallel_loop3A_367, %parallel_loop3A_368, %parallel_loop3A_369] {strides = array<i32>} : memref<4x4x8x128xf32, #tpu.memory_space<vmem>>, vector<16xf32>,
        tpu.vector_store %arg10[%parallel_loop3A_366, %parallel_loop3A_367, %parallel_loop3A_368, %parallel_loop3A_369], %parallel_loop3A_327 {strides = array<i32>} : memref<4x4x8x128xf32, #tpu.memory_space<vmem>>, vector<16xf32>,
        %parallel_loop3A_371 = arith.constant 7 : i32
        %parallel_loop3A_372 = arith.index_cast %parallel_loop3A_129 : i32 to index
        %parallel_loop3A_373 = arith.index_cast %parallel_loop3A_145 : i32 to index
        %parallel_loop3A_374 = arith.index_cast %parallel_loop3A_371 : i32 to index
        %parallel_loop3A_375 = arith.constant 32 : index
        %parallel_loop3A_376 = tpu.vector_load %arg10[%parallel_loop3A_372, %parallel_loop3A_373, %parallel_loop3A_374, %parallel_loop3A_375] {strides = array<i32>} : memref<4x4x8x128xf32, #tpu.memory_space<vmem>>, vector<16xf32>,
        tpu.vector_store %arg10[%parallel_loop3A_372, %parallel_loop3A_373, %parallel_loop3A_374, %parallel_loop3A_375], %parallel_loop3A_328 {strides = array<i32>} : memref<4x4x8x128xf32, #tpu.memory_space<vmem>>, vector<16xf32>,
        %parallel_loop3A_377 = arith.constant 48 : i32
        %parallel_loop3A_378 = vector.broadcast %parallel_loop3A_377 : i32 to vector<16xi32>
        %parallel_loop3A_379 = arith.addi %parallel_loop3A_151, %parallel_loop3A_378 : vector<16xi32>
        %parallel_loop3A_380 = tpu.vector_load_idx %arg8[%parallel_loop3A_379, %parallel_loop3A_157] : memref<512x32xf32, #tpu.memory_space<vmem>>[vector<16xi32>, vector<16xi32>], vector<16xf32>,
        %parallel_loop3A_381 = tpu.vector_load_idx %arg8[%parallel_loop3A_379, %parallel_loop3A_163] : memref<512x32xf32, #tpu.memory_space<vmem>>[vector<16xi32>, vector<16xi32>], vector<16xf32>,
        %parallel_loop3A_382 = tpu.vector_load_idx %arg8[%parallel_loop3A_379, %parallel_loop3A_169] : memref<512x32xf32, #tpu.memory_space<vmem>>[vector<16xi32>, vector<16xi32>], vector<16xf32>,
        %parallel_loop3A_383 = tpu.vector_load_idx %arg8[%parallel_loop3A_379, %parallel_loop3A_175] : memref<512x32xf32, #tpu.memory_space<vmem>>[vector<16xi32>, vector<16xi32>], vector<16xf32>,
        %parallel_loop3A_384 = tpu.vector_load_idx %arg8[%parallel_loop3A_379, %parallel_loop3A_181] : memref<512x32xf32, #tpu.memory_space<vmem>>[vector<16xi32>, vector<16xi32>], vector<16xf32>,
        %parallel_loop3A_385 = tpu.vector_load_idx %arg8[%parallel_loop3A_379, %parallel_loop3A_187] : memref<512x32xf32, #tpu.memory_space<vmem>>[vector<16xi32>, vector<16xi32>], vector<16xf32>,
        %parallel_loop3A_386 = tpu.vector_load_idx %arg8[%parallel_loop3A_379, %parallel_loop3A_193] : memref<512x32xf32, #tpu.memory_space<vmem>>[vector<16xi32>, vector<16xi32>], vector<16xf32>,
        %parallel_loop3A_387 = tpu.vector_load_idx %arg8[%parallel_loop3A_379, %parallel_loop3A_199] : memref<512x32xf32, #tpu.memory_space<vmem>>[vector<16xi32>, vector<16xi32>], vector<16xf32>,
        %parallel_loop3A_388 = arith.constant 0 : i32
        %parallel_loop3A_389 = arith.index_cast %parallel_loop3A_129 : i32 to index
        %parallel_loop3A_390 = arith.index_cast %parallel_loop3A_145 : i32 to index
        %parallel_loop3A_391 = arith.index_cast %parallel_loop3A_388 : i32 to index
        %parallel_loop3A_392 = arith.constant 48 : index
        %parallel_loop3A_393 = tpu.vector_load %arg10[%parallel_loop3A_389, %parallel_loop3A_390, %parallel_loop3A_391, %parallel_loop3A_392] {strides = array<i32>} : memref<4x4x8x128xf32, #tpu.memory_space<vmem>>, vector<16xf32>,
        tpu.vector_store %arg10[%parallel_loop3A_389, %parallel_loop3A_390, %parallel_loop3A_391, %parallel_loop3A_392], %parallel_loop3A_380 {strides = array<i32>} : memref<4x4x8x128xf32, #tpu.memory_space<vmem>>, vector<16xf32>,
        %parallel_loop3A_394 = arith.constant 1 : i32
        %parallel_loop3A_395 = arith.index_cast %parallel_loop3A_129 : i32 to index
        %parallel_loop3A_396 = arith.index_cast %parallel_loop3A_145 : i32 to index
        %parallel_loop3A_397 = arith.index_cast %parallel_loop3A_394 : i32 to index
        %parallel_loop3A_398 = arith.constant 48 : index
        %parallel_loop3A_399 = tpu.vector_load %arg10[%parallel_loop3A_395, %parallel_loop3A_396, %parallel_loop3A_397, %parallel_loop3A_398] {strides = array<i32>} : memref<4x4x8x128xf32, #tpu.memory_space<vmem>>, vector<16xf32>,
        tpu.vector_store %arg10[%parallel_loop3A_395, %parallel_loop3A_396, %parallel_loop3A_397, %parallel_loop3A_398], %parallel_loop3A_381 {strides = array<i32>} : memref<4x4x8x128xf32, #tpu.memory_space<vmem>>, vector<16xf32>,
        %parallel_loop3A_400 = arith.constant 2 : i32
        %parallel_loop3A_401 = arith.index_cast %parallel_loop3A_129 : i32 to index
        %parallel_loop3A_402 = arith.index_cast %parallel_loop3A_145 : i32 to index
        %parallel_loop3A_403 = arith.index_cast %parallel_loop3A_400 : i32 to index
        %parallel_loop3A_404 = arith.constant 48 : index
        %parallel_loop3A_405 = tpu.vector_load %arg10[%parallel_loop3A_401, %parallel_loop3A_402, %parallel_loop3A_403, %parallel_loop3A_404] {strides = array<i32>} : memref<4x4x8x128xf32, #tpu.memory_space<vmem>>, vector<16xf32>,
        tpu.vector_store %arg10[%parallel_loop3A_401, %parallel_loop3A_402, %parallel_loop3A_403, %parallel_loop3A_404], %parallel_loop3A_382 {strides = array<i32>} : memref<4x4x8x128xf32, #tpu.memory_space<vmem>>, vector<16xf32>,
        %parallel_loop3A_406 = arith.constant 3 : i32
        %parallel_loop3A_407 = arith.index_cast %parallel_loop3A_129 : i32 to index
        %parallel_loop3A_408 = arith.index_cast %parallel_loop3A_145 : i32 to index
        %parallel_loop3A_409 = arith.index_cast %parallel_loop3A_406 : i32 to index
        %parallel_loop3A_410 = arith.constant 48 : index
        %parallel_loop3A_411 = tpu.vector_load %arg10[%parallel_loop3A_407, %parallel_loop3A_408, %parallel_loop3A_409, %parallel_loop3A_410] {strides = array<i32>} : memref<4x4x8x128xf32, #tpu.memory_space<vmem>>, vector<16xf32>,
        tpu.vector_store %arg10[%parallel_loop3A_407, %parallel_loop3A_408, %parallel_loop3A_409, %parallel_loop3A_410], %parallel_loop3A_383 {strides = array<i32>} : memref<4x4x8x128xf32, #tpu.memory_space<vmem>>, vector<16xf32>,
        %parallel_loop3A_412 = arith.constant 4 : i32
        %parallel_loop3A_413 = arith.index_cast %parallel_loop3A_129 : i32 to index
        %parallel_loop3A_414 = arith.index_cast %parallel_loop3A_145 : i32 to index
        %parallel_loop3A_415 = arith.index_cast %parallel_loop3A_412 : i32 to index
        %parallel_loop3A_416 = arith.constant 48 : index
        %parallel_loop3A_417 = tpu.vector_load %arg10[%parallel_loop3A_413, %parallel_loop3A_414, %parallel_loop3A_415, %parallel_loop3A_416] {strides = array<i32>} : memref<4x4x8x128xf32, #tpu.memory_space<vmem>>, vector<16xf32>,
        tpu.vector_store %arg10[%parallel_loop3A_413, %parallel_loop3A_414, %parallel_loop3A_415, %parallel_loop3A_416], %parallel_loop3A_384 {strides = array<i32>} : memref<4x4x8x128xf32, #tpu.memory_space<vmem>>, vector<16xf32>,
        %parallel_loop3A_418 = arith.constant 5 : i32
        %parallel_loop3A_419 = arith.index_cast %parallel_loop3A_129 : i32 to index
        %parallel_loop3A_420 = arith.index_cast %parallel_loop3A_145 : i32 to index
        %parallel_loop3A_421 = arith.index_cast %parallel_loop3A_418 : i32 to index
        %parallel_loop3A_422 = arith.constant 48 : index
        %parallel_loop3A_423 = tpu.vector_load %arg10[%parallel_loop3A_419, %parallel_loop3A_420, %parallel_loop3A_421, %parallel_loop3A_422] {strides = array<i32>} : memref<4x4x8x128xf32, #tpu.memory_space<vmem>>, vector<16xf32>,
        tpu.vector_store %arg10[%parallel_loop3A_419, %parallel_loop3A_420, %parallel_loop3A_421, %parallel_loop3A_422], %parallel_loop3A_385 {strides = array<i32>} : memref<4x4x8x128xf32, #tpu.memory_space<vmem>>, vector<16xf32>,
        %parallel_loop3A_424 = arith.constant 6 : i32
        %parallel_loop3A_425 = arith.index_cast %parallel_loop3A_129 : i32 to index
        %parallel_loop3A_426 = arith.index_cast %parallel_loop3A_145 : i32 to index
        %parallel_loop3A_427 = arith.index_cast %parallel_loop3A_424 : i32 to index
        %parallel_loop3A_428 = arith.constant 48 : index
        %parallel_loop3A_429 = tpu.vector_load %arg10[%parallel_loop3A_425, %parallel_loop3A_426, %parallel_loop3A_427, %parallel_loop3A_428] {strides = array<i32>} : memref<4x4x8x128xf32, #tpu.memory_space<vmem>>, vector<16xf32>,
        tpu.vector_store %arg10[%parallel_loop3A_425, %parallel_loop3A_426, %parallel_loop3A_427, %parallel_loop3A_428], %parallel_loop3A_386 {strides = array<i32>} : memref<4x4x8x128xf32, #tpu.memory_space<vmem>>, vector<16xf32>,
        %parallel_loop3A_430 = arith.constant 7 : i32
        %parallel_loop3A_431 = arith.index_cast %parallel_loop3A_129 : i32 to index
        %parallel_loop3A_432 = arith.index_cast %parallel_loop3A_145 : i32 to index
        %parallel_loop3A_433 = arith.index_cast %parallel_loop3A_430 : i32 to index
        %parallel_loop3A_434 = arith.constant 48 : index
        %parallel_loop3A_435 = tpu.vector_load %arg10[%parallel_loop3A_431, %parallel_loop3A_432, %parallel_loop3A_433, %parallel_loop3A_434] {strides = array<i32>} : memref<4x4x8x128xf32, #tpu.memory_space<vmem>>, vector<16xf32>,
        tpu.vector_store %arg10[%parallel_loop3A_431, %parallel_loop3A_432, %parallel_loop3A_433, %parallel_loop3A_434], %parallel_loop3A_387 {strides = array<i32>} : memref<4x4x8x128xf32, #tpu.memory_space<vmem>>, vector<16xf32>,
        %parallel_loop3A_436 = arith.constant 64 : i32
        %parallel_loop3A_437 = vector.broadcast %parallel_loop3A_436 : i32 to vector<16xi32>
        %parallel_loop3A_438 = arith.addi %parallel_loop3A_151, %parallel_loop3A_437 : vector<16xi32>
        %parallel_loop3A_439 = tpu.vector_load_idx %arg8[%parallel_loop3A_438, %parallel_loop3A_157] : memref<512x32xf32, #tpu.memory_space<vmem>>[vector<16xi32>, vector<16xi32>], vector<16xf32>,
        %parallel_loop3A_440 = tpu.vector_load_idx %arg8[%parallel_loop3A_438, %parallel_loop3A_163] : memref<512x32xf32, #tpu.memory_space<vmem>>[vector<16xi32>, vector<16xi32>], vector<16xf32>,
        %parallel_loop3A_441 = tpu.vector_load_idx %arg8[%parallel_loop3A_438, %parallel_loop3A_169] : memref<512x32xf32, #tpu.memory_space<vmem>>[vector<16xi32>, vector<16xi32>], vector<16xf32>,
        %parallel_loop3A_442 = tpu.vector_load_idx %arg8[%parallel_loop3A_438, %parallel_loop3A_175] : memref<512x32xf32, #tpu.memory_space<vmem>>[vector<16xi32>, vector<16xi32>], vector<16xf32>,
        %parallel_loop3A_443 = tpu.vector_load_idx %arg8[%parallel_loop3A_438, %parallel_loop3A_181] : memref<512x32xf32, #tpu.memory_space<vmem>>[vector<16xi32>, vector<16xi32>], vector<16xf32>,
        %parallel_loop3A_444 = tpu.vector_load_idx %arg8[%parallel_loop3A_438, %parallel_loop3A_187] : memref<512x32xf32, #tpu.memory_space<vmem>>[vector<16xi32>, vector<16xi32>], vector<16xf32>,
        %parallel_loop3A_445 = tpu.vector_load_idx %arg8[%parallel_loop3A_438, %parallel_loop3A_193] : memref<512x32xf32, #tpu.memory_space<vmem>>[vector<16xi32>, vector<16xi32>], vector<16xf32>,
        %parallel_loop3A_446 = tpu.vector_load_idx %arg8[%parallel_loop3A_438, %parallel_loop3A_199] : memref<512x32xf32, #tpu.memory_space<vmem>>[vector<16xi32>, vector<16xi32>], vector<16xf32>,
        %parallel_loop3A_447 = arith.constant 0 : i32
        %parallel_loop3A_448 = arith.index_cast %parallel_loop3A_129 : i32 to index
        %parallel_loop3A_449 = arith.index_cast %parallel_loop3A_145 : i32 to index
        %parallel_loop3A_450 = arith.index_cast %parallel_loop3A_447 : i32 to index
        %parallel_loop3A_451 = arith.constant 64 : index
        %parallel_loop3A_452 = tpu.vector_load %arg10[%parallel_loop3A_448, %parallel_loop3A_449, %parallel_loop3A_450, %parallel_loop3A_451] {strides = array<i32>} : memref<4x4x8x128xf32, #tpu.memory_space<vmem>>, vector<16xf32>,
        tpu.vector_store %arg10[%parallel_loop3A_448, %parallel_loop3A_449, %parallel_loop3A_450, %parallel_loop3A_451], %parallel_loop3A_439 {strides = array<i32>} : memref<4x4x8x128xf32, #tpu.memory_space<vmem>>, vector<16xf32>,
        %parallel_loop3A_453 = arith.constant 1 : i32
        %parallel_loop3A_454 = arith.index_cast %parallel_loop3A_129 : i32 to index
        %parallel_loop3A_455 = arith.index_cast %parallel_loop3A_145 : i32 to index
        %parallel_loop3A_456 = arith.index_cast %parallel_loop3A_453 : i32 to index
        %parallel_loop3A_457 = arith.constant 64 : index
        %parallel_loop3A_458 = tpu.vector_load %arg10[%parallel_loop3A_454, %parallel_loop3A_455, %parallel_loop3A_456, %parallel_loop3A_457] {strides = array<i32>} : memref<4x4x8x128xf32, #tpu.memory_space<vmem>>, vector<16xf32>,
        tpu.vector_store %arg10[%parallel_loop3A_454, %parallel_loop3A_455, %parallel_loop3A_456, %parallel_loop3A_457], %parallel_loop3A_440 {strides = array<i32>} : memref<4x4x8x128xf32, #tpu.memory_space<vmem>>, vector<16xf32>,
        %parallel_loop3A_459 = arith.constant 2 : i32
        %parallel_loop3A_460 = arith.index_cast %parallel_loop3A_129 : i32 to index
        %parallel_loop3A_461 = arith.index_cast %parallel_loop3A_145 : i32 to index
        %parallel_loop3A_462 = arith.index_cast %parallel_loop3A_459 : i32 to index
        %parallel_loop3A_463 = arith.constant 64 : index
        %parallel_loop3A_464 = tpu.vector_load %arg10[%parallel_loop3A_460, %parallel_loop3A_461, %parallel_loop3A_462, %parallel_loop3A_463] {strides = array<i32>} : memref<4x4x8x128xf32, #tpu.memory_space<vmem>>, vector<16xf32>,
        tpu.vector_store %arg10[%parallel_loop3A_460, %parallel_loop3A_461, %parallel_loop3A_462, %parallel_loop3A_463], %parallel_loop3A_441 {strides = array<i32>} : memref<4x4x8x128xf32, #tpu.memory_space<vmem>>, vector<16xf32>,
        %parallel_loop3A_465 = arith.constant 3 : i32
        %parallel_loop3A_466 = arith.index_cast %parallel_loop3A_129 : i32 to index
        %parallel_loop3A_467 = arith.index_cast %parallel_loop3A_145 : i32 to index
        %parallel_loop3A_468 = arith.index_cast %parallel_loop3A_465 : i32 to index
        %parallel_loop3A_469 = arith.constant 64 : index
        %parallel_loop3A_470 = tpu.vector_load %arg10[%parallel_loop3A_466, %parallel_loop3A_467, %parallel_loop3A_468, %parallel_loop3A_469] {strides = array<i32>} : memref<4x4x8x128xf32, #tpu.memory_space<vmem>>, vector<16xf32>,
        tpu.vector_store %arg10[%parallel_loop3A_466, %parallel_loop3A_467, %parallel_loop3A_468, %parallel_loop3A_469], %parallel_loop3A_442 {strides = array<i32>} : memref<4x4x8x128xf32, #tpu.memory_space<vmem>>, vector<16xf32>,
        %parallel_loop3A_471 = arith.constant 4 : i32
        %parallel_loop3A_472 = arith.index_cast %parallel_loop3A_129 : i32 to index
        %parallel_loop3A_473 = arith.index_cast %parallel_loop3A_145 : i32 to index
        %parallel_loop3A_474 = arith.index_cast %parallel_loop3A_471 : i32 to index
        %parallel_loop3A_475 = arith.constant 64 : index
        %parallel_loop3A_476 = tpu.vector_load %arg10[%parallel_loop3A_472, %parallel_loop3A_473, %parallel_loop3A_474, %parallel_loop3A_475] {strides = array<i32>} : memref<4x4x8x128xf32, #tpu.memory_space<vmem>>, vector<16xf32>,
        tpu.vector_store %arg10[%parallel_loop3A_472, %parallel_loop3A_473, %parallel_loop3A_474, %parallel_loop3A_475], %parallel_loop3A_443 {strides = array<i32>} : memref<4x4x8x128xf32, #tpu.memory_space<vmem>>, vector<16xf32>,
        %parallel_loop3A_477 = arith.constant 5 : i32
        %parallel_loop3A_478 = arith.index_cast %parallel_loop3A_129 : i32 to index
        %parallel_loop3A_479 = arith.index_cast %parallel_loop3A_145 : i32 to index
        %parallel_loop3A_480 = arith.index_cast %parallel_loop3A_477 : i32 to index
        %parallel_loop3A_481 = arith.constant 64 : index
        %parallel_loop3A_482 = tpu.vector_load %arg10[%parallel_loop3A_478, %parallel_loop3A_479, %parallel_loop3A_480, %parallel_loop3A_481] {strides = array<i32>} : memref<4x4x8x128xf32, #tpu.memory_space<vmem>>, vector<16xf32>,
        tpu.vector_store %arg10[%parallel_loop3A_478, %parallel_loop3A_479, %parallel_loop3A_480, %parallel_loop3A_481], %parallel_loop3A_444 {strides = array<i32>} : memref<4x4x8x128xf32, #tpu.memory_space<vmem>>, vector<16xf32>,
        %parallel_loop3A_483 = arith.constant 6 : i32
        %parallel_loop3A_484 = arith.index_cast %parallel_loop3A_129 : i32 to index
        %parallel_loop3A_485 = arith.index_cast %parallel_loop3A_145 : i32 to index
        %parallel_loop3A_486 = arith.index_cast %parallel_loop3A_483 : i32 to index
        %parallel_loop3A_487 = arith.constant 64 : index
        %parallel_loop3A_488 = tpu.vector_load %arg10[%parallel_loop3A_484, %parallel_loop3A_485, %parallel_loop3A_486, %parallel_loop3A_487] {strides = array<i32>} : memref<4x4x8x128xf32, #tpu.memory_space<vmem>>, vector<16xf32>,
        tpu.vector_store %arg10[%parallel_loop3A_484, %parallel_loop3A_485, %parallel_loop3A_486, %parallel_loop3A_487], %parallel_loop3A_445 {strides = array<i32>} : memref<4x4x8x128xf32, #tpu.memory_space<vmem>>, vector<16xf32>,
        %parallel_loop3A_489 = arith.constant 7 : i32
        %parallel_loop3A_490 = arith.index_cast %parallel_loop3A_129 : i32 to index
        %parallel_loop3A_491 = arith.index_cast %parallel_loop3A_145 : i32 to index
        %parallel_loop3A_492 = arith.index_cast %parallel_loop3A_489 : i32 to index
        %parallel_loop3A_493 = arith.constant 64 : index
        %parallel_loop3A_494 = tpu.vector_load %arg10[%parallel_loop3A_490, %parallel_loop3A_491, %parallel_loop3A_492, %parallel_loop3A_493] {strides = array<i32>} : memref<4x4x8x128xf32, #tpu.memory_space<vmem>>, vector<16xf32>,
        tpu.vector_store %arg10[%parallel_loop3A_490, %parallel_loop3A_491, %parallel_loop3A_492, %parallel_loop3A_493], %parallel_loop3A_446 {strides = array<i32>} : memref<4x4x8x128xf32, #tpu.memory_space<vmem>>, vector<16xf32>,
        %parallel_loop3A_495 = arith.constant 80 : i32
        %parallel_loop3A_496 = vector.broadcast %parallel_loop3A_495 : i32 to vector<16xi32>
        %parallel_loop3A_497 = arith.addi %parallel_loop3A_151, %parallel_loop3A_496 : vector<16xi32>
        %parallel_loop3A_498 = tpu.vector_load_idx %arg8[%parallel_loop3A_497, %parallel_loop3A_157] : memref<512x32xf32, #tpu.memory_space<vmem>>[vector<16xi32>, vector<16xi32>], vector<16xf32>,
        %parallel_loop3A_499 = tpu.vector_load_idx %arg8[%parallel_loop3A_497, %parallel_loop3A_163] : memref<512x32xf32, #tpu.memory_space<vmem>>[vector<16xi32>, vector<16xi32>], vector<16xf32>,
        %parallel_loop3A_500 = tpu.vector_load_idx %arg8[%parallel_loop3A_497, %parallel_loop3A_169] : memref<512x32xf32, #tpu.memory_space<vmem>>[vector<16xi32>, vector<16xi32>], vector<16xf32>,
        %parallel_loop3A_501 = tpu.vector_load_idx %arg8[%parallel_loop3A_497, %parallel_loop3A_175] : memref<512x32xf32, #tpu.memory_space<vmem>>[vector<16xi32>, vector<16xi32>], vector<16xf32>,
        %parallel_loop3A_502 = tpu.vector_load_idx %arg8[%parallel_loop3A_497, %parallel_loop3A_181] : memref<512x32xf32, #tpu.memory_space<vmem>>[vector<16xi32>, vector<16xi32>], vector<16xf32>,
        %parallel_loop3A_503 = tpu.vector_load_idx %arg8[%parallel_loop3A_497, %parallel_loop3A_187] : memref<512x32xf32, #tpu.memory_space<vmem>>[vector<16xi32>, vector<16xi32>], vector<16xf32>,
        %parallel_loop3A_504 = tpu.vector_load_idx %arg8[%parallel_loop3A_497, %parallel_loop3A_193] : memref<512x32xf32, #tpu.memory_space<vmem>>[vector<16xi32>, vector<16xi32>], vector<16xf32>,
        %parallel_loop3A_505 = tpu.vector_load_idx %arg8[%parallel_loop3A_497, %parallel_loop3A_199] : memref<512x32xf32, #tpu.memory_space<vmem>>[vector<16xi32>, vector<16xi32>], vector<16xf32>,
        %parallel_loop3A_506 = arith.constant 0 : i32
        %parallel_loop3A_507 = arith.index_cast %parallel_loop3A_129 : i32 to index
        %parallel_loop3A_508 = arith.index_cast %parallel_loop3A_145 : i32 to index
        %parallel_loop3A_509 = arith.index_cast %parallel_loop3A_506 : i32 to index
        %parallel_loop3A_510 = arith.constant 80 : index
        %parallel_loop3A_511 = tpu.vector_load %arg10[%parallel_loop3A_507, %parallel_loop3A_508, %parallel_loop3A_509, %parallel_loop3A_510] {strides = array<i32>} : memref<4x4x8x128xf32, #tpu.memory_space<vmem>>, vector<16xf32>,
        tpu.vector_store %arg10[%parallel_loop3A_507, %parallel_loop3A_508, %parallel_loop3A_509, %parallel_loop3A_510], %parallel_loop3A_498 {strides = array<i32>} : memref<4x4x8x128xf32, #tpu.memory_space<vmem>>, vector<16xf32>,
        %parallel_loop3A_512 = arith.constant 1 : i32
        %parallel_loop3A_513 = arith.index_cast %parallel_loop3A_129 : i32 to index
        %parallel_loop3A_514 = arith.index_cast %parallel_loop3A_145 : i32 to index
        %parallel_loop3A_515 = arith.index_cast %parallel_loop3A_512 : i32 to index
        %parallel_loop3A_516 = arith.constant 80 : index
        %parallel_loop3A_517 = tpu.vector_load %arg10[%parallel_loop3A_513, %parallel_loop3A_514, %parallel_loop3A_515, %parallel_loop3A_516] {strides = array<i32>} : memref<4x4x8x128xf32, #tpu.memory_space<vmem>>, vector<16xf32>,
        tpu.vector_store %arg10[%parallel_loop3A_513, %parallel_loop3A_514, %parallel_loop3A_515, %parallel_loop3A_516], %parallel_loop3A_499 {strides = array<i32>} : memref<4x4x8x128xf32, #tpu.memory_space<vmem>>, vector<16xf32>,
        %parallel_loop3A_518 = arith.constant 2 : i32
        %parallel_loop3A_519 = arith.index_cast %parallel_loop3A_129 : i32 to index
        %parallel_loop3A_520 = arith.index_cast %parallel_loop3A_145 : i32 to index
        %parallel_loop3A_521 = arith.index_cast %parallel_loop3A_518 : i32 to index
        %parallel_loop3A_522 = arith.constant 80 : index
        %parallel_loop3A_523 = tpu.vector_load %arg10[%parallel_loop3A_519, %parallel_loop3A_520, %parallel_loop3A_521, %parallel_loop3A_522] {strides = array<i32>} : memref<4x4x8x128xf32, #tpu.memory_space<vmem>>, vector<16xf32>,
        tpu.vector_store %arg10[%parallel_loop3A_519, %parallel_loop3A_520, %parallel_loop3A_521, %parallel_loop3A_522], %parallel_loop3A_500 {strides = array<i32>} : memref<4x4x8x128xf32, #tpu.memory_space<vmem>>, vector<16xf32>,
        %parallel_loop3A_524 = arith.constant 3 : i32
        %parallel_loop3A_525 = arith.index_cast %parallel_loop3A_129 : i32 to index
        %parallel_loop3A_526 = arith.index_cast %parallel_loop3A_145 : i32 to index
        %parallel_loop3A_527 = arith.index_cast %parallel_loop3A_524 : i32 to index
        %parallel_loop3A_528 = arith.constant 80 : index
        %parallel_loop3A_529 = tpu.vector_load %arg10[%parallel_loop3A_525, %parallel_loop3A_526, %parallel_loop3A_527, %parallel_loop3A_528] {strides = array<i32>} : memref<4x4x8x128xf32, #tpu.memory_space<vmem>>, vector<16xf32>,
        tpu.vector_store %arg10[%parallel_loop3A_525, %parallel_loop3A_526, %parallel_loop3A_527, %parallel_loop3A_528], %parallel_loop3A_501 {strides = array<i32>} : memref<4x4x8x128xf32, #tpu.memory_space<vmem>>, vector<16xf32>,
        %parallel_loop3A_530 = arith.constant 4 : i32
        %parallel_loop3A_531 = arith.index_cast %parallel_loop3A_129 : i32 to index
        %parallel_loop3A_532 = arith.index_cast %parallel_loop3A_145 : i32 to index
        %parallel_loop3A_533 = arith.index_cast %parallel_loop3A_530 : i32 to index
        %parallel_loop3A_534 = arith.constant 80 : index
        %parallel_loop3A_535 = tpu.vector_load %arg10[%parallel_loop3A_531, %parallel_loop3A_532, %parallel_loop3A_533, %parallel_loop3A_534] {strides = array<i32>} : memref<4x4x8x128xf32, #tpu.memory_space<vmem>>, vector<16xf32>,
        tpu.vector_store %arg10[%parallel_loop3A_531, %parallel_loop3A_532, %parallel_loop3A_533, %parallel_loop3A_534], %parallel_loop3A_502 {strides = array<i32>} : memref<4x4x8x128xf32, #tpu.memory_space<vmem>>, vector<16xf32>,
        %parallel_loop3A_536 = arith.constant 5 : i32
        %parallel_loop3A_537 = arith.index_cast %parallel_loop3A_129 : i32 to index
        %parallel_loop3A_538 = arith.index_cast %parallel_loop3A_145 : i32 to index
        %parallel_loop3A_539 = arith.index_cast %parallel_loop3A_536 : i32 to index
        %parallel_loop3A_540 = arith.constant 80 : index
        %parallel_loop3A_541 = tpu.vector_load %arg10[%parallel_loop3A_537, %parallel_loop3A_538, %parallel_loop3A_539, %parallel_loop3A_540] {strides = array<i32>} : memref<4x4x8x128xf32, #tpu.memory_space<vmem>>, vector<16xf32>,
        tpu.vector_store %arg10[%parallel_loop3A_537, %parallel_loop3A_538, %parallel_loop3A_539, %parallel_loop3A_540], %parallel_loop3A_503 {strides = array<i32>} : memref<4x4x8x128xf32, #tpu.memory_space<vmem>>, vector<16xf32>,
        %parallel_loop3A_542 = arith.constant 6 : i32
        %parallel_loop3A_543 = arith.index_cast %parallel_loop3A_129 : i32 to index
        %parallel_loop3A_544 = arith.index_cast %parallel_loop3A_145 : i32 to index
        %parallel_loop3A_545 = arith.index_cast %parallel_loop3A_542 : i32 to index
        %parallel_loop3A_546 = arith.constant 80 : index
        %parallel_loop3A_547 = tpu.vector_load %arg10[%parallel_loop3A_543, %parallel_loop3A_544, %parallel_loop3A_545, %parallel_loop3A_546] {strides = array<i32>} : memref<4x4x8x128xf32, #tpu.memory_space<vmem>>, vector<16xf32>,
        tpu.vector_store %arg10[%parallel_loop3A_543, %parallel_loop3A_544, %parallel_loop3A_545, %parallel_loop3A_546], %parallel_loop3A_504 {strides = array<i32>} : memref<4x4x8x128xf32, #tpu.memory_space<vmem>>, vector<16xf32>,
        %parallel_loop3A_548 = arith.constant 7 : i32
        %parallel_loop3A_549 = arith.index_cast %parallel_loop3A_129 : i32 to index
        %parallel_loop3A_550 = arith.index_cast %parallel_loop3A_145 : i32 to index
        %parallel_loop3A_551 = arith.index_cast %parallel_loop3A_548 : i32 to index
        %parallel_loop3A_552 = arith.constant 80 : index
        %parallel_loop3A_553 = tpu.vector_load %arg10[%parallel_loop3A_549, %parallel_loop3A_550, %parallel_loop3A_551, %parallel_loop3A_552] {strides = array<i32>} : memref<4x4x8x128xf32, #tpu.memory_space<vmem>>, vector<16xf32>,
        tpu.vector_store %arg10[%parallel_loop3A_549, %parallel_loop3A_550, %parallel_loop3A_551, %parallel_loop3A_552], %parallel_loop3A_505 {strides = array<i32>} : memref<4x4x8x128xf32, #tpu.memory_space<vmem>>, vector<16xf32>,
        %parallel_loop3A_554 = arith.constant 96 : i32
        %parallel_loop3A_555 = vector.broadcast %parallel_loop3A_554 : i32 to vector<16xi32>
        %parallel_loop3A_556 = arith.addi %parallel_loop3A_151, %parallel_loop3A_555 : vector<16xi32>
        %parallel_loop3A_557 = tpu.vector_load_idx %arg8[%parallel_loop3A_556, %parallel_loop3A_157] : memref<512x32xf32, #tpu.memory_space<vmem>>[vector<16xi32>, vector<16xi32>], vector<16xf32>,
        %parallel_loop3A_558 = tpu.vector_load_idx %arg8[%parallel_loop3A_556, %parallel_loop3A_163] : memref<512x32xf32, #tpu.memory_space<vmem>>[vector<16xi32>, vector<16xi32>], vector<16xf32>,
        %parallel_loop3A_559 = tpu.vector_load_idx %arg8[%parallel_loop3A_556, %parallel_loop3A_169] : memref<512x32xf32, #tpu.memory_space<vmem>>[vector<16xi32>, vector<16xi32>], vector<16xf32>,
        %parallel_loop3A_560 = tpu.vector_load_idx %arg8[%parallel_loop3A_556, %parallel_loop3A_175] : memref<512x32xf32, #tpu.memory_space<vmem>>[vector<16xi32>, vector<16xi32>], vector<16xf32>,
        %parallel_loop3A_561 = tpu.vector_load_idx %arg8[%parallel_loop3A_556, %parallel_loop3A_181] : memref<512x32xf32, #tpu.memory_space<vmem>>[vector<16xi32>, vector<16xi32>], vector<16xf32>,
        %parallel_loop3A_562 = tpu.vector_load_idx %arg8[%parallel_loop3A_556, %parallel_loop3A_187] : memref<512x32xf32, #tpu.memory_space<vmem>>[vector<16xi32>, vector<16xi32>], vector<16xf32>,
        %parallel_loop3A_563 = tpu.vector_load_idx %arg8[%parallel_loop3A_556, %parallel_loop3A_193] : memref<512x32xf32, #tpu.memory_space<vmem>>[vector<16xi32>, vector<16xi32>], vector<16xf32>,
        %parallel_loop3A_564 = tpu.vector_load_idx %arg8[%parallel_loop3A_556, %parallel_loop3A_199] : memref<512x32xf32, #tpu.memory_space<vmem>>[vector<16xi32>, vector<16xi32>], vector<16xf32>,
        %parallel_loop3A_565 = arith.constant 0 : i32
        %parallel_loop3A_566 = arith.index_cast %parallel_loop3A_129 : i32 to index
        %parallel_loop3A_567 = arith.index_cast %parallel_loop3A_145 : i32 to index
        %parallel_loop3A_568 = arith.index_cast %parallel_loop3A_565 : i32 to index
        %parallel_loop3A_569 = arith.constant 96 : index
        %parallel_loop3A_570 = tpu.vector_load %arg10[%parallel_loop3A_566, %parallel_loop3A_567, %parallel_loop3A_568, %parallel_loop3A_569] {strides = array<i32>} : memref<4x4x8x128xf32, #tpu.memory_space<vmem>>, vector<16xf32>,
        tpu.vector_store %arg10[%parallel_loop3A_566, %parallel_loop3A_567, %parallel_loop3A_568, %parallel_loop3A_569], %parallel_loop3A_557 {strides = array<i32>} : memref<4x4x8x128xf32, #tpu.memory_space<vmem>>, vector<16xf32>,
        %parallel_loop3A_571 = arith.constant 1 : i32
        %parallel_loop3A_572 = arith.index_cast %parallel_loop3A_129 : i32 to index
        %parallel_loop3A_573 = arith.index_cast %parallel_loop3A_145 : i32 to index
        %parallel_loop3A_574 = arith.index_cast %parallel_loop3A_571 : i32 to index
        %parallel_loop3A_575 = arith.constant 96 : index
        %parallel_loop3A_576 = tpu.vector_load %arg10[%parallel_loop3A_572, %parallel_loop3A_573, %parallel_loop3A_574, %parallel_loop3A_575] {strides = array<i32>} : memref<4x4x8x128xf32, #tpu.memory_space<vmem>>, vector<16xf32>,
        tpu.vector_store %arg10[%parallel_loop3A_572, %parallel_loop3A_573, %parallel_loop3A_574, %parallel_loop3A_575], %parallel_loop3A_558 {strides = array<i32>} : memref<4x4x8x128xf32, #tpu.memory_space<vmem>>, vector<16xf32>,
        %parallel_loop3A_577 = arith.constant 2 : i32
        %parallel_loop3A_578 = arith.index_cast %parallel_loop3A_129 : i32 to index
        %parallel_loop3A_579 = arith.index_cast %parallel_loop3A_145 : i32 to index
        %parallel_loop3A_580 = arith.index_cast %parallel_loop3A_577 : i32 to index
        %parallel_loop3A_581 = arith.constant 96 : index
        %parallel_loop3A_582 = tpu.vector_load %arg10[%parallel_loop3A_578, %parallel_loop3A_579, %parallel_loop3A_580, %parallel_loop3A_581] {strides = array<i32>} : memref<4x4x8x128xf32, #tpu.memory_space<vmem>>, vector<16xf32>,
        tpu.vector_store %arg10[%parallel_loop3A_578, %parallel_loop3A_579, %parallel_loop3A_580, %parallel_loop3A_581], %parallel_loop3A_559 {strides = array<i32>} : memref<4x4x8x128xf32, #tpu.memory_space<vmem>>, vector<16xf32>,
        %parallel_loop3A_583 = arith.constant 3 : i32
        %parallel_loop3A_584 = arith.index_cast %parallel_loop3A_129 : i32 to index
        %parallel_loop3A_585 = arith.index_cast %parallel_loop3A_145 : i32 to index
        %parallel_loop3A_586 = arith.index_cast %parallel_loop3A_583 : i32 to index
        %parallel_loop3A_587 = arith.constant 96 : index
        %parallel_loop3A_588 = tpu.vector_load %arg10[%parallel_loop3A_584, %parallel_loop3A_585, %parallel_loop3A_586, %parallel_loop3A_587] {strides = array<i32>} : memref<4x4x8x128xf32, #tpu.memory_space<vmem>>, vector<16xf32>,
        tpu.vector_store %arg10[%parallel_loop3A_584, %parallel_loop3A_585, %parallel_loop3A_586, %parallel_loop3A_587], %parallel_loop3A_560 {strides = array<i32>} : memref<4x4x8x128xf32, #tpu.memory_space<vmem>>, vector<16xf32>,
        %parallel_loop3A_589 = arith.constant 4 : i32
        %parallel_loop3A_590 = arith.index_cast %parallel_loop3A_129 : i32 to index
        %parallel_loop3A_591 = arith.index_cast %parallel_loop3A_145 : i32 to index
        %parallel_loop3A_592 = arith.index_cast %parallel_loop3A_589 : i32 to index
        %parallel_loop3A_593 = arith.constant 96 : index
        %parallel_loop3A_594 = tpu.vector_load %arg10[%parallel_loop3A_590, %parallel_loop3A_591, %parallel_loop3A_592, %parallel_loop3A_593] {strides = array<i32>} : memref<4x4x8x128xf32, #tpu.memory_space<vmem>>, vector<16xf32>,
        tpu.vector_store %arg10[%parallel_loop3A_590, %parallel_loop3A_591, %parallel_loop3A_592, %parallel_loop3A_593], %parallel_loop3A_561 {strides = array<i32>} : memref<4x4x8x128xf32, #tpu.memory_space<vmem>>, vector<16xf32>,
        %parallel_loop3A_595 = arith.constant 5 : i32
        %parallel_loop3A_596 = arith.index_cast %parallel_loop3A_129 : i32 to index
        %parallel_loop3A_597 = arith.index_cast %parallel_loop3A_145 : i32 to index
        %parallel_loop3A_598 = arith.index_cast %parallel_loop3A_595 : i32 to index
        %parallel_loop3A_599 = arith.constant 96 : index
        %parallel_loop3A_600 = tpu.vector_load %arg10[%parallel_loop3A_596, %parallel_loop3A_597, %parallel_loop3A_598, %parallel_loop3A_599] {strides = array<i32>} : memref<4x4x8x128xf32, #tpu.memory_space<vmem>>, vector<16xf32>,
        tpu.vector_store %arg10[%parallel_loop3A_596, %parallel_loop3A_597, %parallel_loop3A_598, %parallel_loop3A_599], %parallel_loop3A_562 {strides = array<i32>} : memref<4x4x8x128xf32, #tpu.memory_space<vmem>>, vector<16xf32>,
        %parallel_loop3A_601 = arith.constant 6 : i32
        %parallel_loop3A_602 = arith.index_cast %parallel_loop3A_129 : i32 to index
        %parallel_loop3A_603 = arith.index_cast %parallel_loop3A_145 : i32 to index
        %parallel_loop3A_604 = arith.index_cast %parallel_loop3A_601 : i32 to index
        %parallel_loop3A_605 = arith.constant 96 : index
        %parallel_loop3A_606 = tpu.vector_load %arg10[%parallel_loop3A_602, %parallel_loop3A_603, %parallel_loop3A_604, %parallel_loop3A_605] {strides = array<i32>} : memref<4x4x8x128xf32, #tpu.memory_space<vmem>>, vector<16xf32>,
        tpu.vector_store %arg10[%parallel_loop3A_602, %parallel_loop3A_603, %parallel_loop3A_604, %parallel_loop3A_605], %parallel_loop3A_563 {strides = array<i32>} : memref<4x4x8x128xf32, #tpu.memory_space<vmem>>, vector<16xf32>,
        %parallel_loop3A_607 = arith.constant 7 : i32
        %parallel_loop3A_608 = arith.index_cast %parallel_loop3A_129 : i32 to index
        %parallel_loop3A_609 = arith.index_cast %parallel_loop3A_145 : i32 to index
        %parallel_loop3A_610 = arith.index_cast %parallel_loop3A_607 : i32 to index
        %parallel_loop3A_611 = arith.constant 96 : index
        %parallel_loop3A_612 = tpu.vector_load %arg10[%parallel_loop3A_608, %parallel_loop3A_609, %parallel_loop3A_610, %parallel_loop3A_611] {strides = array<i32>} : memref<4x4x8x128xf32, #tpu.memory_space<vmem>>, vector<16xf32>,
        tpu.vector_store %arg10[%parallel_loop3A_608, %parallel_loop3A_609, %parallel_loop3A_610, %parallel_loop3A_611], %parallel_loop3A_564 {strides = array<i32>} : memref<4x4x8x128xf32, #tpu.memory_space<vmem>>, vector<16xf32>,
        %parallel_loop3A_613 = arith.constant 112 : i32
        %parallel_loop3A_614 = vector.broadcast %parallel_loop3A_613 : i32 to vector<16xi32>
        %parallel_loop3A_615 = arith.addi %parallel_loop3A_151, %parallel_loop3A_614 : vector<16xi32>
        %parallel_loop3A_616 = tpu.vector_load_idx %arg8[%parallel_loop3A_615, %parallel_loop3A_157] : memref<512x32xf32, #tpu.memory_space<vmem>>[vector<16xi32>, vector<16xi32>], vector<16xf32>,
        %parallel_loop3A_617 = tpu.vector_load_idx %arg8[%parallel_loop3A_615, %parallel_loop3A_163] : memref<512x32xf32, #tpu.memory_space<vmem>>[vector<16xi32>, vector<16xi32>], vector<16xf32>,
        %parallel_loop3A_618 = tpu.vector_load_idx %arg8[%parallel_loop3A_615, %parallel_loop3A_169] : memref<512x32xf32, #tpu.memory_space<vmem>>[vector<16xi32>, vector<16xi32>], vector<16xf32>,
        %parallel_loop3A_619 = tpu.vector_load_idx %arg8[%parallel_loop3A_615, %parallel_loop3A_175] : memref<512x32xf32, #tpu.memory_space<vmem>>[vector<16xi32>, vector<16xi32>], vector<16xf32>,
        %parallel_loop3A_620 = tpu.vector_load_idx %arg8[%parallel_loop3A_615, %parallel_loop3A_181] : memref<512x32xf32, #tpu.memory_space<vmem>>[vector<16xi32>, vector<16xi32>], vector<16xf32>,
        %parallel_loop3A_621 = tpu.vector_load_idx %arg8[%parallel_loop3A_615, %parallel_loop3A_187] : memref<512x32xf32, #tpu.memory_space<vmem>>[vector<16xi32>, vector<16xi32>], vector<16xf32>,
        %parallel_loop3A_622 = tpu.vector_load_idx %arg8[%parallel_loop3A_615, %parallel_loop3A_193] : memref<512x32xf32, #tpu.memory_space<vmem>>[vector<16xi32>, vector<16xi32>], vector<16xf32>,
        %parallel_loop3A_623 = tpu.vector_load_idx %arg8[%parallel_loop3A_615, %parallel_loop3A_199] : memref<512x32xf32, #tpu.memory_space<vmem>>[vector<16xi32>, vector<16xi32>], vector<16xf32>,
        %parallel_loop3A_624 = arith.constant 0 : i32
        %parallel_loop3A_625 = arith.index_cast %parallel_loop3A_129 : i32 to index
        %parallel_loop3A_626 = arith.index_cast %parallel_loop3A_145 : i32 to index
        %parallel_loop3A_627 = arith.index_cast %parallel_loop3A_624 : i32 to index
        %parallel_loop3A_628 = arith.constant 112 : index
        %parallel_loop3A_629 = tpu.vector_load %arg10[%parallel_loop3A_625, %parallel_loop3A_626, %parallel_loop3A_627, %parallel_loop3A_628] {strides = array<i32>} : memref<4x4x8x128xf32, #tpu.memory_space<vmem>>, vector<16xf32>,
        tpu.vector_store %arg10[%parallel_loop3A_625, %parallel_loop3A_626, %parallel_loop3A_627, %parallel_loop3A_628], %parallel_loop3A_616 {strides = array<i32>} : memref<4x4x8x128xf32, #tpu.memory_space<vmem>>, vector<16xf32>,
        %parallel_loop3A_630 = arith.constant 1 : i32
        %parallel_loop3A_631 = arith.index_cast %parallel_loop3A_129 : i32 to index
        %parallel_loop3A_632 = arith.index_cast %parallel_loop3A_145 : i32 to index
        %parallel_loop3A_633 = arith.index_cast %parallel_loop3A_630 : i32 to index
        %parallel_loop3A_634 = arith.constant 112 : index
        %parallel_loop3A_635 = tpu.vector_load %arg10[%parallel_loop3A_631, %parallel_loop3A_632, %parallel_loop3A_633, %parallel_loop3A_634] {strides = array<i32>} : memref<4x4x8x128xf32, #tpu.memory_space<vmem>>, vector<16xf32>,
        tpu.vector_store %arg10[%parallel_loop3A_631, %parallel_loop3A_632, %parallel_loop3A_633, %parallel_loop3A_634], %parallel_loop3A_617 {strides = array<i32>} : memref<4x4x8x128xf32, #tpu.memory_space<vmem>>, vector<16xf32>,
        %parallel_loop3A_636 = arith.constant 2 : i32
        %parallel_loop3A_637 = arith.index_cast %parallel_loop3A_129 : i32 to index
        %parallel_loop3A_638 = arith.index_cast %parallel_loop3A_145 : i32 to index
        %parallel_loop3A_639 = arith.index_cast %parallel_loop3A_636 : i32 to index
        %parallel_loop3A_640 = arith.constant 112 : index
        %parallel_loop3A_641 = tpu.vector_load %arg10[%parallel_loop3A_637, %parallel_loop3A_638, %parallel_loop3A_639, %parallel_loop3A_640] {strides = array<i32>} : memref<4x4x8x128xf32, #tpu.memory_space<vmem>>, vector<16xf32>,
        tpu.vector_store %arg10[%parallel_loop3A_637, %parallel_loop3A_638, %parallel_loop3A_639, %parallel_loop3A_640], %parallel_loop3A_618 {strides = array<i32>} : memref<4x4x8x128xf32, #tpu.memory_space<vmem>>, vector<16xf32>,
        %parallel_loop3A_642 = arith.constant 3 : i32
        %parallel_loop3A_643 = arith.index_cast %parallel_loop3A_129 : i32 to index
        %parallel_loop3A_644 = arith.index_cast %parallel_loop3A_145 : i32 to index
        %parallel_loop3A_645 = arith.index_cast %parallel_loop3A_642 : i32 to index
        %parallel_loop3A_646 = arith.constant 112 : index
        %parallel_loop3A_647 = tpu.vector_load %arg10[%parallel_loop3A_643, %parallel_loop3A_644, %parallel_loop3A_645, %parallel_loop3A_646] {strides = array<i32>} : memref<4x4x8x128xf32, #tpu.memory_space<vmem>>, vector<16xf32>,
        tpu.vector_store %arg10[%parallel_loop3A_643, %parallel_loop3A_644, %parallel_loop3A_645, %parallel_loop3A_646], %parallel_loop3A_619 {strides = array<i32>} : memref<4x4x8x128xf32, #tpu.memory_space<vmem>>, vector<16xf32>,
        %parallel_loop3A_648 = arith.constant 4 : i32
        %parallel_loop3A_649 = arith.index_cast %parallel_loop3A_129 : i32 to index
        %parallel_loop3A_650 = arith.index_cast %parallel_loop3A_145 : i32 to index
        %parallel_loop3A_651 = arith.index_cast %parallel_loop3A_648 : i32 to index
        %parallel_loop3A_652 = arith.constant 112 : index
        %parallel_loop3A_653 = tpu.vector_load %arg10[%parallel_loop3A_649, %parallel_loop3A_650, %parallel_loop3A_651, %parallel_loop3A_652] {strides = array<i32>} : memref<4x4x8x128xf32, #tpu.memory_space<vmem>>, vector<16xf32>,
        tpu.vector_store %arg10[%parallel_loop3A_649, %parallel_loop3A_650, %parallel_loop3A_651, %parallel_loop3A_652], %parallel_loop3A_620 {strides = array<i32>} : memref<4x4x8x128xf32, #tpu.memory_space<vmem>>, vector<16xf32>,
        %parallel_loop3A_654 = arith.constant 5 : i32
        %parallel_loop3A_655 = arith.index_cast %parallel_loop3A_129 : i32 to index
        %parallel_loop3A_656 = arith.index_cast %parallel_loop3A_145 : i32 to index
        %parallel_loop3A_657 = arith.index_cast %parallel_loop3A_654 : i32 to index
        %parallel_loop3A_658 = arith.constant 112 : index
        %parallel_loop3A_659 = tpu.vector_load %arg10[%parallel_loop3A_655, %parallel_loop3A_656, %parallel_loop3A_657, %parallel_loop3A_658] {strides = array<i32>} : memref<4x4x8x128xf32, #tpu.memory_space<vmem>>, vector<16xf32>,
        tpu.vector_store %arg10[%parallel_loop3A_655, %parallel_loop3A_656, %parallel_loop3A_657, %parallel_loop3A_658], %parallel_loop3A_621 {strides = array<i32>} : memref<4x4x8x128xf32, #tpu.memory_space<vmem>>, vector<16xf32>,
        %parallel_loop3A_660 = arith.constant 6 : i32
        %parallel_loop3A_661 = arith.index_cast %parallel_loop3A_129 : i32 to index
        %parallel_loop3A_662 = arith.index_cast %parallel_loop3A_145 : i32 to index
        %parallel_loop3A_663 = arith.index_cast %parallel_loop3A_660 : i32 to index
        %parallel_loop3A_664 = arith.constant 112 : index
        %parallel_loop3A_665 = tpu.vector_load %arg10[%parallel_loop3A_661, %parallel_loop3A_662, %parallel_loop3A_663, %parallel_loop3A_664] {strides = array<i32>} : memref<4x4x8x128xf32, #tpu.memory_space<vmem>>, vector<16xf32>,
        tpu.vector_store %arg10[%parallel_loop3A_661, %parallel_loop3A_662, %parallel_loop3A_663, %parallel_loop3A_664], %parallel_loop3A_622 {strides = array<i32>} : memref<4x4x8x128xf32, #tpu.memory_space<vmem>>, vector<16xf32>,
        %parallel_loop3A_666 = arith.constant 7 : i32
        %parallel_loop3A_667 = arith.index_cast %parallel_loop3A_129 : i32 to index
        %parallel_loop3A_668 = arith.index_cast %parallel_loop3A_145 : i32 to index
        %parallel_loop3A_669 = arith.index_cast %parallel_loop3A_666 : i32 to index
        %parallel_loop3A_670 = arith.constant 112 : index
        %parallel_loop3A_671 = tpu.vector_load %arg10[%parallel_loop3A_667, %parallel_loop3A_668, %parallel_loop3A_669, %parallel_loop3A_670] {strides = array<i32>} : memref<4x4x8x128xf32, #tpu.memory_space<vmem>>, vector<16xf32>,
        tpu.vector_store %arg10[%parallel_loop3A_667, %parallel_loop3A_668, %parallel_loop3A_669, %parallel_loop3A_670], %parallel_loop3A_623 {strides = array<i32>} : memref<4x4x8x128xf32, #tpu.memory_space<vmem>>, vector<16xf32>,
      } {sc.loop_unroll_factor = 2 : i64, sc.parallel_access}
      %mul3A_86 = arith.constant 4 : i32
      %mul3A_87 = arith.muli %mul3A_86, %add3A : i32
      %dma_start3A_88 = arith.constant 0 : i32
      %dma_start3A_89 = arith.constant 0 : i32
      %dma_start3A_90 = arith.constant 0 : i32
      %dma_start3A_91 = tpu.memref_slice %arg4[%add3A_74, %dma_start3A_88, %mul3A_87, %dma_start3A_89, %dma_start3A_90] : memref<26x4x128x8x128xf32, #tpu.memory_space<hbm>> -> memref<1x4x4x8x128xf32, #tpu.memory_space<hbm>>
      %dma_start3A_92 = tpu.memref_squeeze %dma_start3A_91 : memref<1x4x4x8x128xf32, #tpu.memory_space<hbm>> -> memref<4x4x8x128xf32, #tpu.memory_space<hbm>>
      %dma_start3A_93 = arith.constant 0 : i32
      %dma_start3A_94 = arith.constant 0 : i32
      %dma_start3A_95 = arith.constant 0 : i32
      %dma_start3A_96 = tpu.memref_slice %arg4[%add3A_74, %dma_start3A_93, %mul3A_87, %dma_start3A_94, %dma_start3A_95] : memref<26x4x128x8x128xf32, #tpu.memory_space<hbm>> -> memref<1x4x4x8x128xf32, #tpu.memory_space<hbm>>
      %dma_start3A_97 = tpu.memref_squeeze %dma_start3A_96 : memref<1x4x4x8x128xf32, #tpu.memory_space<hbm>> -> memref<4x4x8x128xf32, #tpu.memory_space<hbm>>
      tpu.enqueue_dma source(%arg10 : memref<4x4x8x128xf32, #tpu.memory_space<vmem>>) target(%dma_start3A_97 : memref<4x4x8x128xf32, #tpu.memory_space<hbm>>) target_semaphore(%arg14 : memref<!tpu.dma_semaphore, #tpu.memory_space<semaphore_mem>>)
      %add3A_98 = arith.constant 2 : i32
      %add3A_99 = arith.addi %add3A_74, %add3A_98 : i32
      %lt3A_100 = arith.constant 26 : i32
      %lt3A_101 = arith.cmpi slt, %add3A_99, %lt3A_100 : i32
      %convert_element_type3A_102 = arith.extui %lt3A_101 : i1 to i32
      %cond3A_103 = arith.constant 0 : i32
      %cond3A_104 = arith.cmpi ne, %convert_element_type3A_102, %cond3A_103 : i32
      scf.if %cond3A_104 {
        %add3A_105 = arith.constant 2 : i32
        %add3A_106 = arith.addi %add3A_74, %add3A_105 : i32
        %mul3A_107 = arith.constant 16384 : i32
        %mul3A_108 = arith.muli %add3A_106, %mul3A_107 : i32
        %add3A_109 = arith.addi %mul3A_108, %mul3A_2 : i32
        "tpu.region"() ({
          %run_scoped3A = tpu.sem_alloc : memref<!tpu.dma_semaphore, #tpu.memory_space<semaphore_mem>>
          %dma_start3A_113 = tpu.memref_slice %arg2[%add3A_109] : memref<425984xi32, #tpu.memory_space<hbm>> -> memref<512xi32, #tpu.memory_space<hbm>>
          %dma_start3A_114 = tpu.memref_slice %arg2[%add3A_109] : memref<425984xi32, #tpu.memory_space<hbm>> -> memref<512xi32, #tpu.memory_space<hbm>>
          tpu.enqueue_dma source(%dma_start3A_114 : memref<512xi32, #tpu.memory_space<hbm>>) target(%arg6 : memref<512xi32, #tpu.memory_space<vmem>>) target_semaphore(%run_scoped3A : memref<!tpu.dma_semaphore, #tpu.memory_space<semaphore_mem>>)
          %dma_wait3A_115 = tpu.memref_slice %arg2[%add3A_109] : memref<425984xi32, #tpu.memory_space<hbm>> -> memref<512xi32, #tpu.memory_space<hbm>>
          %dma_wait3A_116 = tpu.memref_slice %arg2[%add3A_109] : memref<425984xi32, #tpu.memory_space<hbm>> -> memref<512xi32, #tpu.memory_space<hbm>>
          tpu.wait_dma2 semaphore(%run_scoped3A : memref<!tpu.dma_semaphore, #tpu.memory_space<semaphore_mem>>) src(%dma_wait3A_116 : memref<512xi32, #tpu.memory_space<hbm>>) dst(%arg6 : memref<512xi32, #tpu.memory_space<vmem>>)
          tpu.yield
        }) : () -> ()
        %dma_start3A_110 = arith.constant 0 : i32
        %dma_start3A_111 = arith.constant 0 : i32
        %dma_start3A_112 = tpu.memref_slice %arg3[%dma_start3A_110, %dma_start3A_111] : memref<1000000x32xf32, #tpu.memory_space<hbm>> -> memref<1000000x32xf32, #tpu.memory_space<hbm>>
        tpu.enqueue_indirect_dma source(%dma_start3A_112 : memref<1000000x32xf32, #tpu.memory_space<hbm>>) target(%arg8 : memref<512x32xf32, #tpu.memory_space<vmem>>) offsets(%arg6 : memref<512xi32, #tpu.memory_space<vmem>>) semaphore(%arg12 : memref<!tpu.dma_semaphore, #tpu.memory_space<semaphore_mem>>)
      } else {
      }
    }
    %scan3A_15 = arith.constant 13 : i32
    %mul3A_16 = arith.constant 4 : i32
    %mul3A_17 = arith.muli %mul3A_16, %add3A : i32
    %dma_wait3A = arith.constant 24 : i32
    %dma_wait3A_18 = arith.constant 0 : i32
    %dma_wait3A_19 = arith.constant 0 : i32
    %dma_wait3A_20 = arith.constant 0 : i32
    %dma_wait3A_21 = tpu.memref_slice %arg4[%dma_wait3A, %dma_wait3A_18, %mul3A_17, %dma_wait3A_19, %dma_wait3A_20] : memref<26x4x128x8x128xf32, #tpu.memory_space<hbm>> -> memref<1x4x4x8x128xf32, #tpu.memory_space<hbm>>
    %dma_wait3A_22 = tpu.memref_squeeze %dma_wait3A_21 : memref<1x4x4x8x128xf32, #tpu.memory_space<hbm>> -> memref<4x4x8x128xf32, #tpu.memory_space<hbm>>
    %dma_wait3A_23 = arith.constant 0 : i32
    %dma_wait3A_24 = arith.constant 0 : i32
    %dma_wait3A_25 = arith.constant 0 : i32
    %dma_wait3A_26 = tpu.memref_slice %arg4[%dma_wait3A, %dma_wait3A_23, %mul3A_17, %dma_wait3A_24, %dma_wait3A_25] : memref<26x4x128x8x128xf32, #tpu.memory_space<hbm>> -> memref<1x4x4x8x128xf32, #tpu.memory_space<hbm>>
    %dma_wait3A_27 = tpu.memref_squeeze %dma_wait3A_26 : memref<1x4x4x8x128xf32, #tpu.memory_space<hbm>> -> memref<4x4x8x128xf32, #tpu.memory_space<hbm>>
    tpu.wait_dma2 semaphore(%arg13 : memref<!tpu.dma_semaphore, #tpu.memory_space<semaphore_mem>>) src(%arg9 : memref<4x4x8x128xf32, #tpu.memory_space<vmem>>) dst(%dma_wait3A_27 : memref<4x4x8x128xf32, #tpu.memory_space<hbm>>)
    %mul3A_28 = arith.constant 4 : i32
    %mul3A_29 = arith.muli %mul3A_28, %add3A : i32
    %dma_wait3A_30 = arith.constant 25 : i32
    %dma_wait3A_31 = arith.constant 0 : i32
    %dma_wait3A_32 = arith.constant 0 : i32
    %dma_wait3A_33 = arith.constant 0 : i32
    %dma_wait3A_34 = tpu.memref_slice %arg4[%dma_wait3A_30, %dma_wait3A_31, %mul3A_29, %dma_wait3A_32, %dma_wait3A_33] : memref<26x4x128x8x128xf32, #tpu.memory_space<hbm>> -> memref<1x4x4x8x128xf32, #tpu.memory_space<hbm>>
    %dma_wait3A_35 = tpu.memref_squeeze %dma_wait3A_34 : memref<1x4x4x8x128xf32, #tpu.memory_space<hbm>> -> memref<4x4x8x128xf32, #tpu.memory_space<hbm>>
    %dma_wait3A_36 = arith.constant 0 : i32
    %dma_wait3A_37 = arith.constant 0 : i32
    %dma_wait3A_38 = arith.constant 0 : i32
    %dma_wait3A_39 = tpu.memref_slice %arg4[%dma_wait3A_30, %dma_wait3A_36, %mul3A_29, %dma_wait3A_37, %dma_wait3A_38] : memref<26x4x128x8x128xf32, #tpu.memory_space<hbm>> -> memref<1x4x4x8x128xf32, #tpu.memory_space<hbm>>
    %dma_wait3A_40 = tpu.memref_squeeze %dma_wait3A_39 : memref<1x4x4x8x128xf32, #tpu.memory_space<hbm>> -> memref<4x4x8x128xf32, #tpu.memory_space<hbm>>
    tpu.wait_dma2 semaphore(%arg14 : memref<!tpu.dma_semaphore, #tpu.memory_space<semaphore_mem>>) src(%arg10 : memref<4x4x8x128xf32, #tpu.memory_space<vmem>>) dst(%dma_wait3A_40 : memref<4x4x8x128xf32, #tpu.memory_space<hbm>>)
    return
  }
}

</mosaic_0001>

<sc_bundles>
// kernel: kernel.3.cloned.1.call-start
scs
__scs_entry_jumppad:
0x0: {  	(pc) =	sbr.rel $0x88, $3  }
0x1: {  	(tag) =	ssettag $0x0;
	lr =	simm.s32 $0x1  }
0x2: {  	[smem:$0x3F9F] =	sst lr;
	_ =	strace $0xD0000000  }
0x3: {  	_ = 	snop  }
0x4: {  	_ = 	snop  }
0x5: {  	_ = 	snop  }
0x6: {  	_ = 	snop  }
0x7: {  	_ = 	snop  }
__scs_overlays_trampoline_lowered:
0x8: {  	[smem:$0x3FAE] =	sst s0  }
0x9: {  	[smem:$0x3FAF] =	sst s1  }
0xa: {  	[smem:$0x3FB0] =	sst s2  }
0xb: {  	[smem:$0x3FB1] =	sst s3  }
0xc: {  	[smem:$0x3FB2] =	sst s4  }
0xd: {  	[smem:$0x3FB3] =	sst s5  }
0xe: {  	[smem:$0x3FB4] =	sst s6  }
0xf: {  	[smem:$0x3FB5] =	sst s7  }
0x10: {  	[smem:$0x3FB6] =	sst s8  }
0x11: {  	[smem:$0x3FB7] =	sst s9;
	s0 =	simm.s32 @!p0 $0x0  }
0x12: {  	s1 =	sld [smem:$0x3F9D];
	s0 =	simm.s32 @p0 $0x1  }
0x13: {  	[smem:$0x3FB8] =	sst s0;
	s0 =	simm.s32 @!p1 $0x0  }
0x14: {  	s2 =	sld [smem:$0x3F9C];
	s0 =	simm.s32 @p1 $0x1  }
0x15: {  	[smem:$0x3FB9] =	sst s0;
	s0 =	simm.s32 @!p2 $0x0  }
0x16: {  	s3 =	sld [smem:$0x3FDB];
	s0 =	simm.s32 @p2 $0x1  }
0x17: {  	s4 =	simm.s32 $0x1BF5;
	[smem:$0x3FBB] =	sst s0  }
0x18: {  	s0 =	sld [smem:$0x3F9E];
	_ =	swait.ge [sflag:s4], $0x0  }
0x19: {  	s7 =	sld [smem:$0x3F9F]  }
0x1a: {  	s8 =	sadd.s32 $0xFFFFE003, lr  }
0x1b: {  	s9 =	sadd.s32 $0xFFFFFEF7, lr;
	s5 =	simm.s32 $0xFFFFFFFF;
	p2 =	slt.u32 s8, $0xFFFFF086  }
0x1c: {  	p1 =	slt.u32 s9, $0xF7A;
	s5 =	simm.s32 @!p2 $0x0  }
0x1d: {  	s5 =	simm.s32 @p1 $0x1;
	p0 =	seq.s32 s7, s2  }
0x1e: {  	s7 =	smul.u32 @!p0 $0xF7A, s2;
	p2 =	seq.s32 @!p0 s5, $0x0  }
0x1f: {  	s9 =	smul.u32 $0xF7A, s1;
	s8 =	simm.s32 @!p0 $0x1BF5;
	p2 =	por !p2, p0  }
0x20: {  	[sflag:s8] =	ssyncset.s32 @!p0 $0xFFFFF086;
	s6 =	sadd.s32 @!p0 s3, s7;
	s7 =	simm.s32 @!p0 $0x108  }
0x21: {  	s3 =	sadd.s32 s3, s9;
	s6 =	sadd.s32 @!p0 $0x88, s6;
	s7 =	simm.s32 @p2 $0x1082  }
0x22: {  	[simem:s7], [sflag:s8] =	dma.local @!p0 [hbm:s6], $0xF7A  }
0x23: {  	s9 =	sor.u32 $0xD0000000, s2;
	s6 =	simm.s32 $0x108;
	_ =	swait.ge @!p0 [sflag:s8], $0x0  }
0x24: {  	s3 =	sadd.s32 $0x88, s3;
	s6 =	simm.s32 @!p1 $0x1082;
	[sflag:s4] =	ssyncset.s32 $0xFFFFF086  }
0x25: {  	[simem:s6], [sflag:s4] =	dma.local [hbm:s3], $0xF7A  }
0x26: {  	[smem:$0x3F9F] =	sst s1;
	(tag) =	ssettag s2;
	_ =	strace s9  }
0x27: {  	s1 =	sld [smem:$0x3FAF]  }
0x28: {  	s2 =	sld [smem:$0x3FB0]  }
0x29: {  	s4 =	sld [smem:$0x3FB2]  }
0x2a: {  	p0 =	seq.s32 s5, $0x0;
	s5 =	sld [smem:$0x3FB3]  }
0x2b: {  	s6 =	sld [smem:$0x3FB4]  }
0x2c: {  	s7 =	sld [smem:$0x3FB5]  }
0x2d: {  	s3 =	simm.s32 $0x108;
	s8 =	sld [smem:$0x3FB6]  }
0x2e: {  	s3 =	simm.s32 @!p0 $0x1082;
	s9 =	sld [smem:$0x3FB7]  }
0x2f: {  	lr =	sadd.s32 s0, s3;
	s0 =	sld [smem:$0x3FAE]  }
0x30: {  	s3 =	sld [smem:$0x3FB1]  }
0x31: {  	[smem:$0x3FBA] =	sst s10  }
0x32: {  	s10 =	sld [smem:$0x3FB8];
	_ =	sdelay $0x3  }
0x33: {  	p0 =	seq.s32 s10, $0x1;
	s10 =	sld [smem:$0x3FBA];
	_ =	sdelay $0x3  }
0x34: {  	[smem:$0x3FBA] =	sst s10  }
0x35: {  	s10 =	sld [smem:$0x3FB9];
	_ =	sdelay $0x3  }
0x36: {  	p1 =	seq.s32 s10, $0x1;
	s10 =	sld [smem:$0x3FBA];
	_ =	sdelay $0x3  }
0x37: {  	[smem:$0x3FBA] =	sst s10  }
0x38: {  	s10 =	sld [smem:$0x3FBB]  }
0x39: {  	_ = 	snop;
	(pc) =	sbr.ind lr, $3  }
0x3a: {  	_ = 	snop  }
0x3b: {  	_ = 	snop  }
0x3c: {  	p2 =	seq.s32 s10, $0x1;
	s10 =	sld [smem:$0x3FBA]  }
0x3d: {  	_ =	shalt  }
0x3e: {  	_ =	shalt  }
0x3f: {  	_ =	shalt  }
0x40: {  	_ =	shalt  }
0x41: {  	_ =	shalt  }
0x42: {  	_ =	shalt  }
0x43: {  	_ =	shalt  }
0x44: {  	_ =	shalt  }
0x45: {  	_ =	shalt  }
0x46: {  	_ =	shalt  }
0x47: {  	_ =	shalt  }
0x48: {  	_ =	shalt  }
0x49: {  	_ =	shalt  }
0x4a: {  	_ =	shalt  }
0x4b: {  	_ =	shalt  }
0x4c: {  	_ =	shalt  }
0x4d: {  	_ =	shalt  }
0x4e: {  	_ =	shalt  }
0x4f: {  	_ =	shalt  }
0x50: {  	_ =	shalt  }
0x51: {  	_ =	shalt  }
0x52: {  	_ =	shalt  }
0x53: {  	_ =	shalt  }
0x54: {  	_ =	shalt  }
0x55: {  	_ =	shalt  }
0x56: {  	_ =	shalt  }
0x57: {  	_ =	shalt  }
0x58: {  	_ =	shalt  }
0x59: {  	_ =	shalt  }
0x5a: {  	_ =	shalt  }
0x5b: {  	_ =	shalt  }
0x5c: {  	_ =	shalt  }
0x5d: {  	_ =	shalt  }
0x5e: {  	_ =	shalt  }
0x5f: {  	_ =	shalt  }
0x60: {  	_ =	shalt  }
0x61: {  	_ =	shalt  }
0x62: {  	_ =	shalt  }
0x63: {  	_ =	shalt  }
0x64: {  	_ =	shalt  }
0x65: {  	_ =	shalt  }
0x66: {  	_ =	shalt  }
0x67: {  	_ =	shalt  }
0x68: {  	_ =	shalt  }
0x69: {  	_ =	shalt  }
0x6a: {  	_ =	shalt  }
0x6b: {  	_ =	shalt  }
0x6c: {  	_ =	shalt  }
0x6d: {  	_ =	shalt  }
0x6e: {  	_ =	shalt  }
0x6f: {  	_ =	shalt  }
0x70: {  	_ =	shalt  }
0x71: {  	_ =	shalt  }
0x72: {  	_ =	shalt  }
0x73: {  	_ =	shalt  }
0x74: {  	_ =	shalt  }
0x75: {  	_ =	shalt  }
0x76: {  	_ =	shalt  }
0x77: {  	_ =	shalt  }
0x78: {  	_ =	shalt  }
0x79: {  	_ =	shalt  }
0x7a: {  	_ =	shalt  }
0x7b: {  	_ =	shalt  }
0x7c: {  	_ =	shalt  }
0x7d: {  	_ =	shalt  }
0x7e: {  	_ =	shalt  }
0x7f: {  	_ =	shalt  }
0x80: {  	_ =	shalt  }
0x81: {  	_ =	shalt  }
0x82: {  	_ =	shalt  }
0x83: {  	_ =	shalt  }
0x84: {  	_ =	shalt  }
0x85: {  	_ =	shalt  }
0x86: {  	_ =	shalt  }
0x87: {  	_ =	shalt  }
.Lfunc_end0:
.L_simem_size_0:
called_computation_lowered:
.L_overlay_start_0:
0x88: {  	s2 =	sld [smem:$0x3FD9]  }
0x89: {  	s3 =	sld [smem:$0x3FFE];
	_ =	sdelay $0x1  }
0x8a: {  	s1 =	srdreg.scid  }
0x8b: {  	s0 =	sand.u32 $0x1, s1  }
0x8c: {  	s17 =	sshll.u32 s0, $0xA;
	s2 =	sadd.s32 s3, s2  }
0x8d: {  	s2 =	sadd.s32 s2, s17  }
0x8e: {  	[smem:$0x3FC6] =	sst s2  }
0x8f: {  	_ = 	snop  }
0x90: {  	s2 =	sld [smem:$0x3FD0];
	(tm) =	ssettm $0x1  }
0x91: {  	s18 =	sld [smem:$0x3FFB];
	_ =	sdelay $0x3  }
0x92: {  	_ =	strace s18  }
0x93: {  	s3 =	sld [smem:$0x3FFC];
	_ =	sdelay $0x3  }
0x94: {  	_ =	strace s3  }
0x95: {  	s3 =	sld [smem:$0x3FFD];
	_ =	sdelay $0x3  }
0x96: {  	_ =	strace s3  }
0x97: {  	_ =	strace $0x8FFFFFFF  }
0x98: {  	s19 =	sld [smem:$0x3FDB];
	_ =	sdelay $0x1  }
0x99: {  	s4 =	simm.s32 $_scs_section_size  }
0x9a: {  	s5 =	simm.s32 $_size__tile_overlayer_lowered;
	s6 =	simm.s32 $_tile_overlayer_lowered  }
0x9b: {  	s22 =	simm.s32 $0x1BFF;
	s21 =	sshll.u32 s6, $0x1;
	s3 =	sadd.s32 s4, s19  }
0x9c: {  	s7 =	simm.s32 $0x0;
	s20 =	sshll.u32 s5, $0x1;
	s5 =	sadd.s32 s21, s3  }
0x9d: {  	[timem:s7], [sflag:s22] =	dma.local [hbm:s5], s20  }
0x9e: {  	_ =	swait.ge [sflag:s22], s20  }
0x9f: {  	s4 =	ssub.s32 $0x0, s20;
	[sflag:s22] =	ssyncset.done $0x0  }
0xa0: {  	[sflag:s22] =	ssyncadd.s32 s4;
	_ =	sdelay $0x1  }
0xa1: {  	s23 =	simm.s32 $0x1B8B  }
0xa2: {  	_ =	swait.ge [sflag:s23], $0x1  }
0xa3: {  	[sflag:s23] =	ssyncset.done $0x0  }
0xa4: {  	s25 =	simm.s32 $0x1B8E;
	s24 =	sld [smem:$0x3FFE];
	[sflag:s23] =	ssyncadd.s32 $0xFFFFFFFF  }
0xa5: {  	s26 =	simm.s32 $execute0_lowered;
	[smem:$0x3FD2] =	sst s25  }
0xa6: {  	s5 =	sshll.u32 s26, $0x1;
	_ =	strace $0x80000046;
	[dreg:$0x1] =	wrdreg $0xFFFFFFFF  }
0xa7: {  	s28 =	simm.s32 $_size_execute0_lowered;
	s3 =	sadd.s32 s3, s5;
	[dreg:$0x0] =	wrdreg $0x0  }
0xa8: {  	s5 =	sshll.u32 s28, $0x1;
	[dreg:$0x2] =	wrdreg s3  }
0xa9: {  	[dreg:$0x3] =	wrdreg s5  }
0xaa: {  	[dreg:$0x4] =	wrdreg $0xC0  }
0xab: {  	_ =	task [dreg:s7], $0x5FFFF  }
0xac: {  	[dreg:$0x1] =	wrdreg $0xFFFFFFFF  }
0xad: {  	[dreg:$0x0] =	wrdreg $0x60  }
0xae: {  	[dreg:$0x2] =	wrdreg s24  }
0xaf: {  	[dreg:$0x3] =	wrdreg s2  }
0xb0: {  	[dreg:$0x4] =	wrdreg $0x9  }
0xb1: {  	_ =	task.clear_ibuf [dreg:s7], $0x5FFFF;
	_ =	strace $0x90000046  }
0xb2: {  	s29 =	simm.s32 $0x9;
	_ =	strace $0x80000048  }
0xb3: {  	_ =	swait.ge [sflag:s29], $0x1  }
0xb4: {  	[sflag:s29] =	ssyncadd.s32 $0xFFFFFFFF  }
0xb5: {  	_ =	strace $0x90000048  }
0xb6: {  	_ =	sfence  }
0xb7: {  	s30 =	sld [smem:$0x0];
	_ =	sdelay $0x2  }
0xb8: {  	s31 =	sshll.u32 s1, $0xD;
	s1 =	sshrl.u32 s1, $0x2  }
0xb9: {  	s3 =	sand.u32 $0x4000, s31;
	s1 =	sadd.s32 s1, s30  }
0xba: {  	s0 =	sor.u32 s3, s0;
	s1 =	sshll.u32 s1, $0x11  }
0xbb: {  	s0 =	sor.u32 s1, s0  }
0xbc: {  	s0 =	sadd.s32 $0x8F2B, s0  }
0xbd: {  	[sflag:s0] =	ssyncadd.remote.s32 $0x1  }
0xbe: {  	_ =	sfence.sel $0xFFFF  }
0xbf: {  	[dreg:$0x0] =	wrdreg $0xFFFFFFFF;
	(pc) =	sbr.abs _section_cstart, $3  }
0xc0: {  	[dreg:$0x1] =	wrdreg $0xFFFFFFFF  }
0xc1: {  	_ =	task.clear_ibuf [dreg:s7], $0x2FFFF;
	_ =	strace $0x9FFFFFFF  }
0xc2: {  	(tm) =	ssettm $0x7FFFFFFF  }
0xc3: {  	_ =	shalt  }
tec
execute0_lowered:
.L_overlay_start_1:
0x0: {  	(tag) =	ssettag $0x1  }
0x1: {  	s0 =	rddreg [dreg:$0x0]  }
0x2: {  	s1 =	rddreg [dreg:$0x1];
	s3 =	simm.s32 $0x0  }
0x3: {  	s2 =	srdreg.scid;
	s4 =	stileid.u32;
	s13 =	simm.s32 $0x5  }
0x4: {  	v0 =	vlaneseq.u32;
	s14 =	simm.s32 $0x200;
	s15 =	simm.s32 $0x400;
	s16 =	simm.s32 $0x4400  }
0x5: {  	s17 =	simm.s32 $0x1;
	s18 =	simm.s32 $0x1000;
	s19 =	simm.s32 $0x20000;
	v36 =	vmul.u32 $0x20, v0  }
0x6: {  	s20 =	simm.s32 $0x8400;
	s21 =	simm.s32 $0x2;
	[smem:$0x7FF] =	sst s3  }
0x7: {  	s22 =	simm.s32 $0x4;
	s23 =	simm.s32 $0xC400;
	_ =	strace $0x80000047;
	v37 =	vor.u32 $0xE00, v36;
	[tilespmem:$0x1FF80] =	vst v36  }
0x8: {  	s25 =	simm.s32 $0x0;
	s2 =	sand.u32 $0x1, s2;
	s5 =	sshll.u32 s4, $0x1;
	v44 =	vor.u32 $0xC00, v36;
	[tilespmem:$0x1FF90] =	vst v37  }
0x9: {  	s4 =	sadd.s32 $0x600, s0;
	s6 =	ssub.s32 $0x2, s2;
	s2 =	sor.u32 s2, s5;
	v45 =	vor.u32 $0xA00, v36;
	[tilespmem:$0x1FFA0] =	vst v44  }
.Ltmp0:
0xa: {  	s30 =	sshrl.u32 s6, $0x1;
	s7 =	sshll.u32 s2, $0x6;
	v38 =	vor.u32 $0x800, v36;
	[tilespmem:$0x1FFB0] =	vst v45;
	(pc) =	sbr.rel .LBB2_1-.Ltmp0, $4  }
0xb: {  	s5 =	sadd.s32 $0xF42A00, s0;
	v43 =	vor.u32 $0x600, v36;
	s0 =	ssub.s32 s6, s30;
	s31 =	sadd.s32 s4, s7;
	[tilespmem:$0x1FFC0] =	vst v38  }
0xc: {  	v33 =	vor.u32 $0x400, v36;
	s6 =	sshll.u32 s2, $0x9;
	[tilespmem:$0x1FFD0] =	vst v43;
	[dreg:$0x3] =	wrdreg s31;
	s2 =	sadd.s32 $0x800, s31  }
0xd: {  	s11 =	sadd.s32 $0x10000, s1;
	v40 =	vor.u32 $0x200, v36;
	[tilespmem:$0x1FFE0] =	vst v33;
	s0 =	smax.u32 s0, $0x1;
	[dreg:$0x4] =	wrdreg s2  }
0xe: {  	[tilespmem:$0x1FFF0] =	vst v40;
	s9 =	sor.u32 $0x8000, s6;
	s10 =	sor.u32 $0xC000, s6;
	[dreg:$0x5] =	wrdreg s0  }
.LBB2_12:
0xf: {  	s0 =	simm.s32 $0x3  }
0x10: {  	_ =	swait.ge [sflag:s0], $0x4000  }
0x11: {  	[sflag:s0] =	ssyncset.done $0x0  }
0x12: {  	[sflag:s0] =	ssyncadd.s32 $0xFFFFC000  }
0x13: {  	_ =	swait.ge [sflag:s22], $0x4000  }
0x14: {  	s25 =	sadd.s32 $0x1, s25;
	s31 =	rddreg [dreg:$0x5]  }
0x15: {  	p0 =	sne.s32 s25, s31  }
.Ltmp1:
0x16: {  	_ = 	snop;
	(pc) =	sbr.rel @!p0 .LBB2_13-.Ltmp1, $3  }
0x17: {  	_ =	sdelay $0x1  }
0x18: {  	[sflag:s22] =	ssyncset.done $0x0;
	v37 =	vld [tilespmem:$0x1FF90]  }
0x19: {  	v33 =	vld [tilespmem:$0x1FFE0];
	[sflag:s22] =	ssyncadd.s32 $0xFFFFC000  }
.LBB2_1:
0x1a: {  	s0 =	rddreg [dreg:$0x3]  }
0x1b: {  	[tilespmem:s3], [sflag:$0x5] =	stream.linear.gather [hbm4b:s0+s3], $0x200, $0x38;
	[tilespmem:$0x10400] =	vst v63  }
0x1c: {  	_ =	swait.ge [sflag:s13], $0x200  }
0x1d: {  	[sflag:s13] =	ssyncset.done $0x0  }
0x1e: {  	[sflag:s13] =	ssyncadd.s32 $0xFFFFFE00  }
0x1f: {  	[tilespmem:s15], [sflag:$0x1] =	stream.indirect.gather [hbm4b:s5+s14], $0x20, s3, s14, $0xb8;
	[tilespmem:$0x10400] =	vst v63  }
0x20: {  	s31 =	rddreg [dreg:$0x4]  }
0x21: {  	[tilespmem:s14], [sflag:$0x5] =	stream.linear.gather [hbm4b:s31+s3], $0x200, $0x38;
	[tilespmem:$0x10400] =	vst v63  }
0x22: {  	_ =	swait.ge [sflag:s13], $0x200  }
0x23: {  	[sflag:s13] =	ssyncset.done $0x0  }
0x24: {  	s26 =	simm.s32 $0x0;
	[sflag:s13] =	ssyncadd.s32 $0xFFFFFE00  }
0x25: {  	[tilespmem:s16], [sflag:$0x2] =	stream.indirect.gather [hbm4b:s5+s14], $0x20, s14, s14, $0xb8;
	[tilespmem:$0x10400] =	vst v63  }
.LBB2_2:
0x26: {  	s0 =	simm.s32 $0x0  }
0x27: {  	s2 =	simm.s32 $0x0;
	s0 =	sand.u32 $0x2, s0  }
0x28: {  	v0 =	vmov s2;
	s24 =	sor.u32 $0x1, s0  }
0x29: {  	v0 =	vshrl.u32 v0, $0x3;
	s7 =	sshll.u32 s24, $0x7  }
0x2a: {  	v0 =	vshll.u32 v0, $0x3;
	v1 =	vmov s7  }
0x2b: {  	v8 =	vbroadcast v0, $0x0;
	v0 =	vshll.u32 v1, $0x5  }
0x2c: {  	_ =	swait.ge [sflag:s17], $0x4000;
	v1 =	vor.u32 v36, v0  }
0x2d: {  	p0 =	seq.s32 s26, $0x0;
	[sflag:s17] =	ssyncset.done $0x0;
	v1 =	vadd.s32 v8, v1  }
0x2e: {  	[sflag:s17] =	ssyncadd.s32 $0xFFFFC000;
	s7 =	simm.s32 @!p0 $0x3;
	v2 =	vor.u32 $0x1, v1  }
0x2f: {  	_ =	swait.ge @!p0 [sflag:s7], $0x4000;
	v3 =	vor.u32 $0x2, v1  }
0x30: {  	[sflag:s7] =	ssyncset.done @!p0 $0x0;
	v4 =	vor.u32 $0x3, v1  }
0x31: {  	[sflag:s7] =	ssyncadd.s32 @!p0 $0xFFFFC000;
	v5 =	vor.u32 $0x4, v1  }
0x32: {  	v7 =	vor.u32 $0x5, v1;
	v6 =	vld.idx.msk [tilespmem:v1+s15+$0x0], $0xffff  }
0x33: {  	v9 =	vor.u32 $0x6, v1;
	v2 =	vld.idx.msk [tilespmem:v2+s15+$0x0], $0xffff  }
0x34: {  	v1 =	vor.u32 $0x7, v1;
	v3 =	vld.idx.msk [tilespmem:v3+s15+$0x0], $0xffff  }
0x35: {  	s12 =	simm.s32 $0x0;
	v4 =	vld.idx.msk [tilespmem:v4+s15+$0x0], $0xffff  }
0x36: {  	s7 =	sand.u32 $0x3FFFF000, s12;
	v5 =	vld.idx.msk [tilespmem:v5+s15+$0x0], $0xffff  }
0x37: {  	s2 =	sshll.u32 s24, $0xA;
	s8 =	sadd.s32 $0x8400, s7;
	v7 =	vld.idx.msk [tilespmem:v7+s15+$0x0], $0xffff  }
0x38: {  	s2 =	sadd.s32 s2, s8;
	v9 =	vld.idx.msk [tilespmem:v9+s15+$0x0], $0xffff  }
0x39: {  	v1 =	vld.idx.msk [tilespmem:v1+s15+$0x0], $0xffff;
	[tilespmem:s2+$0x0] =	vst v6  }
0x3a: {  	[tilespmem:s2+$0x80] =	vst v2  }
0x3b: {  	[tilespmem:s2+$0x100] =	vst v3;
	v2 =	vor.u32 v40, v0  }
0x3c: {  	[tilespmem:s2+$0x180] =	vst v4;
	v2 =	vadd.s32 v8, v2  }
0x3d: {  	[tilespmem:s2+$0x200] =	vst v5;
	v3 =	vor.u32 $0x1, v2  }
0x3e: {  	[tilespmem:s2+$0x280] =	vst v7;
	v4 =	vor.u32 $0x2, v2  }
0x3f: {  	[tilespmem:s2+$0x300] =	vst v9;
	v5 =	vor.u32 $0x3, v2  }
0x40: {  	v7 =	vor.u32 $0x5, v2;
	[tilespmem:s2+$0x380] =	vst v1  }
0x41: {  	v9 =	vor.u32 $0x6, v2;
	v6 =	vld.idx.msk [tilespmem:v2+s15+$0x0], $0xffff  }
0x42: {  	v1 =	vor.u32 $0x4, v2;
	v3 =	vld.idx.msk [tilespmem:v3+s15+$0x0], $0xffff  }
0x43: {  	v2 =	vor.u32 $0x7, v2;
	v4 =	vld.idx.msk [tilespmem:v4+s15+$0x0], $0xffff  }
0x44: {  	v5 =	vld.idx.msk [tilespmem:v5+s15+$0x0], $0xffff  }
0x45: {  	v7 =	vld.idx.msk [tilespmem:v7+s15+$0x0], $0xffff  }
0x46: {  	v9 =	vld.idx.msk [tilespmem:v9+s15+$0x0], $0xffff  }
0x47: {  	v1 =	vld.idx.msk [tilespmem:v1+s15+$0x0], $0xffff  }
0x48: {  	v2 =	vld.idx.msk [tilespmem:v2+s15+$0x0], $0xffff;
	[tilespmem:s2+$0x10] =	vst v6  }
0x49: {  	[tilespmem:s2+$0x90] =	vst v3  }
0x4a: {  	[tilespmem:s2+$0x110] =	vst v4;
	v3 =	vor.u32 v33, v0  }
0x4b: {  	[tilespmem:s2+$0x190] =	vst v5;
	v3 =	vadd.s32 v8, v3  }
0x4c: {  	[tilespmem:s2+$0x210] =	vst v1;
	v1 =	vor.u32 $0x1, v3  }
0x4d: {  	[tilespmem:s2+$0x290] =	vst v7;
	v4 =	vor.u32 $0x2, v3  }
0x4e: {  	[tilespmem:s2+$0x310] =	vst v9;
	v5 =	vor.u32 $0x3, v3  }
0x4f: {  	v7 =	vor.u32 $0x5, v3;
	[tilespmem:s2+$0x390] =	vst v2  }
0x50: {  	v9 =	vor.u32 $0x6, v3;
	v6 =	vld.idx.msk [tilespmem:v3+s15+$0x0], $0xffff  }
0x51: {  	v2 =	vor.u32 $0x4, v3;
	v1 =	vld.idx.msk [tilespmem:v1+s15+$0x0], $0xffff  }
0x52: {  	v3 =	vor.u32 $0x7, v3;
	v4 =	vld.idx.msk [tilespmem:v4+s15+$0x0], $0xffff  }
0x53: {  	v5 =	vld.idx.msk [tilespmem:v5+s15+$0x0], $0xffff  }
0x54: {  	v7 =	vld.idx.msk [tilespmem:v7+s15+$0x0], $0xffff  }
0x55: {  	v9 =	vld.idx.msk [tilespmem:v9+s15+$0x0], $0xffff  }
0x56: {  	v2 =	vld.idx.msk [tilespmem:v2+s15+$0x0], $0xffff  }
0x57: {  	v3 =	vld.idx.msk [tilespmem:v3+s15+$0x0], $0xffff;
	[tilespmem:s2+$0x20] =	vst v6  }
0x58: {  	[tilespmem:s2+$0xA0] =	vst v1  }
0x59: {  	[tilespmem:s2+$0x120] =	vst v4;
	v1 =	vor.u32 v43, v0  }
0x5a: {  	[tilespmem:s2+$0x1A0] =	vst v5;
	v1 =	vadd.s32 v8, v1  }
0x5b: {  	[tilespmem:s2+$0x220] =	vst v2;
	v2 =	vor.u32 $0x1, v1  }
0x5c: {  	[tilespmem:s2+$0x2A0] =	vst v7;
	v4 =	vor.u32 $0x2, v1  }
0x5d: {  	[tilespmem:s2+$0x320] =	vst v9;
	v5 =	vor.u32 $0x3, v1  }
0x5e: {  	v7 =	vor.u32 $0x5, v1;
	[tilespmem:s2+$0x3A0] =	vst v3  }
0x5f: {  	v9 =	vor.u32 $0x6, v1;
	v6 =	vld.idx.msk [tilespmem:v1+s15+$0x0], $0xffff  }
0x60: {  	v3 =	vor.u32 $0x4, v1;
	v2 =	vld.idx.msk [tilespmem:v2+s15+$0x0], $0xffff  }
0x61: {  	v1 =	vor.u32 $0x7, v1;
	v4 =	vld.idx.msk [tilespmem:v4+s15+$0x0], $0xffff  }
0x62: {  	v5 =	vld.idx.msk [tilespmem:v5+s15+$0x0], $0xffff  }
0x63: {  	v7 =	vld.idx.msk [tilespmem:v7+s15+$0x0], $0xffff  }
0x64: {  	v9 =	vld.idx.msk [tilespmem:v9+s15+$0x0], $0xffff  }
0x65: {  	v3 =	vld.idx.msk [tilespmem:v3+s15+$0x0], $0xffff  }
0x66: {  	v1 =	vld.idx.msk [tilespmem:v1+s15+$0x0], $0xffff;
	[tilespmem:s2+$0x30] =	vst v6  }
0x67: {  	[tilespmem:s2+$0xB0] =	vst v2  }
0x68: {  	[tilespmem:s2+$0x130] =	vst v4;
	v2 =	vor.u32 v38, v0  }
0x69: {  	[tilespmem:s2+$0x1B0] =	vst v5;
	v2 =	vadd.s32 v8, v2  }
0x6a: {  	[tilespmem:s2+$0x230] =	vst v3;
	v3 =	vor.u32 $0x1, v2  }
0x6b: {  	[tilespmem:s2+$0x2B0] =	vst v7;
	v4 =	vor.u32 $0x2, v2  }
0x6c: {  	s24 =	sshll.u32 s0, $0x7;
	[tilespmem:s2+$0x330] =	vst v9;
	v5 =	vor.u32 $0x3, v2  }
0x6d: {  	v6 =	vmov s24;
	v7 =	vor.u32 $0x5, v2;
	[tilespmem:s2+$0x3B0] =	vst v1  }
0x6e: {  	v10 =	vshll.u32 v6, $0x5;
	v11 =	vor.u32 $0x6, v2;
	v6 =	vld.idx.msk [tilespmem:v2+s15+$0x0], $0xffff  }
0x6f: {  	v9 =	vor.u32 v36, v10;
	v1 =	vor.u32 $0x4, v2;
	v3 =	vld.idx.msk [tilespmem:v3+s15+$0x0], $0xffff  }
0x70: {  	v9 =	vadd.s32 v8, v9;
	v2 =	vor.u32 $0x7, v2;
	v4 =	vld.idx.msk [tilespmem:v4+s15+$0x0], $0xffff  }
0x71: {  	v12 =	vor.u32 $0x1, v9;
	v5 =	vld.idx.msk [tilespmem:v5+s15+$0x0], $0xffff  }
0x72: {  	v13 =	vor.u32 $0x2, v9;
	v7 =	vld.idx.msk [tilespmem:v7+s15+$0x0], $0xffff  }
0x73: {  	v11 =	vld.idx.msk [tilespmem:v11+s15+$0x0], $0xffff  }
0x74: {  	v14 =	vor.u32 $0x3, v9;
	v1 =	vld.idx.msk [tilespmem:v1+s15+$0x0], $0xffff  }
0x75: {  	v15 =	vor.u32 $0x4, v9;
	v2 =	vld.idx.msk [tilespmem:v2+s15+$0x0], $0xffff;
	[tilespmem:s2+$0x40] =	vst v6  }
0x76: {  	v16 =	vor.u32 $0x5, v9;
	v12 =	vld.idx.msk [tilespmem:v12+s15+$0x0], $0xffff;
	[tilespmem:s2+$0xC0] =	vst v3  }
0x77: {  	v17 =	vor.u32 $0x6, v9;
	v13 =	vld.idx.msk [tilespmem:v13+s15+$0x0], $0xffff;
	[tilespmem:s2+$0x140] =	vst v4  }
0x78: {  	v6 =	vor.u32 $0x7, v9;
	v9 =	vld.idx.msk [tilespmem:v9+s15+$0x0], $0xffff;
	v4 =	vor.u32 v45, v0;
	[tilespmem:s2+$0x1C0] =	vst v5  }
0x79: {  	v3 =	vld.idx.msk [tilespmem:v14+s15+$0x0], $0xffff;
	[tilespmem:s2+$0x2C0] =	vst v7;
	v4 =	vadd.s32 v8, v4  }
0x7a: {  	v14 =	vld.idx.msk [tilespmem:v15+s15+$0x0], $0xffff;
	[tilespmem:s2+$0x240] =	vst v1;
	v1 =	vor.u32 $0x1, v4  }
0x7b: {  	s0 =	sshll.u32 s0, $0xA;
	v5 =	vld.idx.msk [tilespmem:v16+s15+$0x0], $0xffff;
	[tilespmem:s2+$0x340] =	vst v11;
	v7 =	vor.u32 $0x2, v4  }
0x7c: {  	s29 =	sor.u32 s0, s8;
	v15 =	vld.idx.msk [tilespmem:v17+s15+$0x0], $0xffff;
	v11 =	vor.u32 $0x3, v4;
	[tilespmem:s2+$0x3C0] =	vst v2  }
0x7d: {  	v16 =	vor.u32 $0x5, v4;
	v6 =	vld.idx.msk [tilespmem:v6+s15+$0x0], $0xffff;
	[tilespmem:s29+$0x80] =	vst v12  }
0x7e: {  	v2 =	vor.u32 $0x4, v4;
	[tilespmem:s29+$0x100] =	vst v13;
	v12 =	vld.idx.msk [tilespmem:v4+s15+$0x0], $0xffff  }
0x7f: {  	v13 =	vor.u32 $0x6, v4;
	[tilespmem:s29+$0x0] =	vst v9;
	v1 =	vld.idx.msk [tilespmem:v1+s15+$0x0], $0xffff  }
0x80: {  	v17 =	vor.u32 v40, v10;
	[tilespmem:s29+$0x180] =	vst v3;
	v4 =	vor.u32 $0x7, v4;
	v3 =	vld.idx.msk [tilespmem:v7+s15+$0x0], $0xffff  }
0x81: {  	[tilespmem:s29+$0x200] =	vst v14;
	v7 =	vadd.s32 v8, v17;
	v11 =	vld.idx.msk [tilespmem:v11+s15+$0x0], $0xffff  }
0x82: {  	[tilespmem:s29+$0x300] =	vst v15;
	v15 =	vld.idx.msk [tilespmem:v16+s15+$0x0], $0xffff;
	v14 =	vor.u32 $0x1, v7  }
0x83: {  	[tilespmem:s29+$0x280] =	vst v5;
	v5 =	vor.u32 $0x2, v7;
	v2 =	vld.idx.msk [tilespmem:v2+s15+$0x0], $0xffff  }
0x84: {  	v16 =	vor.u32 $0x3, v7;
	[tilespmem:s29+$0x380] =	vst v6;
	v6 =	vld.idx.msk [tilespmem:v13+s15+$0x0], $0xffff  }
0x85: {  	v9 =	vor.u32 $0x5, v7;
	v4 =	vld.idx.msk [tilespmem:v4+s15+$0x0], $0xffff;
	[tilespmem:s2+$0x50] =	vst v12  }
0x86: {  	v13 =	vor.u32 $0x4, v7;
	v17 =	vld.idx.msk [tilespmem:v7+s15+$0x0], $0xffff;
	[tilespmem:s2+$0xD0] =	vst v1  }
0x87: {  	v12 =	vor.u32 $0x6, v7;
	[tilespmem:s2+$0x150] =	vst v3;
	v14 =	vld.idx.msk [tilespmem:v14+s15+$0x0], $0xffff  }
0x88: {  	v1 =	vor.u32 $0x7, v7;
	v3 =	vor.u32 v44, v0;
	[tilespmem:s2+$0x1D0] =	vst v11;
	v5 =	vld.idx.msk [tilespmem:v5+s15+$0x0], $0xffff  }
0x89: {  	[tilespmem:s2+$0x2D0] =	vst v15;
	v7 =	vld.idx.msk [tilespmem:v16+s15+$0x0], $0xffff;
	v3 =	vadd.s32 v8, v3  }
0x8a: {  	v9 =	vld.idx.msk [tilespmem:v9+s15+$0x0], $0xffff;
	[tilespmem:s2+$0x250] =	vst v2;
	v2 =	vor.u32 $0x1, v3  }
0x8b: {  	v11 =	vld.idx.msk [tilespmem:v13+s15+$0x0], $0xffff;
	v13 =	vor.u32 $0x2, v3;
	[tilespmem:s2+$0x350] =	vst v6  }
0x8c: {  	v6 =	vor.u32 $0x3, v3;
	v12 =	vld.idx.msk [tilespmem:v12+s15+$0x0], $0xffff;
	[tilespmem:s2+$0x3D0] =	vst v4  }
0x8d: {  	v16 =	vor.u32 $0x5, v3;
	v1 =	vld.idx.msk [tilespmem:v1+s15+$0x0], $0xffff;
	[tilespmem:s29+$0x10] =	vst v17  }
0x8e: {  	v4 =	vor.u32 $0x4, v3;
	v15 =	vld.idx.msk [tilespmem:v3+s15+$0x0], $0xffff;
	[tilespmem:s29+$0x90] =	vst v14  }
0x8f: {  	v14 =	vor.u32 $0x6, v3;
	[tilespmem:s29+$0x110] =	vst v5;
	v2 =	vld.idx.msk [tilespmem:v2+s15+$0x0], $0xffff  }
0x90: {  	v3 =	vor.u32 $0x7, v3;
	[tilespmem:s29+$0x190] =	vst v7;
	v5 =	vld.idx.msk [tilespmem:v13+s15+$0x0], $0xffff;
	v13 =	vor.u32 v33, v10  }
0x91: {  	[tilespmem:s29+$0x290] =	vst v9;
	v6 =	vld.idx.msk [tilespmem:v6+s15+$0x0], $0xffff;
	v7 =	vadd.s32 v8, v13  }
0x92: {  	[tilespmem:s29+$0x210] =	vst v11;
	v13 =	vld.idx.msk [tilespmem:v16+s15+$0x0], $0xffff;
	v11 =	vor.u32 $0x1, v7  }
0x93: {  	s8 =	simm.s32 $0x2;
	v4 =	vld.idx.msk [tilespmem:v4+s15+$0x0], $0xffff;
	v9 =	vor.u32 $0x2, v7;
	[tilespmem:s29+$0x310] =	vst v12  }
0x94: {  	s12 =	simm.s32 $0x4;
	s0 =	sand.u32 $0x2, s8;
	[tilespmem:s29+$0x390] =	vst v1;
	v12 =	vld.idx.msk [tilespmem:v14+s15+$0x0], $0xffff;
	v14 =	vor.u32 $0x3, v7  }
0x95: {  	s7 =	sor.u32 $0x1, s0;
	v1 =	vld.idx.msk [tilespmem:v3+s15+$0x0], $0xffff;
	v3 =	vor.u32 $0x4, v7;
	[tilespmem:s2+$0x60] =	vst v15;
	v15 =	vmov s12  }
0x96: {  	s24 =	sshll.u32 s7, $0x7;
	v0 =	vor.u32 v37, v0;
	v16 =	vor.u32 $0x5, v7;
	[tilespmem:s2+$0xE0] =	vst v2;
	v2 =	vshrl.u32 v15, $0x3;
	v17 =	vld.idx.msk [tilespmem:v7+s15+$0x0], $0xffff  }
0x97: {  	v15 =	vor.u32 $0x6, v7;
	[tilespmem:s2+$0x160] =	vst v5;
	v5 =	vmov s24;
	v2 =	vshll.u32 v2, $0x3;
	v11 =	vld.idx.msk [tilespmem:v11+s15+$0x0], $0xffff  }
0x98: {  	v0 =	vadd.s32 v8, v0;
	[tilespmem:s2+$0x1E0] =	vst v6;
	v18 =	vld.idx.msk [tilespmem:v9+s15+$0x0], $0xffff;
	v9 =	vbroadcast v2, $0x0;
	v2 =	vshll.u32 v5, $0x5  }
0x99: {  	v22 =	vor.u32 $0x7, v0;
	[tilespmem:s2+$0x260] =	vst v4;
	v4 =	vor.u32 v36, v2;
	v6 =	vld.idx.msk [tilespmem:v14+s15+$0x0], $0xffff  }
0x9a: {  	[tilespmem:s2+$0x2E0] =	vst v13;
	v14 =	vld.idx.msk [tilespmem:v3+s15+$0x0], $0xffff;
	v3 =	vadd.s32 v9, v4  }
0x9b: {  	v13 =	vld.idx.msk [tilespmem:v16+s15+$0x0], $0xffff;
	[tilespmem:s2+$0x360] =	vst v12;
	v4 =	vor.u32 $0x1, v3  }
0x9c: {  	[tilespmem:s2+$0x3E0] =	vst v1;
	v12 =	vld.idx.msk [tilespmem:v15+s15+$0x0], $0xffff;
	v5 =	vor.u32 $0x2, v3  }
0x9d: {  	v1 =	vor.u32 $0x3, v3;
	v15 =	vld.idx.msk [tilespmem:v0+s15+$0x0], $0xffff  }
0x9e: {  	v16 =	vor.u32 $0x4, v3;
	v22 =	vld.idx.msk [tilespmem:v22+s15+$0x0], $0xffff  }
0x9f: {  	v20 =	vor.u32 $0x5, v3;
	v19 =	vld.idx.msk [tilespmem:v3+s15+$0x0], $0xffff  }
0xa0: {  	v21 =	vor.u32 $0x6, v3;
	v4 =	vld.idx.msk [tilespmem:v4+s15+$0x0], $0xffff  }
0xa1: {  	v3 =	vor.u32 $0x7, v3;
	v5 =	vld.idx.msk [tilespmem:v5+s15+$0x0], $0xffff  }
0xa2: {  	v23 =	vor.u32 $0x1, v0;
	s12 =	simm.s32 $0x800;
	v1 =	vld.idx.msk [tilespmem:v1+s15+$0x0], $0xffff  }
0xa3: {  	v26 =	vor.u32 $0x4, v0;
	s8 =	sand.u32 $0x3FFFF000, s12;
	v16 =	vld.idx.msk [tilespmem:v16+s15+$0x0], $0xffff  }
0xa4: {  	s7 =	sshll.u32 s7, $0xA;
	v24 =	vor.u32 $0x2, v0;
	s12 =	sadd.s32 $0x8400, s8;
	v20 =	vld.idx.msk [tilespmem:v20+s15+$0x0], $0xffff  }
0xa5: {  	v25 =	vor.u32 $0x3, v0;
	s8 =	sadd.s32 s7, s12;
	v21 =	vld.idx.msk [tilespmem:v21+s15+$0x0], $0xffff  }
0xa6: {  	v28 =	vor.u32 $0x5, v0;
	v27 =	vld.idx.msk [tilespmem:v3+s15+$0x0], $0xffff;
	[tilespmem:s8+$0x0] =	vst v19  }
0xa7: {  	v19 =	vld.idx.msk [tilespmem:v23+s15+$0x0], $0xffff;
	v23 =	vor.u32 $0x6, v0;
	[tilespmem:s8+$0x80] =	vst v4  }
0xa8: {  	v7 =	vor.u32 $0x7, v7;
	v0 =	vor.u32 v40, v2;
	v3 =	vld.idx.msk [tilespmem:v26+s15+$0x0], $0xffff;
	[tilespmem:s8+$0x100] =	vst v5  }
0xa9: {  	v4 =	vld.idx.msk [tilespmem:v24+s15+$0x0], $0xffff;
	[tilespmem:s8+$0x180] =	vst v1;
	v24 =	vadd.s32 v9, v0  }
0xaa: {  	v5 =	vld.idx.msk [tilespmem:v25+s15+$0x0], $0xffff;
	[tilespmem:s8+$0x200] =	vst v16;
	v16 =	vor.u32 $0x1, v24  }
0xab: {  	v0 =	vld.idx.msk [tilespmem:v28+s15+$0x0], $0xffff;
	[tilespmem:s8+$0x280] =	vst v20;
	v20 =	vor.u32 $0x2, v24  }
0xac: {  	v25 =	vor.u32 $0x5, v24;
	v1 =	vld.idx.msk [tilespmem:v23+s15+$0x0], $0xffff;
	[tilespmem:s8+$0x300] =	vst v21  }
0xad: {  	v21 =	vor.u32 $0x3, v24;
	[tilespmem:s8+$0x380] =	vst v27;
	v7 =	vld.idx.msk [tilespmem:v7+s15+$0x0], $0xffff  }
0xae: {  	v23 =	vor.u32 $0x4, v24;
	[tilespmem:s29+$0x20] =	vst v17;
	v17 =	vld.idx.msk [tilespmem:v24+s15+$0x0], $0xffff  }
0xaf: {  	[tilespmem:s29+$0xA0] =	vst v11;
	v11 =	vld.idx.msk [tilespmem:v16+s15+$0x0], $0xffff;
	v16 =	vor.u32 $0x6, v24  }
0xb0: {  	v26 =	vor.u32 v43, v10;
	[tilespmem:s29+$0x120] =	vst v18;
	v18 =	vld.idx.msk [tilespmem:v20+s15+$0x0], $0xffff;
	v20 =	vor.u32 $0x7, v24  }
0xb1: {  	[tilespmem:s29+$0x2A0] =	vst v13;
	v24 =	vadd.s32 v8, v26;
	v13 =	vld.idx.msk [tilespmem:v25+s15+$0x0], $0xffff  }
0xb2: {  	[tilespmem:s29+$0x1A0] =	vst v6;
	v25 =	vor.u32 $0x3, v24;
	v6 =	vld.idx.msk [tilespmem:v21+s15+$0x0], $0xffff  }
0xb3: {  	[tilespmem:s29+$0x220] =	vst v14;
	v21 =	vor.u32 $0x1, v24;
	v14 =	vld.idx.msk [tilespmem:v23+s15+$0x0], $0xffff  }
0xb4: {  	[tilespmem:s29+$0x320] =	vst v12;
	v23 =	vor.u32 $0x2, v24;
	v12 =	vld.idx.msk [tilespmem:v16+s15+$0x0], $0xffff  }
0xb5: {  	[tilespmem:s29+$0x3A0] =	vst v7;
	v16 =	vor.u32 $0x4, v24;
	v7 =	vld.idx.msk [tilespmem:v20+s15+$0x0], $0xffff  }
0xb6: {  	v20 =	vor.u32 $0x5, v24;
	v26 =	vld.idx.msk [tilespmem:v24+s15+$0x0], $0xffff;
	[tilespmem:s8+$0x10] =	vst v17  }
0xb7: {  	v17 =	vor.u32 $0x6, v24;
	[tilespmem:s8+$0x90] =	vst v11;
	v11 =	vor.u32 $0x7, v24;
	v24 =	vld.idx.msk [tilespmem:v25+s15+$0x0], $0xffff  }
0xb8: {  	[tilespmem:s8+$0x110] =	vst v18;
	v18 =	vor.u32 v33, v2;
	v21 =	vld.idx.msk [tilespmem:v21+s15+$0x0], $0xffff  }
0xb9: {  	v23 =	vld.idx.msk [tilespmem:v23+s15+$0x0], $0xffff;
	[tilespmem:s8+$0x190] =	vst v6;
	v6 =	vadd.s32 v9, v18  }
0xba: {  	[tilespmem:s8+$0x210] =	vst v14;
	v14 =	vor.u32 $0x1, v6;
	v16 =	vld.idx.msk [tilespmem:v16+s15+$0x0], $0xffff  }
0xbb: {  	[tilespmem:s8+$0x290] =	vst v13;
	v13 =	vor.u32 $0x2, v6;
	v18 =	vld.idx.msk [tilespmem:v20+s15+$0x0], $0xffff  }
0xbc: {  	s24 =	sshll.u32 s0, $0x7;
	v27 =	vor.u32 $0x5, v6;
	v17 =	vld.idx.msk [tilespmem:v17+s15+$0x0], $0xffff;
	[tilespmem:s8+$0x310] =	vst v12  }
0xbd: {  	v29 =	vor.u32 $0x6, v6;
	v20 =	vmov s24;
	v25 =	vld.idx.msk [tilespmem:v11+s15+$0x0], $0xffff;
	[tilespmem:s8+$0x390] =	vst v7  }
0xbe: {  	v12 =	vor.u32 $0x3, v6;
	v11 =	vshll.u32 v20, $0x5;
	v20 =	vld.idx.msk [tilespmem:v6+s15+$0x0], $0xffff  }
0xbf: {  	[tilespmem:s2+$0x3F0] =	vst v22;
	v7 =	vor.u32 $0x4, v6;
	v14 =	vld.idx.msk [tilespmem:v14+s15+$0x0], $0xffff  }
0xc0: {  	[tilespmem:s2+$0x70] =	vst v15;
	v28 =	vor.u32 v36, v11;
	v6 =	vor.u32 $0x7, v6;
	v13 =	vld.idx.msk [tilespmem:v13+s15+$0x0], $0xffff  }
0xc1: {  	[tilespmem:s2+$0xF0] =	vst v19;
	v28 =	vadd.s32 v9, v28;
	v27 =	vld.idx.msk [tilespmem:v27+s15+$0x0], $0xffff  }
0xc2: {  	[tilespmem:s29+$0x30] =	vst v26;
	v22 =	vor.u32 $0x1, v28;
	v26 =	vld.idx.msk [tilespmem:v29+s15+$0x0], $0xffff  }
0xc3: {  	[tilespmem:s2+$0x170] =	vst v4;
	v15 =	vor.u32 $0x2, v28;
	v12 =	vld.idx.msk [tilespmem:v12+s15+$0x0], $0xffff  }
0xc4: {  	[tilespmem:s29+$0x1B0] =	vst v24;
	v19 =	vor.u32 $0x3, v28;
	v7 =	vld.idx.msk [tilespmem:v7+s15+$0x0], $0xffff  }
0xc5: {  	[tilespmem:s29+$0xB0] =	vst v21;
	v30 =	vor.u32 $0x4, v28;
	v6 =	vld.idx.msk [tilespmem:v6+s15+$0x0], $0xffff  }
0xc6: {  	v29 =	vor.u32 $0x5, v28;
	v21 =	vor.u32 $0x6, v28;
	[tilespmem:s8+$0x20] =	vst v20;
	v20 =	vor.u32 $0x7, v28;
	v28 =	vld.idx.msk [tilespmem:v28+s15+$0x0], $0xffff  }
0xc7: {  	v22 =	vld.idx.msk [tilespmem:v22+s15+$0x0], $0xffff;
	[tilespmem:s8+$0xA0] =	vst v14  }
0xc8: {  	v15 =	vld.idx.msk [tilespmem:v15+s15+$0x0], $0xffff;
	[tilespmem:s8+$0x120] =	vst v13;
	v13 =	vor.u32 v43, v2  }
0xc9: {  	v14 =	vld.idx.msk [tilespmem:v19+s15+$0x0], $0xffff;
	[tilespmem:s8+$0x1A0] =	vst v12;
	v12 =	vadd.s32 v9, v13  }
0xca: {  	v19 =	vld.idx.msk [tilespmem:v30+s15+$0x0], $0xffff;
	[tilespmem:s8+$0x220] =	vst v7;
	v7 =	vor.u32 $0x1, v12  }
0xcb: {  	v21 =	vld.idx.msk [tilespmem:v21+s15+$0x0], $0xffff;
	[tilespmem:s8+$0x2A0] =	vst v27;
	v27 =	vor.u32 $0x2, v12  }
0xcc: {  	[tilespmem:s8+$0x320] =	vst v26;
	v13 =	vld.idx.msk [tilespmem:v29+s15+$0x0], $0xffff;
	v26 =	vor.u32 $0x3, v12  }
0xcd: {  	v29 =	vor.u32 $0x5, v12;
	v20 =	vld.idx.msk [tilespmem:v20+s15+$0x0], $0xffff;
	[tilespmem:s8+$0x3A0] =	vst v6  }
0xce: {  	[tilespmem:s29+$0x130] =	vst v23;
	v24 =	vor.u32 $0x6, v12;
	v23 =	vld.idx.msk [tilespmem:v12+s15+$0x0], $0xffff  }
0xcf: {  	[tilespmem:s29+$0x230] =	vst v16;
	v6 =	vor.u32 $0x4, v12;
	v7 =	vld.idx.msk [tilespmem:v7+s15+$0x0], $0xffff  }
0xd0: {  	[tilespmem:s29+$0x2B0] =	vst v18;
	v30 =	vor.u32 v38, v10;
	v12 =	vor.u32 $0x7, v12;
	v16 =	vld.idx.msk [tilespmem:v27+s15+$0x0], $0xffff  }
0xd1: {  	s0 =	sshll.u32 s0, $0xA;
	[tilespmem:s29+$0x330] =	vst v17;
	v27 =	vadd.s32 v8, v30;
	v18 =	vld.idx.msk [tilespmem:v26+s15+$0x0], $0xffff  }
0xd2: {  	s30 =	sor.u32 s0, s12;
	[tilespmem:s29+$0x3B0] =	vst v25;
	v25 =	vld.idx.msk [tilespmem:v29+s15+$0x0], $0xffff;
	v26 =	vor.u32 $0x1, v27  }
0xd3: {  	[tilespmem:s30+$0x80] =	vst v22;
	v22 =	vld.idx.msk [tilespmem:v24+s15+$0x0], $0xffff;
	v17 =	vor.u32 $0x2, v27  }
0xd4: {  	[tilespmem:s30+$0x100] =	vst v15;
	v29 =	vor.u32 $0x3, v27;
	v6 =	vld.idx.msk [tilespmem:v6+s15+$0x0], $0xffff  }
0xd5: {  	[tilespmem:s30+$0x180] =	vst v14;
	v24 =	vor.u32 $0x4, v27;
	v12 =	vld.idx.msk [tilespmem:v12+s15+$0x0], $0xffff  }
0xd6: {  	v15 =	vor.u32 $0x5, v27;
	[tilespmem:s8+$0x30] =	vst v23;
	v30 =	vld.idx.msk [tilespmem:v27+s15+$0x0], $0xffff  }
0xd7: {  	v23 =	vor.u32 $0x6, v27;
	[tilespmem:s8+$0xB0] =	vst v7;
	v26 =	vld.idx.msk [tilespmem:v26+s15+$0x0], $0xffff  }
0xd8: {  	v7 =	vor.u32 $0x7, v27;
	[tilespmem:s8+$0x130] =	vst v16;
	v16 =	vor.u32 v38, v2;
	v17 =	vld.idx.msk [tilespmem:v17+s15+$0x0], $0xffff  }
0xd9: {  	[tilespmem:s8+$0x1B0] =	vst v18;
	v27 =	vld.idx.msk [tilespmem:v29+s15+$0x0], $0xffff;
	v16 =	vadd.s32 v9, v16  }
0xda: {  	v18 =	vld.idx.msk [tilespmem:v24+s15+$0x0], $0xffff;
	[tilespmem:s8+$0x230] =	vst v6;
	v6 =	vor.u32 $0x1, v16  }
0xdb: {  	[tilespmem:s8+$0x2B0] =	vst v25;
	v15 =	vld.idx.msk [tilespmem:v15+s15+$0x0], $0xffff;
	v24 =	vor.u32 $0x2, v16  }
0xdc: {  	[tilespmem:s8+$0x330] =	vst v22;
	v22 =	vor.u32 $0x3, v16;
	v23 =	vld.idx.msk [tilespmem:v23+s15+$0x0], $0xffff  }
0xdd: {  	v25 =	vor.u32 $0x5, v16;
	[tilespmem:s8+$0x3B0] =	vst v12;
	v7 =	vld.idx.msk [tilespmem:v7+s15+$0x0], $0xffff  }
0xde: {  	[tilespmem:s30+$0x200] =	vst v19;
	v19 =	vor.u32 $0x6, v16;
	v14 =	vld.idx.msk [tilespmem:v16+s15+$0x0], $0xffff  }
0xdf: {  	[tilespmem:s30+$0x0] =	vst v28;
	v12 =	vor.u32 $0x4, v16;
	v6 =	vld.idx.msk [tilespmem:v6+s15+$0x0], $0xffff  }
0xe0: {  	[tilespmem:s30+$0x280] =	vst v13;
	v29 =	vor.u32 v40, v11;
	v16 =	vor.u32 $0x7, v16;
	v13 =	vld.idx.msk [tilespmem:v24+s15+$0x0], $0xffff  }
0xe1: {  	[tilespmem:s30+$0x300] =	vst v21;
	v24 =	vadd.s32 v9, v29;
	v21 =	vld.idx.msk [tilespmem:v22+s15+$0x0], $0xffff  }
0xe2: {  	[tilespmem:s30+$0x380] =	vst v20;
	v25 =	vld.idx.msk [tilespmem:v25+s15+$0x0], $0xffff;
	v22 =	vor.u32 $0x1, v24  }
0xe3: {  	[tilespmem:s29+$0x40] =	vst v30;
	v19 =	vld.idx.msk [tilespmem:v19+s15+$0x0], $0xffff;
	v20 =	vor.u32 $0x2, v24  }
0xe4: {  	[tilespmem:s29+$0xC0] =	vst v26;
	v28 =	vor.u32 $0x3, v24;
	v12 =	vld.idx.msk [tilespmem:v12+s15+$0x0], $0xffff  }
0xe5: {  	[tilespmem:s29+$0x140] =	vst v17;
	v29 =	vor.u32 $0x4, v24;
	v16 =	vld.idx.msk [tilespmem:v16+s15+$0x0], $0xffff  }
0xe6: {  	v26 =	vor.u32 $0x5, v24;
	[tilespmem:s8+$0x40] =	vst v14;
	v30 =	vld.idx.msk [tilespmem:v24+s15+$0x0], $0xffff  }
0xe7: {  	v14 =	vor.u32 $0x6, v24;
	[tilespmem:s8+$0xC0] =	vst v6;
	v22 =	vld.idx.msk [tilespmem:v22+s15+$0x0], $0xffff  }
0xe8: {  	v6 =	vor.u32 $0x7, v24;
	[tilespmem:s8+$0x140] =	vst v13;
	v13 =	vor.u32 v45, v2;
	v20 =	vld.idx.msk [tilespmem:v20+s15+$0x0], $0xffff  }
0xe9: {  	[tilespmem:s8+$0x1C0] =	vst v21;
	v24 =	vld.idx.msk [tilespmem:v28+s15+$0x0], $0xffff;
	v13 =	vadd.s32 v9, v13  }
0xea: {  	v21 =	vld.idx.msk [tilespmem:v29+s15+$0x0], $0xffff;
	[tilespmem:s8+$0x240] =	vst v12;
	v12 =	vor.u32 $0x1, v13  }
0xeb: {  	[tilespmem:s8+$0x2C0] =	vst v25;
	v26 =	vld.idx.msk [tilespmem:v26+s15+$0x0], $0xffff;
	v25 =	vor.u32 $0x2, v13  }
0xec: {  	[tilespmem:s8+$0x340] =	vst v19;
	v19 =	vor.u32 $0x3, v13;
	v14 =	vld.idx.msk [tilespmem:v14+s15+$0x0], $0xffff  }
0xed: {  	v28 =	vor.u32 $0x5, v13;
	[tilespmem:s8+$0x3C0] =	vst v16;
	v6 =	vld.idx.msk [tilespmem:v6+s15+$0x0], $0xffff  }
0xee: {  	[tilespmem:s29+$0x1C0] =	vst v27;
	v27 =	vor.u32 $0x6, v13;
	v17 =	vld.idx.msk [tilespmem:v13+s15+$0x0], $0xffff  }
0xef: {  	[tilespmem:s2+$0x1F0] =	vst v5;
	v16 =	vor.u32 $0x4, v13;
	v12 =	vld.idx.msk [tilespmem:v12+s15+$0x0], $0xffff  }
0xf0: {  	[tilespmem:s29+$0x240] =	vst v18;
	v29 =	vor.u32 v45, v10;
	v13 =	vor.u32 $0x7, v13;
	v18 =	vld.idx.msk [tilespmem:v25+s15+$0x0], $0xffff  }
0xf1: {  	[tilespmem:s29+$0x2C0] =	vst v15;
	v25 =	vadd.s32 v8, v29;
	v15 =	vld.idx.msk [tilespmem:v19+s15+$0x0], $0xffff  }
0xf2: {  	[tilespmem:s29+$0x3C0] =	vst v7;
	v7 =	vld.idx.msk [tilespmem:v28+s15+$0x0], $0xffff;
	v19 =	vor.u32 $0x1, v25  }
0xf3: {  	[tilespmem:s29+$0x340] =	vst v23;
	v4 =	vld.idx.msk [tilespmem:v27+s15+$0x0], $0xffff;
	v23 =	vor.u32 $0x2, v25  }
0xf4: {  	[tilespmem:s2+$0x270] =	vst v3;
	v28 =	vor.u32 $0x3, v25;
	v16 =	vld.idx.msk [tilespmem:v16+s15+$0x0], $0xffff  }
0xf5: {  	[tilespmem:s30+$0x10] =	vst v30;
	v27 =	vor.u32 $0x4, v25;
	v5 =	vld.idx.msk [tilespmem:v13+s15+$0x0], $0xffff  }
0xf6: {  	v13 =	vor.u32 $0x5, v25;
	[tilespmem:s8+$0x50] =	vst v17;
	v29 =	vld.idx.msk [tilespmem:v25+s15+$0x0], $0xffff  }
0xf7: {  	v17 =	vor.u32 $0x6, v25;
	[tilespmem:s8+$0xD0] =	vst v12;
	v19 =	vld.idx.msk [tilespmem:v19+s15+$0x0], $0xffff  }
0xf8: {  	v12 =	vor.u32 $0x7, v25;
	[tilespmem:s8+$0x150] =	vst v18;
	v18 =	vor.u32 v44, v2;
	v23 =	vld.idx.msk [tilespmem:v23+s15+$0x0], $0xffff  }
0xf9: {  	[tilespmem:s8+$0x1D0] =	vst v15;
	v25 =	vld.idx.msk [tilespmem:v28+s15+$0x0], $0xffff;
	v15 =	vadd.s32 v9, v18  }
0xfa: {  	v18 =	vld.idx.msk [tilespmem:v27+s15+$0x0], $0xffff;
	[tilespmem:s8+$0x250] =	vst v16;
	v16 =	vor.u32 $0x1, v15  }
0xfb: {  	[tilespmem:s8+$0x2D0] =	vst v7;
	v7 =	vor.u32 $0x2, v15;
	v13 =	vld.idx.msk [tilespmem:v13+s15+$0x0], $0xffff  }
0xfc: {  	[tilespmem:s8+$0x350] =	vst v4;
	v4 =	vor.u32 $0x3, v15;
	v17 =	vld.idx.msk [tilespmem:v17+s15+$0x0], $0xffff  }
0xfd: {  	v28 =	vor.u32 $0x5, v15;
	[tilespmem:s8+$0x3D0] =	vst v5;
	v27 =	vld.idx.msk [tilespmem:v12+s15+$0x0], $0xffff  }
0xfe: {  	[tilespmem:s30+$0x90] =	vst v22;
	v22 =	vor.u32 $0x6, v15;
	v12 =	vld.idx.msk [tilespmem:v15+s15+$0x0], $0xffff  }
0xff: {  	[tilespmem:s30+$0x110] =	vst v20;
	v5 =	vor.u32 $0x4, v15;
	v16 =	vld.idx.msk [tilespmem:v16+s15+$0x0], $0xffff  }
0x100: {  	v30 =	vor.u32 v33, v11;
	[tilespmem:s30+$0x190] =	vst v24;
	v15 =	vor.u32 $0x7, v15;
	v7 =	vld.idx.msk [tilespmem:v7+s15+$0x0], $0xffff  }
0x101: {  	v20 =	vadd.s32 v9, v30;
	[tilespmem:s30+$0x210] =	vst v21;
	v4 =	vld.idx.msk [tilespmem:v4+s15+$0x0], $0xffff  }
0x102: {  	[tilespmem:s30+$0x290] =	vst v26;
	v24 =	vor.u32 $0x1, v20;
	v26 =	vld.idx.msk [tilespmem:v28+s15+$0x0], $0xffff  }
0x103: {  	v21 =	vor.u32 $0x2, v20;
	[tilespmem:s30+$0x310] =	vst v14;
	v14 =	vld.idx.msk [tilespmem:v22+s15+$0x0], $0xffff  }
0x104: {  	[tilespmem:s2+$0x2F0] =	vst v0;
	v28 =	vor.u32 $0x3, v20;
	v5 =	vld.idx.msk [tilespmem:v5+s15+$0x0], $0xffff  }
0x105: {  	[tilespmem:s30+$0x390] =	vst v6;
	v22 =	vor.u32 $0x4, v20;
	v6 =	vld.idx.msk [tilespmem:v15+s15+$0x0], $0xffff  }
0x106: {  	v30 =	vor.u32 $0x6, v20;
	[tilespmem:s8+$0x60] =	vst v12;
	v12 =	vld.idx.msk [tilespmem:v20+s15+$0x0], $0xffff  }
0x107: {  	v15 =	vor.u32 $0x5, v20;
	[tilespmem:s8+$0xE0] =	vst v16;
	v16 =	vld.idx.msk [tilespmem:v24+s15+$0x0], $0xffff  }
0x108: {  	v2 =	vor.u32 v37, v2;
	v20 =	vor.u32 $0x7, v20;
	[tilespmem:s8+$0x160] =	vst v7;
	v7 =	vld.idx.msk [tilespmem:v21+s15+$0x0], $0xffff  }
0x109: {  	v2 =	vadd.s32 v9, v2;
	[tilespmem:s8+$0x1E0] =	vst v4;
	v4 =	vld.idx.msk [tilespmem:v28+s15+$0x0], $0xffff  }
0x10a: {  	v21 =	vld.idx.msk [tilespmem:v22+s15+$0x0], $0xffff;
	[tilespmem:s8+$0x2E0] =	vst v26;
	v22 =	vor.u32 $0x1, v2  }
0x10b: {  	v24 =	vld.idx.msk [tilespmem:v30+s15+$0x0], $0xffff;
	[tilespmem:s8+$0x260] =	vst v5;
	v5 =	vor.u32 $0x7, v2  }
0x10c: {  	[tilespmem:s8+$0x360] =	vst v14;
	v14 =	vor.u32 $0x2, v2;
	v15 =	vld.idx.msk [tilespmem:v15+s15+$0x0], $0xffff  }
0x10d: {  	v28 =	vor.u32 $0x4, v2;
	[tilespmem:s8+$0x3E0] =	vst v6;
	v20 =	vld.idx.msk [tilespmem:v20+s15+$0x0], $0xffff  }
0x10e: {  	v30 =	vor.u32 $0x5, v2;
	[tilespmem:s30+$0x20] =	vst v12;
	v26 =	vld.idx.msk [tilespmem:v2+s15+$0x0], $0xffff  }
0x10f: {  	v6 =	vor.u32 $0x3, v2;
	[tilespmem:s30+$0xA0] =	vst v16;
	v16 =	vld.idx.msk [tilespmem:v22+s15+$0x0], $0xffff  }
0x110: {  	v2 =	vor.u32 $0x6, v2;
	[tilespmem:s30+$0x120] =	vst v7;
	v31 =	vld.idx.msk [tilespmem:v5+s15+$0x0], $0xffff;
	v5 =	vor.u32 v43, v11  }
0x111: {  	v7 =	vld.idx.msk [tilespmem:v14+s15+$0x0], $0xffff;
	[tilespmem:s30+$0x1A0] =	vst v4;
	v22 =	vadd.s32 v9, v5  }
0x112: {  	s0 =	simm.s32 $0x4;
	[tilespmem:s30+$0x220] =	vst v21;
	v4 =	vld.idx.msk [tilespmem:v28+s15+$0x0], $0xffff;
	v14 =	vor.u32 $0x1, v22  }
0x113: {  	s12 =	sand.u32 $0x2, s0;
	s24 =	simm.s32 $0x8;
	[tilespmem:s30+$0x320] =	vst v24;
	v5 =	vld.idx.msk [tilespmem:v30+s15+$0x0], $0xffff;
	v21 =	vor.u32 $0x2, v22  }
0x114: {  	s7 =	sor.u32 $0x1, s12;
	v24 =	vmov s24;
	v12 =	vld.idx.msk [tilespmem:v6+s15+$0x0], $0xffff;
	[tilespmem:s30+$0x2A0] =	vst v15;
	v15 =	vor.u32 $0x3, v22  }
0x115: {  	s28 =	sshll.u32 s7, $0x7;
	v28 =	vor.u32 $0x4, v22;
	[tilespmem:s30+$0x3A0] =	vst v20;
	v6 =	vld.idx.msk [tilespmem:v2+s15+$0x0], $0xffff;
	v2 =	vshrl.u32 v24, $0x3  }
0x116: {  	[tilespmem:s2+$0x370] =	vst v1;
	v20 =	vor.u32 $0x5, v22;
	v24 =	vmov s28;
	v2 =	vshll.u32 v2, $0x3;
	v3 =	vld.idx.msk [tilespmem:v22+s15+$0x0], $0xffff  }
0x117: {  	[tilespmem:s29+$0x50] =	vst v29;
	v30 =	vor.u32 $0x6, v22;
	v0 =	vbroadcast v2, $0x0;
	v2 =	vshll.u32 v24, $0x5;
	v14 =	vld.idx.msk [tilespmem:v14+s15+$0x0], $0xffff  }
0x118: {  	[tilespmem:s29+$0xD0] =	vst v19;
	v22 =	vor.u32 $0x7, v22;
	v1 =	vor.u32 v36, v2;
	v21 =	vld.idx.msk [tilespmem:v21+s15+$0x0], $0xffff  }
0x119: {  	[tilespmem:s29+$0x150] =	vst v23;
	v15 =	vld.idx.msk [tilespmem:v15+s15+$0x0], $0xffff;
	v1 =	vadd.s32 v0, v1  }
0x11a: {  	[tilespmem:s29+$0x1D0] =	vst v25;
	v19 =	vld.idx.msk [tilespmem:v28+s15+$0x0], $0xffff;
	v24 =	vor.u32 $0x1, v1  }
0x11b: {  	[tilespmem:s29+$0x250] =	vst v18;
	v20 =	vld.idx.msk [tilespmem:v20+s15+$0x0], $0xffff;
	v23 =	vor.u32 $0x2, v1  }
0x11c: {  	[tilespmem:s29+$0x2D0] =	vst v13;
	v25 =	vld.idx.msk [tilespmem:v30+s15+$0x0], $0xffff;
	v28 =	vor.u32 $0x3, v1  }
0x11d: {  	[tilespmem:s29+$0x350] =	vst v17;
	v30 =	vor.u32 v44, v10;
	v29 =	vor.u32 $0x5, v1;
	v18 =	vld.idx.msk [tilespmem:v22+s15+$0x0], $0xffff  }
0x11e: {  	[tilespmem:s29+$0x3D0] =	vst v27;
	v27 =	vadd.s32 v8, v30;
	v13 =	vld.idx.msk [tilespmem:v1+s15+$0x0], $0xffff  }
0x11f: {  	[tilespmem:s8+$0x70] =	vst v26;
	v22 =	vor.u32 $0x4, v1;
	v17 =	vld.idx.msk [tilespmem:v24+s15+$0x0], $0xffff  }
0x120: {  	[tilespmem:s8+$0xF0] =	vst v16;
	v24 =	vor.u32 $0x6, v1;
	v23 =	vld.idx.msk [tilespmem:v23+s15+$0x0], $0xffff  }
0x121: {  	[tilespmem:s8+$0x3F0] =	vst v31;
	v1 =	vor.u32 $0x7, v1;
	v28 =	vld.idx.msk [tilespmem:v28+s15+$0x0], $0xffff  }
0x122: {  	s24 =	simm.s32 $0x1000;
	v30 =	vor.u32 $0x1, v27;
	[tilespmem:s30+$0x30] =	vst v3;
	v16 =	vld.idx.msk [tilespmem:v29+s15+$0x0], $0xffff  }
0x123: {  	s2 =	sand.u32 $0x3FFFF000, s24;
	v26 =	vor.u32 $0x2, v27;
	[tilespmem:s30+$0xB0] =	vst v14;
	v31 =	vld.idx.msk [tilespmem:v27+s15+$0x0], $0xffff  }
0x124: {  	s7 =	sshll.u32 s7, $0xA;
	s2 =	sadd.s32 $0x8400, s2;
	v14 =	vor.u32 $0x5, v27;
	[tilespmem:s30+$0x130] =	vst v21;
	v22 =	vld.idx.msk [tilespmem:v22+s15+$0x0], $0xffff  }
0x125: {  	s31 =	sadd.s32 s7, s2;
	[tilespmem:s30+$0x230] =	vst v19;
	v29 =	vor.u32 $0x3, v27;
	v3 =	vld.idx.msk [tilespmem:v24+s15+$0x0], $0xffff  }
0x126: {  	v24 =	vor.u32 $0x4, v27;
	v1 =	vld.idx.msk [tilespmem:v1+s15+$0x0], $0xffff;
	[tilespmem:s31+$0x0] =	vst v13  }
0x127: {  	v30 =	vld.idx.msk [tilespmem:v30+s15+$0x0], $0xffff;
	v13 =	vor.u32 $0x6, v27;
	[tilespmem:s31+$0x80] =	vst v17  }
0x128: {  	v26 =	vld.idx.msk [tilespmem:v26+s15+$0x0], $0xffff;
	v17 =	vor.u32 $0x7, v27;
	[tilespmem:s31+$0x100] =	vst v23;
	v23 =	vor.u32 v40, v2  }
0x129: {  	v14 =	vld.idx.msk [tilespmem:v14+s15+$0x0], $0xffff;
	[tilespmem:s31+$0x180] =	vst v28;
	v23 =	vadd.s32 v0, v23  }
0x12a: {  	v27 =	vld.idx.msk [tilespmem:v29+s15+$0x0], $0xffff;
	[tilespmem:s31+$0x280] =	vst v16;
	v16 =	vor.u32 $0x2, v23  }
0x12b: {  	[tilespmem:s31+$0x200] =	vst v22;
	v22 =	vor.u32 $0x1, v23;
	v24 =	vld.idx.msk [tilespmem:v24+s15+$0x0], $0xffff  }
0x12c: {  	s24 =	sshll.u32 s12, $0x7;
	v29 =	vor.u32 $0x4, v23;
	v13 =	vld.idx.msk [tilespmem:v13+s15+$0x0], $0xffff;
	[tilespmem:s31+$0x300] =	vst v3  }
0x12d: {  	v28 =	vmov s24;
	v19 =	vor.u32 $0x7, v23;
	v17 =	vld.idx.msk [tilespmem:v17+s15+$0x0], $0xffff;
	[tilespmem:s31+$0x380] =	vst v1  }
0x12e: {  	[tilespmem:s30+$0x1B0] =	vst v15;
	v3 =	vor.u32 $0x3, v23;
	v1 =	vshll.u32 v28, $0x5;
	v21 =	vld.idx.msk [tilespmem:v23+s15+$0x0], $0xffff  }
0x12f: {  	[tilespmem:s30+$0x2B0] =	vst v20;
	v28 =	vor.u32 $0x5, v23;
	v32 =	vor.u32 v36, v1;
	v16 =	vld.idx.msk [tilespmem:v16+s15+$0x0], $0xffff  }
0x130: {  	[tilespmem:s30+$0x330] =	vst v25;
	v32 =	vadd.s32 v0, v32;
	v15 =	vld.idx.msk [tilespmem:v22+s15+$0x0], $0xffff;
	v22 =	vor.u32 $0x6, v23  }
0x131: {  	[tilespmem:s30+$0x3B0] =	vst v18;
	v25 =	vld.idx.msk [tilespmem:v29+s15+$0x0], $0xffff;
	v23 =	vor.u32 $0x1, v32  }
0x132: {  	[tilespmem:s29+$0x60] =	vst v31;
	v19 =	vld.idx.msk [tilespmem:v19+s15+$0x0], $0xffff;
	v20 =	vor.u32 $0x2, v32  }
0x133: {  	[tilespmem:s29+$0xE0] =	vst v30;
	v29 =	vor.u32 $0x3, v32;
	v3 =	vld.idx.msk [tilespmem:v3+s15+$0x0], $0xffff  }
0x134: {  	[tilespmem:s29+$0x160] =	vst v26;
	v30 =	vor.u32 $0x6, v32;
	v18 =	vld.idx.msk [tilespmem:v28+s15+$0x0], $0xffff  }
0x135: {  	[tilespmem:s29+$0x1E0] =	vst v27;
	v22 =	vld.idx.msk [tilespmem:v22+s15+$0x0], $0xffff  }
0x136: {  	v28 =	vor.u32 $0x4, v32;
	[tilespmem:s29+$0x260] =	vst v24;
	v23 =	vld.idx.msk [tilespmem:v23+s15+$0x0], $0xffff  }
0x137: {  	v62 =	vor.u32 v38, v11;
	v31 =	vor.u32 $0x5, v32;
	[tilespmem:s31+$0x10] =	vst v21;
	v20 =	vld.idx.msk [tilespmem:v20+s15+$0x0], $0xffff  }
0x138: {  	v24 =	vadd.s32 v9, v62;
	[tilespmem:s31+$0x90] =	vst v15;
	v15 =	vld.idx.msk [tilespmem:v29+s15+$0x0], $0xffff  }
0x139: {  	v21 =	vor.u32 $0x7, v32;
	[tilespmem:s31+$0x110] =	vst v16;
	v16 =	vor.u32 v33, v2;
	v29 =	vld.idx.msk [tilespmem:v30+s15+$0x0], $0xffff  }
0x13a: {  	v30 =	vld.idx.msk [tilespmem:v32+s15+$0x0], $0xffff;
	[tilespmem:s31+$0x190] =	vst v3;
	v3 =	vadd.s32 v0, v16  }
0x13b: {  	[tilespmem:s31+$0x210] =	vst v25;
	v28 =	vld.idx.msk [tilespmem:v28+s15+$0x0], $0xffff;
	v25 =	vor.u32 $0x1, v3  }
0x13c: {  	v16 =	vld.idx.msk [tilespmem:v31+s15+$0x0], $0xffff;
	[tilespmem:s31+$0x290] =	vst v18;
	v18 =	vor.u32 $0x2, v3  }
0x13d: {  	[tilespmem:s31+$0x390] =	vst v19;
	v32 =	vld.idx.msk [tilespmem:v24+s15+$0x0], $0xffff;
	v19 =	vor.u32 $0x4, v3  }
0x13e: {  	v31 =	vor.u32 $0x5, v3;
	v21 =	vld.idx.msk [tilespmem:v21+s15+$0x0], $0xffff;
	[tilespmem:s31+$0x310] =	vst v22  }
0x13f: {  	[tilespmem:s29+$0x2E0] =	vst v14;
	v22 =	vor.u32 $0x3, v3;
	v26 =	vld.idx.msk [tilespmem:v3+s15+$0x0], $0xffff  }
0x140: {  	s24 =	sshll.u32 s12, $0xA;
	[tilespmem:s29+$0x360] =	vst v13;
	v27 =	vor.u32 $0x6, v3;
	v25 =	vld.idx.msk [tilespmem:v25+s15+$0x0], $0xffff  }
0x141: {  	s2 =	sor.u32 s24, s2;
	[tilespmem:s29+$0x3E0] =	vst v17;
	v3 =	vor.u32 $0x7, v3;
	v18 =	vld.idx.msk [tilespmem:v18+s15+$0x0], $0xffff  }
0x142: {  	[tilespmem:s2+$0x100] =	vst v20;
	v20 =	vor.u32 $0x5, v24;
	v13 =	vld.idx.msk [tilespmem:v19+s15+$0x0], $0xffff  }
0x143: {  	[tilespmem:s2+$0x80] =	vst v23;
	v19 =	vor.u32 $0x2, v24;
	v17 =	vld.idx.msk [tilespmem:v31+s15+$0x0], $0xffff  }
0x144: {  	[tilespmem:s2+$0x180] =	vst v15;
	v31 =	vor.u32 $0x3, v24;
	v14 =	vld.idx.msk [tilespmem:v22+s15+$0x0], $0xffff  }
0x145: {  	[tilespmem:s2+$0x300] =	vst v29;
	v23 =	vld.idx.msk [tilespmem:v27+s15+$0x0], $0xffff;
	v22 =	vor.u32 $0x1, v24  }
0x146: {  	v27 =	vor.u32 $0x4, v24;
	v3 =	vld.idx.msk [tilespmem:v3+s15+$0x0], $0xffff;
	[tilespmem:s31+$0x20] =	vst v26  }
0x147: {  	v20 =	vld.idx.msk [tilespmem:v20+s15+$0x0], $0xffff;
	v26 =	vor.u32 $0x6, v24;
	[tilespmem:s31+$0xA0] =	vst v25  }
0x148: {  	v24 =	vor.u32 $0x7, v24;
	v19 =	vld.idx.msk [tilespmem:v19+s15+$0x0], $0xffff;
	[tilespmem:s31+$0x120] =	vst v18;
	v18 =	vor.u32 v43, v2  }
0x149: {  	v25 =	vld.idx.msk [tilespmem:v31+s15+$0x0], $0xffff;
	[tilespmem:s31+$0x1A0] =	vst v14;
	v14 =	vadd.s32 v0, v18  }
0x14a: {  	[tilespmem:s31+$0x220] =	vst v13;
	v22 =	vld.idx.msk [tilespmem:v22+s15+$0x0], $0xffff;
	v13 =	vor.u32 $0x1, v14  }
0x14b: {  	[tilespmem:s31+$0x2A0] =	vst v17;
	v18 =	vld.idx.msk [tilespmem:v27+s15+$0x0], $0xffff;
	v17 =	vor.u32 $0x2, v14  }
0x14c: {  	[tilespmem:s31+$0x320] =	vst v23;
	v23 =	vor.u32 $0x3, v14;
	v26 =	vld.idx.msk [tilespmem:v26+s15+$0x0], $0xffff  }
0x14d: {  	v27 =	vor.u32 $0x5, v14;
	v24 =	vld.idx.msk [tilespmem:v24+s15+$0x0], $0xffff;
	[tilespmem:s31+$0x3A0] =	vst v3  }
0x14e: {  	[tilespmem:s2+$0x200] =	vst v28;
	v28 =	vor.u32 $0x6, v14;
	v15 =	vld.idx.msk [tilespmem:v14+s15+$0x0], $0xffff  }
0x14f: {  	[tilespmem:s2+$0x0] =	vst v30;
	v3 =	vor.u32 $0x4, v14;
	v13 =	vld.idx.msk [tilespmem:v13+s15+$0x0], $0xffff  }
0x150: {  	v10 =	vor.u32 v37, v10;
	[tilespmem:s2+$0x280] =	vst v16;
	v14 =	vor.u32 $0x7, v14;
	v17 =	vld.idx.msk [tilespmem:v17+s15+$0x0], $0xffff  }
0x151: {  	v16 =	vadd.s32 v8, v10;
	[tilespmem:s2+$0x380] =	vst v21;
	v23 =	vld.idx.msk [tilespmem:v23+s15+$0x0], $0xffff  }
0x152: {  	v8 =	vor.u32 $0x1, v16;
	[tilespmem:s30+$0x40] =	vst v32;
	v21 =	vld.idx.msk [tilespmem:v27+s15+$0x0], $0xffff  }
0x153: {  	v10 =	vor.u32 $0x2, v16;
	[tilespmem:s30+$0xC0] =	vst v22;
	v27 =	vld.idx.msk [tilespmem:v28+s15+$0x0], $0xffff  }
0x154: {  	v29 =	vor.u32 $0x4, v16;
	v3 =	vld.idx.msk [tilespmem:v3+s15+$0x0], $0xffff;
	[tilespmem:s30+$0x340] =	vst v26  }
0x155: {  	v28 =	vor.u32 $0x3, v16;
	v22 =	vld.idx.msk [tilespmem:v14+s15+$0x0], $0xffff;
	v14 =	vor.u32 v40, v1;
	[tilespmem:s31+$0x30] =	vst v15  }
0x156: {  	v30 =	vadd.s32 v0, v14;
	[tilespmem:s31+$0xB0] =	vst v13  }
0x157: {  	v14 =	vld.idx.msk [tilespmem:v8+s15+$0x0], $0xffff;
	[tilespmem:s31+$0x130] =	vst v17;
	v8 =	vor.u32 v38, v2;
	v31 =	vor.u32 $0x1, v30  }
0x158: {  	v34 =	vld.idx.msk [tilespmem:v10+s15+$0x0], $0xffff;
	[tilespmem:s31+$0x1B0] =	vst v23;
	v17 =	vadd.s32 v0, v8  }
0x159: {  	v32 =	vld.idx.msk [tilespmem:v29+s15+$0x0], $0xffff;
	[tilespmem:s31+$0x2B0] =	vst v21;
	v26 =	vor.u32 $0x4, v30  }
0x15a: {  	v10 =	vld.idx.msk [tilespmem:v28+s15+$0x0], $0xffff;
	[tilespmem:s31+$0x230] =	vst v3;
	v3 =	vor.u32 $0x1, v17  }
0x15b: {  	[tilespmem:s31+$0x330] =	vst v27;
	v21 =	vor.u32 $0x2, v17;
	v23 =	vld.idx.msk [tilespmem:v30+s15+$0x0], $0xffff  }
0x15c: {  	v27 =	vor.u32 $0x3, v17;
	[tilespmem:s31+$0x3B0] =	vst v22;
	v28 =	vld.idx.msk [tilespmem:v31+s15+$0x0], $0xffff  }
0x15d: {  	[tilespmem:s30+$0x140] =	vst v19;
	v29 =	vor.u32 $0x5, v17;
	v19 =	vld.idx.msk [tilespmem:v17+s15+$0x0], $0xffff  }
0x15e: {  	[tilespmem:s30+$0x1C0] =	vst v25;
	v25 =	vor.u32 $0x6, v17;
	v26 =	vld.idx.msk [tilespmem:v26+s15+$0x0], $0xffff  }
0x15f: {  	v22 =	vor.u32 $0x4, v17;
	v3 =	vld.idx.msk [tilespmem:v3+s15+$0x0], $0xffff  }
0x160: {  	[tilespmem:s30+$0x240] =	vst v18;
	v17 =	vor.u32 $0x7, v17;
	v18 =	vld.idx.msk [tilespmem:v21+s15+$0x0], $0xffff  }
0x161: {  	[tilespmem:s30+$0x2C0] =	vst v20;
	v21 =	vor.u32 $0x2, v30;
	v20 =	vld.idx.msk [tilespmem:v27+s15+$0x0], $0xffff  }
0x162: {  	[tilespmem:s30+$0x3C0] =	vst v24;
	v27 =	vor.u32 $0x3, v30;
	v24 =	vld.idx.msk [tilespmem:v29+s15+$0x0], $0xffff  }
0x163: {  	[tilespmem:s8+$0x170] =	vst v7;
	v29 =	vor.u32 $0x5, v30;
	v7 =	vld.idx.msk [tilespmem:v25+s15+$0x0], $0xffff  }
0x164: {  	[tilespmem:s8+$0x1F0] =	vst v12;
	v25 =	vor.u32 $0x6, v30;
	v22 =	vld.idx.msk [tilespmem:v22+s15+$0x0], $0xffff  }
0x165: {  	v30 =	vor.u32 $0x7, v30;
	v12 =	vld.idx.msk [tilespmem:v17+s15+$0x0], $0xffff;
	[tilespmem:s31+$0x40] =	vst v19  }
0x166: {  	v17 =	vor.u32 v45, v11;
	v21 =	vld.idx.msk [tilespmem:v21+s15+$0x0], $0xffff;
	[tilespmem:s31+$0xC0] =	vst v3  }
0x167: {  	v17 =	vadd.s32 v9, v17;
	v19 =	vld.idx.msk [tilespmem:v27+s15+$0x0], $0xffff;
	[tilespmem:s31+$0x140] =	vst v18  }
0x168: {  	v18 =	vor.u32 v45, v2;
	v27 =	vld.idx.msk [tilespmem:v29+s15+$0x0], $0xffff;
	[tilespmem:s31+$0x1C0] =	vst v20;
	v3 =	vor.u32 $0x1, v17  }
0x169: {  	v20 =	vld.idx.msk [tilespmem:v25+s15+$0x0], $0xffff;
	[tilespmem:s31+$0x2C0] =	vst v24;
	v18 =	vadd.s32 v0, v18  }
0x16a: {  	v25 =	vld.idx.msk [tilespmem:v30+s15+$0x0], $0xffff;
	[tilespmem:s2+$0x10] =	vst v23;
	v23 =	vor.u32 $0x3, v17  }
0x16b: {  	v35 =	vld.idx.msk [tilespmem:v16+s15+$0x0], $0xffff;
	[tilespmem:s31+$0x240] =	vst v22;
	v22 =	vor.u32 $0x1, v18  }
0x16c: {  	[tilespmem:s31+$0x340] =	vst v7;
	v24 =	vor.u32 $0x2, v18;
	v29 =	vld.idx.msk [tilespmem:v17+s15+$0x0], $0xffff  }
0x16d: {  	v7 =	vor.u32 $0x3, v18;
	[tilespmem:s31+$0x3C0] =	vst v12;
	v30 =	vld.idx.msk [tilespmem:v3+s15+$0x0], $0xffff  }
0x16e: {  	[tilespmem:s8+$0x270] =	vst v4;
	v12 =	vor.u32 $0x5, v18;
	v4 =	vld.idx.msk [tilespmem:v18+s15+$0x0], $0xffff  }
0x16f: {  	[tilespmem:s8+$0x2F0] =	vst v5;
	v3 =	vor.u32 $0x4, v18;
	v23 =	vld.idx.msk [tilespmem:v23+s15+$0x0], $0xffff  }
0x170: {  	[tilespmem:s8+$0x370] =	vst v6;
	v5 =	vld.idx.msk [tilespmem:v22+s15+$0x0], $0xffff;
	v22 =	vor.u32 $0x6, v18  }
0x171: {  	[tilespmem:s2+$0x90] =	vst v28;
	v6 =	vld.idx.msk [tilespmem:v24+s15+$0x0], $0xffff;
	v18 =	vor.u32 $0x7, v18  }
0x172: {  	[tilespmem:s2+$0x210] =	vst v26;
	v28 =	vor.u32 $0x4, v17;
	v7 =	vld.idx.msk [tilespmem:v7+s15+$0x0], $0xffff  }
0x173: {  	[tilespmem:s2+$0x110] =	vst v21;
	v21 =	vor.u32 $0x5, v17;
	v12 =	vld.idx.msk [tilespmem:v12+s15+$0x0], $0xffff  }
0x174: {  	[tilespmem:s2+$0x190] =	vst v19;
	v24 =	vor.u32 $0x2, v17;
	v3 =	vld.idx.msk [tilespmem:v3+s15+$0x0], $0xffff  }
0x175: {  	[tilespmem:s2+$0x290] =	vst v27;
	v19 =	vld.idx.msk [tilespmem:v22+s15+$0x0], $0xffff;
	v22 =	vor.u32 $0x6, v17  }
0x176: {  	v18 =	vld.idx.msk [tilespmem:v18+s15+$0x0], $0xffff;
	v17 =	vor.u32 $0x7, v17;
	[tilespmem:s31+$0x50] =	vst v4  }
0x177: {  	v26 =	vld.idx.msk [tilespmem:v28+s15+$0x0], $0xffff;
	v4 =	vor.u32 $0x5, v16;
	[tilespmem:s31+$0xD0] =	vst v5  }
0x178: {  	v21 =	vld.idx.msk [tilespmem:v21+s15+$0x0], $0xffff;
	v5 =	vor.u32 $0x6, v16;
	[tilespmem:s31+$0x150] =	vst v6;
	v6 =	vor.u32 v44, v2  }
0x179: {  	v24 =	vld.idx.msk [tilespmem:v24+s15+$0x0], $0xffff;
	[tilespmem:s31+$0x1D0] =	vst v7;
	v7 =	vadd.s32 v0, v6  }
0x17a: {  	v28 =	vor.u32 $0x1, v7;
	[tilespmem:s31+$0x2D0] =	vst v12;
	v22 =	vld.idx.msk [tilespmem:v22+s15+$0x0], $0xffff  }
0x17b: {  	v12 =	vor.u32 $0x2, v7;
	[tilespmem:s31+$0x250] =	vst v3;
	v17 =	vld.idx.msk [tilespmem:v17+s15+$0x0], $0xffff  }
0x17c: {  	v27 =	vor.u32 $0x6, v7;
	v6 =	vld.idx.msk [tilespmem:v4+s15+$0x0], $0xffff;
	[tilespmem:s31+$0x350] =	vst v19  }
0x17d: {  	v4 =	vor.u32 $0x3, v7;
	v3 =	vld.idx.msk [tilespmem:v5+s15+$0x0], $0xffff;
	[tilespmem:s31+$0x3D0] =	vst v18  }
0x17e: {  	[tilespmem:s2+$0x310] =	vst v20;
	v5 =	vor.u32 $0x4, v7;
	v18 =	vld.idx.msk [tilespmem:v7+s15+$0x0], $0xffff  }
0x17f: {  	[tilespmem:s2+$0x390] =	vst v25;
	v19 =	vor.u32 $0x5, v7;
	v20 =	vld.idx.msk [tilespmem:v28+s15+$0x0], $0xffff  }
0x180: {  	[tilespmem:s30+$0x50] =	vst v29;
	v7 =	vor.u32 $0x7, v7;
	v12 =	vld.idx.msk [tilespmem:v12+s15+$0x0], $0xffff  }
0x181: {  	v16 =	vor.u32 $0x7, v16;
	[tilespmem:s30+$0x1D0] =	vst v23;
	v23 =	vld.idx.msk [tilespmem:v27+s15+$0x0], $0xffff  }
0x182: {  	[tilespmem:s30+$0xD0] =	vst v30;
	v28 =	vor.u32 v33, v1;
	v4 =	vld.idx.msk [tilespmem:v4+s15+$0x0], $0xffff  }
0x183: {  	v25 =	vor.u32 v44, v11;
	[tilespmem:s30+$0x150] =	vst v24;
	v28 =	vadd.s32 v0, v28;
	v29 =	vld.idx.msk [tilespmem:v5+s15+$0x0], $0xffff  }
0x184: {  	v25 =	vadd.s32 v9, v25;
	[tilespmem:s30+$0x250] =	vst v26;
	v19 =	vld.idx.msk [tilespmem:v19+s15+$0x0], $0xffff  }
0x185: {  	v13 =	vor.u32 $0x7, v25;
	v30 =	vor.u32 $0x1, v28;
	v26 =	vld.idx.msk [tilespmem:v7+s15+$0x0], $0xffff;
	v7 =	vor.u32 v37, v11;
	[tilespmem:s31+$0x60] =	vst v18  }
0x186: {  	v5 =	vld.idx.msk [tilespmem:v16+s15+$0x0], $0xffff;
	[tilespmem:$0x1FE00] =	vst v13;
	v46 =	vadd.s32 v9, v7  }
0x187: {  	v31 =	vor.u32 $0x2, v28;
	[tilespmem:s31+$0xE0] =	vst v20;
	v9 =	vor.u32 $0x1, v46  }
0x188: {  	v63 =	vor.u32 $0x3, v28;
	v16 =	vld.idx.msk [tilespmem:v28+s15+$0x0], $0xffff;
	[tilespmem:$0x1FE10] =	vst v9  }
0x189: {  	v11 =	vor.u32 $0x4, v28;
	[tilespmem:s31+$0x160] =	vst v12;
	v12 =	vor.u32 $0x2, v46  }
0x18a: {  	v7 =	vor.u32 $0x5, v28;
	v18 =	vld.idx.msk [tilespmem:v30+s15+$0x0], $0xffff;
	[tilespmem:$0x1FE20] =	vst v12  }
0x18b: {  	v9 =	vor.u32 $0x6, v28;
	[tilespmem:s31+$0x1E0] =	vst v4  }
0x18c: {  	v2 =	vor.u32 v37, v2;
	v12 =	vld.idx.msk [tilespmem:v31+s15+$0x0], $0xffff;
	[tilespmem:s31+$0x260] =	vst v29  }
0x18d: {  	v20 =	vadd.s32 v0, v2;
	v2 =	vor.u32 v43, v1;
	v13 =	vld.idx.msk [tilespmem:v63+s15+$0x0], $0xffff;
	[tilespmem:s31+$0x2E0] =	vst v19  }
0x18e: {  	v53 =	vadd.s32 v0, v2;
	v4 =	vor.u32 $0x7, v20;
	v11 =	vld.idx.msk [tilespmem:v11+s15+$0x0], $0xffff;
	[tilespmem:s31+$0x360] =	vst v23  }
0x18f: {  	v2 =	vor.u32 $0x1, v53;
	v15 =	vld.idx.msk [tilespmem:v7+s15+$0x0], $0xffff;
	[tilespmem:s31+$0x3E0] =	vst v26  }
0x190: {  	v19 =	vor.u32 $0x1, v20;
	v7 =	vld.idx.msk [tilespmem:v9+s15+$0x0], $0xffff;
	[tilespmem:$0x1FE30] =	vst v2  }
0x191: {  	v26 =	vor.u32 $0x2, v53;
	[tilespmem:s30+$0x2D0] =	vst v21  }
0x192: {  	v2 =	vld.idx.msk [tilespmem:v20+s15+$0x0], $0xffff;
	[tilespmem:$0x1FE40] =	vst v26  }
0x193: {  	v29 =	vor.u32 v38, v1;
	v23 =	vor.u32 $0x2, v20;
	[tilespmem:s30+$0x350] =	vst v22;
	v26 =	vld.idx.msk [tilespmem:v4+s15+$0x0], $0xffff;
	v4 =	vor.u32 $0x4, v53  }
0x194: {  	v29 =	vadd.s32 v0, v29;
	[tilespmem:$0x1FE50] =	vst v4  }
0x195: {  	[tilespmem:s30+$0x3D0] =	vst v17;
	v4 =	vld.idx.msk [tilespmem:v19+s15+$0x0], $0xffff;
	v19 =	vor.u32 $0x1, v29  }
0x196: {  	v9 =	vor.u32 $0x3, v20;
	[tilespmem:$0x1FE60] =	vst v19  }
0x197: {  	v19 =	vor.u32 $0x2, v29;
	[tilespmem:s29+$0x70] =	vst v35  }
0x198: {  	v57 =	vld.idx.msk [tilespmem:v23+s15+$0x0], $0xffff;
	[tilespmem:$0x1FE70] =	vst v19;
	v19 =	vor.u32 $0x3, v29  }
0x199: {  	[tilespmem:$0x1FE80] =	vst v19;
	v19 =	vor.u32 $0x4, v29  }
0x19a: {  	v21 =	vor.u32 $0x4, v20;
	[tilespmem:$0x1FE90] =	vst v19  }
0x19b: {  	[tilespmem:s29+$0xF0] =	vst v14;
	v58 =	vld.idx.msk [tilespmem:v9+s15+$0x0], $0xffff;
	v9 =	vor.u32 $0x5, v29  }
0x19c: {  	[tilespmem:$0x1FEA0] =	vst v9;
	v9 =	vor.u32 $0x6, v29  }
0x19d: {  	v22 =	vor.u32 $0x5, v20;
	[tilespmem:$0x1FEB0] =	vst v9  }
0x19e: {  	[tilespmem:s29+$0x170] =	vst v34  }
0x19f: {  	v14 =	vor.u32 $0x7, v29;
	v9 =	vor.u32 v45, v1;
	v59 =	vld.idx.msk [tilespmem:v21+s15+$0x0], $0xffff;
	[tilespmem:$0x1FEC0] =	vst v29  }
0x1a0: {  	v17 =	vor.u32 $0x6, v20;
	v39 =	vadd.s32 v0, v9;
	[tilespmem:$0x1FED0] =	vst v14  }
0x1a1: {  	v9 =	vor.u32 $0x1, v39;
	[tilespmem:s29+$0x1F0] =	vst v10  }
0x1a2: {  	v60 =	vld.idx.msk [tilespmem:v22+s15+$0x0], $0xffff;
	[tilespmem:$0x1FEE0] =	vst v9;
	v9 =	vor.u32 $0x2, v39  }
0x1a3: {  	v28 =	vor.u32 $0x7, v28;
	[tilespmem:$0x1FEF0] =	vst v9  }
0x1a4: {  	v9 =	vor.u32 $0x3, v39;
	[tilespmem:s29+$0x270] =	vst v32  }
0x1a5: {  	v61 =	vld.idx.msk [tilespmem:v17+s15+$0x0], $0xffff;
	[tilespmem:$0x1FF00] =	vst v9;
	v9 =	vor.u32 $0x4, v39  }
0x1a6: {  	[tilespmem:$0x1FF10] =	vst v9  }
0x1a7: {  	v10 =	vor.u32 $0x6, v39;
	[tilespmem:s31+$0x3F0] =	vst v26  }
0x1a8: {  	v56 =	vor.u32 $0x1, v25;
	v8 =	vor.u32 $0x3, v25;
	v9 =	vld.idx.msk [tilespmem:v28+s15+$0x0], $0xffff;
	[tilespmem:$0x1FF20] =	vst v10  }
0x1a9: {  	v47 =	vor.u32 $0x5, v25;
	v50 =	vor.u32 $0x6, v25;
	v24 =	vor.u32 $0x2, v25;
	[tilespmem:s2+$0x20] =	vst v16  }
0x1aa: {  	v27 =	vor.u32 $0x4, v25;
	v14 =	vor.u32 v44, v1;
	v1 =	vor.u32 v37, v1;
	[tilespmem:s2+$0xA0] =	vst v18  }
0x1ab: {  	v48 =	vor.u32 $0x3, v46;
	v19 =	vadd.s32 v0, v14;
	v0 =	vadd.s32 v0, v1;
	[tilespmem:s2+$0x120] =	vst v12  }
0x1ac: {  	v49 =	vor.u32 $0x4, v46;
	v41 =	vor.u32 $0x5, v46;
	v1 =	vor.u32 $0x1, v0;
	v16 =	vld.idx.msk [tilespmem:v25+s15+$0x0], $0xffff;
	[tilespmem:s2+$0x1A0] =	vst v13  }
0x1ad: {  	v42 =	vor.u32 $0x6, v46;
	v33 =	vor.u32 $0x7, v46;
	v55 =	vor.u32 $0x3, v53;
	v10 =	vld.idx.msk [tilespmem:v56+s15+$0x0], $0xffff;
	[tilespmem:$0x1FF30] =	vst v1  }
0x1ae: {  	v54 =	vor.u32 $0x5, v53;
	v30 =	vor.u32 $0x7, v53;
	v1 =	vor.u32 $0x2, v0;
	[tilespmem:s2+$0x220] =	vst v11  }
0x1af: {  	v31 =	vor.u32 $0x6, v53;
	v51 =	vor.u32 $0x5, v39;
	v14 =	vld.idx.msk [tilespmem:v24+s15+$0x0], $0xffff;
	[tilespmem:$0x1FF40] =	vst v1;
	v1 =	vor.u32 $0x3, v0  }
0x1b0: {  	v52 =	vor.u32 $0x7, v39;
	v21 =	vor.u32 $0x1, v19;
	v11 =	vld.idx.msk [tilespmem:v8+s15+$0x0], $0xffff;
	[tilespmem:$0x1FF50] =	vst v1;
	v1 =	vor.u32 $0x4, v0  }
0x1b1: {  	v22 =	vor.u32 $0x2, v19;
	v20 =	vor.u32 $0x3, v19;
	v63 =	vor.u32 $0x5, v19;
	[tilespmem:$0x1FF60] =	vst v1  }
0x1b2: {  	v62 =	vor.u32 $0x6, v19;
	v37 =	vor.u32 $0x5, v0;
	v35 =	vor.u32 $0x6, v0;
	[tilespmem:s2+$0x2A0] =	vst v15  }
0x1b3: {  	s28 =	sshll.u32 s26, $0xF;
	v18 =	vor.u32 $0x4, v19;
	v56 =	vor.u32 $0x7, v19;
	v15 =	vld.idx.msk [tilespmem:v27+s15+$0x0], $0xffff;
	v27 =	vor.u32 $0x7, v0;
	[tilespmem:$0x1FF70] =	vst v0  }
.LBB2_3:
0x1b4: {  	_ = 	snop  }
0x1b5: {  	[tilespmem:s2+$0x320] =	vst v7  }
0x1b6: {  	v17 =	vld.idx.msk [tilespmem:v47+s15+$0x0], $0xffff;
	[tilespmem:s2+$0x3A0] =	vst v9  }
0x1b7: {  	[tilespmem:$0x1FDE0] =	vst v18;
	v18 =	vld.idx.msk [tilespmem:v50+s15+$0x0], $0xffff  }
0x1b8: {  	v7 =	vld.idx.msk [tilespmem:v53+s15+$0x0], $0xffff  }
0x1b9: {  	[tilespmem:s29+$0x2F0] =	vst v6;
	v6 =	vld [tilespmem:$0x1FE30];
	_ =	sdelay $0x7  }
0x1ba: {  	v8 =	vld.idx.msk [tilespmem:v6+s15+$0x0], $0xffff  }
0x1bb: {  	[tilespmem:s29+$0x370] =	vst v3;
	v3 =	vld [tilespmem:$0x1FE40];
	_ =	sdelay $0x1  }
0x1bc: {  	v6 =	vld [tilespmem:$0x1FE50]  }
0x1bd: {  	[tilespmem:$0x1FC70] =	vst v41  }
0x1be: {  	[tilespmem:$0x1FC90] =	vst v42  }
0x1bf: {  	[tilespmem:$0x1FC80] =	vst v37  }
0x1c0: {  	[tilespmem:$0x1FCB0] =	vst v33;
	s0 =	sadd.s32 $0x2, s0;
	v0 =	vmov v62  }
0x1c1: {  	s8 =	sand.u32 $0x2, s0;
	s7 =	sshll.u32 s0, $0x1;
	[tilespmem:$0x1FC00] =	vst v0  }
0x1c2: {  	v1 =	vmov v63;
	s12 =	sshll.u32 s8, $0x7;
	v0 =	vmov s7;
	s7 =	sshll.u32 s8, $0xA;
	s8 =	sor.u32 $0x1, s8;
	v3 =	vld.idx.msk [tilespmem:v3+s15+$0x0], $0xffff;
	[tilespmem:s29+$0x3F0] =	vst v5  }
0x1c3: {  	[tilespmem:$0x1FC10] =	vst v1;
	v1 =	vmov s12;
	v0 =	vshrl.u32 v0, $0x3;
	s24 =	sshll.u32 s8, $0x7;
	v9 =	vld.idx.msk [tilespmem:v55+s15+$0x0], $0xffff  }
0x1c4: {  	[tilespmem:$0x1FD70] =	vst v19;
	v19 =	vshll.u32 v1, $0x5;
	v0 =	vshll.u32 v0, $0x3;
	v1 =	vmov s24;
	v23 =	vld.idx.msk [tilespmem:v6+s15+$0x0], $0xffff  }
0x1c5: {  	[tilespmem:$0x1FCA0] =	vst v35;
	v0 =	vbroadcast v0, $0x0;
	v1 =	vshll.u32 v1, $0x5;
	v25 =	vld.idx.msk [tilespmem:v54+s15+$0x0], $0xffff  }
0x1c6: {  	[tilespmem:s31+$0x70] =	vst v2;
	v12 =	vor.u32 v36, v1;
	v28 =	vld.idx.msk [tilespmem:v31+s15+$0x0], $0xffff  }
0x1c7: {  	[tilespmem:s31+$0xF0] =	vst v4;
	v4 =	vmov v48;
	v2 =	vor.u32 v40, v19;
	v24 =	vadd.s32 v0, v12;
	s29 =	smov.u32 s30;
	s30 =	smov.u32 s2;
	v48 =	vld.idx.msk [tilespmem:v30+s15+$0x0], $0xffff  }
0x1c8: {  	v6 =	vadd.s32 v0, v2;
	v2 =	vor.u32 $0x1, v24;
	[tilespmem:s30+$0x30] =	vst v7;
	v7 =	vld [tilespmem:$0x1FE00]  }
0x1c9: {  	[tilespmem:$0x1FCC0] =	vst v27  }
0x1ca: {  	[tilespmem:$0x1FD80] =	vst v21  }
0x1cb: {  	[tilespmem:$0x1FDA0] =	vst v22  }
0x1cc: {  	[tilespmem:$0x1FDC0] =	vst v20  }
0x1cd: {  	[tilespmem:s30+$0xB0] =	vst v8;
	v42 =	vld.idx.msk [tilespmem:v2+s15+$0x0], $0xffff;
	v2 =	vor.u32 $0x6, v6  }
0x1ce: {  	[tilespmem:$0x1FC30] =	vst v2;
	v2 =	vor.u32 $0x7, v6  }
0x1cf: {  	v35 =	vor.u32 $0x3, v24;
	[tilespmem:$0x1FC40] =	vst v2  }
0x1d0: {  	v5 =	vor.u32 v36, v19;
	v36 =	vor.u32 $0x4, v24;
	v21 =	vld.idx.msk [tilespmem:v7+s15+$0x0], $0xffff;
	[tilespmem:s30+$0x130] =	vst v3  }
0x1d1: {  	v34 =	vor.u32 $0x2, v24;
	[tilespmem:s30+$0x1B0] =	vst v9  }
0x1d2: {  	v41 =	vor.u32 $0x5, v24;
	v55 =	vld [tilespmem:$0x1FFE0];
	[tilespmem:s30+$0x230] =	vst v23  }
0x1d3: {  	v47 =	vor.u32 $0x6, v24;
	v37 =	vld.idx.msk [tilespmem:v24+s15+$0x0], $0xffff;
	v24 =	vor.u32 $0x7, v24;
	[tilespmem:s30+$0x2B0] =	vst v25  }
0x1d4: {  	v32 =	vld.idx.msk [tilespmem:v35+s15+$0x0], $0xffff;
	[tilespmem:s30+$0x330] =	vst v28  }
0x1d5: {  	s12 =	sshll.u32 s0, $0xA;
	v31 =	vld.idx.msk [tilespmem:v36+s15+$0x0], $0xffff;
	[tilespmem:s30+$0x3B0] =	vst v48  }
0x1d6: {  	s2 =	sand.u32 $0x3FFFF000, s12;
	v7 =	vmov v56;
	v23 =	vld.idx.msk [tilespmem:v34+s15+$0x0], $0xffff;
	[tilespmem:s29+$0x60] =	vst v16  }
0x1d7: {  	s8 =	sshll.u32 s8, $0xA;
	s24 =	sadd.s32 $0x8400, s2;
	v22 =	vor.u32 v55, v19;
	v34 =	vld.idx.msk [tilespmem:v41+s15+$0x0], $0xffff;
	[tilespmem:$0x1FE00] =	vst v7;
	v7 =	vor.u32 $0x5, v6  }
0x1d8: {  	s8 =	sadd.s32 s8, s24;
	v16 =	vld.idx.msk [tilespmem:v24+s15+$0x0], $0xffff;
	[tilespmem:$0x1FC20] =	vst v7;
	v7 =	vadd.s32 v0, v22;
	v22 =	vor.u32 v43, v19  }
0x1d9: {  	v53 =	vadd.s32 v0, v22;
	v22 =	vld.idx.msk [tilespmem:v47+s15+$0x0], $0xffff;
	[tilespmem:s8+$0x0] =	vst v37  }
0x1da: {  	[tilespmem:s8+$0x80] =	vst v42  }
0x1db: {  	[tilespmem:s8+$0x180] =	vst v32  }
0x1dc: {  	v2 =	vor.u32 $0x1, v7;
	[tilespmem:s8+$0x200] =	vst v31  }
0x1dd: {  	[tilespmem:$0x1FCF0] =	vst v2;
	v2 =	vor.u32 $0x2, v7  }
0x1de: {  	[tilespmem:$0x1FD10] =	vst v2  }
0x1df: {  	[tilespmem:s8+$0x100] =	vst v23  }
0x1e0: {  	v20 =	vadd.s32 v0, v5;
	v2 =	vor.u32 $0x3, v7;
	[tilespmem:s8+$0x280] =	vst v34  }
0x1e1: {  	v26 =	vor.u32 $0x1, v20;
	[tilespmem:$0x1FD20] =	vst v2;
	v2 =	vor.u32 $0x4, v7  }
0x1e2: {  	v29 =	vor.u32 $0x3, v20;
	[tilespmem:$0x1FD30] =	vst v2;
	v2 =	vor.u32 $0x5, v7  }
0x1e3: {  	v62 =	vor.u32 $0x4, v20;
	[tilespmem:$0x1FD40] =	vst v2;
	v2 =	vor.u32 $0x6, v7  }
0x1e4: {  	v30 =	vor.u32 $0x6, v20;
	[tilespmem:$0x1FD50] =	vst v2;
	v2 =	vor.u32 $0x7, v7  }
0x1e5: {  	v8 =	vor.u32 $0x7, v20;
	[tilespmem:$0x1FD60] =	vst v2;
	v2 =	vor.u32 $0x1, v53  }
0x1e6: {  	v63 =	vor.u32 $0x5, v20;
	v36 =	vld.idx.msk [tilespmem:v26+s15+$0x0], $0xffff;
	[tilespmem:$0x1FE30] =	vst v2;
	v2 =	vor.u32 $0x2, v53  }
0x1e7: {  	v27 =	vor.u32 $0x2, v20;
	v33 =	vld.idx.msk [tilespmem:v29+s15+$0x0], $0xffff;
	v23 =	vor.u32 v40, v1;
	[tilespmem:$0x1FE40] =	vst v2;
	v2 =	vor.u32 $0x4, v53  }
0x1e8: {  	v25 =	vor.u32 v38, v19;
	v41 =	vld.idx.msk [tilespmem:v62+s15+$0x0], $0xffff;
	v32 =	vadd.s32 v0, v23;
	[tilespmem:$0x1FE50] =	vst v2;
	v2 =	vor.u32 $0x5, v53  }
0x1e9: {  	v35 =	vadd.s32 v0, v25;
	v30 =	vld.idx.msk [tilespmem:v30+s15+$0x0], $0xffff;
	v23 =	vor.u32 $0x1, v32;
	[tilespmem:$0x1FD00] =	vst v2;
	v2 =	vor.u32 $0x6, v53  }
0x1ea: {  	v25 =	vor.u32 v44, v19;
	v44 =	vld.idx.msk [tilespmem:v8+s15+$0x0], $0xffff;
	v62 =	vor.u32 $0x2, v32;
	[tilespmem:$0x1FCD0] =	vst v2;
	v2 =	vor.u32 $0x7, v53  }
0x1eb: {  	v31 =	vld.idx.msk [tilespmem:v63+s15+$0x0], $0xffff;
	[tilespmem:s8+$0x380] =	vst v16;
	v63 =	vor.u32 $0x3, v32  }
0x1ec: {  	v37 =	vld.idx.msk [tilespmem:v27+s15+$0x0], $0xffff;
	v16 =	vor.u32 $0x4, v32;
	[tilespmem:s8+$0x300] =	vst v22  }
0x1ed: {  	v24 =	vor.u32 v45, v19;
	v45 =	vld.idx.msk [tilespmem:v32+s15+$0x0], $0xffff;
	[tilespmem:$0x1FCE0] =	vst v2;
	v2 =	vmov v46;
	v46 =	vor.u32 $0x5, v32  }
0x1ee: {  	v8 =	vadd.s32 v0, v25;
	[tilespmem:s29+$0x160] =	vst v14;
	v48 =	vor.u32 $0x6, v32;
	v47 =	vld.idx.msk [tilespmem:v23+s15+$0x0], $0xffff  }
0x1ef: {  	[tilespmem:s29+$0x260] =	vst v15;
	v15 =	vor.u32 $0x3, v8;
	v14 =	vld.idx.msk [tilespmem:v62+s15+$0x0], $0xffff;
	v32 =	vor.u32 $0x7, v32  }
0x1f0: {  	[tilespmem:$0x1FDD0] =	vst v15;
	v15 =	vor.u32 $0x4, v8;
	v34 =	vld.idx.msk [tilespmem:v63+s15+$0x0], $0xffff  }
0x1f1: {  	[tilespmem:$0x1FDF0] =	vst v15;
	v15 =	vld.idx.msk [tilespmem:v16+s15+$0x0], $0xffff  }
0x1f2: {  	[tilespmem:s29+$0x2E0] =	vst v17;
	v17 =	vld.idx.msk [tilespmem:v46+s15+$0x0], $0xffff  }
0x1f3: {  	v46 =	vld.idx.msk [tilespmem:v48+s15+$0x0], $0xffff  }
0x1f4: {  	[tilespmem:$0x1FC50] =	vst v51;
	v51 =	vor.u32 $0x3, v53;
	v32 =	vld.idx.msk [tilespmem:v32+s15+$0x0], $0xffff  }
0x1f5: {  	[tilespmem:s8+$0x110] =	vst v14;
	v14 =	vor.u32 v55, v1;
	v55 =	vmov v51;
	v51 =	vld [tilespmem:$0x1FEC0];
	_ =	sdelay $0x3  }
0x1f6: {  	[tilespmem:s29+$0xE0] =	vst v10  }
0x1f7: {  	[tilespmem:s29+$0x1E0] =	vst v11  }
0x1f8: {  	[tilespmem:s29+$0x360] =	vst v18  }
0x1f9: {  	[tilespmem:s29+$0x3E0] =	vst v21  }
0x1fa: {  	[tilespmem:s8+$0x90] =	vst v47;
	v47 =	vld.idx.msk [tilespmem:v51+s15+$0x0], $0xffff;
	v51 =	vmov v35  }
0x1fb: {  	[tilespmem:$0x1FEC0] =	vst v51;
	v51 =	vld [tilespmem:$0x1FE60];
	_ =	sdelay $0x6  }
0x1fc: {  	v38 =	vor.u32 $0x1, v35  }
0x1fd: {  	[tilespmem:s8+$0x190] =	vst v34;
	v34 =	vld.idx.msk [tilespmem:v51+s15+$0x0], $0xffff;
	v51 =	vmov v38;
	_ =	sdelay $0x1  }
0x1fe: {  	[tilespmem:$0x1FC60] =	vst v52;
	v52 =	vmov v39;
	v39 =	vor.u32 $0x2, v35  }
0x1ff: {  	v38 =	vld [tilespmem:$0x1FE70];
	[tilespmem:$0x1FE60] =	vst v51;
	v51 =	vmov v39  }
0x200: {  	[tilespmem:$0x1FE70] =	vst v51;
	v51 =	vld [tilespmem:$0x1FE80]  }
0x201: {  	[tilespmem:s8+$0x310] =	vst v46;
	v46 =	vld [tilespmem:$0x1FE90];
	_ =	sdelay $0x4  }
0x202: {  	v43 =	vor.u32 $0x5, v35;
	v29 =	vor.u32 $0x6, v35  }
0x203: {  	v28 =	vor.u32 $0x7, v35;
	v42 =	vor.u32 $0x4, v35;
	v40 =	vor.u32 $0x3, v35;
	v35 =	vld.idx.msk [tilespmem:v38+s15+$0x0], $0xffff  }
0x204: {  	v38 =	vld.idx.msk [tilespmem:v51+s15+$0x0], $0xffff  }
0x205: {  	v51 =	vmov v40;
	v40 =	vld.idx.msk [tilespmem:v46+s15+$0x0], $0xffff  }
0x206: {  	v14 =	vadd.s32 v0, v14;
	v46 =	vld [tilespmem:$0x1FEA0]  }
0x207: {  	[tilespmem:s8+$0x210] =	vst v15;
	v15 =	vor.u32 $0x1, v14  }
0x208: {  	[tilespmem:s8+$0x290] =	vst v17;
	v17 =	vor.u32 $0x2, v14  }
0x209: {  	[tilespmem:$0x1FE80] =	vst v51;
	v51 =	vmov v42  }
0x20a: {  	[tilespmem:s8+$0x10] =	vst v45  }
0x20b: {  	v45 =	vld.idx.msk [tilespmem:v20+s15+$0x0], $0xffff;
	[tilespmem:s8+$0x390] =	vst v32;
	v39 =	vor.u32 $0x3, v14  }
0x20c: {  	v32 =	vor.u32 $0x4, v14;
	v15 =	vld.idx.msk [tilespmem:v15+s15+$0x0], $0xffff;
	[tilespmem:$0x1FE90] =	vst v51;
	v51 =	vmov v43  }
0x20d: {  	v17 =	vld.idx.msk [tilespmem:v17+s15+$0x0], $0xffff;
	[tilespmem:$0x1FEA0] =	vst v51;
	v51 =	vor.u32 $0x6, v14  }
0x20e: {  	s2 =	sor.u32 s7, s24;
	v42 =	vld.idx.msk [tilespmem:v46+s15+$0x0], $0xffff;
	v46 =	vor.u32 $0x5, v14  }
0x20f: {  	[tilespmem:s2+$0x80] =	vst v36;
	v36 =	vld.idx.msk [tilespmem:v14+s15+$0x0], $0xffff;
	v14 =	vor.u32 $0x7, v14  }
0x210: {  	[tilespmem:s2+$0x180] =	vst v33;
	v33 =	vld.idx.msk [tilespmem:v39+s15+$0x0], $0xffff  }
0x211: {  	[tilespmem:s2+$0x280] =	vst v31;
	v31 =	vld.idx.msk [tilespmem:v32+s15+$0x0], $0xffff  }
0x212: {  	v51 =	vld.idx.msk [tilespmem:v51+s15+$0x0], $0xffff  }
0x213: {  	[tilespmem:s2+$0x300] =	vst v30;
	v30 =	vld.idx.msk [tilespmem:v46+s15+$0x0], $0xffff  }
0x214: {  	[tilespmem:s2+$0x200] =	vst v41;
	v41 =	vld.idx.msk [tilespmem:v14+s15+$0x0], $0xffff  }
0x215: {  	v14 =	vld [tilespmem:$0x1FEB0]  }
0x216: {  	[tilespmem:s8+$0xA0] =	vst v15;
	v15 =	vld [tilespmem:$0x1FED0];
	_ =	sdelay $0x2  }
0x217: {  	v43 =	vld [tilespmem:$0x1FFD0];
	_ =	sdelay $0x1  }
0x218: {  	[tilespmem:s2+$0x100] =	vst v37  }
0x219: {  	v54 =	vld [tilespmem:$0x1FF90];
	[tilespmem:s2+$0x380] =	vst v44  }
0x21a: {  	[tilespmem:s8+$0x20] =	vst v36;
	v36 =	vld.idx.msk [tilespmem:v14+s15+$0x0], $0xffff;
	v14 =	vmov v29  }
0x21b: {  	v29 =	vld.idx.msk [tilespmem:v15+s15+$0x0], $0xffff;
	[tilespmem:$0x1FEB0] =	vst v14;
	v14 =	vor.u32 v43, v1  }
0x21c: {  	v15 =	vmov v28;
	v28 =	vadd.s32 v0, v14;
	v14 =	vld.idx.msk [tilespmem:v2+s15+$0x0], $0xffff  }
0x21d: {  	v2 =	vld [tilespmem:$0x1FF70];
	_ =	sdelay $0x2  }
0x21e: {  	v16 =	vor.u32 v54, v19  }
0x21f: {  	v19 =	vadd.s32 v0, v16  }
0x220: {  	v46 =	vmov v2;
	v2 =	vmov v19  }
0x221: {  	[tilespmem:$0x1FF70] =	vst v2;
	v2 =	vld [tilespmem:$0x1FE10];
	_ =	sdelay $0x6  }
0x222: {  	v21 =	vor.u32 $0x1, v19;
	[tilespmem:s8+$0x120] =	vst v17;
	v17 =	vld [tilespmem:$0x1FF30]  }
0x223: {  	[tilespmem:$0x1FED0] =	vst v15;
	v15 =	vld.idx.msk [tilespmem:v2+s15+$0x0], $0xffff;
	v2 =	vmov v21  }
0x224: {  	[tilespmem:$0x1FF30] =	vst v2;
	v2 =	vld [tilespmem:$0x1FE20];
	_ =	sdelay $0x3  }
0x225: {  	v5 =	vmov v49;
	v49 =	vor.u32 $0x1, v8  }
0x226: {  	v50 =	vor.u32 $0x2, v8;
	[tilespmem:$0x1FD90] =	vst v49  }
0x227: {  	[tilespmem:$0x1FDB0] =	vst v50;
	v49 =	vor.u32 $0x3, v19;
	v50 =	vor.u32 $0x4, v19;
	v18 =	vor.u32 $0x6, v19  }
0x228: {  	v16 =	vor.u32 $0x7, v19;
	v48 =	vor.u32 $0x2, v19;
	v20 =	vor.u32 $0x5, v19;
	v17 =	vmovc v17;
	v19 =	vld [tilespmem:$0x1FF40]  }
0x229: {  	[tilespmem:$0x1FE10] =	vst v17;
	v17 =	vld.idx.msk [tilespmem:v2+s15+$0x0], $0xffff;
	v2 =	vmov v48  }
0x22a: {  	[tilespmem:$0x1FF40] =	vst v2;
	v2 =	vld [tilespmem:$0x1FF50]  }
0x22b: {  	v26 =	vadd.s32 v0, v24;
	[tilespmem:s8+$0x1A0] =	vst v33  }
0x22c: {  	v24 =	vor.u32 $0x2, v26;
	[tilespmem:s8+$0x220] =	vst v31  }
0x22d: {  	v25 =	vor.u32 $0x3, v26;
	v27 =	vor.u32 $0x1, v26;
	[tilespmem:s8+$0x320] =	vst v51;
	v31 =	vor.u32 $0x1, v28  }
0x22e: {  	v10 =	vor.u32 $0x6, v26;
	v11 =	vor.u32 $0x7, v26;
	[tilespmem:s8+$0x2A0] =	vst v30;
	v30 =	vor.u32 $0x2, v28  }
0x22f: {  	v22 =	vor.u32 $0x4, v26;
	v23 =	vor.u32 $0x5, v26;
	v39 =	vmovc v26;
	v26 =	vld [tilespmem:$0x1FEE0];
	[tilespmem:s8+$0x3A0] =	vst v41;
	v48 =	vmovc v2;
	v2 =	vmov v49  }
0x230: {  	[tilespmem:$0x1FF50] =	vst v2;
	v2 =	vld [tilespmem:$0x1FF60]  }
0x231: {  	v37 =	vld.idx.msk [tilespmem:v28+s15+$0x0], $0xffff  }
0x232: {  	v32 =	vor.u32 $0x3, v28;
	v31 =	vld.idx.msk [tilespmem:v31+s15+$0x0], $0xffff  }
0x233: {  	v33 =	vor.u32 $0x4, v28;
	v30 =	vld.idx.msk [tilespmem:v30+s15+$0x0], $0xffff;
	v19 =	vmov v19  }
0x234: {  	v51 =	vor.u32 $0x5, v28;
	v21 =	vld.idx.msk [tilespmem:v5+s15+$0x0], $0xffff;
	[tilespmem:$0x1FE20] =	vst v19  }
0x235: {  	v19 =	vld.idx.msk [tilespmem:v4+s15+$0x0], $0xffff;
	[tilespmem:s2+$0x0] =	vst v45;
	v49 =	vmov v2;
	v2 =	vmov v50  }
0x236: {  	v41 =	vor.u32 $0x6, v28;
	[tilespmem:$0x1FF60] =	vst v2;
	v2 =	vld [tilespmem:$0x1FC20]  }
0x237: {  	v28 =	vor.u32 $0x7, v28;
	v32 =	vld.idx.msk [tilespmem:v32+s15+$0x0], $0xffff;
	[tilespmem:s30+$0x40] =	vst v47  }
0x238: {  	v33 =	vld.idx.msk [tilespmem:v33+s15+$0x0], $0xffff;
	[tilespmem:s30+$0xC0] =	vst v34  }
0x239: {  	v51 =	vld.idx.msk [tilespmem:v51+s15+$0x0], $0xffff;
	[tilespmem:s30+$0x140] =	vst v35  }
0x23a: {  	[tilespmem:s30+$0x1C0] =	vst v38;
	v38 =	vld [tilespmem:$0x1FFC0]  }
0x23b: {  	v12 =	vor.u32 $0x1, v6;
	v41 =	vld.idx.msk [tilespmem:v41+s15+$0x0], $0xffff;
	[tilespmem:s30+$0x240] =	vst v40  }
0x23c: {  	v13 =	vor.u32 $0x2, v6;
	v28 =	vld.idx.msk [tilespmem:v28+s15+$0x0], $0xffff;
	[tilespmem:s30+$0x2C0] =	vst v42  }
0x23d: {  	v3 =	vor.u32 $0x3, v6;
	v9 =	vor.u32 $0x4, v6;
	[tilespmem:s8+$0x30] =	vst v37;
	v6 =	vld.idx.msk [tilespmem:v6+s15+$0x0], $0xffff  }
0x23e: {  	[tilespmem:s8+$0xB0] =	vst v31;
	v5 =	vld.idx.msk [tilespmem:v2+s15+$0x0], $0xffff  }
0x23f: {  	[tilespmem:s8+$0x130] =	vst v30;
	v30 =	vor.u32 v38, v1;
	v2 =	vld [tilespmem:$0x1FC30]  }
0x240: {  	[tilespmem:s8+$0x1B0] =	vst v32;
	v12 =	vld.idx.msk [tilespmem:v12+s15+$0x0], $0xffff;
	v30 =	vadd.s32 v0, v30  }
0x241: {  	[tilespmem:s8+$0x230] =	vst v33;
	v13 =	vld.idx.msk [tilespmem:v13+s15+$0x0], $0xffff;
	v31 =	vor.u32 $0x1, v30  }
0x242: {  	[tilespmem:s8+$0x2B0] =	vst v51;
	v4 =	vld.idx.msk [tilespmem:v3+s15+$0x0], $0xffff  }
0x243: {  	[tilespmem:s8+$0x330] =	vst v41;
	v9 =	vld.idx.msk [tilespmem:v9+s15+$0x0], $0xffff;
	v32 =	vor.u32 $0x2, v30  }
0x244: {  	[tilespmem:s8+$0x3B0] =	vst v28;
	v3 =	vld [tilespmem:$0x1FC40];
	v42 =	vor.u32 $0x3, v30  }
0x245: {  	v28 =	vor.u32 $0x4, v30;
	v34 =	vld.idx.msk [tilespmem:v30+s15+$0x0], $0xffff  }
0x246: {  	v51 =	vor.u32 $0x5, v30;
	v31 =	vld.idx.msk [tilespmem:v31+s15+$0x0], $0xffff  }
0x247: {  	v41 =	vor.u32 $0x6, v30;
	v2 =	vld.idx.msk [tilespmem:v2+s15+$0x0], $0xffff;
	[tilespmem:s30+$0x3C0] =	vst v29  }
0x248: {  	v30 =	vor.u32 $0x7, v30;
	v29 =	vld.idx.msk [tilespmem:v32+s15+$0x0], $0xffff;
	[tilespmem:s31+$0x170] =	vst v57  }
0x249: {  	v32 =	vld.idx.msk [tilespmem:v42+s15+$0x0], $0xffff;
	[tilespmem:s31+$0x1F0] =	vst v58  }
0x24a: {  	v28 =	vld.idx.msk [tilespmem:v28+s15+$0x0], $0xffff;
	[tilespmem:s31+$0x270] =	vst v59  }
0x24b: {  	v42 =	vld.idx.msk [tilespmem:v51+s15+$0x0], $0xffff;
	[tilespmem:s31+$0x2F0] =	vst v60  }
0x24c: {  	v51 =	vld.idx.msk [tilespmem:v41+s15+$0x0], $0xffff;
	[tilespmem:s31+$0x370] =	vst v61  }
0x24d: {  	v30 =	vld.idx.msk [tilespmem:v30+s15+$0x0], $0xffff  }
0x24e: {  	v45 =	vld [tilespmem:$0x1FFB0];
	s31 =	smov.u32 s8  }
0x24f: {  	v60 =	vld [tilespmem:$0x1FF10];
	[tilespmem:s31+$0xC0] =	vst v31  }
0x250: {  	v31 =	vmov v24;
	[tilespmem:s31+$0x240] =	vst v28;
	v28 =	vld [tilespmem:$0x1FEF0]  }
0x251: {  	[tilespmem:$0x1FEF0] =	vst v31;
	v31 =	vld [tilespmem:$0x1FF00]  }
0x252: {  	[tilespmem:s31+$0x3C0] =	vst v30;
	v30 =	vld [tilespmem:$0x1FC50]  }
0x253: {  	[tilespmem:s30+$0x340] =	vst v36  }
0x254: {  	v57 =	vld.idx.msk [tilespmem:v3+s15+$0x0], $0xffff  }
0x255: {  	v3 =	vor.u32 v45, v1;
	v26 =	vld.idx.msk [tilespmem:v26+s15+$0x0], $0xffff  }
0x256: {  	v3 =	vadd.s32 v0, v3;
	[tilespmem:s31+$0x140] =	vst v29;
	v29 =	vld.idx.msk [tilespmem:v52+s15+$0x0], $0xffff  }
0x257: {  	v58 =	vmov v27;
	v27 =	vor.u32 $0x1, v3;
	[tilespmem:s31+$0x1C0] =	vst v32;
	v32 =	vld.idx.msk [tilespmem:v60+s15+$0x0], $0xffff  }
0x258: {  	[tilespmem:s31+$0x40] =	vst v34;
	v28 =	vld.idx.msk [tilespmem:v28+s15+$0x0], $0xffff  }
0x259: {  	[tilespmem:s31+$0x2C0] =	vst v42;
	v31 =	vld.idx.msk [tilespmem:v31+s15+$0x0], $0xffff  }
0x25a: {  	[tilespmem:s31+$0x340] =	vst v51;
	v30 =	vld.idx.msk [tilespmem:v30+s15+$0x0], $0xffff  }
0x25b: {  	v59 =	vmovc v25;
	v25 =	vor.u32 $0x3, v3;
	v61 =	vmovc v22;
	v22 =	vor.u32 $0x4, v3;
	v24 =	vor.u32 $0x2, v3;
	[tilespmem:s2+$0x10] =	vst v6;
	v6 =	vld.idx.msk [tilespmem:v3+s15+$0x0], $0xffff  }
0x25c: {  	v51 =	vmovc v23;
	v23 =	vor.u32 $0x5, v3;
	[tilespmem:s2+$0x90] =	vst v12;
	v12 =	vld.idx.msk [tilespmem:v27+s15+$0x0], $0xffff;
	v27 =	vor.u32 $0x6, v3;
	v3 =	vor.u32 $0x7, v3;
	_ =	sdelay $0x3  }
0x25d: {  	[tilespmem:s2+$0x210] =	vst v9;
	v9 =	vld.idx.msk [tilespmem:v22+s15+$0x0], $0xffff  }
0x25e: {  	v22 =	vld.idx.msk [tilespmem:v3+s15+$0x0], $0xffff  }
0x25f: {  	v3 =	vld [tilespmem:$0x1FF20];
	_ =	sdelay $0x2  }
0x260: {  	v44 =	vld [tilespmem:$0x1FFA0];
	[tilespmem:s2+$0x110] =	vst v13  }
0x261: {  	v13 =	vld.idx.msk [tilespmem:v24+s15+$0x0], $0xffff;
	[tilespmem:s2+$0x190] =	vst v4  }
0x262: {  	v4 =	vld.idx.msk [tilespmem:v25+s15+$0x0], $0xffff;
	[tilespmem:s2+$0x290] =	vst v5  }
0x263: {  	v5 =	vld.idx.msk [tilespmem:v23+s15+$0x0], $0xffff;
	[tilespmem:s2+$0x310] =	vst v2  }
0x264: {  	v2 =	vld.idx.msk [tilespmem:v27+s15+$0x0], $0xffff;
	[tilespmem:s31+$0x50] =	vst v6  }
0x265: {  	[tilespmem:s31+$0xD0] =	vst v12;
	v12 =	vld.idx.msk [tilespmem:v3+s15+$0x0], $0xffff;
	v3 =	vmov v10  }
0x266: {  	v6 =	vld [tilespmem:$0x1FC60];
	[tilespmem:$0x1FF20] =	vst v3;
	v3 =	vor.u32 v44, v1  }
0x267: {  	[tilespmem:s31+$0x1D0] =	vst v4;
	v4 =	vadd.s32 v0, v3;
	v3 =	vld [tilespmem:$0x1FC70];
	_ =	sdelay $0x3  }
0x268: {  	[tilespmem:s31+$0x2D0] =	vst v5;
	v5 =	vld [tilespmem:$0x1FCB0]  }
0x269: {  	v52 =	vmov v11;
	v11 =	vld [tilespmem:$0x1FCA0]  }
0x26a: {  	[tilespmem:s31+$0x150] =	vst v13;
	v13 =	vld [tilespmem:$0x1FCC0]  }
0x26b: {  	v10 =	vld.idx.msk [tilespmem:v6+s15+$0x0], $0xffff  }
0x26c: {  	v6 =	vld.idx.msk [tilespmem:v3+s15+$0x0], $0xffff  }
0x26d: {  	v3 =	vld [tilespmem:$0x1FC80]  }
0x26e: {  	[tilespmem:s31+$0x250] =	vst v9;
	v9 =	vor.u32 $0x1, v4  }
0x26f: {  	[tilespmem:s31+$0x350] =	vst v2;
	v2 =	vor.u32 $0x3, v4  }
0x270: {  	v42 =	vmov v11;
	[tilespmem:s31+$0x3D0] =	vst v22;
	v5 =	vld.idx.msk [tilespmem:v5+s15+$0x0], $0xffff;
	v11 =	vor.u32 $0x2, v4  }
0x271: {  	v27 =	vmov v16;
	v33 =	vmov v13;
	v13 =	vor.u32 $0x4, v4;
	v16 =	vld.idx.msk [tilespmem:v4+s15+$0x0], $0xffff  }
0x272: {  	v35 =	vmov v18;
	v18 =	vor.u32 $0x5, v4;
	v41 =	vmov v3;
	v3 =	vld [tilespmem:$0x1FC90]  }
0x273: {  	v37 =	vmov v20;
	v20 =	vor.u32 $0x6, v4;
	v9 =	vld.idx.msk [tilespmem:v9+s15+$0x0], $0xffff  }
0x274: {  	v4 =	vor.u32 $0x7, v4;
	v2 =	vld.idx.msk [tilespmem:v2+s15+$0x0], $0xffff  }
0x275: {  	v11 =	vld.idx.msk [tilespmem:v11+s15+$0x0], $0xffff  }
0x276: {  	v13 =	vld.idx.msk [tilespmem:v13+s15+$0x0], $0xffff  }
0x277: {  	v18 =	vld.idx.msk [tilespmem:v18+s15+$0x0], $0xffff  }
0x278: {  	v20 =	vld.idx.msk [tilespmem:v20+s15+$0x0], $0xffff  }
0x279: {  	v4 =	vld.idx.msk [tilespmem:v4+s15+$0x0], $0xffff;
	[tilespmem:s31+$0x1E0] =	vst v2  }
0x27a: {  	v3 =	vld.idx.msk [tilespmem:v3+s15+$0x0], $0xffff;
	[tilespmem:s2+$0x390] =	vst v57  }
0x27b: {  	v2 =	vld [tilespmem:$0x1FD30];
	[tilespmem:s30+$0x50] =	vst v29  }
0x27c: {  	[tilespmem:s30+$0xD0] =	vst v26  }
0x27d: {  	[tilespmem:s30+$0x150] =	vst v28  }
0x27e: {  	[tilespmem:s30+$0x1D0] =	vst v31  }
0x27f: {  	[tilespmem:s30+$0x250] =	vst v32  }
0x280: {  	[tilespmem:s30+$0x2D0] =	vst v30  }
0x281: {  	[tilespmem:s31+$0x60] =	vst v16;
	v16 =	vld.idx.msk [tilespmem:v7+s15+$0x0], $0xffff  }
0x282: {  	v7 =	vld [tilespmem:$0x1FCF0]  }
0x283: {  	[tilespmem:s31+$0x260] =	vst v13;
	v13 =	vld.idx.msk [tilespmem:v2+s15+$0x0], $0xffff  }
0x284: {  	v2 =	vld [tilespmem:$0x1FD40];
	_ =	sdelay $0x3  }
0x285: {  	v1 =	vor.u32 v54, v1  }
0x286: {  	v0 =	vadd.s32 v0, v1;
	v1 =	vld [tilespmem:$0x1FD20]  }
0x287: {  	v22 =	vld.idx.msk [tilespmem:v7+s15+$0x0], $0xffff  }
0x288: {  	v7 =	vld [tilespmem:$0x1FD10]  }
0x289: {  	v23 =	vld.idx.msk [tilespmem:v2+s15+$0x0], $0xffff  }
0x28a: {  	v2 =	vld [tilespmem:$0x1FD50];
	_ =	sdelay $0x3  }
0x28b: {  	[tilespmem:s31+$0xE0] =	vst v9  }
0x28c: {  	[tilespmem:s31+$0x160] =	vst v11  }
0x28d: {  	[tilespmem:s31+$0x2E0] =	vst v18;
	v1 =	vld.idx.msk [tilespmem:v1+s15+$0x0], $0xffff  }
0x28e: {  	v24 =	vor.u32 $0x3, v0;
	[tilespmem:s31+$0x360] =	vst v20;
	v11 =	vld.idx.msk [tilespmem:v7+s15+$0x0], $0xffff  }
0x28f: {  	v25 =	vor.u32 $0x4, v0;
	v9 =	vor.u32 $0x7, v0;
	v18 =	vor.u32 $0x1, v0;
	[tilespmem:s31+$0x3E0] =	vst v4;
	v7 =	vld.idx.msk [tilespmem:v2+s15+$0x0], $0xffff  }
0x290: {  	v20 =	vor.u32 $0x2, v0;
	v2 =	vld.idx.msk [tilespmem:v0+s15+$0x0], $0xffff;
	[tilespmem:s30+$0x350] =	vst v12;
	v12 =	vor.u32 $0x5, v0;
	v0 =	vor.u32 $0x6, v0;
	_ =	sdelay $0x4  }
0x291: {  	[tilespmem:$0x1FF10] =	vst v61;
	v61 =	vld.idx.msk [tilespmem:v0+s15+$0x0], $0xffff  }
0x292: {  	[tilespmem:$0x1FEE0] =	vst v58;
	v0 =	vld [tilespmem:$0x1FD60]  }
0x293: {  	[tilespmem:$0x1FF00] =	vst v59  }
0x294: {  	v9 =	vld.idx.msk [tilespmem:v9+s15+$0x0], $0xffff;
	[tilespmem:s30+$0x3D0] =	vst v10  }
0x295: {  	v4 =	vld.idx.msk [tilespmem:v18+s15+$0x0], $0xffff;
	[tilespmem:s29+$0x70] =	vst v14  }
0x296: {  	v58 =	vld.idx.msk [tilespmem:v24+s15+$0x0], $0xffff;
	[tilespmem:s29+$0xF0] =	vst v15  }
0x297: {  	v59 =	vld.idx.msk [tilespmem:v25+s15+$0x0], $0xffff;
	[tilespmem:s29+$0x170] =	vst v17  }
0x298: {  	v57 =	vld.idx.msk [tilespmem:v20+s15+$0x0], $0xffff;
	[tilespmem:s29+$0x1F0] =	vst v19  }
0x299: {  	[tilespmem:s29+$0x270] =	vst v21;
	v60 =	vld.idx.msk [tilespmem:v12+s15+$0x0], $0xffff  }
0x29a: {  	[tilespmem:s31+$0x3F0] =	vst v9;
	v9 =	vld.idx.msk [tilespmem:v0+s15+$0x0], $0xffff  }
0x29b: {  	v0 =	vld [tilespmem:$0x1FD70];
	_ =	sdelay $0x5  }
0x29c: {  	[tilespmem:s2+$0x20] =	vst v16  }
0x29d: {  	[tilespmem:s2+$0xA0] =	vst v22  }
0x29e: {  	v16 =	vld.idx.msk [tilespmem:v0+s15+$0x0], $0xffff  }
0x29f: {  	v0 =	vld [tilespmem:$0x1FD80];
	_ =	sdelay $0x6  }
0x2a0: {  	[tilespmem:s2+$0x120] =	vst v11  }
0x2a1: {  	v10 =	vld.idx.msk [tilespmem:v0+s15+$0x0], $0xffff  }
0x2a2: {  	v0 =	vld [tilespmem:$0x1FD90];
	_ =	sdelay $0x4  }
0x2a3: {  	v21 =	vmov v0;
	v0 =	vld [tilespmem:$0x1FDA0];
	_ =	sdelay $0x6  }
0x2a4: {  	[tilespmem:s2+$0x1A0] =	vst v1  }
0x2a5: {  	v14 =	vld.idx.msk [tilespmem:v0+s15+$0x0], $0xffff  }
0x2a6: {  	v0 =	vld [tilespmem:$0x1FDB0];
	_ =	sdelay $0x4  }
0x2a7: {  	v22 =	vmov v0;
	v0 =	vld [tilespmem:$0x1FDC0];
	_ =	sdelay $0x6  }
0x2a8: {  	[tilespmem:s2+$0x220] =	vst v13  }
0x2a9: {  	v11 =	vld.idx.msk [tilespmem:v0+s15+$0x0], $0xffff  }
0x2aa: {  	v0 =	vld [tilespmem:$0x1FDD0];
	_ =	sdelay $0x4  }
0x2ab: {  	v20 =	vmov v0;
	v0 =	vld [tilespmem:$0x1FDE0];
	_ =	sdelay $0x5  }
0x2ac: {  	v47 =	vld [tilespmem:$0x1FC10]  }
0x2ad: {  	v40 =	vld [tilespmem:$0x1FFF0];
	[tilespmem:s2+$0x2A0] =	vst v23  }
0x2ae: {  	v15 =	vld.idx.msk [tilespmem:v0+s15+$0x0], $0xffff  }
0x2af: {  	p1 =	slt.u32 s0, $0xE;
	v0 =	vld [tilespmem:$0x1FDF0]  }
.Ltmp2:
0x2b0: {  	v50 =	vld [tilespmem:$0x1FC00];
	(pc) =	sbr.rel @p1 .LBB2_3-.Ltmp2, $4  }
0x2b1: {  	v36 =	vld [tilespmem:$0x1FF80]  }
0x2b2: {  	v54 =	vld [tilespmem:$0x1FD00]  }
0x2b3: {  	v31 =	vld [tilespmem:$0x1FCD0]  }
0x2b4: {  	v56 =	vor.u32 $0x7, v8;
	v63 =	vor.u32 $0x5, v8;
	v62 =	vor.u32 $0x6, v8;
	v30 =	vld [tilespmem:$0x1FCE0];
	v19 =	vmovc v8;
	v18 =	vmovc v0  }
0x2b5: {  	[tilespmem:s2+$0x320] =	vst v7  }
0x2b6: {  	[tilespmem:s2+$0x3A0] =	vst v9  }
0x2b7: {  	v1 =	vld [tilespmem:$0x1FE30]  }
0x2b8: {  	v7 =	vld [tilespmem:$0x1FE40]  }
0x2b9: {  	v9 =	vld [tilespmem:$0x1FE50]  }
0x2ba: {  	v0 =	vld.idx.msk [tilespmem:v53+s15+$0x0], $0xffff  }
0x2bb: {  	v8 =	vld.idx.msk [tilespmem:v55+s15+$0x0], $0xffff  }
0x2bc: {  	v12 =	vld.idx.msk [tilespmem:v54+s15+$0x0], $0xffff  }
0x2bd: {  	v13 =	vld.idx.msk [tilespmem:v31+s15+$0x0], $0xffff  }
0x2be: {  	v17 =	vld.idx.msk [tilespmem:v30+s15+$0x0], $0xffff  }
0x2bf: {  	v1 =	vld.idx.msk [tilespmem:v1+s15+$0x0], $0xffff  }
0x2c0: {  	v7 =	vld.idx.msk [tilespmem:v7+s15+$0x0], $0xffff  }
0x2c1: {  	v9 =	vld.idx.msk [tilespmem:v9+s15+$0x0], $0xffff;
	[tilespmem:s2+$0x30] =	vst v0  }
0x2c2: {  	[tilespmem:s2+$0x1B0] =	vst v8  }
0x2c3: {  	[tilespmem:s2+$0x2B0] =	vst v12  }
0x2c4: {  	[tilespmem:s2+$0x330] =	vst v13  }
0x2c5: {  	[tilespmem:s2+$0x3B0] =	vst v17  }
0x2c6: {  	[tilespmem:s2+$0xB0] =	vst v1  }
0x2c7: {  	[tilespmem:s2+$0x130] =	vst v7  }
0x2c8: {  	[tilespmem:s2+$0x230] =	vst v9  }
0x2c9: {  	v0 =	vld [tilespmem:$0x1FEC0]  }
0x2ca: {  	v1 =	vld [tilespmem:$0x1FE60]  }
0x2cb: {  	v7 =	vld [tilespmem:$0x1FE70]  }
0x2cc: {  	v8 =	vld [tilespmem:$0x1FE80]  }
0x2cd: {  	v9 =	vld [tilespmem:$0x1FE90]  }
0x2ce: {  	v12 =	vld [tilespmem:$0x1FEA0];
	[tilespmem:s29+$0x2F0] =	vst v6  }
0x2cf: {  	v6 =	vld [tilespmem:$0x1FEB0];
	[tilespmem:s29+$0x370] =	vst v3  }
0x2d0: {  	v3 =	vld [tilespmem:$0x1FED0]  }
0x2d1: {  	v0 =	vld.idx.msk [tilespmem:v0+s15+$0x0], $0xffff  }
0x2d2: {  	v1 =	vld.idx.msk [tilespmem:v1+s15+$0x0], $0xffff  }
0x2d3: {  	v7 =	vld.idx.msk [tilespmem:v7+s15+$0x0], $0xffff  }
0x2d4: {  	v8 =	vld.idx.msk [tilespmem:v8+s15+$0x0], $0xffff  }
0x2d5: {  	v9 =	vld.idx.msk [tilespmem:v9+s15+$0x0], $0xffff  }
0x2d6: {  	v12 =	vld.idx.msk [tilespmem:v12+s15+$0x0], $0xffff  }
0x2d7: {  	v6 =	vld.idx.msk [tilespmem:v6+s15+$0x0], $0xffff  }
0x2d8: {  	v3 =	vld.idx.msk [tilespmem:v3+s15+$0x0], $0xffff;
	[tilespmem:s2+$0x40] =	vst v0  }
0x2d9: {  	[tilespmem:s2+$0xC0] =	vst v1  }
0x2da: {  	[tilespmem:s2+$0x140] =	vst v7  }
0x2db: {  	[tilespmem:s2+$0x1C0] =	vst v8  }
0x2dc: {  	[tilespmem:s2+$0x240] =	vst v9  }
0x2dd: {  	[tilespmem:s2+$0x2C0] =	vst v12  }
0x2de: {  	[tilespmem:s2+$0x340] =	vst v6  }
0x2df: {  	[tilespmem:s2+$0x3C0] =	vst v3  }
0x2e0: {  	v3 =	vld [tilespmem:$0x1FE00];
	_ =	sdelay $0x3  }
0x2e1: {  	v34 =	vld.idx.msk [tilespmem:v47+s15+$0x0], $0xffff;
	[tilespmem:s29+$0x3F0] =	vst v5  }
0x2e2: {  	v47 =	vld.idx.msk [tilespmem:v50+s15+$0x0], $0xffff;
	[tilespmem:s31+$0x70] =	vst v2  }
0x2e3: {  	v2 =	vld [tilespmem:$0x1FEE0];
	[tilespmem:s31+$0xF0] =	vst v4  }
0x2e4: {  	v4 =	vld [tilespmem:$0x1FEF0]  }
0x2e5: {  	v3 =	vld.idx.msk [tilespmem:v3+s15+$0x0], $0xffff;
	[tilespmem:s30+$0x60] =	vst v16  }
0x2e6: {  	v6 =	vld [tilespmem:$0x1FF00];
	[tilespmem:s30+$0xE0] =	vst v10  }
0x2e7: {  	v7 =	vld [tilespmem:$0x1FF10];
	[tilespmem:s30+$0x160] =	vst v14  }
0x2e8: {  	[tilespmem:s30+$0x1E0] =	vst v11  }
0x2e9: {  	v9 =	vld [tilespmem:$0x1FF20]  }
0x2ea: {  	v50 =	vld.idx.msk [tilespmem:v39+s15+$0x0], $0xffff  }
0x2eb: {  	v8 =	vld.idx.msk [tilespmem:v51+s15+$0x0], $0xffff  }
0x2ec: {  	v51 =	vld.idx.msk [tilespmem:v52+s15+$0x0], $0xffff  }
0x2ed: {  	v2 =	vld.idx.msk [tilespmem:v2+s15+$0x0], $0xffff  }
0x2ee: {  	v4 =	vld.idx.msk [tilespmem:v4+s15+$0x0], $0xffff  }
0x2ef: {  	[tilespmem:s30+$0x260] =	vst v15;
	v6 =	vld.idx.msk [tilespmem:v6+s15+$0x0], $0xffff  }
0x2f0: {  	[tilespmem:s30+$0x2E0] =	vst v34;
	v7 =	vld.idx.msk [tilespmem:v7+s15+$0x0], $0xffff  }
0x2f1: {  	v9 =	vld.idx.msk [tilespmem:v9+s15+$0x0], $0xffff;
	[tilespmem:s2+$0x50] =	vst v50  }
0x2f2: {  	[tilespmem:s2+$0xD0] =	vst v2  }
0x2f3: {  	[tilespmem:s2+$0x150] =	vst v4  }
0x2f4: {  	[tilespmem:s2+$0x2D0] =	vst v8  }
0x2f5: {  	[tilespmem:s2+$0x3D0] =	vst v51  }
0x2f6: {  	[tilespmem:s2+$0x1D0] =	vst v6  }
0x2f7: {  	[tilespmem:s2+$0x250] =	vst v7  }
0x2f8: {  	[tilespmem:s2+$0x350] =	vst v9  }
0x2f9: {  	[tilespmem:s30+$0x360] =	vst v47;
	v52 =	vld.idx.msk [tilespmem:v19+s15+$0x0], $0xffff  }
0x2fa: {  	[tilespmem:s31+$0x170] =	vst v57;
	v53 =	vld.idx.msk [tilespmem:v21+s15+$0x0], $0xffff  }
0x2fb: {  	[tilespmem:s31+$0x1F0] =	vst v58;
	v2 =	vld.idx.msk [tilespmem:v22+s15+$0x0], $0xffff  }
0x2fc: {  	[tilespmem:s31+$0x270] =	vst v59;
	v54 =	vld.idx.msk [tilespmem:v20+s15+$0x0], $0xffff  }
0x2fd: {  	[tilespmem:s31+$0x2F0] =	vst v60;
	v4 =	vld.idx.msk [tilespmem:v18+s15+$0x0], $0xffff  }
0x2fe: {  	[tilespmem:s31+$0x370] =	vst v61;
	v5 =	vld.idx.msk [tilespmem:v63+s15+$0x0], $0xffff  }
0x2ff: {  	[tilespmem:s30+$0x3E0] =	vst v3;
	v6 =	vld.idx.msk [tilespmem:v62+s15+$0x0], $0xffff  }
0x300: {  	v7 =	vld.idx.msk [tilespmem:v56+s15+$0x0], $0xffff;
	[tilespmem:s2+$0x60] =	vst v52  }
0x301: {  	[tilespmem:s2+$0xE0] =	vst v53  }
0x302: {  	v1 =	vld [tilespmem:$0x1FE10];
	[tilespmem:s2+$0x160] =	vst v2  }
0x303: {  	v2 =	vld [tilespmem:$0x1FE20];
	_ =	sdelay $0x2  }
0x304: {  	v55 =	vld.idx.msk [tilespmem:v46+s15+$0x0], $0xffff  }
0x305: {  	v57 =	vld.idx.msk [tilespmem:v49+s15+$0x0], $0xffff  }
0x306: {  	v58 =	vld.idx.msk [tilespmem:v41+s15+$0x0], $0xffff;
	[tilespmem:s2+$0x1E0] =	vst v54  }
0x307: {  	v59 =	vld.idx.msk [tilespmem:v42+s15+$0x0], $0xffff;
	[tilespmem:s2+$0x260] =	vst v4  }
0x308: {  	[tilespmem:s2+$0x2E0] =	vst v5;
	v1 =	vld.idx.msk [tilespmem:v1+s15+$0x0], $0xffff  }
0x309: {  	[tilespmem:s2+$0x360] =	vst v6;
	v2 =	vld.idx.msk [tilespmem:v2+s15+$0x0], $0xffff  }
0x30a: {  	v56 =	vld.idx.msk [tilespmem:v48+s15+$0x0], $0xffff;
	[tilespmem:s2+$0x3E0] =	vst v7  }
0x30b: {  	v60 =	vld.idx.msk [tilespmem:v33+s15+$0x0], $0xffff;
	[tilespmem:s30+$0x70] =	vst v55  }
0x30c: {  	v0 =	vld [tilespmem:$0x1FF70]  }
0x30d: {  	[tilespmem:s30+$0xF0] =	vst v1  }
0x30e: {  	v1 =	vld [tilespmem:$0x1FF30];
	[tilespmem:s30+$0x170] =	vst v2  }
0x30f: {  	v2 =	vld [tilespmem:$0x1FF40];
	[tilespmem:s30+$0x1F0] =	vst v56  }
0x310: {  	v3 =	vld [tilespmem:$0x1FF50];
	[tilespmem:s30+$0x270] =	vst v57  }
0x311: {  	v4 =	vld [tilespmem:$0x1FF60]  }
0x312: {  	v61 =	vld.idx.msk [tilespmem:v37+s15+$0x0], $0xffff  }
0x313: {  	v62 =	vld.idx.msk [tilespmem:v35+s15+$0x0], $0xffff  }
0x314: {  	v0 =	vld.idx.msk [tilespmem:v0+s15+$0x0], $0xffff  }
0x315: {  	v63 =	vld.idx.msk [tilespmem:v27+s15+$0x0], $0xffff  }
0x316: {  	[tilespmem:s30+$0x2F0] =	vst v58;
	v1 =	vld.idx.msk [tilespmem:v1+s15+$0x0], $0xffff  }
0x317: {  	[tilespmem:s30+$0x370] =	vst v59;
	v2 =	vld.idx.msk [tilespmem:v2+s15+$0x0], $0xffff  }
0x318: {  	[tilespmem:s30+$0x3F0] =	vst v60;
	v3 =	vld.idx.msk [tilespmem:v3+s15+$0x0], $0xffff  }
0x319: {  	v4 =	vld.idx.msk [tilespmem:v4+s15+$0x0], $0xffff;
	[tilespmem:s2+$0x70] =	vst v0  }
0x31a: {  	[tilespmem:s2+$0x2F0] =	vst v61  }
0x31b: {  	[tilespmem:s2+$0x370] =	vst v62  }
0x31c: {  	p1 =	sne.s32 s26, $0xC;
	[tilespmem:s2+$0x3F0] =	vst v63  }
.Ltmp3:
0x31d: {  	[tilespmem:s2+$0xF0] =	vst v1;
	(pc) =	sbr.rel @p1 .LBB2_6-.Ltmp3, $4  }
0x31e: {  	s0 =	sshll.u32 s26, $0x11;
	[tilespmem:s2+$0x170] =	vst v2  }
0x31f: {  	s29 =	sor.u32 s6, s0;
	[tilespmem:s2+$0x1F0] =	vst v3  }
0x320: {  	s0 =	sadd.s32 s1, s29;
	[tilespmem:s2+$0x270] =	vst v4  }
0x321: {  	[hbm4b:s0+s18] =	stream.strided.scatter [tilespmem:s20], [sflag:$0x3], $0x4000, s19, s18, $0x38;
	[tilespmem:$0x10400] =	vst v63  }
.Ltmp4:
0x322: {  	(pc) =	sbr.rel .LBB2_7-.Ltmp4, $4  }
0x323: {  	_ = 	snop  }
0x324: {  	_ =	swait.ge [sflag:s21], $0x4000  }
0x325: {  	[sflag:s21] =	ssyncset.done $0x0;
	v37 =	vld [tilespmem:$0x1FF90]  }
0x326: {  	v33 =	vld [tilespmem:$0x1FFE0];
	[sflag:s21] =	ssyncadd.s32 $0xFFFFC000  }
.LBB2_6:
0x327: {  	s0 =	sadd.s32 s9, s28  }
0x328: {  	s0 =	sshrl.u32 s0, $0x3  }
0x329: {  	s0 =	sadd.s32 s4, s0  }
0x32a: {  	[tilespmem:s3], [sflag:$0x5] =	stream.linear.gather [hbm4b:s0+s3], $0x200, $0x38;
	[tilespmem:$0x10400] =	vst v63  }
0x32b: {  	_ =	swait.ge [sflag:s13], $0x200  }
0x32c: {  	[sflag:s13] =	ssyncset.done $0x0  }
.Ltmp5:
0x32d: {  	[sflag:s13] =	ssyncadd.s32 $0xFFFFFE00;
	(pc) =	sbr.rel @p0 .LBB2_8-.Ltmp5, $4  }
0x32e: {  	[tilespmem:s15], [sflag:$0x1] =	stream.indirect.gather [hbm4b:s5+s14], $0x20, s3, s14, $0xb8;
	[tilespmem:$0x10400] =	vst v63  }
0x32f: {  	_ =	swait.ge [sflag:s21], $0x4000  }
0x330: {  	[sflag:s21] =	ssyncset.done $0x0;
	v37 =	vld [tilespmem:$0x1FF90]  }
0x331: {  	v33 =	vld [tilespmem:$0x1FFE0];
	[sflag:s21] =	ssyncadd.s32 $0xFFFFC000  }
.LBB2_7:
0x332: {  	_ =	swait.ge [sflag:s22], $0x4000  }
0x333: {  	[sflag:s22] =	ssyncset.done $0x0  }
0x334: {  	[sflag:s22] =	ssyncadd.s32 $0xFFFFC000  }
.LBB2_8:
0x335: {  	s0 =	simm.s32 $0x0  }
0x336: {  	s12 =	simm.s32 $0x0;
	s2 =	sand.u32 $0x2, s0  }
0x337: {  	v0 =	vmov s12;
	s24 =	sor.u32 $0x1, s2  }
0x338: {  	v0 =	vshrl.u32 v0, $0x3;
	s7 =	sshll.u32 s24, $0x7  }
0x339: {  	v0 =	vshll.u32 v0, $0x3;
	v1 =	vmov s7  }
0x33a: {  	v8 =	vbroadcast v0, $0x0;
	v0 =	vshll.u32 v1, $0x5  }
0x33b: {  	v1 =	vor.u32 v36, v0  }
0x33c: {  	v1 =	vadd.s32 v8, v1  }
0x33d: {  	v2 =	vor.u32 $0x1, v1  }
0x33e: {  	v3 =	vor.u32 $0x2, v1  }
0x33f: {  	v4 =	vor.u32 $0x3, v1  }
0x340: {  	v5 =	vor.u32 $0x4, v1  }
0x341: {  	v7 =	vor.u32 $0x5, v1;
	v6 =	vld.idx.msk [tilespmem:v1+s16+$0x0], $0xffff  }
0x342: {  	v9 =	vor.u32 $0x6, v1;
	v2 =	vld.idx.msk [tilespmem:v2+s16+$0x0], $0xffff  }
0x343: {  	v1 =	vor.u32 $0x7, v1;
	v3 =	vld.idx.msk [tilespmem:v3+s16+$0x0], $0xffff  }
0x344: {  	s12 =	simm.s32 $0x0;
	v4 =	vld.idx.msk [tilespmem:v4+s16+$0x0], $0xffff  }
0x345: {  	s7 =	sand.u32 $0x3FFFF000, s12;
	v5 =	vld.idx.msk [tilespmem:v5+s16+$0x0], $0xffff  }
0x346: {  	s0 =	sshll.u32 s24, $0xA;
	s8 =	sadd.s32 $0xC400, s7;
	v7 =	vld.idx.msk [tilespmem:v7+s16+$0x0], $0xffff  }
0x347: {  	s0 =	sadd.s32 s0, s8;
	v9 =	vld.idx.msk [tilespmem:v9+s16+$0x0], $0xffff  }
0x348: {  	v1 =	vld.idx.msk [tilespmem:v1+s16+$0x0], $0xffff;
	[tilespmem:s0+$0x0] =	vst v6  }
0x349: {  	[tilespmem:s0+$0x80] =	vst v2  }
0x34a: {  	[tilespmem:s0+$0x100] =	vst v3;
	v2 =	vor.u32 v40, v0  }
0x34b: {  	[tilespmem:s0+$0x180] =	vst v4;
	v2 =	vadd.s32 v8, v2  }
0x34c: {  	[tilespmem:s0+$0x200] =	vst v5;
	v3 =	vor.u32 $0x1, v2  }
0x34d: {  	[tilespmem:s0+$0x280] =	vst v7;
	v4 =	vor.u32 $0x2, v2  }
0x34e: {  	[tilespmem:s0+$0x300] =	vst v9;
	v5 =	vor.u32 $0x3, v2  }
0x34f: {  	v7 =	vor.u32 $0x5, v2;
	[tilespmem:s0+$0x380] =	vst v1  }
0x350: {  	v9 =	vor.u32 $0x6, v2;
	v6 =	vld.idx.msk [tilespmem:v2+s16+$0x0], $0xffff  }
0x351: {  	v1 =	vor.u32 $0x4, v2;
	v3 =	vld.idx.msk [tilespmem:v3+s16+$0x0], $0xffff  }
0x352: {  	v2 =	vor.u32 $0x7, v2;
	v4 =	vld.idx.msk [tilespmem:v4+s16+$0x0], $0xffff  }
0x353: {  	v5 =	vld.idx.msk [tilespmem:v5+s16+$0x0], $0xffff  }
0x354: {  	v7 =	vld.idx.msk [tilespmem:v7+s16+$0x0], $0xffff  }
0x355: {  	v9 =	vld.idx.msk [tilespmem:v9+s16+$0x0], $0xffff  }
0x356: {  	v1 =	vld.idx.msk [tilespmem:v1+s16+$0x0], $0xffff  }
0x357: {  	v2 =	vld.idx.msk [tilespmem:v2+s16+$0x0], $0xffff;
	[tilespmem:s0+$0x10] =	vst v6  }
0x358: {  	[tilespmem:s0+$0x90] =	vst v3  }
0x359: {  	[tilespmem:s0+$0x110] =	vst v4;
	v3 =	vor.u32 v33, v0  }
0x35a: {  	[tilespmem:s0+$0x190] =	vst v5;
	v3 =	vadd.s32 v8, v3  }
0x35b: {  	[tilespmem:s0+$0x210] =	vst v1;
	v1 =	vor.u32 $0x1, v3  }
0x35c: {  	[tilespmem:s0+$0x290] =	vst v7;
	v4 =	vor.u32 $0x2, v3  }
0x35d: {  	[tilespmem:s0+$0x310] =	vst v9;
	v5 =	vor.u32 $0x3, v3  }
0x35e: {  	v7 =	vor.u32 $0x5, v3;
	[tilespmem:s0+$0x390] =	vst v2  }
0x35f: {  	v9 =	vor.u32 $0x6, v3;
	v6 =	vld.idx.msk [tilespmem:v3+s16+$0x0], $0xffff  }
0x360: {  	v2 =	vor.u32 $0x4, v3;
	v1 =	vld.idx.msk [tilespmem:v1+s16+$0x0], $0xffff  }
0x361: {  	v3 =	vor.u32 $0x7, v3;
	v4 =	vld.idx.msk [tilespmem:v4+s16+$0x0], $0xffff  }
0x362: {  	v5 =	vld.idx.msk [tilespmem:v5+s16+$0x0], $0xffff  }
0x363: {  	v7 =	vld.idx.msk [tilespmem:v7+s16+$0x0], $0xffff  }
0x364: {  	v9 =	vld.idx.msk [tilespmem:v9+s16+$0x0], $0xffff  }
0x365: {  	v2 =	vld.idx.msk [tilespmem:v2+s16+$0x0], $0xffff  }
0x366: {  	v3 =	vld.idx.msk [tilespmem:v3+s16+$0x0], $0xffff;
	[tilespmem:s0+$0x20] =	vst v6  }
0x367: {  	[tilespmem:s0+$0xA0] =	vst v1  }
0x368: {  	[tilespmem:s0+$0x120] =	vst v4;
	v1 =	vor.u32 v43, v0  }
0x369: {  	[tilespmem:s0+$0x1A0] =	vst v5;
	v1 =	vadd.s32 v8, v1  }
0x36a: {  	[tilespmem:s0+$0x220] =	vst v2;
	v2 =	vor.u32 $0x1, v1  }
0x36b: {  	[tilespmem:s0+$0x2A0] =	vst v7;
	v4 =	vor.u32 $0x2, v1  }
0x36c: {  	[tilespmem:s0+$0x320] =	vst v9;
	v5 =	vor.u32 $0x3, v1  }
0x36d: {  	v7 =	vor.u32 $0x5, v1;
	[tilespmem:s0+$0x3A0] =	vst v3  }
0x36e: {  	v9 =	vor.u32 $0x6, v1;
	v6 =	vld.idx.msk [tilespmem:v1+s16+$0x0], $0xffff  }
0x36f: {  	v3 =	vor.u32 $0x4, v1;
	v2 =	vld.idx.msk [tilespmem:v2+s16+$0x0], $0xffff  }
0x370: {  	v1 =	vor.u32 $0x7, v1;
	v4 =	vld.idx.msk [tilespmem:v4+s16+$0x0], $0xffff  }
0x371: {  	v5 =	vld.idx.msk [tilespmem:v5+s16+$0x0], $0xffff  }
0x372: {  	v7 =	vld.idx.msk [tilespmem:v7+s16+$0x0], $0xffff  }
0x373: {  	v9 =	vld.idx.msk [tilespmem:v9+s16+$0x0], $0xffff  }
0x374: {  	v3 =	vld.idx.msk [tilespmem:v3+s16+$0x0], $0xffff  }
0x375: {  	v1 =	vld.idx.msk [tilespmem:v1+s16+$0x0], $0xffff;
	[tilespmem:s0+$0x30] =	vst v6  }
0x376: {  	[tilespmem:s0+$0xB0] =	vst v2  }
0x377: {  	[tilespmem:s0+$0x130] =	vst v4;
	v2 =	vor.u32 v38, v0  }
0x378: {  	[tilespmem:s0+$0x1B0] =	vst v5;
	v2 =	vadd.s32 v8, v2  }
0x379: {  	[tilespmem:s0+$0x230] =	vst v3;
	v3 =	vor.u32 $0x1, v2  }
0x37a: {  	[tilespmem:s0+$0x2B0] =	vst v7;
	v4 =	vor.u32 $0x2, v2  }
0x37b: {  	s24 =	sshll.u32 s2, $0x7;
	[tilespmem:s0+$0x330] =	vst v9;
	v5 =	vor.u32 $0x3, v2  }
0x37c: {  	v6 =	vmov s24;
	v7 =	vor.u32 $0x5, v2;
	[tilespmem:s0+$0x3B0] =	vst v1  }
0x37d: {  	v10 =	vshll.u32 v6, $0x5;
	v11 =	vor.u32 $0x6, v2;
	v6 =	vld.idx.msk [tilespmem:v2+s16+$0x0], $0xffff  }
0x37e: {  	v9 =	vor.u32 v36, v10;
	v1 =	vor.u32 $0x4, v2;
	v3 =	vld.idx.msk [tilespmem:v3+s16+$0x0], $0xffff  }
0x37f: {  	v9 =	vadd.s32 v8, v9;
	v2 =	vor.u32 $0x7, v2;
	v4 =	vld.idx.msk [tilespmem:v4+s16+$0x0], $0xffff  }
0x380: {  	v12 =	vor.u32 $0x1, v9;
	v5 =	vld.idx.msk [tilespmem:v5+s16+$0x0], $0xffff  }
0x381: {  	v13 =	vor.u32 $0x2, v9;
	v7 =	vld.idx.msk [tilespmem:v7+s16+$0x0], $0xffff  }
0x382: {  	v11 =	vld.idx.msk [tilespmem:v11+s16+$0x0], $0xffff  }
0x383: {  	v14 =	vor.u32 $0x3, v9;
	v1 =	vld.idx.msk [tilespmem:v1+s16+$0x0], $0xffff  }
0x384: {  	v15 =	vor.u32 $0x4, v9;
	v2 =	vld.idx.msk [tilespmem:v2+s16+$0x0], $0xffff;
	[tilespmem:s0+$0x40] =	vst v6  }
0x385: {  	v16 =	vor.u32 $0x5, v9;
	v12 =	vld.idx.msk [tilespmem:v12+s16+$0x0], $0xffff;
	[tilespmem:s0+$0xC0] =	vst v3  }
0x386: {  	v17 =	vor.u32 $0x6, v9;
	v13 =	vld.idx.msk [tilespmem:v13+s16+$0x0], $0xffff;
	[tilespmem:s0+$0x140] =	vst v4  }
0x387: {  	v6 =	vor.u32 $0x7, v9;
	v9 =	vld.idx.msk [tilespmem:v9+s16+$0x0], $0xffff;
	v4 =	vor.u32 v45, v0;
	[tilespmem:s0+$0x1C0] =	vst v5  }
0x388: {  	v3 =	vld.idx.msk [tilespmem:v14+s16+$0x0], $0xffff;
	[tilespmem:s0+$0x2C0] =	vst v7;
	v4 =	vadd.s32 v8, v4  }
0x389: {  	v14 =	vld.idx.msk [tilespmem:v15+s16+$0x0], $0xffff;
	[tilespmem:s0+$0x240] =	vst v1;
	v1 =	vor.u32 $0x1, v4  }
0x38a: {  	s2 =	sshll.u32 s2, $0xA;
	v5 =	vld.idx.msk [tilespmem:v16+s16+$0x0], $0xffff;
	[tilespmem:s0+$0x340] =	vst v11;
	v7 =	vor.u32 $0x2, v4  }
0x38b: {  	s30 =	sor.u32 s2, s8;
	v15 =	vld.idx.msk [tilespmem:v17+s16+$0x0], $0xffff;
	v11 =	vor.u32 $0x3, v4;
	[tilespmem:s0+$0x3C0] =	vst v2  }
0x38c: {  	v16 =	vor.u32 $0x5, v4;
	v6 =	vld.idx.msk [tilespmem:v6+s16+$0x0], $0xffff;
	[tilespmem:s30+$0x80] =	vst v12  }
0x38d: {  	v2 =	vor.u32 $0x4, v4;
	[tilespmem:s30+$0x100] =	vst v13;
	v12 =	vld.idx.msk [tilespmem:v4+s16+$0x0], $0xffff  }
0x38e: {  	v13 =	vor.u32 $0x6, v4;
	[tilespmem:s30+$0x0] =	vst v9;
	v1 =	vld.idx.msk [tilespmem:v1+s16+$0x0], $0xffff  }
0x38f: {  	v17 =	vor.u32 v40, v10;
	[tilespmem:s30+$0x180] =	vst v3;
	v4 =	vor.u32 $0x7, v4;
	v3 =	vld.idx.msk [tilespmem:v7+s16+$0x0], $0xffff  }
0x390: {  	[tilespmem:s30+$0x200] =	vst v14;
	v7 =	vadd.s32 v8, v17;
	v11 =	vld.idx.msk [tilespmem:v11+s16+$0x0], $0xffff  }
0x391: {  	[tilespmem:s30+$0x300] =	vst v15;
	v15 =	vld.idx.msk [tilespmem:v16+s16+$0x0], $0xffff;
	v14 =	vor.u32 $0x1, v7  }
0x392: {  	[tilespmem:s30+$0x280] =	vst v5;
	v5 =	vor.u32 $0x2, v7;
	v2 =	vld.idx.msk [tilespmem:v2+s16+$0x0], $0xffff  }
0x393: {  	v16 =	vor.u32 $0x3, v7;
	[tilespmem:s30+$0x380] =	vst v6;
	v6 =	vld.idx.msk [tilespmem:v13+s16+$0x0], $0xffff  }
0x394: {  	v9 =	vor.u32 $0x5, v7;
	v4 =	vld.idx.msk [tilespmem:v4+s16+$0x0], $0xffff;
	[tilespmem:s0+$0x50] =	vst v12  }
0x395: {  	v13 =	vor.u32 $0x4, v7;
	v17 =	vld.idx.msk [tilespmem:v7+s16+$0x0], $0xffff;
	[tilespmem:s0+$0xD0] =	vst v1  }
0x396: {  	v12 =	vor.u32 $0x6, v7;
	[tilespmem:s0+$0x150] =	vst v3;
	v14 =	vld.idx.msk [tilespmem:v14+s16+$0x0], $0xffff  }
0x397: {  	v1 =	vor.u32 $0x7, v7;
	v3 =	vor.u32 v44, v0;
	[tilespmem:s0+$0x1D0] =	vst v11;
	v5 =	vld.idx.msk [tilespmem:v5+s16+$0x0], $0xffff  }
0x398: {  	[tilespmem:s0+$0x2D0] =	vst v15;
	v7 =	vld.idx.msk [tilespmem:v16+s16+$0x0], $0xffff;
	v3 =	vadd.s32 v8, v3  }
0x399: {  	v9 =	vld.idx.msk [tilespmem:v9+s16+$0x0], $0xffff;
	[tilespmem:s0+$0x250] =	vst v2;
	v2 =	vor.u32 $0x1, v3  }
0x39a: {  	v11 =	vld.idx.msk [tilespmem:v13+s16+$0x0], $0xffff;
	v13 =	vor.u32 $0x2, v3;
	[tilespmem:s0+$0x350] =	vst v6  }
0x39b: {  	v6 =	vor.u32 $0x3, v3;
	v12 =	vld.idx.msk [tilespmem:v12+s16+$0x0], $0xffff;
	[tilespmem:s0+$0x3D0] =	vst v4  }
0x39c: {  	v16 =	vor.u32 $0x5, v3;
	v1 =	vld.idx.msk [tilespmem:v1+s16+$0x0], $0xffff;
	[tilespmem:s30+$0x10] =	vst v17  }
0x39d: {  	v4 =	vor.u32 $0x4, v3;
	v15 =	vld.idx.msk [tilespmem:v3+s16+$0x0], $0xffff;
	[tilespmem:s30+$0x90] =	vst v14  }
0x39e: {  	v14 =	vor.u32 $0x6, v3;
	[tilespmem:s30+$0x110] =	vst v5;
	v2 =	vld.idx.msk [tilespmem:v2+s16+$0x0], $0xffff  }
0x39f: {  	v3 =	vor.u32 $0x7, v3;
	[tilespmem:s30+$0x190] =	vst v7;
	v5 =	vld.idx.msk [tilespmem:v13+s16+$0x0], $0xffff;
	v13 =	vor.u32 v33, v10  }
0x3a0: {  	[tilespmem:s30+$0x290] =	vst v9;
	v6 =	vld.idx.msk [tilespmem:v6+s16+$0x0], $0xffff;
	v7 =	vadd.s32 v8, v13  }
0x3a1: {  	[tilespmem:s30+$0x210] =	vst v11;
	v13 =	vld.idx.msk [tilespmem:v16+s16+$0x0], $0xffff;
	v11 =	vor.u32 $0x1, v7  }
0x3a2: {  	s8 =	simm.s32 $0x2;
	v4 =	vld.idx.msk [tilespmem:v4+s16+$0x0], $0xffff;
	v9 =	vor.u32 $0x2, v7;
	[tilespmem:s30+$0x310] =	vst v12  }
0x3a3: {  	s12 =	simm.s32 $0x4;
	s2 =	sand.u32 $0x2, s8;
	[tilespmem:s30+$0x390] =	vst v1;
	v12 =	vld.idx.msk [tilespmem:v14+s16+$0x0], $0xffff;
	v14 =	vor.u32 $0x3, v7  }
0x3a4: {  	s7 =	sor.u32 $0x1, s2;
	v1 =	vld.idx.msk [tilespmem:v3+s16+$0x0], $0xffff;
	v3 =	vor.u32 $0x4, v7;
	[tilespmem:s0+$0x60] =	vst v15;
	v15 =	vmov s12  }
0x3a5: {  	s24 =	sshll.u32 s7, $0x7;
	v0 =	vor.u32 v37, v0;
	v16 =	vor.u32 $0x5, v7;
	[tilespmem:s0+$0xE0] =	vst v2;
	v2 =	vshrl.u32 v15, $0x3;
	v17 =	vld.idx.msk [tilespmem:v7+s16+$0x0], $0xffff  }
0x3a6: {  	v15 =	vor.u32 $0x6, v7;
	[tilespmem:s0+$0x160] =	vst v5;
	v5 =	vmov s24;
	v2 =	vshll.u32 v2, $0x3;
	v11 =	vld.idx.msk [tilespmem:v11+s16+$0x0], $0xffff  }
0x3a7: {  	v0 =	vadd.s32 v8, v0;
	[tilespmem:s0+$0x1E0] =	vst v6;
	v18 =	vld.idx.msk [tilespmem:v9+s16+$0x0], $0xffff;
	v9 =	vbroadcast v2, $0x0;
	v2 =	vshll.u32 v5, $0x5  }
0x3a8: {  	v22 =	vor.u32 $0x7, v0;
	[tilespmem:s0+$0x260] =	vst v4;
	v4 =	vor.u32 v36, v2;
	v6 =	vld.idx.msk [tilespmem:v14+s16+$0x0], $0xffff  }
0x3a9: {  	[tilespmem:s0+$0x2E0] =	vst v13;
	v14 =	vld.idx.msk [tilespmem:v3+s16+$0x0], $0xffff;
	v3 =	vadd.s32 v9, v4  }
0x3aa: {  	v13 =	vld.idx.msk [tilespmem:v16+s16+$0x0], $0xffff;
	[tilespmem:s0+$0x360] =	vst v12;
	v4 =	vor.u32 $0x1, v3  }
0x3ab: {  	[tilespmem:s0+$0x3E0] =	vst v1;
	v12 =	vld.idx.msk [tilespmem:v15+s16+$0x0], $0xffff;
	v5 =	vor.u32 $0x2, v3  }
0x3ac: {  	v1 =	vor.u32 $0x3, v3;
	v15 =	vld.idx.msk [tilespmem:v0+s16+$0x0], $0xffff  }
0x3ad: {  	v16 =	vor.u32 $0x4, v3;
	v22 =	vld.idx.msk [tilespmem:v22+s16+$0x0], $0xffff  }
0x3ae: {  	v20 =	vor.u32 $0x5, v3;
	v19 =	vld.idx.msk [tilespmem:v3+s16+$0x0], $0xffff  }
0x3af: {  	v21 =	vor.u32 $0x6, v3;
	v4 =	vld.idx.msk [tilespmem:v4+s16+$0x0], $0xffff  }
0x3b0: {  	v3 =	vor.u32 $0x7, v3;
	v5 =	vld.idx.msk [tilespmem:v5+s16+$0x0], $0xffff  }
0x3b1: {  	v23 =	vor.u32 $0x1, v0;
	s12 =	simm.s32 $0x800;
	v1 =	vld.idx.msk [tilespmem:v1+s16+$0x0], $0xffff  }
0x3b2: {  	v26 =	vor.u32 $0x4, v0;
	s8 =	sand.u32 $0x3FFFF000, s12;
	v16 =	vld.idx.msk [tilespmem:v16+s16+$0x0], $0xffff  }
0x3b3: {  	s7 =	sshll.u32 s7, $0xA;
	v24 =	vor.u32 $0x2, v0;
	s8 =	sadd.s32 $0xC400, s8;
	v20 =	vld.idx.msk [tilespmem:v20+s16+$0x0], $0xffff  }
0x3b4: {  	v25 =	vor.u32 $0x3, v0;
	s12 =	sadd.s32 s7, s8;
	v21 =	vld.idx.msk [tilespmem:v21+s16+$0x0], $0xffff  }
0x3b5: {  	v28 =	vor.u32 $0x5, v0;
	v27 =	vld.idx.msk [tilespmem:v3+s16+$0x0], $0xffff;
	[tilespmem:s12+$0x0] =	vst v19  }
0x3b6: {  	v19 =	vld.idx.msk [tilespmem:v23+s16+$0x0], $0xffff;
	v23 =	vor.u32 $0x6, v0;
	[tilespmem:s12+$0x80] =	vst v4  }
0x3b7: {  	v7 =	vor.u32 $0x7, v7;
	v0 =	vor.u32 v40, v2;
	v3 =	vld.idx.msk [tilespmem:v26+s16+$0x0], $0xffff;
	[tilespmem:s12+$0x100] =	vst v5  }
0x3b8: {  	v4 =	vld.idx.msk [tilespmem:v24+s16+$0x0], $0xffff;
	[tilespmem:s12+$0x180] =	vst v1;
	v24 =	vadd.s32 v9, v0  }
0x3b9: {  	v5 =	vld.idx.msk [tilespmem:v25+s16+$0x0], $0xffff;
	[tilespmem:s12+$0x200] =	vst v16;
	v16 =	vor.u32 $0x1, v24  }
0x3ba: {  	v0 =	vld.idx.msk [tilespmem:v28+s16+$0x0], $0xffff;
	[tilespmem:s12+$0x280] =	vst v20;
	v20 =	vor.u32 $0x2, v24  }
0x3bb: {  	v25 =	vor.u32 $0x5, v24;
	v1 =	vld.idx.msk [tilespmem:v23+s16+$0x0], $0xffff;
	[tilespmem:s12+$0x300] =	vst v21  }
0x3bc: {  	v21 =	vor.u32 $0x3, v24;
	v7 =	vld.idx.msk [tilespmem:v7+s16+$0x0], $0xffff;
	[tilespmem:s12+$0x380] =	vst v27  }
0x3bd: {  	v23 =	vor.u32 $0x4, v24;
	[tilespmem:s30+$0x20] =	vst v17;
	v17 =	vld.idx.msk [tilespmem:v24+s16+$0x0], $0xffff  }
0x3be: {  	[tilespmem:s30+$0xA0] =	vst v11;
	v11 =	vld.idx.msk [tilespmem:v16+s16+$0x0], $0xffff;
	v16 =	vor.u32 $0x6, v24  }
0x3bf: {  	v26 =	vor.u32 v43, v10;
	[tilespmem:s30+$0x120] =	vst v18;
	v18 =	vld.idx.msk [tilespmem:v20+s16+$0x0], $0xffff;
	v20 =	vor.u32 $0x7, v24  }
0x3c0: {  	[tilespmem:s30+$0x2A0] =	vst v13;
	v24 =	vadd.s32 v8, v26;
	v13 =	vld.idx.msk [tilespmem:v25+s16+$0x0], $0xffff  }
0x3c1: {  	[tilespmem:s30+$0x1A0] =	vst v6;
	v25 =	vor.u32 $0x3, v24;
	v6 =	vld.idx.msk [tilespmem:v21+s16+$0x0], $0xffff  }
0x3c2: {  	[tilespmem:s30+$0x220] =	vst v14;
	v21 =	vor.u32 $0x1, v24;
	v14 =	vld.idx.msk [tilespmem:v23+s16+$0x0], $0xffff  }
0x3c3: {  	[tilespmem:s30+$0x320] =	vst v12;
	v23 =	vor.u32 $0x2, v24;
	v12 =	vld.idx.msk [tilespmem:v16+s16+$0x0], $0xffff  }
0x3c4: {  	[tilespmem:s30+$0x3A0] =	vst v7;
	v16 =	vor.u32 $0x4, v24;
	v7 =	vld.idx.msk [tilespmem:v20+s16+$0x0], $0xffff  }
0x3c5: {  	v20 =	vor.u32 $0x5, v24;
	v26 =	vld.idx.msk [tilespmem:v24+s16+$0x0], $0xffff;
	[tilespmem:s12+$0x10] =	vst v17  }
0x3c6: {  	v17 =	vor.u32 $0x6, v24;
	[tilespmem:s12+$0x90] =	vst v11;
	v11 =	vor.u32 $0x7, v24;
	v24 =	vld.idx.msk [tilespmem:v25+s16+$0x0], $0xffff  }
0x3c7: {  	[tilespmem:s12+$0x110] =	vst v18;
	v18 =	vor.u32 v33, v2;
	v21 =	vld.idx.msk [tilespmem:v21+s16+$0x0], $0xffff  }
0x3c8: {  	v23 =	vld.idx.msk [tilespmem:v23+s16+$0x0], $0xffff;
	[tilespmem:s12+$0x190] =	vst v6;
	v6 =	vadd.s32 v9, v18  }
0x3c9: {  	[tilespmem:s12+$0x210] =	vst v14;
	v14 =	vor.u32 $0x1, v6;
	v16 =	vld.idx.msk [tilespmem:v16+s16+$0x0], $0xffff  }
0x3ca: {  	[tilespmem:s12+$0x290] =	vst v13;
	v13 =	vor.u32 $0x2, v6;
	v18 =	vld.idx.msk [tilespmem:v20+s16+$0x0], $0xffff  }
0x3cb: {  	s24 =	sshll.u32 s2, $0x7;
	v27 =	vor.u32 $0x5, v6;
	v17 =	vld.idx.msk [tilespmem:v17+s16+$0x0], $0xffff;
	[tilespmem:s12+$0x310] =	vst v12  }
0x3cc: {  	v29 =	vor.u32 $0x6, v6;
	v20 =	vmov s24;
	v25 =	vld.idx.msk [tilespmem:v11+s16+$0x0], $0xffff;
	[tilespmem:s12+$0x390] =	vst v7  }
0x3cd: {  	v12 =	vor.u32 $0x3, v6;
	v11 =	vshll.u32 v20, $0x5;
	v20 =	vld.idx.msk [tilespmem:v6+s16+$0x0], $0xffff  }
0x3ce: {  	v7 =	vor.u32 $0x4, v6;
	v14 =	vld.idx.msk [tilespmem:v14+s16+$0x0], $0xffff  }
0x3cf: {  	[tilespmem:s0+$0x3F0] =	vst v22;
	v28 =	vor.u32 v36, v11;
	v6 =	vor.u32 $0x7, v6;
	v13 =	vld.idx.msk [tilespmem:v13+s16+$0x0], $0xffff  }
0x3d0: {  	[tilespmem:s0+$0x70] =	vst v15;
	v28 =	vadd.s32 v9, v28;
	v27 =	vld.idx.msk [tilespmem:v27+s16+$0x0], $0xffff  }
0x3d1: {  	[tilespmem:s30+$0x30] =	vst v26;
	v22 =	vor.u32 $0x1, v28;
	v26 =	vld.idx.msk [tilespmem:v29+s16+$0x0], $0xffff  }
0x3d2: {  	[tilespmem:s0+$0xF0] =	vst v19;
	v15 =	vor.u32 $0x2, v28;
	v12 =	vld.idx.msk [tilespmem:v12+s16+$0x0], $0xffff  }
0x3d3: {  	[tilespmem:s30+$0x1B0] =	vst v24;
	v19 =	vor.u32 $0x3, v28;
	v7 =	vld.idx.msk [tilespmem:v7+s16+$0x0], $0xffff  }
0x3d4: {  	[tilespmem:s30+$0xB0] =	vst v21;
	v30 =	vor.u32 $0x4, v28;
	v6 =	vld.idx.msk [tilespmem:v6+s16+$0x0], $0xffff  }
0x3d5: {  	v29 =	vor.u32 $0x5, v28;
	v21 =	vor.u32 $0x6, v28;
	[tilespmem:s12+$0x20] =	vst v20;
	v20 =	vor.u32 $0x7, v28;
	v28 =	vld.idx.msk [tilespmem:v28+s16+$0x0], $0xffff  }
0x3d6: {  	v22 =	vld.idx.msk [tilespmem:v22+s16+$0x0], $0xffff;
	[tilespmem:s12+$0xA0] =	vst v14  }
0x3d7: {  	v15 =	vld.idx.msk [tilespmem:v15+s16+$0x0], $0xffff;
	[tilespmem:s12+$0x120] =	vst v13;
	v13 =	vor.u32 v43, v2  }
0x3d8: {  	v14 =	vld.idx.msk [tilespmem:v19+s16+$0x0], $0xffff;
	[tilespmem:s12+$0x1A0] =	vst v12;
	v12 =	vadd.s32 v9, v13  }
0x3d9: {  	v19 =	vld.idx.msk [tilespmem:v30+s16+$0x0], $0xffff;
	[tilespmem:s12+$0x220] =	vst v7;
	v7 =	vor.u32 $0x1, v12  }
0x3da: {  	v21 =	vld.idx.msk [tilespmem:v21+s16+$0x0], $0xffff;
	[tilespmem:s12+$0x2A0] =	vst v27;
	v27 =	vor.u32 $0x2, v12  }
0x3db: {  	[tilespmem:s12+$0x320] =	vst v26;
	v13 =	vld.idx.msk [tilespmem:v29+s16+$0x0], $0xffff;
	v26 =	vor.u32 $0x3, v12  }
0x3dc: {  	v29 =	vor.u32 $0x5, v12;
	v20 =	vld.idx.msk [tilespmem:v20+s16+$0x0], $0xffff;
	[tilespmem:s12+$0x3A0] =	vst v6  }
0x3dd: {  	[tilespmem:s30+$0x130] =	vst v23;
	v24 =	vor.u32 $0x6, v12;
	v23 =	vld.idx.msk [tilespmem:v12+s16+$0x0], $0xffff  }
0x3de: {  	[tilespmem:s30+$0x230] =	vst v16;
	v6 =	vor.u32 $0x4, v12;
	v7 =	vld.idx.msk [tilespmem:v7+s16+$0x0], $0xffff  }
0x3df: {  	[tilespmem:s30+$0x2B0] =	vst v18;
	v30 =	vor.u32 v38, v10;
	v12 =	vor.u32 $0x7, v12;
	v16 =	vld.idx.msk [tilespmem:v27+s16+$0x0], $0xffff  }
0x3e0: {  	s2 =	sshll.u32 s2, $0xA;
	[tilespmem:s30+$0x330] =	vst v17;
	v27 =	vadd.s32 v8, v30;
	v18 =	vld.idx.msk [tilespmem:v26+s16+$0x0], $0xffff  }
0x3e1: {  	s31 =	sor.u32 s2, s8;
	[tilespmem:s30+$0x3B0] =	vst v25;
	v25 =	vld.idx.msk [tilespmem:v29+s16+$0x0], $0xffff;
	v26 =	vor.u32 $0x1, v27  }
0x3e2: {  	[tilespmem:s31+$0x80] =	vst v22;
	v22 =	vld.idx.msk [tilespmem:v24+s16+$0x0], $0xffff;
	v17 =	vor.u32 $0x2, v27  }
0x3e3: {  	[tilespmem:s31+$0x100] =	vst v15;
	v29 =	vor.u32 $0x3, v27;
	v6 =	vld.idx.msk [tilespmem:v6+s16+$0x0], $0xffff  }
0x3e4: {  	[tilespmem:s31+$0x180] =	vst v14;
	v24 =	vor.u32 $0x4, v27;
	v12 =	vld.idx.msk [tilespmem:v12+s16+$0x0], $0xffff  }
0x3e5: {  	v15 =	vor.u32 $0x5, v27;
	[tilespmem:s12+$0x30] =	vst v23;
	v30 =	vld.idx.msk [tilespmem:v27+s16+$0x0], $0xffff  }
0x3e6: {  	v23 =	vor.u32 $0x6, v27;
	[tilespmem:s12+$0xB0] =	vst v7;
	v26 =	vld.idx.msk [tilespmem:v26+s16+$0x0], $0xffff  }
0x3e7: {  	v7 =	vor.u32 $0x7, v27;
	[tilespmem:s12+$0x130] =	vst v16;
	v16 =	vor.u32 v38, v2;
	v17 =	vld.idx.msk [tilespmem:v17+s16+$0x0], $0xffff  }
0x3e8: {  	[tilespmem:s12+$0x1B0] =	vst v18;
	v27 =	vld.idx.msk [tilespmem:v29+s16+$0x0], $0xffff;
	v16 =	vadd.s32 v9, v16  }
0x3e9: {  	v18 =	vld.idx.msk [tilespmem:v24+s16+$0x0], $0xffff;
	[tilespmem:s12+$0x230] =	vst v6;
	v6 =	vor.u32 $0x1, v16  }
0x3ea: {  	[tilespmem:s12+$0x2B0] =	vst v25;
	v15 =	vld.idx.msk [tilespmem:v15+s16+$0x0], $0xffff;
	v24 =	vor.u32 $0x2, v16  }
0x3eb: {  	[tilespmem:s12+$0x330] =	vst v22;
	v22 =	vor.u32 $0x3, v16;
	v23 =	vld.idx.msk [tilespmem:v23+s16+$0x0], $0xffff  }
0x3ec: {  	v25 =	vor.u32 $0x5, v16;
	[tilespmem:s12+$0x3B0] =	vst v12;
	v7 =	vld.idx.msk [tilespmem:v7+s16+$0x0], $0xffff  }
0x3ed: {  	[tilespmem:s31+$0x200] =	vst v19;
	v19 =	vor.u32 $0x6, v16;
	v14 =	vld.idx.msk [tilespmem:v16+s16+$0x0], $0xffff  }
0x3ee: {  	[tilespmem:s31+$0x0] =	vst v28;
	v12 =	vor.u32 $0x4, v16;
	v6 =	vld.idx.msk [tilespmem:v6+s16+$0x0], $0xffff  }
0x3ef: {  	[tilespmem:s31+$0x280] =	vst v13;
	v29 =	vor.u32 v40, v11;
	v16 =	vor.u32 $0x7, v16;
	v13 =	vld.idx.msk [tilespmem:v24+s16+$0x0], $0xffff  }
0x3f0: {  	[tilespmem:s31+$0x300] =	vst v21;
	v24 =	vadd.s32 v9, v29;
	v21 =	vld.idx.msk [tilespmem:v22+s16+$0x0], $0xffff  }
0x3f1: {  	[tilespmem:s31+$0x380] =	vst v20;
	v25 =	vld.idx.msk [tilespmem:v25+s16+$0x0], $0xffff;
	v22 =	vor.u32 $0x1, v24  }
0x3f2: {  	[tilespmem:s30+$0x40] =	vst v30;
	v19 =	vld.idx.msk [tilespmem:v19+s16+$0x0], $0xffff;
	v20 =	vor.u32 $0x2, v24  }
0x3f3: {  	[tilespmem:s30+$0xC0] =	vst v26;
	v28 =	vor.u32 $0x3, v24;
	v12 =	vld.idx.msk [tilespmem:v12+s16+$0x0], $0xffff  }
0x3f4: {  	[tilespmem:s30+$0x140] =	vst v17;
	v29 =	vor.u32 $0x4, v24;
	v16 =	vld.idx.msk [tilespmem:v16+s16+$0x0], $0xffff  }
0x3f5: {  	v26 =	vor.u32 $0x5, v24;
	[tilespmem:s12+$0x40] =	vst v14;
	v30 =	vld.idx.msk [tilespmem:v24+s16+$0x0], $0xffff  }
0x3f6: {  	v14 =	vor.u32 $0x6, v24;
	[tilespmem:s12+$0xC0] =	vst v6;
	v22 =	vld.idx.msk [tilespmem:v22+s16+$0x0], $0xffff  }
0x3f7: {  	v6 =	vor.u32 $0x7, v24;
	[tilespmem:s12+$0x140] =	vst v13;
	v13 =	vor.u32 v45, v2;
	v20 =	vld.idx.msk [tilespmem:v20+s16+$0x0], $0xffff  }
0x3f8: {  	[tilespmem:s12+$0x1C0] =	vst v21;
	v24 =	vld.idx.msk [tilespmem:v28+s16+$0x0], $0xffff;
	v13 =	vadd.s32 v9, v13  }
0x3f9: {  	v21 =	vld.idx.msk [tilespmem:v29+s16+$0x0], $0xffff;
	[tilespmem:s12+$0x240] =	vst v12;
	v12 =	vor.u32 $0x1, v13  }
0x3fa: {  	[tilespmem:s12+$0x2C0] =	vst v25;
	v26 =	vld.idx.msk [tilespmem:v26+s16+$0x0], $0xffff;
	v25 =	vor.u32 $0x2, v13  }
0x3fb: {  	[tilespmem:s12+$0x340] =	vst v19;
	v19 =	vor.u32 $0x3, v13;
	v14 =	vld.idx.msk [tilespmem:v14+s16+$0x0], $0xffff  }
0x3fc: {  	v28 =	vor.u32 $0x5, v13;
	[tilespmem:s12+$0x3C0] =	vst v16;
	v6 =	vld.idx.msk [tilespmem:v6+s16+$0x0], $0xffff  }
0x3fd: {  	[tilespmem:s30+$0x1C0] =	vst v27;
	v27 =	vor.u32 $0x6, v13;
	v17 =	vld.idx.msk [tilespmem:v13+s16+$0x0], $0xffff  }
0x3fe: {  	[tilespmem:s0+$0x170] =	vst v4;
	v16 =	vor.u32 $0x4, v13;
	v12 =	vld.idx.msk [tilespmem:v12+s16+$0x0], $0xffff  }
0x3ff: {  	[tilespmem:s30+$0x240] =	vst v18;
	v29 =	vor.u32 v45, v10;
	v13 =	vor.u32 $0x7, v13;
	v18 =	vld.idx.msk [tilespmem:v25+s16+$0x0], $0xffff  }
0x400: {  	[tilespmem:s30+$0x2C0] =	vst v15;
	v25 =	vadd.s32 v8, v29;
	v15 =	vld.idx.msk [tilespmem:v19+s16+$0x0], $0xffff  }
0x401: {  	[tilespmem:s30+$0x3C0] =	vst v7;
	v7 =	vld.idx.msk [tilespmem:v28+s16+$0x0], $0xffff;
	v19 =	vor.u32 $0x1, v25  }
0x402: {  	[tilespmem:s30+$0x340] =	vst v23;
	v4 =	vld.idx.msk [tilespmem:v27+s16+$0x0], $0xffff;
	v23 =	vor.u32 $0x2, v25  }
0x403: {  	[tilespmem:s0+$0x1F0] =	vst v5;
	v28 =	vor.u32 $0x3, v25;
	v16 =	vld.idx.msk [tilespmem:v16+s16+$0x0], $0xffff  }
0x404: {  	[tilespmem:s31+$0x10] =	vst v30;
	v27 =	vor.u32 $0x4, v25;
	v5 =	vld.idx.msk [tilespmem:v13+s16+$0x0], $0xffff  }
0x405: {  	v13 =	vor.u32 $0x5, v25;
	[tilespmem:s12+$0x50] =	vst v17;
	v29 =	vld.idx.msk [tilespmem:v25+s16+$0x0], $0xffff  }
0x406: {  	v17 =	vor.u32 $0x6, v25;
	[tilespmem:s12+$0xD0] =	vst v12;
	v19 =	vld.idx.msk [tilespmem:v19+s16+$0x0], $0xffff  }
0x407: {  	v12 =	vor.u32 $0x7, v25;
	[tilespmem:s12+$0x150] =	vst v18;
	v18 =	vor.u32 v44, v2;
	v23 =	vld.idx.msk [tilespmem:v23+s16+$0x0], $0xffff  }
0x408: {  	[tilespmem:s12+$0x1D0] =	vst v15;
	v25 =	vld.idx.msk [tilespmem:v28+s16+$0x0], $0xffff;
	v15 =	vadd.s32 v9, v18  }
0x409: {  	v18 =	vld.idx.msk [tilespmem:v27+s16+$0x0], $0xffff;
	[tilespmem:s12+$0x250] =	vst v16;
	v16 =	vor.u32 $0x1, v15  }
0x40a: {  	[tilespmem:s12+$0x2D0] =	vst v7;
	v7 =	vor.u32 $0x2, v15;
	v13 =	vld.idx.msk [tilespmem:v13+s16+$0x0], $0xffff  }
0x40b: {  	[tilespmem:s12+$0x350] =	vst v4;
	v4 =	vor.u32 $0x3, v15;
	v17 =	vld.idx.msk [tilespmem:v17+s16+$0x0], $0xffff  }
0x40c: {  	v28 =	vor.u32 $0x5, v15;
	[tilespmem:s12+$0x3D0] =	vst v5;
	v27 =	vld.idx.msk [tilespmem:v12+s16+$0x0], $0xffff  }
0x40d: {  	[tilespmem:s31+$0x90] =	vst v22;
	v22 =	vor.u32 $0x6, v15;
	v12 =	vld.idx.msk [tilespmem:v15+s16+$0x0], $0xffff  }
0x40e: {  	[tilespmem:s31+$0x110] =	vst v20;
	v5 =	vor.u32 $0x4, v15;
	v16 =	vld.idx.msk [tilespmem:v16+s16+$0x0], $0xffff  }
0x40f: {  	v30 =	vor.u32 v33, v11;
	[tilespmem:s31+$0x190] =	vst v24;
	v15 =	vor.u32 $0x7, v15;
	v7 =	vld.idx.msk [tilespmem:v7+s16+$0x0], $0xffff  }
0x410: {  	v20 =	vadd.s32 v9, v30;
	[tilespmem:s31+$0x210] =	vst v21;
	v4 =	vld.idx.msk [tilespmem:v4+s16+$0x0], $0xffff  }
0x411: {  	[tilespmem:s31+$0x290] =	vst v26;
	v24 =	vor.u32 $0x1, v20;
	v26 =	vld.idx.msk [tilespmem:v28+s16+$0x0], $0xffff  }
0x412: {  	v21 =	vor.u32 $0x2, v20;
	[tilespmem:s31+$0x310] =	vst v14;
	v14 =	vld.idx.msk [tilespmem:v22+s16+$0x0], $0xffff  }
0x413: {  	[tilespmem:s0+$0x270] =	vst v3;
	v28 =	vor.u32 $0x3, v20;
	v5 =	vld.idx.msk [tilespmem:v5+s16+$0x0], $0xffff  }
0x414: {  	[tilespmem:s31+$0x390] =	vst v6;
	v22 =	vor.u32 $0x4, v20;
	v6 =	vld.idx.msk [tilespmem:v15+s16+$0x0], $0xffff  }
0x415: {  	v30 =	vor.u32 $0x6, v20;
	[tilespmem:s12+$0x60] =	vst v12;
	v12 =	vld.idx.msk [tilespmem:v20+s16+$0x0], $0xffff  }
0x416: {  	v15 =	vor.u32 $0x5, v20;
	[tilespmem:s12+$0xE0] =	vst v16;
	v16 =	vld.idx.msk [tilespmem:v24+s16+$0x0], $0xffff  }
0x417: {  	v2 =	vor.u32 v37, v2;
	v20 =	vor.u32 $0x7, v20;
	[tilespmem:s12+$0x160] =	vst v7;
	v7 =	vld.idx.msk [tilespmem:v21+s16+$0x0], $0xffff  }
0x418: {  	v2 =	vadd.s32 v9, v2;
	[tilespmem:s12+$0x1E0] =	vst v4;
	v4 =	vld.idx.msk [tilespmem:v28+s16+$0x0], $0xffff  }
0x419: {  	v21 =	vld.idx.msk [tilespmem:v22+s16+$0x0], $0xffff;
	[tilespmem:s12+$0x2E0] =	vst v26;
	v22 =	vor.u32 $0x1, v2  }
0x41a: {  	v24 =	vld.idx.msk [tilespmem:v30+s16+$0x0], $0xffff;
	[tilespmem:s12+$0x260] =	vst v5;
	v5 =	vor.u32 $0x7, v2  }
0x41b: {  	[tilespmem:s12+$0x360] =	vst v14;
	v14 =	vor.u32 $0x2, v2;
	v15 =	vld.idx.msk [tilespmem:v15+s16+$0x0], $0xffff  }
0x41c: {  	v28 =	vor.u32 $0x4, v2;
	[tilespmem:s12+$0x3E0] =	vst v6;
	v20 =	vld.idx.msk [tilespmem:v20+s16+$0x0], $0xffff  }
0x41d: {  	v30 =	vor.u32 $0x5, v2;
	[tilespmem:s31+$0x20] =	vst v12;
	v26 =	vld.idx.msk [tilespmem:v2+s16+$0x0], $0xffff  }
0x41e: {  	v6 =	vor.u32 $0x3, v2;
	[tilespmem:s31+$0xA0] =	vst v16;
	v16 =	vld.idx.msk [tilespmem:v22+s16+$0x0], $0xffff  }
0x41f: {  	v2 =	vor.u32 $0x6, v2;
	[tilespmem:s31+$0x120] =	vst v7;
	v31 =	vld.idx.msk [tilespmem:v5+s16+$0x0], $0xffff;
	v5 =	vor.u32 v43, v11  }
0x420: {  	v7 =	vld.idx.msk [tilespmem:v14+s16+$0x0], $0xffff;
	[tilespmem:s31+$0x1A0] =	vst v4;
	v22 =	vadd.s32 v9, v5  }
0x421: {  	s2 =	simm.s32 $0x4;
	[tilespmem:s31+$0x220] =	vst v21;
	v4 =	vld.idx.msk [tilespmem:v28+s16+$0x0], $0xffff;
	v14 =	vor.u32 $0x1, v22  }
0x422: {  	s8 =	sand.u32 $0x2, s2;
	s24 =	simm.s32 $0x8;
	[tilespmem:s31+$0x320] =	vst v24;
	v5 =	vld.idx.msk [tilespmem:v30+s16+$0x0], $0xffff;
	v21 =	vor.u32 $0x2, v22  }
0x423: {  	v24 =	vmov s24;
	s24 =	sor.u32 $0x1, s8;
	v12 =	vld.idx.msk [tilespmem:v6+s16+$0x0], $0xffff;
	[tilespmem:s31+$0x2A0] =	vst v15;
	v15 =	vor.u32 $0x3, v22  }
0x424: {  	s7 =	sshll.u32 s24, $0x7;
	v28 =	vor.u32 $0x4, v22;
	[tilespmem:s31+$0x3A0] =	vst v20;
	v6 =	vld.idx.msk [tilespmem:v2+s16+$0x0], $0xffff;
	v2 =	vshrl.u32 v24, $0x3  }
0x425: {  	[tilespmem:s0+$0x2F0] =	vst v0;
	v20 =	vor.u32 $0x5, v22;
	v24 =	vmov s7;
	v2 =	vshll.u32 v2, $0x3;
	v3 =	vld.idx.msk [tilespmem:v22+s16+$0x0], $0xffff  }
0x426: {  	[tilespmem:s0+$0x370] =	vst v1;
	v30 =	vor.u32 $0x6, v22;
	v0 =	vbroadcast v2, $0x0;
	v2 =	vshll.u32 v24, $0x5;
	v14 =	vld.idx.msk [tilespmem:v14+s16+$0x0], $0xffff  }
0x427: {  	[tilespmem:s30+$0x50] =	vst v29;
	v22 =	vor.u32 $0x7, v22;
	v1 =	vor.u32 v36, v2;
	v21 =	vld.idx.msk [tilespmem:v21+s16+$0x0], $0xffff  }
0x428: {  	[tilespmem:s30+$0xD0] =	vst v19;
	v15 =	vld.idx.msk [tilespmem:v15+s16+$0x0], $0xffff;
	v1 =	vadd.s32 v0, v1  }
0x429: {  	[tilespmem:s30+$0x150] =	vst v23;
	v19 =	vld.idx.msk [tilespmem:v28+s16+$0x0], $0xffff;
	v24 =	vor.u32 $0x1, v1  }
0x42a: {  	[tilespmem:s30+$0x1D0] =	vst v25;
	v20 =	vld.idx.msk [tilespmem:v20+s16+$0x0], $0xffff;
	v23 =	vor.u32 $0x2, v1  }
0x42b: {  	[tilespmem:s30+$0x250] =	vst v18;
	v25 =	vld.idx.msk [tilespmem:v30+s16+$0x0], $0xffff;
	v28 =	vor.u32 $0x3, v1  }
0x42c: {  	[tilespmem:s30+$0x2D0] =	vst v13;
	v30 =	vor.u32 v44, v10;
	v29 =	vor.u32 $0x5, v1;
	v18 =	vld.idx.msk [tilespmem:v22+s16+$0x0], $0xffff  }
0x42d: {  	[tilespmem:s30+$0x3D0] =	vst v27;
	v27 =	vadd.s32 v8, v30;
	v13 =	vld.idx.msk [tilespmem:v1+s16+$0x0], $0xffff  }
0x42e: {  	[tilespmem:s30+$0x350] =	vst v17;
	v22 =	vor.u32 $0x4, v1;
	v17 =	vld.idx.msk [tilespmem:v24+s16+$0x0], $0xffff  }
0x42f: {  	[tilespmem:s12+$0x70] =	vst v26;
	v24 =	vor.u32 $0x6, v1;
	v23 =	vld.idx.msk [tilespmem:v23+s16+$0x0], $0xffff  }
0x430: {  	[tilespmem:s12+$0xF0] =	vst v16;
	v1 =	vor.u32 $0x7, v1;
	v28 =	vld.idx.msk [tilespmem:v28+s16+$0x0], $0xffff  }
0x431: {  	s7 =	simm.s32 $0x1000;
	[tilespmem:s12+$0x3F0] =	vst v31;
	v30 =	vor.u32 $0x1, v27;
	v16 =	vld.idx.msk [tilespmem:v29+s16+$0x0], $0xffff  }
0x432: {  	s0 =	sand.u32 $0x3FFFF000, s7;
	v26 =	vor.u32 $0x2, v27;
	[tilespmem:s31+$0x30] =	vst v3;
	v31 =	vld.idx.msk [tilespmem:v27+s16+$0x0], $0xffff  }
0x433: {  	s24 =	sshll.u32 s24, $0xA;
	s7 =	sadd.s32 $0xC400, s0;
	[tilespmem:s31+$0xB0] =	vst v14;
	v14 =	vor.u32 $0x5, v27;
	v22 =	vld.idx.msk [tilespmem:v22+s16+$0x0], $0xffff  }
0x434: {  	s0 =	sadd.s32 s24, s7;
	[tilespmem:s31+$0x230] =	vst v19;
	v29 =	vor.u32 $0x3, v27;
	v3 =	vld.idx.msk [tilespmem:v24+s16+$0x0], $0xffff  }
0x435: {  	v24 =	vor.u32 $0x4, v27;
	v1 =	vld.idx.msk [tilespmem:v1+s16+$0x0], $0xffff;
	[tilespmem:s0+$0x0] =	vst v13  }
0x436: {  	v30 =	vld.idx.msk [tilespmem:v30+s16+$0x0], $0xffff;
	v13 =	vor.u32 $0x6, v27;
	[tilespmem:s0+$0x80] =	vst v17  }
0x437: {  	v26 =	vld.idx.msk [tilespmem:v26+s16+$0x0], $0xffff;
	v17 =	vor.u32 $0x7, v27;
	[tilespmem:s0+$0x100] =	vst v23;
	v23 =	vor.u32 v40, v2  }
0x438: {  	v14 =	vld.idx.msk [tilespmem:v14+s16+$0x0], $0xffff;
	[tilespmem:s0+$0x180] =	vst v28;
	v23 =	vadd.s32 v0, v23  }
0x439: {  	v27 =	vld.idx.msk [tilespmem:v29+s16+$0x0], $0xffff;
	[tilespmem:s0+$0x280] =	vst v16;
	v16 =	vor.u32 $0x2, v23  }
0x43a: {  	[tilespmem:s0+$0x200] =	vst v22;
	v22 =	vor.u32 $0x1, v23;
	v24 =	vld.idx.msk [tilespmem:v24+s16+$0x0], $0xffff  }
0x43b: {  	s24 =	sshll.u32 s8, $0x7;
	v29 =	vor.u32 $0x4, v23;
	v13 =	vld.idx.msk [tilespmem:v13+s16+$0x0], $0xffff;
	[tilespmem:s0+$0x300] =	vst v3  }
0x43c: {  	v28 =	vmov s24;
	v19 =	vor.u32 $0x7, v23;
	v17 =	vld.idx.msk [tilespmem:v17+s16+$0x0], $0xffff;
	[tilespmem:s0+$0x380] =	vst v1  }
0x43d: {  	[tilespmem:s31+$0x130] =	vst v21;
	v3 =	vor.u32 $0x3, v23;
	v1 =	vshll.u32 v28, $0x5;
	v21 =	vld.idx.msk [tilespmem:v23+s16+$0x0], $0xffff  }
0x43e: {  	[tilespmem:s31+$0x1B0] =	vst v15;
	v28 =	vor.u32 $0x5, v23;
	v32 =	vor.u32 v36, v1;
	v16 =	vld.idx.msk [tilespmem:v16+s16+$0x0], $0xffff  }
0x43f: {  	[tilespmem:s31+$0x2B0] =	vst v20;
	v32 =	vadd.s32 v0, v32;
	v15 =	vld.idx.msk [tilespmem:v22+s16+$0x0], $0xffff;
	v22 =	vor.u32 $0x6, v23  }
0x440: {  	[tilespmem:s31+$0x330] =	vst v25;
	v25 =	vld.idx.msk [tilespmem:v29+s16+$0x0], $0xffff;
	v23 =	vor.u32 $0x1, v32  }
0x441: {  	[tilespmem:s31+$0x3B0] =	vst v18;
	v19 =	vld.idx.msk [tilespmem:v19+s16+$0x0], $0xffff;
	v20 =	vor.u32 $0x2, v32  }
0x442: {  	[tilespmem:s30+$0x60] =	vst v31;
	v29 =	vor.u32 $0x3, v32;
	v3 =	vld.idx.msk [tilespmem:v3+s16+$0x0], $0xffff  }
0x443: {  	[tilespmem:s30+$0xE0] =	vst v30;
	v30 =	vor.u32 $0x6, v32;
	v18 =	vld.idx.msk [tilespmem:v28+s16+$0x0], $0xffff  }
0x444: {  	[tilespmem:s30+$0x160] =	vst v26;
	v22 =	vld.idx.msk [tilespmem:v22+s16+$0x0], $0xffff  }
0x445: {  	v28 =	vor.u32 $0x4, v32;
	[tilespmem:s30+$0x260] =	vst v24;
	v23 =	vld.idx.msk [tilespmem:v23+s16+$0x0], $0xffff  }
0x446: {  	v62 =	vor.u32 v38, v11;
	v31 =	vor.u32 $0x5, v32;
	[tilespmem:s0+$0x10] =	vst v21;
	v20 =	vld.idx.msk [tilespmem:v20+s16+$0x0], $0xffff  }
0x447: {  	v24 =	vadd.s32 v9, v62;
	[tilespmem:s0+$0x90] =	vst v15;
	v15 =	vld.idx.msk [tilespmem:v29+s16+$0x0], $0xffff  }
0x448: {  	v21 =	vor.u32 $0x7, v32;
	[tilespmem:s0+$0x110] =	vst v16;
	v16 =	vor.u32 v33, v2;
	v29 =	vld.idx.msk [tilespmem:v30+s16+$0x0], $0xffff  }
0x449: {  	v30 =	vld.idx.msk [tilespmem:v32+s16+$0x0], $0xffff;
	[tilespmem:s0+$0x190] =	vst v3;
	v3 =	vadd.s32 v0, v16  }
0x44a: {  	[tilespmem:s0+$0x210] =	vst v25;
	v28 =	vld.idx.msk [tilespmem:v28+s16+$0x0], $0xffff;
	v25 =	vor.u32 $0x1, v3  }
0x44b: {  	v16 =	vld.idx.msk [tilespmem:v31+s16+$0x0], $0xffff;
	[tilespmem:s0+$0x290] =	vst v18;
	v18 =	vor.u32 $0x2, v3  }
0x44c: {  	[tilespmem:s0+$0x390] =	vst v19;
	v32 =	vld.idx.msk [tilespmem:v24+s16+$0x0], $0xffff;
	v19 =	vor.u32 $0x4, v3  }
0x44d: {  	v31 =	vor.u32 $0x5, v3;
	v21 =	vld.idx.msk [tilespmem:v21+s16+$0x0], $0xffff;
	[tilespmem:s0+$0x310] =	vst v22  }
0x44e: {  	[tilespmem:s30+$0x1E0] =	vst v27;
	v22 =	vor.u32 $0x3, v3;
	v26 =	vld.idx.msk [tilespmem:v3+s16+$0x0], $0xffff  }
0x44f: {  	s8 =	sshll.u32 s8, $0xA;
	[tilespmem:s30+$0x2E0] =	vst v14;
	v27 =	vor.u32 $0x6, v3;
	v25 =	vld.idx.msk [tilespmem:v25+s16+$0x0], $0xffff  }
0x450: {  	s8 =	sor.u32 s8, s7;
	[tilespmem:s30+$0x360] =	vst v13;
	v3 =	vor.u32 $0x7, v3;
	v18 =	vld.idx.msk [tilespmem:v18+s16+$0x0], $0xffff  }
0x451: {  	[tilespmem:s8+$0x100] =	vst v20;
	v20 =	vor.u32 $0x5, v24;
	v13 =	vld.idx.msk [tilespmem:v19+s16+$0x0], $0xffff  }
0x452: {  	[tilespmem:s30+$0x3E0] =	vst v17;
	v19 =	vor.u32 $0x2, v24;
	v17 =	vld.idx.msk [tilespmem:v31+s16+$0x0], $0xffff  }
0x453: {  	[tilespmem:s8+$0x80] =	vst v23;
	v31 =	vor.u32 $0x3, v24;
	v14 =	vld.idx.msk [tilespmem:v22+s16+$0x0], $0xffff  }
0x454: {  	[tilespmem:s8+$0x180] =	vst v15;
	v23 =	vld.idx.msk [tilespmem:v27+s16+$0x0], $0xffff;
	v22 =	vor.u32 $0x1, v24  }
0x455: {  	v27 =	vor.u32 $0x4, v24;
	v3 =	vld.idx.msk [tilespmem:v3+s16+$0x0], $0xffff;
	[tilespmem:s0+$0x20] =	vst v26  }
0x456: {  	v20 =	vld.idx.msk [tilespmem:v20+s16+$0x0], $0xffff;
	v26 =	vor.u32 $0x6, v24;
	[tilespmem:s0+$0xA0] =	vst v25  }
0x457: {  	v24 =	vor.u32 $0x7, v24;
	v19 =	vld.idx.msk [tilespmem:v19+s16+$0x0], $0xffff;
	[tilespmem:s0+$0x120] =	vst v18;
	v18 =	vor.u32 v43, v2  }
0x458: {  	v25 =	vld.idx.msk [tilespmem:v31+s16+$0x0], $0xffff;
	[tilespmem:s0+$0x1A0] =	vst v14;
	v14 =	vadd.s32 v0, v18  }
0x459: {  	[tilespmem:s0+$0x220] =	vst v13;
	v22 =	vld.idx.msk [tilespmem:v22+s16+$0x0], $0xffff;
	v13 =	vor.u32 $0x1, v14  }
0x45a: {  	[tilespmem:s0+$0x2A0] =	vst v17;
	v18 =	vld.idx.msk [tilespmem:v27+s16+$0x0], $0xffff;
	v17 =	vor.u32 $0x2, v14  }
0x45b: {  	[tilespmem:s0+$0x320] =	vst v23;
	v23 =	vor.u32 $0x3, v14;
	v26 =	vld.idx.msk [tilespmem:v26+s16+$0x0], $0xffff  }
0x45c: {  	v27 =	vor.u32 $0x5, v14;
	v24 =	vld.idx.msk [tilespmem:v24+s16+$0x0], $0xffff;
	[tilespmem:s0+$0x3A0] =	vst v3  }
0x45d: {  	[tilespmem:s8+$0x200] =	vst v28;
	v28 =	vor.u32 $0x6, v14;
	v15 =	vld.idx.msk [tilespmem:v14+s16+$0x0], $0xffff  }
0x45e: {  	[tilespmem:s8+$0x300] =	vst v29;
	v3 =	vor.u32 $0x4, v14;
	v13 =	vld.idx.msk [tilespmem:v13+s16+$0x0], $0xffff  }
0x45f: {  	v10 =	vor.u32 v37, v10;
	[tilespmem:s8+$0x0] =	vst v30;
	v14 =	vor.u32 $0x7, v14;
	v17 =	vld.idx.msk [tilespmem:v17+s16+$0x0], $0xffff  }
0x460: {  	[tilespmem:s8+$0x280] =	vst v16;
	v16 =	vadd.s32 v8, v10;
	v23 =	vld.idx.msk [tilespmem:v23+s16+$0x0], $0xffff  }
0x461: {  	v8 =	vor.u32 $0x1, v16;
	[tilespmem:s8+$0x380] =	vst v21;
	v21 =	vld.idx.msk [tilespmem:v27+s16+$0x0], $0xffff  }
0x462: {  	[tilespmem:s31+$0x40] =	vst v32;
	v27 =	vld.idx.msk [tilespmem:v28+s16+$0x0], $0xffff  }
0x463: {  	v10 =	vor.u32 $0x2, v16;
	[tilespmem:s31+$0xC0] =	vst v22;
	v3 =	vld.idx.msk [tilespmem:v3+s16+$0x0], $0xffff  }
0x464: {  	v29 =	vor.u32 $0x4, v16;
	v22 =	vld.idx.msk [tilespmem:v14+s16+$0x0], $0xffff;
	[tilespmem:s0+$0x30] =	vst v15  }
0x465: {  	v28 =	vor.u32 $0x3, v16;
	v14 =	vor.u32 v40, v1;
	[tilespmem:s0+$0xB0] =	vst v13  }
0x466: {  	v35 =	vld.idx.msk [tilespmem:v8+s16+$0x0], $0xffff;
	v8 =	vor.u32 v38, v2;
	v30 =	vadd.s32 v0, v14;
	[tilespmem:s0+$0x130] =	vst v17  }
0x467: {  	[tilespmem:s0+$0x1B0] =	vst v23;
	v17 =	vadd.s32 v0, v8  }
0x468: {  	v34 =	vld.idx.msk [tilespmem:v10+s16+$0x0], $0xffff;
	[tilespmem:s0+$0x2B0] =	vst v21;
	v31 =	vor.u32 $0x1, v30  }
0x469: {  	v32 =	vld.idx.msk [tilespmem:v29+s16+$0x0], $0xffff;
	[tilespmem:s0+$0x230] =	vst v3;
	v3 =	vor.u32 $0x1, v17  }
0x46a: {  	v10 =	vld.idx.msk [tilespmem:v28+s16+$0x0], $0xffff;
	[tilespmem:s0+$0x330] =	vst v27;
	v21 =	vor.u32 $0x2, v17  }
0x46b: {  	v27 =	vor.u32 $0x3, v17;
	[tilespmem:s0+$0x3B0] =	vst v22;
	v23 =	vld.idx.msk [tilespmem:v30+s16+$0x0], $0xffff  }
0x46c: {  	[tilespmem:s31+$0x140] =	vst v19;
	v29 =	vor.u32 $0x5, v17;
	v19 =	vld.idx.msk [tilespmem:v17+s16+$0x0], $0xffff  }
0x46d: {  	[tilespmem:s31+$0x1C0] =	vst v25;
	v25 =	vor.u32 $0x6, v17;
	v28 =	vld.idx.msk [tilespmem:v31+s16+$0x0], $0xffff  }
0x46e: {  	[tilespmem:s31+$0x340] =	vst v26;
	v26 =	vor.u32 $0x4, v30;
	v3 =	vld.idx.msk [tilespmem:v3+s16+$0x0], $0xffff  }
0x46f: {  	[tilespmem:s31+$0x240] =	vst v18;
	v22 =	vor.u32 $0x4, v17;
	v18 =	vld.idx.msk [tilespmem:v21+s16+$0x0], $0xffff  }
0x470: {  	[tilespmem:s31+$0x2C0] =	vst v20;
	v17 =	vor.u32 $0x7, v17;
	v20 =	vld.idx.msk [tilespmem:v27+s16+$0x0], $0xffff  }
0x471: {  	[tilespmem:s31+$0x3C0] =	vst v24;
	v21 =	vor.u32 $0x2, v30;
	v24 =	vld.idx.msk [tilespmem:v29+s16+$0x0], $0xffff  }
0x472: {  	[tilespmem:s12+$0x170] =	vst v7;
	v27 =	vor.u32 $0x3, v30;
	v7 =	vld.idx.msk [tilespmem:v25+s16+$0x0], $0xffff  }
0x473: {  	v29 =	vor.u32 $0x5, v30;
	v26 =	vld.idx.msk [tilespmem:v26+s16+$0x0], $0xffff  }
0x474: {  	[tilespmem:s12+$0x1F0] =	vst v12;
	v25 =	vor.u32 $0x6, v30;
	v22 =	vld.idx.msk [tilespmem:v22+s16+$0x0], $0xffff  }
0x475: {  	v30 =	vor.u32 $0x7, v30;
	v12 =	vld.idx.msk [tilespmem:v17+s16+$0x0], $0xffff;
	[tilespmem:s0+$0x40] =	vst v19  }
0x476: {  	v17 =	vor.u32 v45, v11;
	v21 =	vld.idx.msk [tilespmem:v21+s16+$0x0], $0xffff;
	[tilespmem:s0+$0xC0] =	vst v3  }
0x477: {  	v17 =	vadd.s32 v9, v17;
	v19 =	vld.idx.msk [tilespmem:v27+s16+$0x0], $0xffff;
	[tilespmem:s0+$0x140] =	vst v18  }
0x478: {  	v18 =	vor.u32 v45, v2;
	v27 =	vld.idx.msk [tilespmem:v29+s16+$0x0], $0xffff;
	[tilespmem:s0+$0x1C0] =	vst v20;
	v3 =	vor.u32 $0x1, v17  }
0x479: {  	v20 =	vld.idx.msk [tilespmem:v25+s16+$0x0], $0xffff;
	[tilespmem:s0+$0x2C0] =	vst v24;
	v18 =	vadd.s32 v0, v18  }
0x47a: {  	v25 =	vld.idx.msk [tilespmem:v30+s16+$0x0], $0xffff;
	[tilespmem:s8+$0x10] =	vst v23;
	v23 =	vor.u32 $0x3, v17  }
0x47b: {  	v15 =	vld.idx.msk [tilespmem:v16+s16+$0x0], $0xffff;
	[tilespmem:s0+$0x240] =	vst v22;
	v22 =	vor.u32 $0x1, v18  }
0x47c: {  	[tilespmem:s0+$0x340] =	vst v7;
	v24 =	vor.u32 $0x2, v18;
	v29 =	vld.idx.msk [tilespmem:v17+s16+$0x0], $0xffff  }
0x47d: {  	v7 =	vor.u32 $0x3, v18;
	[tilespmem:s0+$0x3C0] =	vst v12;
	v30 =	vld.idx.msk [tilespmem:v3+s16+$0x0], $0xffff  }
0x47e: {  	[tilespmem:s12+$0x270] =	vst v4;
	v12 =	vor.u32 $0x5, v18;
	v4 =	vld.idx.msk [tilespmem:v18+s16+$0x0], $0xffff  }
0x47f: {  	[tilespmem:s12+$0x2F0] =	vst v5;
	v3 =	vor.u32 $0x4, v18;
	v23 =	vld.idx.msk [tilespmem:v23+s16+$0x0], $0xffff  }
0x480: {  	[tilespmem:s12+$0x370] =	vst v6;
	v5 =	vld.idx.msk [tilespmem:v22+s16+$0x0], $0xffff;
	v22 =	vor.u32 $0x6, v18  }
0x481: {  	[tilespmem:s8+$0x90] =	vst v28;
	v6 =	vld.idx.msk [tilespmem:v24+s16+$0x0], $0xffff;
	v18 =	vor.u32 $0x7, v18  }
0x482: {  	[tilespmem:s8+$0x210] =	vst v26;
	v28 =	vor.u32 $0x4, v17;
	v7 =	vld.idx.msk [tilespmem:v7+s16+$0x0], $0xffff  }
0x483: {  	[tilespmem:s8+$0x110] =	vst v21;
	v21 =	vor.u32 $0x5, v17;
	v12 =	vld.idx.msk [tilespmem:v12+s16+$0x0], $0xffff  }
0x484: {  	[tilespmem:s8+$0x190] =	vst v19;
	v24 =	vor.u32 $0x2, v17;
	v3 =	vld.idx.msk [tilespmem:v3+s16+$0x0], $0xffff  }
0x485: {  	[tilespmem:s8+$0x290] =	vst v27;
	v19 =	vld.idx.msk [tilespmem:v22+s16+$0x0], $0xffff;
	v22 =	vor.u32 $0x6, v17  }
0x486: {  	v18 =	vld.idx.msk [tilespmem:v18+s16+$0x0], $0xffff;
	v17 =	vor.u32 $0x7, v17;
	[tilespmem:s0+$0x50] =	vst v4  }
0x487: {  	v26 =	vld.idx.msk [tilespmem:v28+s16+$0x0], $0xffff;
	v4 =	vor.u32 $0x5, v16;
	[tilespmem:s0+$0xD0] =	vst v5  }
0x488: {  	v21 =	vld.idx.msk [tilespmem:v21+s16+$0x0], $0xffff;
	v5 =	vor.u32 $0x6, v16;
	[tilespmem:s0+$0x150] =	vst v6;
	v6 =	vor.u32 v44, v2  }
0x489: {  	v24 =	vld.idx.msk [tilespmem:v24+s16+$0x0], $0xffff;
	[tilespmem:s0+$0x1D0] =	vst v7;
	v7 =	vadd.s32 v0, v6  }
0x48a: {  	[tilespmem:s0+$0x2D0] =	vst v12;
	v28 =	vor.u32 $0x1, v7;
	v22 =	vld.idx.msk [tilespmem:v22+s16+$0x0], $0xffff  }
0x48b: {  	v12 =	vor.u32 $0x2, v7;
	[tilespmem:s0+$0x250] =	vst v3;
	v17 =	vld.idx.msk [tilespmem:v17+s16+$0x0], $0xffff  }
0x48c: {  	v27 =	vor.u32 $0x6, v7;
	v6 =	vld.idx.msk [tilespmem:v4+s16+$0x0], $0xffff;
	[tilespmem:s0+$0x350] =	vst v19  }
0x48d: {  	v4 =	vor.u32 $0x3, v7;
	v3 =	vld.idx.msk [tilespmem:v5+s16+$0x0], $0xffff;
	[tilespmem:s0+$0x3D0] =	vst v18  }
0x48e: {  	[tilespmem:s8+$0x310] =	vst v20;
	v5 =	vor.u32 $0x4, v7;
	v18 =	vld.idx.msk [tilespmem:v7+s16+$0x0], $0xffff  }
0x48f: {  	[tilespmem:s8+$0x390] =	vst v25;
	v19 =	vor.u32 $0x5, v7;
	v20 =	vld.idx.msk [tilespmem:v28+s16+$0x0], $0xffff  }
0x490: {  	[tilespmem:s31+$0x50] =	vst v29;
	v12 =	vld.idx.msk [tilespmem:v12+s16+$0x0], $0xffff  }
0x491: {  	v25 =	vor.u32 v44, v11;
	[tilespmem:s31+$0x1D0] =	vst v23;
	v7 =	vor.u32 $0x7, v7;
	v23 =	vld.idx.msk [tilespmem:v27+s16+$0x0], $0xffff  }
0x492: {  	v25 =	vadd.s32 v9, v25;
	[tilespmem:s31+$0xD0] =	vst v30;
	v4 =	vld.idx.msk [tilespmem:v4+s16+$0x0], $0xffff  }
0x493: {  	v16 =	vor.u32 $0x7, v16;
	[tilespmem:s31+$0x150] =	vst v24;
	v29 =	vld.idx.msk [tilespmem:v5+s16+$0x0], $0xffff;
	v5 =	vor.u32 $0x5, v25  }
0x494: {  	v28 =	vor.u32 v33, v1;
	v19 =	vld.idx.msk [tilespmem:v19+s16+$0x0], $0xffff;
	[tilespmem:$0x1FA90] =	vst v5  }
0x495: {  	v28 =	vadd.s32 v0, v28;
	v5 =	vor.u32 $0x6, v25;
	[tilespmem:s31+$0x250] =	vst v26  }
0x496: {  	v30 =	vor.u32 $0x1, v28;
	v26 =	vld.idx.msk [tilespmem:v7+s16+$0x0], $0xffff;
	[tilespmem:$0x1FAA0] =	vst v5  }
0x497: {  	v13 =	vor.u32 $0x7, v25;
	v31 =	vor.u32 $0x2, v28;
	[tilespmem:s0+$0x60] =	vst v18  }
0x498: {  	v63 =	vor.u32 $0x3, v28;
	v5 =	vld.idx.msk [tilespmem:v16+s16+$0x0], $0xffff;
	[tilespmem:$0x1FAB0] =	vst v13  }
0x499: {  	v7 =	vor.u32 v37, v11;
	v11 =	vor.u32 $0x4, v28;
	[tilespmem:s0+$0xE0] =	vst v20  }
0x49a: {  	v2 =	vor.u32 v37, v2;
	v41 =	vadd.s32 v9, v7;
	v7 =	vor.u32 $0x5, v28;
	v16 =	vld.idx.msk [tilespmem:v28+s16+$0x0], $0xffff;
	[tilespmem:s0+$0x160] =	vst v12  }
0x49b: {  	v9 =	vor.u32 $0x6, v28;
	v18 =	vld.idx.msk [tilespmem:v30+s16+$0x0], $0xffff;
	[tilespmem:s0+$0x1E0] =	vst v4;
	v20 =	vadd.s32 v0, v2  }
0x49c: {  	v12 =	vld.idx.msk [tilespmem:v31+s16+$0x0], $0xffff;
	[tilespmem:s0+$0x260] =	vst v29;
	v4 =	vor.u32 $0x7, v20  }
0x49d: {  	v13 =	vld.idx.msk [tilespmem:v63+s16+$0x0], $0xffff;
	[tilespmem:s0+$0x2E0] =	vst v19  }
0x49e: {  	[tilespmem:s0+$0x360] =	vst v23;
	v11 =	vld.idx.msk [tilespmem:v11+s16+$0x0], $0xffff;
	v19 =	vor.u32 $0x1, v20  }
0x49f: {  	v2 =	vor.u32 v43, v1;
	[tilespmem:s31+$0x2D0] =	vst v21;
	v14 =	vld.idx.msk [tilespmem:v7+s16+$0x0], $0xffff  }
0x4a0: {  	v53 =	vadd.s32 v0, v2;
	[tilespmem:s0+$0x3E0] =	vst v26;
	v7 =	vld.idx.msk [tilespmem:v9+s16+$0x0], $0xffff  }
0x4a1: {  	v29 =	vor.u32 v38, v1;
	[tilespmem:s31+$0x350] =	vst v22;
	v23 =	vor.u32 $0x2, v20;
	v26 =	vld.idx.msk [tilespmem:v4+s16+$0x0], $0xffff;
	v4 =	vor.u32 $0x4, v53  }
0x4a2: {  	v29 =	vadd.s32 v0, v29;
	v2 =	vld.idx.msk [tilespmem:v20+s16+$0x0], $0xffff;
	[tilespmem:$0x1FAC0] =	vst v4  }
0x4a3: {  	[tilespmem:s31+$0x3D0] =	vst v17;
	v4 =	vld.idx.msk [tilespmem:v19+s16+$0x0], $0xffff;
	v19 =	vor.u32 $0x1, v29  }
0x4a4: {  	v9 =	vor.u32 $0x3, v20;
	[tilespmem:$0x1FAD0] =	vst v19  }
0x4a5: {  	[tilespmem:s30+$0x70] =	vst v15;
	v15 =	vor.u32 $0x2, v29  }
0x4a6: {  	v57 =	vld.idx.msk [tilespmem:v23+s16+$0x0], $0xffff;
	[tilespmem:$0x1FAE0] =	vst v15;
	v15 =	vor.u32 $0x3, v29  }
0x4a7: {  	[tilespmem:$0x1FAF0] =	vst v15;
	v15 =	vor.u32 $0x4, v29  }
0x4a8: {  	v21 =	vor.u32 $0x4, v20;
	[tilespmem:$0x1FB00] =	vst v15  }
0x4a9: {  	[tilespmem:s30+$0xF0] =	vst v35;
	v58 =	vld.idx.msk [tilespmem:v9+s16+$0x0], $0xffff;
	v9 =	vor.u32 $0x5, v29  }
0x4aa: {  	[tilespmem:$0x1FB10] =	vst v9;
	v9 =	vor.u32 $0x6, v29  }
0x4ab: {  	v22 =	vor.u32 $0x5, v20;
	[tilespmem:$0x1FB20] =	vst v9  }
0x4ac: {  	[tilespmem:s30+$0x170] =	vst v34  }
0x4ad: {  	v15 =	vor.u32 $0x7, v29;
	v9 =	vor.u32 v45, v1;
	v59 =	vld.idx.msk [tilespmem:v21+s16+$0x0], $0xffff;
	[tilespmem:$0x1FB30] =	vst v29  }
0x4ae: {  	v17 =	vor.u32 $0x6, v20;
	v35 =	vadd.s32 v0, v9;
	[tilespmem:$0x1FB40] =	vst v15  }
0x4af: {  	v9 =	vor.u32 $0x1, v35;
	[tilespmem:s30+$0x1F0] =	vst v10  }
0x4b0: {  	v60 =	vld.idx.msk [tilespmem:v22+s16+$0x0], $0xffff;
	[tilespmem:$0x1FB50] =	vst v9;
	v9 =	vor.u32 $0x2, v35  }
0x4b1: {  	v28 =	vor.u32 $0x7, v28;
	[tilespmem:$0x1FB60] =	vst v9  }
0x4b2: {  	v9 =	vor.u32 $0x3, v35;
	[tilespmem:s30+$0x270] =	vst v32  }
0x4b3: {  	v61 =	vld.idx.msk [tilespmem:v17+s16+$0x0], $0xffff;
	[tilespmem:$0x1FB70] =	vst v9;
	v9 =	vor.u32 $0x4, v35  }
0x4b4: {  	[tilespmem:$0x1FB80] =	vst v9  }
0x4b5: {  	v10 =	vor.u32 $0x6, v35;
	[tilespmem:s0+$0x3F0] =	vst v26  }
0x4b6: {  	v9 =	vld.idx.msk [tilespmem:v28+s16+$0x0], $0xffff;
	[tilespmem:$0x1FB90] =	vst v10;
	v10 =	vor.u32 $0x7, v35  }
0x4b7: {  	v56 =	vor.u32 $0x1, v25;
	v8 =	vor.u32 $0x3, v25;
	v24 =	vor.u32 $0x2, v25;
	[tilespmem:$0x1FBA0] =	vst v10  }
0x4b8: {  	v27 =	vor.u32 $0x4, v25;
	v46 =	vor.u32 $0x1, v41;
	v50 =	vor.u32 $0x2, v41;
	[tilespmem:s8+$0x20] =	vst v16  }
0x4b9: {  	v48 =	vor.u32 $0x3, v41;
	v15 =	vor.u32 v44, v1;
	v1 =	vor.u32 v37, v1;
	[tilespmem:s8+$0xA0] =	vst v18  }
0x4ba: {  	v49 =	vor.u32 $0x4, v41;
	v19 =	vadd.s32 v0, v15;
	v0 =	vadd.s32 v0, v1;
	[tilespmem:s8+$0x120] =	vst v12  }
0x4bb: {  	v42 =	vor.u32 $0x5, v41;
	v55 =	vor.u32 $0x6, v41;
	v1 =	vor.u32 $0x1, v0;
	v16 =	vld.idx.msk [tilespmem:v25+s16+$0x0], $0xffff;
	[tilespmem:s8+$0x1A0] =	vst v13  }
0x4bc: {  	v47 =	vor.u32 $0x7, v41;
	v51 =	vor.u32 $0x1, v53;
	v54 =	vor.u32 $0x2, v53;
	v10 =	vld.idx.msk [tilespmem:v56+s16+$0x0], $0xffff;
	[tilespmem:$0x1FBB0] =	vst v1  }
0x4bd: {  	v52 =	vor.u32 $0x3, v53;
	v33 =	vor.u32 $0x5, v53;
	v1 =	vor.u32 $0x2, v0;
	[tilespmem:s8+$0x220] =	vst v11  }
0x4be: {  	v31 =	vor.u32 $0x6, v53;
	v30 =	vor.u32 $0x7, v53;
	v15 =	vld.idx.msk [tilespmem:v24+s16+$0x0], $0xffff;
	[tilespmem:$0x1FBC0] =	vst v1;
	v1 =	vor.u32 $0x3, v0  }
0x4bf: {  	v39 =	vor.u32 $0x5, v35;
	v21 =	vor.u32 $0x1, v19;
	v11 =	vld.idx.msk [tilespmem:v8+s16+$0x0], $0xffff;
	[tilespmem:$0x1FBD0] =	vst v1;
	v1 =	vor.u32 $0x4, v0  }
0x4c0: {  	v22 =	vor.u32 $0x2, v19;
	v20 =	vor.u32 $0x3, v19;
	v63 =	vor.u32 $0x5, v19;
	[tilespmem:$0x1FBE0] =	vst v1  }
0x4c1: {  	v62 =	vor.u32 $0x6, v19;
	v34 =	vor.u32 $0x5, v0;
	v26 =	vor.u32 $0x7, v0;
	[tilespmem:s8+$0x2A0] =	vst v14  }
0x4c2: {  	v18 =	vor.u32 $0x4, v19;
	v56 =	vor.u32 $0x7, v19;
	v14 =	vld.idx.msk [tilespmem:v27+s16+$0x0], $0xffff;
	v27 =	vor.u32 $0x6, v0;
	[tilespmem:$0x1FBF0] =	vst v0  }
.LBB2_9:
0x4c3: {  	v0 =	vld [tilespmem:$0x1FA90];
	_ =	sdelay $0x6  }
0x4c4: {  	[tilespmem:s8+$0x320] =	vst v7  }
0x4c5: {  	v17 =	vld.idx.msk [tilespmem:v0+s16+$0x0], $0xffff;
	v0 =	vmov v63  }
0x4c6: {  	[tilespmem:$0x1FA90] =	vst v0;
	v0 =	vld [tilespmem:$0x1FAA0];
	_ =	sdelay $0x3  }
0x4c7: {  	[tilespmem:$0x1F8D0] =	vst v35  }
0x4c8: {  	[tilespmem:$0x1F8E0] =	vst v39  }
0x4c9: {  	[tilespmem:s8+$0x3A0] =	vst v9  }
0x4ca: {  	[tilespmem:$0x1F930] =	vst v47;
	v7 =	vld.idx.msk [tilespmem:v53+s16+$0x0], $0xffff  }
0x4cb: {  	[tilespmem:$0x1FA70] =	vst v18;
	v18 =	vld.idx.msk [tilespmem:v0+s16+$0x0], $0xffff  }
0x4cc: {  	[tilespmem:s30+$0x2F0] =	vst v6;
	v6 =	vld [tilespmem:$0x1FAC0]  }
0x4cd: {  	[tilespmem:$0x1F8F0] =	vst v42  }
0x4ce: {  	v8 =	vld.idx.msk [tilespmem:v51+s16+$0x0], $0xffff;
	[tilespmem:s30+$0x370] =	vst v3  }
0x4cf: {  	v3 =	vld.idx.msk [tilespmem:v54+s16+$0x0], $0xffff;
	[tilespmem:s30+$0x3F0] =	vst v5  }
0x4d0: {  	[tilespmem:$0x1F8B0] =	vst v57;
	v9 =	vld.idx.msk [tilespmem:v52+s16+$0x0], $0xffff  }
0x4d1: {  	[tilespmem:$0x1F900] =	vst v34;
	v25 =	vld.idx.msk [tilespmem:v33+s16+$0x0], $0xffff  }
0x4d2: {  	[tilespmem:$0x1F920] =	vst v27;
	v28 =	vld.idx.msk [tilespmem:v31+s16+$0x0], $0xffff  }
0x4d3: {  	[tilespmem:s0+$0xF0] =	vst v4;
	v4 =	vmov v48;
	v48 =	vld.idx.msk [tilespmem:v30+s16+$0x0], $0xffff  }
0x4d4: {  	[tilespmem:$0x1F940] =	vst v26;
	s2 =	sadd.s32 $0x2, s2;
	s30 =	smov.u32 s31;
	s31 =	smov.u32 s8;
	v23 =	vld.idx.msk [tilespmem:v6+s16+$0x0], $0xffff  }
0x4d5: {  	s12 =	sand.u32 $0x2, s2;
	s7 =	sshll.u32 s2, $0x1;
	v0 =	vmov v62;
	[tilespmem:s31+$0x30] =	vst v7;
	v7 =	vld [tilespmem:$0x1FAB0]  }
0x4d6: {  	s24 =	sshll.u32 s12, $0x7;
	[tilespmem:$0x1FAA0] =	vst v0;
	v0 =	vmov s7;
	s7 =	sshll.u32 s12, $0xA;
	s12 =	sor.u32 $0x1, s12  }
0x4d7: {  	[tilespmem:$0x1FA10] =	vst v21;
	v1 =	vmov s24;
	v0 =	vshrl.u32 v0, $0x3;
	s24 =	sshll.u32 s12, $0x7  }
0x4d8: {  	[tilespmem:$0x1FA00] =	vst v19;
	v19 =	vshll.u32 v1, $0x5;
	v0 =	vshll.u32 v0, $0x3;
	v1 =	vmov s24  }
0x4d9: {  	[tilespmem:$0x1FA30] =	vst v22;
	v0 =	vbroadcast v0, $0x0;
	v1 =	vshll.u32 v1, $0x5  }
0x4da: {  	[tilespmem:$0x1FA50] =	vst v20;
	v12 =	vor.u32 v36, v1  }
0x4db: {  	[tilespmem:s0+$0x70] =	vst v2;
	v24 =	vadd.s32 v0, v12  }
0x4dc: {  	v35 =	vor.u32 $0x3, v24;
	[tilespmem:s31+$0xB0] =	vst v8  }
0x4dd: {  	v5 =	vor.u32 v36, v19;
	v36 =	vor.u32 $0x4, v24;
	v21 =	vld.idx.msk [tilespmem:v7+s16+$0x0], $0xffff;
	[tilespmem:s31+$0x130] =	vst v3  }
0x4de: {  	v2 =	vor.u32 v40, v19;
	v39 =	vor.u32 $0x5, v24;
	[tilespmem:s31+$0x1B0] =	vst v9  }
0x4df: {  	v57 =	vld [tilespmem:$0x1FFE0];
	v6 =	vadd.s32 v0, v2;
	v2 =	vor.u32 $0x1, v24;
	[tilespmem:s31+$0x230] =	vst v23  }
0x4e0: {  	v34 =	vor.u32 $0x2, v24;
	v37 =	vld.idx.msk [tilespmem:v24+s16+$0x0], $0xffff;
	[tilespmem:s31+$0x2B0] =	vst v25  }
0x4e1: {  	v42 =	vor.u32 $0x6, v24;
	v24 =	vor.u32 $0x7, v24;
	v32 =	vld.idx.msk [tilespmem:v35+s16+$0x0], $0xffff;
	[tilespmem:s31+$0x330] =	vst v28  }
0x4e2: {  	v31 =	vld.idx.msk [tilespmem:v36+s16+$0x0], $0xffff;
	[tilespmem:s31+$0x3B0] =	vst v48  }
0x4e3: {  	s24 =	sshll.u32 s2, $0xA;
	v20 =	vadd.s32 v0, v5;
	v47 =	vld.idx.msk [tilespmem:v39+s16+$0x0], $0xffff;
	v7 =	vmov v56;
	[tilespmem:s30+$0x60] =	vst v16  }
0x4e4: {  	s8 =	sand.u32 $0x3FFFF000, s24;
	v26 =	vor.u32 $0x1, v20;
	v3 =	vor.u32 $0x3, v6;
	v56 =	vld.idx.msk [tilespmem:v2+s16+$0x0], $0xffff;
	[tilespmem:$0x1FAB0] =	vst v7  }
0x4e5: {  	v22 =	vor.u32 v57, v19;
	s12 =	sshll.u32 s12, $0xA;
	s24 =	sadd.s32 $0xC400, s8;
	v29 =	vor.u32 $0x3, v20;
	v23 =	vld.idx.msk [tilespmem:v34+s16+$0x0], $0xffff;
	[tilespmem:$0x1F870] =	vst v3;
	v3 =	vor.u32 $0x4, v6  }
0x4e6: {  	s12 =	sadd.s32 s12, s24;
	v30 =	vor.u32 $0x6, v20;
	v16 =	vld.idx.msk [tilespmem:v24+s16+$0x0], $0xffff;
	v7 =	vadd.s32 v0, v22;
	v22 =	vor.u32 v43, v19;
	[tilespmem:$0x1F880] =	vst v3  }
0x4e7: {  	v8 =	vor.u32 $0x7, v20;
	v53 =	vadd.s32 v0, v22;
	v22 =	vld.idx.msk [tilespmem:v42+s16+$0x0], $0xffff;
	[tilespmem:s12+$0x0] =	vst v37  }
0x4e8: {  	v62 =	vor.u32 $0x4, v20;
	v9 =	vld [tilespmem:$0x1FB30];
	[tilespmem:s12+$0x180] =	vst v32  }
0x4e9: {  	v63 =	vor.u32 $0x5, v20;
	v36 =	vld.idx.msk [tilespmem:v26+s16+$0x0], $0xffff;
	[tilespmem:s12+$0x200] =	vst v31  }
0x4ea: {  	v27 =	vor.u32 $0x2, v20;
	v33 =	vld.idx.msk [tilespmem:v29+s16+$0x0], $0xffff;
	v3 =	vor.u32 $0x5, v6;
	[tilespmem:s12+$0x100] =	vst v23;
	v23 =	vor.u32 v40, v1  }
0x4eb: {  	v25 =	vor.u32 v38, v19;
	v30 =	vld.idx.msk [tilespmem:v30+s16+$0x0], $0xffff;
	[tilespmem:s12+$0x280] =	vst v47;
	v52 =	vadd.s32 v0, v23  }
0x4ec: {  	v35 =	vadd.s32 v0, v25;
	v25 =	vor.u32 v44, v19;
	v44 =	vld.idx.msk [tilespmem:v8+s16+$0x0], $0xffff;
	[tilespmem:$0x1F890] =	vst v3;
	v23 =	vor.u32 $0x1, v52  }
0x4ed: {  	[tilespmem:s12+$0x80] =	vst v56;
	v3 =	vmov v41;
	v41 =	vld.idx.msk [tilespmem:v62+s16+$0x0], $0xffff;
	v62 =	vor.u32 $0x2, v52  }
0x4ee: {  	v31 =	vld.idx.msk [tilespmem:v63+s16+$0x0], $0xffff;
	[tilespmem:s12+$0x380] =	vst v16;
	v63 =	vor.u32 $0x3, v52  }
0x4ef: {  	v37 =	vld.idx.msk [tilespmem:v27+s16+$0x0], $0xffff;
	[tilespmem:s12+$0x300] =	vst v22;
	v16 =	vor.u32 $0x4, v52  }
0x4f0: {  	[tilespmem:$0x1F910] =	vst v55;
	v55 =	vmovc v50;
	v50 =	vmov v46;
	v24 =	vor.u32 v45, v19;
	v46 =	vor.u32 $0x5, v52;
	v45 =	vld.idx.msk [tilespmem:v52+s16+$0x0], $0xffff  }
0x4f1: {  	[tilespmem:s30+$0xE0] =	vst v10;
	v48 =	vor.u32 $0x6, v52;
	v47 =	vld.idx.msk [tilespmem:v23+s16+$0x0], $0xffff  }
0x4f2: {  	[tilespmem:s30+$0x160] =	vst v15;
	v32 =	vor.u32 $0x7, v52;
	v15 =	vld.idx.msk [tilespmem:v62+s16+$0x0], $0xffff  }
0x4f3: {  	[tilespmem:s30+$0x1E0] =	vst v11;
	v34 =	vld.idx.msk [tilespmem:v63+s16+$0x0], $0xffff  }
0x4f4: {  	[tilespmem:s30+$0x260] =	vst v14;
	v14 =	vld.idx.msk [tilespmem:v16+s16+$0x0], $0xffff  }
0x4f5: {  	[tilespmem:s30+$0x2E0] =	vst v17;
	v17 =	vld.idx.msk [tilespmem:v46+s16+$0x0], $0xffff  }
0x4f6: {  	[tilespmem:s30+$0x360] =	vst v18;
	v46 =	vld.idx.msk [tilespmem:v48+s16+$0x0], $0xffff  }
0x4f7: {  	[tilespmem:s30+$0x3E0] =	vst v21;
	v32 =	vld.idx.msk [tilespmem:v32+s16+$0x0], $0xffff  }
0x4f8: {  	[tilespmem:s12+$0x90] =	vst v47;
	v47 =	vld.idx.msk [tilespmem:v9+s16+$0x0], $0xffff;
	v9 =	vmov v35  }
0x4f9: {  	[tilespmem:$0x1FB30] =	vst v9;
	v9 =	vld [tilespmem:$0x1FAD0];
	_ =	sdelay $0x6  }
0x4fa: {  	v38 =	vor.u32 $0x1, v35  }
0x4fb: {  	[tilespmem:s12+$0x190] =	vst v34;
	v34 =	vld.idx.msk [tilespmem:v9+s16+$0x0], $0xffff;
	v9 =	vmov v38  }
0x4fc: {  	[tilespmem:$0x1FAD0] =	vst v9;
	v9 =	vld [tilespmem:$0x1FAE0];
	_ =	sdelay $0x6  }
0x4fd: {  	v39 =	vor.u32 $0x2, v35;
	v42 =	vor.u32 $0x4, v35;
	v43 =	vor.u32 $0x5, v35  }
0x4fe: {  	v29 =	vor.u32 $0x6, v35;
	v28 =	vor.u32 $0x7, v35;
	v40 =	vor.u32 $0x3, v35;
	v35 =	vld.idx.msk [tilespmem:v9+s16+$0x0], $0xffff;
	v9 =	vmovc v39  }
0x4ff: {  	[tilespmem:$0x1FAE0] =	vst v9;
	v9 =	vld [tilespmem:$0x1FAF0];
	_ =	sdelay $0x7  }
0x500: {  	v38 =	vld.idx.msk [tilespmem:v9+s16+$0x0], $0xffff;
	v9 =	vmov v40  }
0x501: {  	[tilespmem:$0x1FAF0] =	vst v9;
	v9 =	vld [tilespmem:$0x1FB00];
	_ =	sdelay $0x7  }
0x502: {  	[tilespmem:s12+$0x110] =	vst v15;
	v40 =	vld.idx.msk [tilespmem:v9+s16+$0x0], $0xffff;
	v9 =	vmov v42  }
0x503: {  	v15 =	vor.u32 v57, v1;
	[tilespmem:$0x1FB00] =	vst v9;
	v9 =	vld [tilespmem:$0x1FB10]  }
0x504: {  	v15 =	vadd.s32 v0, v15  }
0x505: {  	[tilespmem:s12+$0x210] =	vst v14;
	v14 =	vor.u32 $0x1, v15  }
0x506: {  	[tilespmem:s12+$0x10] =	vst v45  }
0x507: {  	[tilespmem:s12+$0x290] =	vst v17  }
0x508: {  	[tilespmem:s12+$0x310] =	vst v46;
	v17 =	vor.u32 $0x2, v15  }
0x509: {  	v45 =	vld.idx.msk [tilespmem:v20+s16+$0x0], $0xffff;
	[tilespmem:s12+$0x390] =	vst v32  }
0x50a: {  	v14 =	vld.idx.msk [tilespmem:v14+s16+$0x0], $0xffff;
	v39 =	vor.u32 $0x3, v15  }
0x50b: {  	v32 =	vor.u32 $0x4, v15;
	v42 =	vld.idx.msk [tilespmem:v9+s16+$0x0], $0xffff;
	v9 =	vmov v43  }
0x50c: {  	s8 =	sor.u32 s7, s24;
	v46 =	vor.u32 $0x5, v15;
	[tilespmem:$0x1FB10] =	vst v9;
	v9 =	vld [tilespmem:$0x1FB20]  }
0x50d: {  	v57 =	vor.u32 $0x6, v15;
	v17 =	vld.idx.msk [tilespmem:v17+s16+$0x0], $0xffff;
	[tilespmem:s8+$0x80] =	vst v36  }
0x50e: {  	v36 =	vld.idx.msk [tilespmem:v15+s16+$0x0], $0xffff;
	[tilespmem:s8+$0x100] =	vst v37;
	v15 =	vor.u32 $0x7, v15  }
0x50f: {  	[tilespmem:s8+$0x180] =	vst v33;
	v33 =	vld.idx.msk [tilespmem:v39+s16+$0x0], $0xffff  }
0x510: {  	[tilespmem:s8+$0x280] =	vst v31;
	v31 =	vld.idx.msk [tilespmem:v32+s16+$0x0], $0xffff  }
0x511: {  	[tilespmem:s8+$0x300] =	vst v30;
	v30 =	vld.idx.msk [tilespmem:v46+s16+$0x0], $0xffff  }
0x512: {  	[tilespmem:s8+$0x200] =	vst v41;
	v32 =	vld.idx.msk [tilespmem:v57+s16+$0x0], $0xffff  }
0x513: {  	[tilespmem:s8+$0x380] =	vst v44;
	v57 =	vld.idx.msk [tilespmem:v15+s16+$0x0], $0xffff  }
0x514: {  	[tilespmem:s12+$0x20] =	vst v36;
	v36 =	vld.idx.msk [tilespmem:v9+s16+$0x0], $0xffff;
	v9 =	vmov v29  }
0x515: {  	[tilespmem:$0x1FB20] =	vst v9;
	v9 =	vld [tilespmem:$0x1FB40];
	_ =	sdelay $0x2  }
0x516: {  	v43 =	vld [tilespmem:$0x1FFD0];
	_ =	sdelay $0x3  }
0x517: {  	v52 =	vld [tilespmem:$0x1FF90]  }
0x518: {  	[tilespmem:s12+$0xA0] =	vst v14;
	v14 =	vor.u32 v43, v1;
	v29 =	vld.idx.msk [tilespmem:v9+s16+$0x0], $0xffff  }
0x519: {  	v9 =	vmov v28;
	v28 =	vadd.s32 v0, v14;
	v14 =	vld.idx.msk [tilespmem:v3+s16+$0x0], $0xffff  }
0x51a: {  	v3 =	vld [tilespmem:$0x1FBF0];
	_ =	sdelay $0x2  }
0x51b: {  	v16 =	vor.u32 v52, v19  }
0x51c: {  	v19 =	vadd.s32 v0, v16  }
0x51d: {  	v41 =	vmov v3;
	v3 =	vmov v19  }
0x51e: {  	v2 =	vor.u32 $0x6, v6;
	[tilespmem:$0x1FBF0] =	vst v3;
	v3 =	vld [tilespmem:$0x1FBB0]  }
0x51f: {  	[tilespmem:$0x1F8A0] =	vst v2;
	v2 =	vor.u32 $0x7, v6  }
0x520: {  	[tilespmem:$0x1F8C0] =	vst v2;
	v2 =	vor.u32 $0x1, v7  }
0x521: {  	[tilespmem:$0x1F980] =	vst v2;
	v2 =	vor.u32 $0x2, v7  }
0x522: {  	[tilespmem:$0x1F9A0] =	vst v2;
	v2 =	vor.u32 $0x3, v7;
	v21 =	vor.u32 $0x1, v19  }
0x523: {  	[tilespmem:$0x1F9B0] =	vst v2;
	v46 =	vmov v3;
	v3 =	vmov v21  }
0x524: {  	v2 =	vor.u32 $0x4, v7;
	[tilespmem:$0x1FBB0] =	vst v3;
	v3 =	vld [tilespmem:$0x1FBC0]  }
0x525: {  	[tilespmem:$0x1F9C0] =	vst v2;
	v2 =	vor.u32 $0x5, v7  }
0x526: {  	[tilespmem:$0x1F9D0] =	vst v2;
	v2 =	vor.u32 $0x6, v7  }
0x527: {  	[tilespmem:$0x1F9E0] =	vst v2;
	v2 =	vor.u32 $0x7, v7  }
0x528: {  	[tilespmem:$0x1F9F0] =	vst v2;
	v2 =	vor.u32 $0x3, v53;
	v48 =	vor.u32 $0x2, v19  }
0x529: {  	[tilespmem:$0x1F990] =	vst v2;
	v15 =	vld.idx.msk [tilespmem:v50+s16+$0x0], $0xffff;
	v50 =	vmov v3;
	v3 =	vmov v48  }
0x52a: {  	v2 =	vor.u32 $0x4, v53;
	[tilespmem:$0x1FBC0] =	vst v3;
	v3 =	vld [tilespmem:$0x1FBD0]  }
0x52b: {  	[tilespmem:$0x1FAC0] =	vst v2;
	v2 =	vor.u32 $0x5, v53  }
0x52c: {  	[tilespmem:$0x1F950] =	vst v2;
	v2 =	vor.u32 $0x6, v53  }
0x52d: {  	v8 =	vadd.s32 v0, v25;
	[tilespmem:$0x1F970] =	vst v2;
	v2 =	vor.u32 $0x7, v53  }
0x52e: {  	v5 =	vmov v49;
	[tilespmem:$0x1F960] =	vst v2;
	v2 =	vor.u32 $0x1, v8;
	v49 =	vor.u32 $0x3, v19  }
0x52f: {  	[tilespmem:$0x1FA20] =	vst v2;
	v48 =	vmov v3;
	v3 =	vmov v49  }
0x530: {  	v2 =	vor.u32 $0x2, v8;
	[tilespmem:$0x1FBD0] =	vst v3;
	v3 =	vld [tilespmem:$0x1FBE0]  }
0x531: {  	[tilespmem:$0x1FA40] =	vst v2;
	v2 =	vor.u32 $0x3, v8  }
0x532: {  	[tilespmem:$0x1FA60] =	vst v2;
	v2 =	vor.u32 $0x4, v8  }
0x533: {  	[tilespmem:$0x1FA80] =	vst v2  }
0x534: {  	v2 =	vor.u32 $0x4, v19;
	[tilespmem:s12+$0x120] =	vst v17;
	v17 =	vld.idx.msk [tilespmem:v55+s16+$0x0], $0xffff  }
0x535: {  	v20 =	vor.u32 $0x5, v19;
	v18 =	vor.u32 $0x6, v19;
	v16 =	vor.u32 $0x7, v19;
	v19 =	vld.idx.msk [tilespmem:v4+s16+$0x0], $0xffff;
	v49 =	vmovc v3;
	v3 =	vmovc v2  }
0x536: {  	[tilespmem:$0x1FBE0] =	vst v3;
	v3 =	vld [tilespmem:$0x1F870]  }
0x537: {  	v21 =	vld.idx.msk [tilespmem:v5+s16+$0x0], $0xffff;
	[tilespmem:s8+$0x0] =	vst v45  }
0x538: {  	[tilespmem:s31+$0x40] =	vst v47  }
0x539: {  	[tilespmem:s31+$0xC0] =	vst v34  }
0x53a: {  	[tilespmem:s31+$0x140] =	vst v35  }
0x53b: {  	[tilespmem:s31+$0x1C0] =	vst v38  }
0x53c: {  	[tilespmem:s31+$0x240] =	vst v40  }
0x53d: {  	[tilespmem:s31+$0x2C0] =	vst v42  }
0x53e: {  	v4 =	vld.idx.msk [tilespmem:v3+s16+$0x0], $0xffff  }
0x53f: {  	v3 =	vld [tilespmem:$0x1F880]  }
0x540: {  	[tilespmem:s12+$0x220] =	vst v31;
	v31 =	vor.u32 $0x1, v28  }
0x541: {  	[tilespmem:s12+$0x2A0] =	vst v30;
	v30 =	vor.u32 $0x2, v28  }
0x542: {  	[tilespmem:s12+$0x1A0] =	vst v33  }
0x543: {  	[tilespmem:s12+$0x320] =	vst v32  }
0x544: {  	[tilespmem:s12+$0x3A0] =	vst v57;
	v32 =	vor.u32 $0x3, v28  }
0x545: {  	v31 =	vld.idx.msk [tilespmem:v31+s16+$0x0], $0xffff  }
0x546: {  	v33 =	vor.u32 $0x4, v28;
	v30 =	vld.idx.msk [tilespmem:v30+s16+$0x0], $0xffff  }
0x547: {  	[tilespmem:$0x1FB40] =	vst v9;
	v55 =	vor.u32 $0x5, v28;
	v9 =	vld.idx.msk [tilespmem:v3+s16+$0x0], $0xffff  }
0x548: {  	v3 =	vld [tilespmem:$0x1F890]  }
0x549: {  	v57 =	vor.u32 $0x6, v28;
	v32 =	vld.idx.msk [tilespmem:v32+s16+$0x0], $0xffff  }
0x54a: {  	v2 =	vld.idx.msk [tilespmem:v28+s16+$0x0], $0xffff;
	v28 =	vor.u32 $0x7, v28  }
0x54b: {  	v33 =	vld.idx.msk [tilespmem:v33+s16+$0x0], $0xffff  }
0x54c: {  	v37 =	vld.idx.msk [tilespmem:v55+s16+$0x0], $0xffff  }
0x54d: {  	v38 =	vld [tilespmem:$0x1FFC0]  }
0x54e: {  	v12 =	vor.u32 $0x1, v6;
	v47 =	vld.idx.msk [tilespmem:v57+s16+$0x0], $0xffff  }
0x54f: {  	v28 =	vld.idx.msk [tilespmem:v28+s16+$0x0], $0xffff  }
0x550: {  	v5 =	vld.idx.msk [tilespmem:v3+s16+$0x0], $0xffff  }
0x551: {  	v3 =	vld [tilespmem:$0x1F8A0]  }
0x552: {  	[tilespmem:s12+$0x30] =	vst v2;
	v2 =	vld.idx.msk [tilespmem:v6+s16+$0x0], $0xffff  }
0x553: {  	v13 =	vor.u32 $0x2, v6;
	[tilespmem:s12+$0xB0] =	vst v31;
	v6 =	vld.idx.msk [tilespmem:v12+s16+$0x0], $0xffff;
	v12 =	vor.u32 v38, v1  }
0x554: {  	[tilespmem:s12+$0x130] =	vst v30;
	v12 =	vadd.s32 v0, v12  }
0x555: {  	[tilespmem:s12+$0x1B0] =	vst v32;
	v31 =	vor.u32 $0x2, v12  }
0x556: {  	[tilespmem:s12+$0x230] =	vst v33  }
0x557: {  	[tilespmem:s12+$0x2B0] =	vst v37  }
0x558: {  	v13 =	vld.idx.msk [tilespmem:v13+s16+$0x0], $0xffff;
	[tilespmem:s12+$0x330] =	vst v47  }
0x559: {  	[tilespmem:s12+$0x3B0] =	vst v28;
	v3 =	vld.idx.msk [tilespmem:v3+s16+$0x0], $0xffff  }
0x55a: {  	[tilespmem:s31+$0x3C0] =	vst v29;
	v29 =	vld.idx.msk [tilespmem:v31+s16+$0x0], $0xffff  }
0x55b: {  	v30 =	vor.u32 $0x1, v12;
	v31 =	vld [tilespmem:$0x1F8B0]  }
0x55c: {  	v55 =	vor.u32 $0x3, v12  }
0x55d: {  	v28 =	vor.u32 $0x4, v12  }
0x55e: {  	v45 =	vld [tilespmem:$0x1FFB0];
	v57 =	vor.u32 $0x5, v12  }
0x55f: {  	v33 =	vld.idx.msk [tilespmem:v12+s16+$0x0], $0xffff  }
0x560: {  	v30 =	vld.idx.msk [tilespmem:v30+s16+$0x0], $0xffff;
	[tilespmem:s0+$0x170] =	vst v31  }
0x561: {  	v42 =	vor.u32 $0x6, v12;
	v31 =	vld.idx.msk [tilespmem:v55+s16+$0x0], $0xffff;
	[tilespmem:s0+$0x1F0] =	vst v58  }
0x562: {  	v28 =	vld.idx.msk [tilespmem:v28+s16+$0x0], $0xffff;
	[tilespmem:s0+$0x270] =	vst v59  }
0x563: {  	v12 =	vor.u32 $0x7, v12;
	v47 =	vld.idx.msk [tilespmem:v57+s16+$0x0], $0xffff  }
0x564: {  	v57 =	vld [tilespmem:$0x1F8C0]  }
0x565: {  	v26 =	vadd.s32 v0, v24;
	[tilespmem:s0+$0x2F0] =	vst v60;
	v60 =	vld [tilespmem:$0x1FB80]  }
0x566: {  	v22 =	vor.u32 $0x4, v26;
	v55 =	vld.idx.msk [tilespmem:v42+s16+$0x0], $0xffff  }
0x567: {  	[tilespmem:s0+$0x370] =	vst v61;
	s0 =	smov.u32 s12;
	v61 =	vmov v22;
	v22 =	vld [tilespmem:$0x1F8E0]  }
0x568: {  	v27 =	vor.u32 $0x1, v26;
	v24 =	vor.u32 $0x2, v26;
	v12 =	vld.idx.msk [tilespmem:v12+s16+$0x0], $0xffff;
	[tilespmem:s0+$0xC0] =	vst v30  }
0x569: {  	v25 =	vor.u32 $0x3, v26;
	v10 =	vor.u32 $0x6, v26;
	[tilespmem:s0+$0x140] =	vst v29;
	v29 =	vor.u32 v45, v1;
	v30 =	vld [tilespmem:$0x1F8D0]  }
0x56a: {  	v11 =	vor.u32 $0x7, v26;
	v23 =	vor.u32 $0x5, v26;
	v35 =	vmovc v26;
	[tilespmem:s0+$0x1C0] =	vst v31;
	v26 =	vadd.s32 v0, v29;
	v29 =	vld [tilespmem:$0x1FB50]  }
0x56b: {  	v31 =	vmov v24;
	[tilespmem:s0+$0x240] =	vst v28;
	v28 =	vld [tilespmem:$0x1FB60]  }
0x56c: {  	[tilespmem:$0x1FB60] =	vst v31;
	v31 =	vld [tilespmem:$0x1FB70]  }
0x56d: {  	[tilespmem:s31+$0x340] =	vst v36  }
0x56e: {  	[tilespmem:s0+$0x40] =	vst v33;
	v33 =	vld.idx.msk [tilespmem:v57+s16+$0x0], $0xffff  }
0x56f: {  	v32 =	vld.idx.msk [tilespmem:v60+s16+$0x0], $0xffff  }
0x570: {  	v22 =	vld.idx.msk [tilespmem:v22+s16+$0x0], $0xffff  }
0x571: {  	v58 =	vmov v27;
	v27 =	vor.u32 $0x1, v26;
	v30 =	vld.idx.msk [tilespmem:v30+s16+$0x0], $0xffff  }
0x572: {  	v24 =	vor.u32 $0x2, v26;
	[tilespmem:s0+$0x2C0] =	vst v47;
	v29 =	vld.idx.msk [tilespmem:v29+s16+$0x0], $0xffff  }
0x573: {  	v59 =	vmov v25;
	v25 =	vor.u32 $0x3, v26;
	[tilespmem:s0+$0x340] =	vst v55;
	v28 =	vld.idx.msk [tilespmem:v28+s16+$0x0], $0xffff  }
0x574: {  	[tilespmem:s0+$0x3C0] =	vst v12;
	v12 =	vor.u32 $0x4, v26;
	v31 =	vld.idx.msk [tilespmem:v31+s16+$0x0], $0xffff  }
0x575: {  	v39 =	vmov v23;
	v23 =	vor.u32 $0x5, v26;
	[tilespmem:s8+$0x10] =	vst v2;
	v2 =	vld.idx.msk [tilespmem:v26+s16+$0x0], $0xffff  }
0x576: {  	[tilespmem:s8+$0x90] =	vst v6;
	v6 =	vld.idx.msk [tilespmem:v27+s16+$0x0], $0xffff;
	v27 =	vor.u32 $0x6, v26  }
0x577: {  	[tilespmem:s8+$0x110] =	vst v13;
	v13 =	vld.idx.msk [tilespmem:v24+s16+$0x0], $0xffff;
	v24 =	vor.u32 $0x7, v26  }
0x578: {  	[tilespmem:s8+$0x190] =	vst v4;
	v4 =	vld.idx.msk [tilespmem:v25+s16+$0x0], $0xffff  }
0x579: {  	[tilespmem:s8+$0x210] =	vst v9;
	v9 =	vld.idx.msk [tilespmem:v12+s16+$0x0], $0xffff  }
0x57a: {  	[tilespmem:s8+$0x290] =	vst v5;
	v5 =	vld.idx.msk [tilespmem:v23+s16+$0x0], $0xffff  }
0x57b: {  	v12 =	vld.idx.msk [tilespmem:v27+s16+$0x0], $0xffff  }
0x57c: {  	v23 =	vld.idx.msk [tilespmem:v24+s16+$0x0], $0xffff  }
0x57d: {  	[tilespmem:s0+$0x50] =	vst v2;
	v2 =	vld [tilespmem:$0x1FB90]  }
0x57e: {  	[tilespmem:s8+$0x310] =	vst v3;
	v3 =	vld [tilespmem:$0x1FBA0];
	_ =	sdelay $0x6  }
0x57f: {  	v24 =	vld.idx.msk [tilespmem:v2+s16+$0x0], $0xffff  }
0x580: {  	v2 =	vmov v10;
	v10 =	vld.idx.msk [tilespmem:v3+s16+$0x0], $0xffff;
	v3 =	vmov v11  }
0x581: {  	[tilespmem:$0x1FBA0] =	vst v3;
	v3 =	vld [tilespmem:$0x1F8F0];
	_ =	sdelay $0x6  }
0x582: {  	v44 =	vld [tilespmem:$0x1FFA0]  }
0x583: {  	[tilespmem:s0+$0xD0] =	vst v6;
	v6 =	vld.idx.msk [tilespmem:v3+s16+$0x0], $0xffff  }
0x584: {  	v3 =	vld [tilespmem:$0x1F900];
	_ =	sdelay $0x1  }
0x585: {  	[tilespmem:s0+$0x2D0] =	vst v5;
	v5 =	vld [tilespmem:$0x1F930];
	_ =	sdelay $0x1  }
0x586: {  	[tilespmem:s0+$0x250] =	vst v9;
	v9 =	vld [tilespmem:$0x1F920]  }
0x587: {  	[tilespmem:$0x1FB90] =	vst v2;
	v2 =	vor.u32 v44, v1;
	v42 =	vmov v3;
	v3 =	vld [tilespmem:$0x1F910]  }
0x588: {  	v2 =	vadd.s32 v0, v2  }
0x589: {  	[tilespmem:s0+$0x1D0] =	vst v4;
	v4 =	vor.u32 $0x1, v2  }
0x58a: {  	[tilespmem:s0+$0x150] =	vst v13;
	v11 =	vld [tilespmem:$0x1F940]  }
0x58b: {  	v55 =	vmov v9;
	[tilespmem:s0+$0x350] =	vst v12;
	v9 =	vor.u32 $0x2, v2  }
0x58c: {  	[tilespmem:s0+$0x3D0] =	vst v23;
	v5 =	vld.idx.msk [tilespmem:v5+s16+$0x0], $0xffff;
	v12 =	vor.u32 $0x4, v2  }
0x58d: {  	v26 =	vmov v16;
	v16 =	vor.u32 $0x5, v2;
	v13 =	vld.idx.msk [tilespmem:v2+s16+$0x0], $0xffff  }
0x58e: {  	v27 =	vmov v18;
	v18 =	vor.u32 $0x6, v2;
	v4 =	vld.idx.msk [tilespmem:v4+s16+$0x0], $0xffff  }
0x58f: {  	v47 =	vmov v11;
	v11 =	vor.u32 $0x3, v2;
	v3 =	vld.idx.msk [tilespmem:v3+s16+$0x0], $0xffff;
	[tilespmem:s8+$0x390] =	vst v33  }
0x590: {  	v2 =	vor.u32 $0x7, v2;
	v9 =	vld.idx.msk [tilespmem:v9+s16+$0x0], $0xffff;
	[tilespmem:s31+$0x50] =	vst v30  }
0x591: {  	v12 =	vld.idx.msk [tilespmem:v12+s16+$0x0], $0xffff;
	[tilespmem:s31+$0xD0] =	vst v29  }
0x592: {  	v16 =	vld.idx.msk [tilespmem:v16+s16+$0x0], $0xffff;
	[tilespmem:s31+$0x150] =	vst v28  }
0x593: {  	v18 =	vld.idx.msk [tilespmem:v18+s16+$0x0], $0xffff;
	[tilespmem:s31+$0x1D0] =	vst v31  }
0x594: {  	v11 =	vld.idx.msk [tilespmem:v11+s16+$0x0], $0xffff;
	[tilespmem:s31+$0x250] =	vst v32  }
0x595: {  	v2 =	vld.idx.msk [tilespmem:v2+s16+$0x0], $0xffff;
	[tilespmem:s31+$0x2D0] =	vst v22  }
0x596: {  	[tilespmem:s0+$0x60] =	vst v13;
	v13 =	vld.idx.msk [tilespmem:v7+s16+$0x0], $0xffff  }
0x597: {  	v7 =	vld [tilespmem:$0x1F9C0];
	_ =	sdelay $0x6  }
0x598: {  	[tilespmem:s0+$0xE0] =	vst v4;
	v4 =	vld [tilespmem:$0x1F980]  }
0x599: {  	[tilespmem:s0+$0x1E0] =	vst v11;
	v11 =	vld.idx.msk [tilespmem:v7+s16+$0x0], $0xffff  }
0x59a: {  	v7 =	vld [tilespmem:$0x1F9D0];
	_ =	sdelay $0x3  }
0x59b: {  	v1 =	vor.u32 v52, v1  }
0x59c: {  	v0 =	vadd.s32 v0, v1;
	v1 =	vld [tilespmem:$0x1F9B0]  }
0x59d: {  	v34 =	vmov v20;
	v20 =	vld.idx.msk [tilespmem:v4+s16+$0x0], $0xffff  }
0x59e: {  	v4 =	vld [tilespmem:$0x1F9A0]  }
0x59f: {  	[tilespmem:s0+$0x260] =	vst v12;
	v12 =	vld.idx.msk [tilespmem:v7+s16+$0x0], $0xffff  }
0x5a0: {  	v7 =	vld [tilespmem:$0x1F9E0]  }
0x5a1: {  	[tilespmem:s0+$0x160] =	vst v9  }
0x5a2: {  	[tilespmem:s0+$0x2E0] =	vst v16  }
0x5a3: {  	[tilespmem:s0+$0x360] =	vst v18  }
0x5a4: {  	[tilespmem:s0+$0x3E0] =	vst v2  }
0x5a5: {  	v2 =	vld.idx.msk [tilespmem:v0+s16+$0x0], $0xffff  }
0x5a6: {  	v23 =	vor.u32 $0x4, v0;
	v1 =	vld.idx.msk [tilespmem:v1+s16+$0x0], $0xffff  }
0x5a7: {  	v9 =	vor.u32 $0x1, v0;
	v16 =	vor.u32 $0x2, v0;
	v18 =	vor.u32 $0x3, v0;
	v22 =	vld.idx.msk [tilespmem:v4+s16+$0x0], $0xffff  }
0x5a8: {  	v4 =	vor.u32 $0x7, v0;
	v7 =	vld.idx.msk [tilespmem:v7+s16+$0x0], $0xffff;
	[tilespmem:s31+$0x350] =	vst v24;
	v24 =	vor.u32 $0x5, v0;
	v0 =	vor.u32 $0x6, v0;
	_ =	sdelay $0x4  }
0x5a9: {  	[tilespmem:$0x1FB80] =	vst v61;
	v61 =	vld.idx.msk [tilespmem:v0+s16+$0x0], $0xffff  }
0x5aa: {  	v0 =	vld [tilespmem:$0x1F9F0];
	_ =	sdelay $0x1  }
0x5ab: {  	[tilespmem:s31+$0x3D0] =	vst v10  }
0x5ac: {  	[tilespmem:s30+$0x70] =	vst v14  }
0x5ad: {  	[tilespmem:s30+$0xF0] =	vst v15  }
0x5ae: {  	[tilespmem:s30+$0x170] =	vst v17  }
0x5af: {  	v25 =	vld.idx.msk [tilespmem:v4+s16+$0x0], $0xffff;
	[tilespmem:s30+$0x1F0] =	vst v19  }
0x5b0: {  	v4 =	vld.idx.msk [tilespmem:v9+s16+$0x0], $0xffff;
	[tilespmem:s30+$0x270] =	vst v21  }
0x5b1: {  	v9 =	vld.idx.msk [tilespmem:v0+s16+$0x0], $0xffff  }
0x5b2: {  	v0 =	vld [tilespmem:$0x1FA00];
	_ =	sdelay $0x5  }
0x5b3: {  	[tilespmem:s8+$0x20] =	vst v13  }
0x5b4: {  	v57 =	vld.idx.msk [tilespmem:v16+s16+$0x0], $0xffff;
	[tilespmem:s8+$0xA0] =	vst v20  }
0x5b5: {  	v16 =	vld.idx.msk [tilespmem:v0+s16+$0x0], $0xffff  }
0x5b6: {  	v0 =	vld [tilespmem:$0x1FA10];
	_ =	sdelay $0x6  }
0x5b7: {  	[tilespmem:s8+$0x120] =	vst v22  }
0x5b8: {  	v10 =	vld.idx.msk [tilespmem:v0+s16+$0x0], $0xffff  }
0x5b9: {  	v0 =	vld [tilespmem:$0x1FA20];
	_ =	sdelay $0x4  }
0x5ba: {  	v21 =	vmov v0;
	v0 =	vld [tilespmem:$0x1FA30];
	_ =	sdelay $0x6  }
0x5bb: {  	[tilespmem:s8+$0x1A0] =	vst v1  }
0x5bc: {  	v15 =	vld.idx.msk [tilespmem:v0+s16+$0x0], $0xffff  }
0x5bd: {  	v0 =	vld [tilespmem:$0x1FA40];
	_ =	sdelay $0x4  }
0x5be: {  	v22 =	vmov v0;
	v0 =	vld [tilespmem:$0x1FA50];
	_ =	sdelay $0x6  }
0x5bf: {  	[tilespmem:s8+$0x220] =	vst v11  }
0x5c0: {  	v11 =	vld.idx.msk [tilespmem:v0+s16+$0x0], $0xffff  }
0x5c1: {  	v0 =	vld [tilespmem:$0x1FA60];
	_ =	sdelay $0x4  }
0x5c2: {  	v20 =	vmov v0;
	v0 =	vld [tilespmem:$0x1FA70];
	_ =	sdelay $0x3  }
0x5c3: {  	v40 =	vld [tilespmem:$0x1FFF0]  }
0x5c4: {  	v36 =	vld [tilespmem:$0x1FF80]  }
0x5c5: {  	[tilespmem:$0x1FB50] =	vst v58;
	v52 =	vld [tilespmem:$0x1F990]  }
0x5c6: {  	v58 =	vld.idx.msk [tilespmem:v18+s16+$0x0], $0xffff;
	[tilespmem:s8+$0x2A0] =	vst v12  }
0x5c7: {  	v14 =	vld.idx.msk [tilespmem:v0+s16+$0x0], $0xffff  }
0x5c8: {  	p0 =	slt.u32 s2, $0xE;
	v0 =	vld [tilespmem:$0x1FA80]  }
.Ltmp6:
0x5c9: {  	[tilespmem:$0x1FB70] =	vst v59;
	v59 =	vld.idx.msk [tilespmem:v23+s16+$0x0], $0xffff;
	(pc) =	sbr.rel @p0 .LBB2_9-.Ltmp6, $4  }
0x5ca: {  	v33 =	vld [tilespmem:$0x1F950]  }
0x5cb: {  	v30 =	vld [tilespmem:$0x1F960]  }
0x5cc: {  	v51 =	vor.u32 $0x1, v53;
	v54 =	vor.u32 $0x2, v53;
	v31 =	vld [tilespmem:$0x1F970]  }
0x5cd: {  	v56 =	vor.u32 $0x7, v8;
	v63 =	vor.u32 $0x5, v8;
	v62 =	vor.u32 $0x6, v8;
	v19 =	vmovc v8;
	v60 =	vld.idx.msk [tilespmem:v24+s16+$0x0], $0xffff;
	[tilespmem:s0+$0x3F0] =	vst v25;
	v18 =	vmovc v0  }
0x5ce: {  	_ = 	snop  }
0x5cf: {  	[tilespmem:s8+$0x320] =	vst v7  }
0x5d0: {  	[tilespmem:s8+$0x3A0] =	vst v9  }
0x5d1: {  	v9 =	vld [tilespmem:$0x1FAC0]  }
0x5d2: {  	v0 =	vld.idx.msk [tilespmem:v53+s16+$0x0], $0xffff  }
0x5d3: {  	v1 =	vld.idx.msk [tilespmem:v51+s16+$0x0], $0xffff  }
0x5d4: {  	v7 =	vld.idx.msk [tilespmem:v54+s16+$0x0], $0xffff  }
0x5d5: {  	v8 =	vld.idx.msk [tilespmem:v52+s16+$0x0], $0xffff  }
0x5d6: {  	v12 =	vld.idx.msk [tilespmem:v33+s16+$0x0], $0xffff  }
0x5d7: {  	v17 =	vld.idx.msk [tilespmem:v30+s16+$0x0], $0xffff  }
0x5d8: {  	v13 =	vld.idx.msk [tilespmem:v31+s16+$0x0], $0xffff  }
0x5d9: {  	v9 =	vld.idx.msk [tilespmem:v9+s16+$0x0], $0xffff;
	[tilespmem:s8+$0x30] =	vst v0  }
0x5da: {  	[tilespmem:s8+$0xB0] =	vst v1  }
0x5db: {  	[tilespmem:s8+$0x130] =	vst v7  }
0x5dc: {  	[tilespmem:s8+$0x1B0] =	vst v8  }
0x5dd: {  	[tilespmem:s8+$0x2B0] =	vst v12  }
0x5de: {  	[tilespmem:s8+$0x330] =	vst v13  }
0x5df: {  	[tilespmem:s8+$0x3B0] =	vst v17  }
0x5e0: {  	[tilespmem:s8+$0x230] =	vst v9  }
0x5e1: {  	v0 =	vld [tilespmem:$0x1FB30]  }
0x5e2: {  	v1 =	vld [tilespmem:$0x1FAD0]  }
0x5e3: {  	v7 =	vld [tilespmem:$0x1FAE0]  }
0x5e4: {  	v8 =	vld [tilespmem:$0x1FAF0]  }
0x5e5: {  	v9 =	vld [tilespmem:$0x1FB00]  }
0x5e6: {  	v12 =	vld [tilespmem:$0x1FB10];
	[tilespmem:s30+$0x2F0] =	vst v6  }
0x5e7: {  	v6 =	vld [tilespmem:$0x1FB20];
	[tilespmem:s30+$0x370] =	vst v3  }
0x5e8: {  	v3 =	vld [tilespmem:$0x1FB40]  }
0x5e9: {  	v0 =	vld.idx.msk [tilespmem:v0+s16+$0x0], $0xffff  }
0x5ea: {  	v1 =	vld.idx.msk [tilespmem:v1+s16+$0x0], $0xffff  }
0x5eb: {  	v7 =	vld.idx.msk [tilespmem:v7+s16+$0x0], $0xffff  }
0x5ec: {  	v8 =	vld.idx.msk [tilespmem:v8+s16+$0x0], $0xffff  }
0x5ed: {  	v9 =	vld.idx.msk [tilespmem:v9+s16+$0x0], $0xffff  }
0x5ee: {  	v12 =	vld.idx.msk [tilespmem:v12+s16+$0x0], $0xffff  }
0x5ef: {  	v6 =	vld.idx.msk [tilespmem:v6+s16+$0x0], $0xffff  }
0x5f0: {  	v3 =	vld.idx.msk [tilespmem:v3+s16+$0x0], $0xffff;
	[tilespmem:s8+$0x40] =	vst v0  }
0x5f1: {  	[tilespmem:s8+$0xC0] =	vst v1  }
0x5f2: {  	[tilespmem:s8+$0x140] =	vst v7  }
0x5f3: {  	[tilespmem:s8+$0x1C0] =	vst v8  }
0x5f4: {  	[tilespmem:s8+$0x240] =	vst v9  }
0x5f5: {  	[tilespmem:s8+$0x2C0] =	vst v12  }
0x5f6: {  	v0 =	vld [tilespmem:$0x1FA90];
	[tilespmem:s8+$0x340] =	vst v6  }
0x5f7: {  	v1 =	vld [tilespmem:$0x1FAA0];
	[tilespmem:s8+$0x3C0] =	vst v3  }
0x5f8: {  	v3 =	vld [tilespmem:$0x1FAB0];
	_ =	sdelay $0x1  }
0x5f9: {  	[tilespmem:s30+$0x3F0] =	vst v5  }
0x5fa: {  	[tilespmem:s0+$0x70] =	vst v2  }
0x5fb: {  	v2 =	vld [tilespmem:$0x1FB50];
	[tilespmem:s0+$0xF0] =	vst v4  }
0x5fc: {  	v4 =	vld [tilespmem:$0x1FB60]  }
0x5fd: {  	v0 =	vld.idx.msk [tilespmem:v0+s16+$0x0], $0xffff  }
0x5fe: {  	v1 =	vld.idx.msk [tilespmem:v1+s16+$0x0], $0xffff  }
0x5ff: {  	v3 =	vld.idx.msk [tilespmem:v3+s16+$0x0], $0xffff;
	[tilespmem:s31+$0x60] =	vst v16  }
0x600: {  	v6 =	vld [tilespmem:$0x1FB70];
	[tilespmem:s31+$0xE0] =	vst v10  }
0x601: {  	v7 =	vld [tilespmem:$0x1FB80];
	[tilespmem:s31+$0x160] =	vst v15  }
0x602: {  	[tilespmem:s31+$0x1E0] =	vst v11  }
0x603: {  	v9 =	vld [tilespmem:$0x1FB90];
	[tilespmem:s31+$0x260] =	vst v14  }
0x604: {  	v10 =	vld [tilespmem:$0x1FBA0]  }
0x605: {  	v35 =	vld.idx.msk [tilespmem:v35+s16+$0x0], $0xffff;
	[tilespmem:s31+$0x2E0] =	vst v0  }
0x606: {  	v8 =	vld.idx.msk [tilespmem:v39+s16+$0x0], $0xffff;
	[tilespmem:s31+$0x360] =	vst v1  }
0x607: {  	v2 =	vld.idx.msk [tilespmem:v2+s16+$0x0], $0xffff;
	[tilespmem:s0+$0x170] =	vst v57  }
0x608: {  	v4 =	vld.idx.msk [tilespmem:v4+s16+$0x0], $0xffff;
	[tilespmem:s0+$0x1F0] =	vst v58  }
0x609: {  	[tilespmem:s0+$0x270] =	vst v59;
	v6 =	vld.idx.msk [tilespmem:v6+s16+$0x0], $0xffff  }
0x60a: {  	[tilespmem:s0+$0x2F0] =	vst v60;
	v7 =	vld.idx.msk [tilespmem:v7+s16+$0x0], $0xffff  }
0x60b: {  	[tilespmem:s31+$0x3E0] =	vst v3;
	v9 =	vld.idx.msk [tilespmem:v9+s16+$0x0], $0xffff  }
0x60c: {  	v10 =	vld.idx.msk [tilespmem:v10+s16+$0x0], $0xffff;
	[tilespmem:s8+$0x50] =	vst v35  }
0x60d: {  	v52 =	vld.idx.msk [tilespmem:v41+s16+$0x0], $0xffff;
	[tilespmem:s8+$0xD0] =	vst v2  }
0x60e: {  	v53 =	vld.idx.msk [tilespmem:v46+s16+$0x0], $0xffff;
	[tilespmem:s8+$0x150] =	vst v4  }
0x60f: {  	v54 =	vld.idx.msk [tilespmem:v50+s16+$0x0], $0xffff;
	[tilespmem:s8+$0x2D0] =	vst v8  }
0x610: {  	v57 =	vld.idx.msk [tilespmem:v49+s16+$0x0], $0xffff;
	[tilespmem:s8+$0x1D0] =	vst v6  }
0x611: {  	v58 =	vld.idx.msk [tilespmem:v42+s16+$0x0], $0xffff;
	[tilespmem:s8+$0x250] =	vst v7  }
0x612: {  	v59 =	vld.idx.msk [tilespmem:v55+s16+$0x0], $0xffff;
	[tilespmem:s8+$0x350] =	vst v9  }
0x613: {  	v60 =	vld.idx.msk [tilespmem:v47+s16+$0x0], $0xffff;
	[tilespmem:s8+$0x3D0] =	vst v10  }
0x614: {  	v37 =	vld.idx.msk [tilespmem:v19+s16+$0x0], $0xffff  }
0x615: {  	v39 =	vld.idx.msk [tilespmem:v21+s16+$0x0], $0xffff  }
0x616: {  	v2 =	vld.idx.msk [tilespmem:v22+s16+$0x0], $0xffff  }
0x617: {  	v51 =	vld.idx.msk [tilespmem:v20+s16+$0x0], $0xffff  }
0x618: {  	v4 =	vld.idx.msk [tilespmem:v18+s16+$0x0], $0xffff  }
0x619: {  	v5 =	vld.idx.msk [tilespmem:v63+s16+$0x0], $0xffff  }
0x61a: {  	[tilespmem:s0+$0x370] =	vst v61;
	v7 =	vld.idx.msk [tilespmem:v56+s16+$0x0], $0xffff  }
0x61b: {  	v56 =	vld.idx.msk [tilespmem:v48+s16+$0x0], $0xffff;
	[tilespmem:s31+$0x70] =	vst v52  }
0x61c: {  	v6 =	vld.idx.msk [tilespmem:v62+s16+$0x0], $0xffff;
	[tilespmem:s8+$0x60] =	vst v37  }
0x61d: {  	[tilespmem:s8+$0xE0] =	vst v39  }
0x61e: {  	[tilespmem:s8+$0x160] =	vst v2  }
0x61f: {  	[tilespmem:s8+$0x1E0] =	vst v51  }
0x620: {  	[tilespmem:s8+$0x260] =	vst v4  }
0x621: {  	[tilespmem:s8+$0x2E0] =	vst v5  }
0x622: {  	[tilespmem:s8+$0x360] =	vst v6  }
0x623: {  	[tilespmem:s8+$0x3E0] =	vst v7  }
0x624: {  	v0 =	vld [tilespmem:$0x1FBF0];
	[tilespmem:s31+$0xF0] =	vst v53  }
0x625: {  	v1 =	vld [tilespmem:$0x1FBB0];
	[tilespmem:s31+$0x170] =	vst v54  }
0x626: {  	v2 =	vld [tilespmem:$0x1FBC0];
	[tilespmem:s31+$0x1F0] =	vst v56  }
0x627: {  	v3 =	vld [tilespmem:$0x1FBD0];
	[tilespmem:s31+$0x270] =	vst v57  }
0x628: {  	v4 =	vld [tilespmem:$0x1FBE0]  }
0x629: {  	v61 =	vld.idx.msk [tilespmem:v34+s16+$0x0], $0xffff  }
0x62a: {  	v62 =	vld.idx.msk [tilespmem:v27+s16+$0x0], $0xffff  }
0x62b: {  	v63 =	vld.idx.msk [tilespmem:v26+s16+$0x0], $0xffff  }
0x62c: {  	v0 =	vld.idx.msk [tilespmem:v0+s16+$0x0], $0xffff  }
0x62d: {  	[tilespmem:s31+$0x2F0] =	vst v58;
	v1 =	vld.idx.msk [tilespmem:v1+s16+$0x0], $0xffff  }
0x62e: {  	[tilespmem:s31+$0x370] =	vst v59;
	v2 =	vld.idx.msk [tilespmem:v2+s16+$0x0], $0xffff  }
0x62f: {  	[tilespmem:s31+$0x3F0] =	vst v60;
	v3 =	vld.idx.msk [tilespmem:v3+s16+$0x0], $0xffff  }
0x630: {  	v4 =	vld.idx.msk [tilespmem:v4+s16+$0x0], $0xffff;
	[tilespmem:s8+$0x2F0] =	vst v61  }
0x631: {  	[tilespmem:s8+$0x370] =	vst v62  }
0x632: {  	[tilespmem:s8+$0x3F0] =	vst v63  }
0x633: {  	p0 =	seq.s32 s26, $0xC;
	[tilespmem:s8+$0x70] =	vst v0  }
.Ltmp7:
0x634: {  	[tilespmem:s8+$0xF0] =	vst v1;
	(pc) =	sbr.rel @p0 .LBB2_12-.Ltmp7, $4  }
0x635: {  	[tilespmem:s8+$0x170] =	vst v2  }
0x636: {  	[tilespmem:s8+$0x1F0] =	vst v3  }
0x637: {  	s31 =	sadd.s32 s29, s11;
	[tilespmem:s8+$0x270] =	vst v4  }
0x638: {  	[hbm4b:s31+s18] =	stream.strided.scatter [tilespmem:s23], [sflag:$0x4], $0x4000, s19, s18, $0x38;
	[tilespmem:$0x10400] =	vst v63  }
0x639: {  	s0 =	sadd.s32 s10, s28  }
0x63a: {  	s0 =	sshrl.u32 s0, $0x3  }
0x63b: {  	s0 =	sadd.s32 s4, s0  }
0x63c: {  	[tilespmem:s14], [sflag:$0x5] =	stream.linear.gather [hbm4b:s0+s3], $0x200, $0x38;
	[tilespmem:$0x10400] =	vst v63  }
.Ltmp8:
0x63d: {  	_ = 	snop;
	(pc) =	sbr.rel .LBB2_2-.Ltmp8, $4  }
0x63e: {  	_ =	swait.ge [sflag:s13], $0x200  }
0x63f: {  	[sflag:s13] =	ssyncset.done $0x0  }
0x640: {  	s26 =	sadd.s32 $0x1, s26;
	v37 =	vld [tilespmem:$0x1FF90];
	[sflag:s13] =	ssyncadd.s32 $0xFFFFFE00  }
0x641: {  	v33 =	vld [tilespmem:$0x1FFE0];
	[tilespmem:s16], [sflag:$0x2] =	stream.indirect.gather [hbm4b:s5+s14], $0x20, s14, s14, $0xb8  }
.LBB2_13:
0x642: {  	_ =	sfence.sel $0x180000  }
0x643: {  	[bflag:$0x0] =	sbarrier.arrive $0xFFFF  }
0x644: {  	_ =	strace $0x90000047  }
0x645: {  	s0 =	stileid.u32;
	[bflag:$0x2] =	sbarrier.arrive $0xFFFF  }
0x646: {  	p0 =	sne.s32 s0, $0x0;
	s0 =	rddreg [dreg:$0x2]  }
0x647: {  	s0 =	sadd.s32 @!p0 $0x100000, s0  }
0x648: {  	[sflag:s0] =	ssyncadd.tile.s32 @!p0 $0x1;
	_ =	shalt  }
.Lfunc_end2:
_tile_overlayer_lowered:
.L_overlay_start_2:
0x649: {  	(tag) =	ssettag $0x2  }
0x64a: {  	s0 =	rddreg [dreg:$0x0];
	s2 =	stileid.u32  }
0x64b: {  	s1 =	rddreg [dreg:$0x1];
	p0 =	sne.s32 s2, $0x0  }
0x64c: {  	s3 =	rddreg [dreg:$0x2];
	[bflag:$0x3] =	sbarrier.arrive $0xFFFF;
	s2 =	simm.s32 @!p0 $0x1C05  }
0x64d: {  	[timem:s3], [sflag:s2] =	dma.local @!p0 [hbm:s0], s1  }
0x64e: {  	s0 =	simm.s32 @!p0 $0x5  }
0x64f: {  	_ =	swait.ge @!p0 [sflag:s0], s1  }
0x650: {  	s1 =	ssub.s32 @!p0 $0x0, s1;
	[sflag:s0] =	ssyncset.done @!p0 $0x0  }
0x651: {  	[sflag:s0] =	ssyncadd.s32 @!p0 s1  }
0x652: {  	[bflag:$0x3] =	sbarrier.arrive $0xFFFF  }
0x653: {  	_ =	shalt  }

</sc_bundles>
